<compile_context>
chip_gen: v7x
topology: tpu7x:2x2x1
jax: 0.10.2.dev20260603
libtpu: 0.0.44.dev20260713+nightly
codegen_flags: <defaults>
</compile_context>

<pallas_src>
import functools

import jax
import jax.numpy as jnp
from jax import lax
from jax.experimental import pallas as pl
from jax.experimental.pallas import tpu as pltpu
from jax.experimental.pallas import tpu_sc as plsc

_RB = 64
_NC = 2
_NS = 16
_LANES = 16


def _argmax_kernel(x_ref, idx_ref):
    xb = x_ref[...]
    bmax = jnp.max(xb, axis=1, keepdims=True)
    iota = lax.broadcasted_iota(jnp.int32, xb.shape, 1)
    idx_ref[...] = jnp.min(
        jnp.where(xb == bmax, iota, xb.shape[1]), axis=1, keepdims=True
    )


def _make_zerofill(rows, cols):
    rpw = rows // (_NC * _NS)
    mesh = plsc.VectorSubcoreMesh(core_axis_name="c", subcore_axis_name="s")

    @functools.partial(
        pl.kernel,
        out_type=jax.ShapeDtypeStruct((rows, cols), jnp.float32),
        mesh=mesh,
        scratch_types=[pltpu.VMEM((1, cols), jnp.float32)],
    )
    def zerofill(out_hbm, zrow_v):
        wid = lax.axis_index("s") * _NC + lax.axis_index("c")
        z16 = jnp.zeros((_LANES,), jnp.float32)

        @pl.loop(0, cols // _LANES)
        def _zero_row(i):
            zrow_v[0, pl.ds(i * _LANES, _LANES)] = z16

        base = wid * rpw
        for r in range(rpw):
            pltpu.sync_copy(zrow_v, out_hbm.at[pl.ds(base + r, 1)])

    return zerofill


def _scatter_kernel(z_hbm, idx_s, idxv_ref, out_hbm, e_v, patch_v, sem):
    del z_hbm
    rows = idxv_ref.shape[0]
    idxv = idxv_ref[...]
    iota = lax.broadcasted_iota(jnp.int32, (rows, 128), 1)
    e_v[...] = (iota == (idxv & 127)).astype(jnp.float32)
    e = e_v[...]
    mv = idxv >> 7
    copies = []
    for i in range(rows):
        k = i // 8
        m_i = idx_s[i, 0] >> 7
        rowmask = (mv[k * 8:(k + 1) * 8] == m_i).astype(jnp.float32)
        patch_v[8 * i:8 * i + 8, :] = e[k * 8:(k + 1) * 8, :] * rowmask
        col0 = pl.multiple_of(m_i * 128, 128)
        cp = pltpu.make_async_copy(
            patch_v.at[pl.ds(8 * i, 8)],
            out_hbm.at[pl.ds(8 * k, 8), pl.ds(col0, 128)],
            sem,
        )
        cp.start()
        copies.append(cp)
    for cp in copies:
        cp.wait()


def kernel(x):
    rows, cols = x.shape
    idx = pl.pallas_call(
        _argmax_kernel,
        grid=(rows // _RB,),
        in_specs=[pl.BlockSpec((_RB, cols), lambda i: (i, 0))],
        out_specs=pl.BlockSpec((_RB, 1), lambda i: (i, 0)),
        out_shape=jax.ShapeDtypeStruct((rows, 1), jnp.int32),
    )(x)
    zeros = _make_zerofill(rows, cols)()
    return pl.pallas_call(
        _scatter_kernel,
        in_specs=[
            pl.BlockSpec(memory_space=pl.ANY),
            pl.BlockSpec(memory_space=pltpu.SMEM),
            pl.BlockSpec((rows, 1), lambda: (0, 0)),
        ],
        out_specs=pl.BlockSpec(memory_space=pl.ANY),
        out_shape=jax.ShapeDtypeStruct((rows, cols), jnp.float32),
        input_output_aliases={0: 0},
        scratch_shapes=[
            pltpu.VMEM((rows, 128), jnp.float32),
            pltpu.VMEM((rows * 8, 128), jnp.float32),
            pltpu.SemaphoreType.DMA,
        ],
    )(zeros, idx, idx)

# --- scband reference (transcript-rebuilt; emitter-appended) ---
"""Pipeline reference for scband-ste-6485400616963 (READ-ONLY COPY).

The authoritative reference and input builder live on the scoring server;
editing this copy changes nothing except your own understanding.
"""

import jax, jax.numpy as jnp
import numpy as np


def setup_inputs(seed: int = 0) -> dict:
    key = jax.random.key(seed)
    x = jax.random.normal(key, (128, 32768), dtype=jnp.float32)
    return {"x": x}


def reference(x):
    # STEFunction.forward: one-hot of the argmax along dim=1
    max_indices = jnp.argmax(x, axis=1)
    rows = jnp.arange(x.shape[0])
    output = jnp.zeros_like(x).at[rows, max_indices].set(1.0)
    return output

if __name__ == "__main__":
    import jax
    _d = setup_inputs()
    print(jax.jit(kernel)(*tuple(_d.values())))

</pallas_src>

<mosaic_0001>
#map = affine_map<(d0, d1) -> (0, 0)>
module attributes {stable_mosaic.version = 14 : i64} {
  func.func @zerofill(%arg0: i32, %arg1: i32, %arg2: memref<128x32768xf32, #tpu.memory_space<hbm>>, %arg3: memref<1x32768xf32, #tpu.memory_space<vmem>>) attributes {dimension_semantics = [#tpu.dimension_semantics<core_parallel>, #tpu.dimension_semantics<subcore_parallel>], iteration_bounds = array<i64: 2, 16>, scalar_prefetch = 0 : i64, scratch_operands = 1 : i64, tpu.core_type = #tpu.core_type<sc_vector_subcore>, window_params = [{transform_indices = #map}]} {
    %mul3A = arith.constant 2 : i32
    %mul3A_0 = arith.muli %arg1, %mul3A : i32
    %add3A = arith.addi %mul3A_0, %arg0 : i32
    %broadcast_in_dim3A = arith.constant 0.000000e+00 : f32
    %broadcast_in_dim3A_1 = vector.broadcast %broadcast_in_dim3A : f32 to vector<16xf32>
    %scan3A = arith.constant 0 : i32
    %scan3A_2 = arith.constant 2048 : i32
    %scan3A_3 = arith.addi %scan3A, %scan3A_2 : i32
    %scan3A_4 = arith.constant 1 : i32
    scf.for %scan3A_16 = %scan3A to %scan3A_3 step %scan3A_4  : i32 {
      %mul3A_17 = arith.constant 1 : i32
      %mul3A_18 = arith.muli %scan3A_16, %mul3A_17 : i32
      %add3A_19 = arith.constant 0 : i32
      %add3A_20 = arith.addi %add3A_19, %mul3A_18 : i32
      %mul3A_21 = arith.constant 16 : i32
      %mul3A_22 = arith.muli %add3A_20, %mul3A_21 : i32
      %swap3A = arith.constant 0 : i32
      %swap3A_23 = arith.index_cast %swap3A : i32 to index
      %swap3A_24 = arith.index_cast %mul3A_22 : i32 to index
      %swap3A_25 = tpu.vector_load %arg3[%swap3A_23, %swap3A_24] {strides = array<i32>} : memref<1x32768xf32, #tpu.memory_space<vmem>>, vector<1x16xf32>,
      %swap3A_26 = vector.shape_cast %swap3A_25 : vector<1x16xf32> to vector<16xf32>
      %swap3A_27 = vector.shape_cast %broadcast_in_dim3A_1 : vector<16xf32> to vector<1x16xf32>
      tpu.vector_store %arg3[%swap3A_23, %swap3A_24], %swap3A_27 {strides = array<i32>} : memref<1x32768xf32, #tpu.memory_space<vmem>>, vector<1x16xf32>,
    }
    %scan3A_5 = arith.constant 2048 : i32
    %mul3A_6 = arith.constant 4 : i32
    %mul3A_7 = arith.muli %add3A, %mul3A_6 : i32
    %add3A_8 = arith.constant 0 : i32
    %add3A_9 = arith.addi %mul3A_7, %add3A_8 : i32
    "tpu.region"() ({
      %run_scoped3A = tpu.sem_alloc : memref<!tpu.dma_semaphore, #tpu.memory_space<semaphore_mem>>
      %dma_start3A = arith.constant 0 : i32
      %dma_start3A_16 = tpu.memref_slice %arg2[%add3A_9, %dma_start3A] : memref<128x32768xf32, #tpu.memory_space<hbm>> -> memref<1x32768xf32, #tpu.memory_space<hbm>>
      %dma_start3A_17 = arith.constant 0 : i32
      %dma_start3A_18 = tpu.memref_slice %arg2[%add3A_9, %dma_start3A_17] : memref<128x32768xf32, #tpu.memory_space<hbm>> -> memref<1x32768xf32, #tpu.memory_space<hbm>>
      tpu.enqueue_dma source(%arg3 : memref<1x32768xf32, #tpu.memory_space<vmem>>) target(%dma_start3A_18 : memref<1x32768xf32, #tpu.memory_space<hbm>>) target_semaphore(%run_scoped3A : memref<!tpu.dma_semaphore, #tpu.memory_space<semaphore_mem>>)
      %dma_wait3A = arith.constant 0 : i32
      %dma_wait3A_19 = tpu.memref_slice %arg2[%add3A_9, %dma_wait3A] : memref<128x32768xf32, #tpu.memory_space<hbm>> -> memref<1x32768xf32, #tpu.memory_space<hbm>>
      %dma_wait3A_20 = arith.constant 0 : i32
      %dma_wait3A_21 = tpu.memref_slice %arg2[%add3A_9, %dma_wait3A_20] : memref<128x32768xf32, #tpu.memory_space<hbm>> -> memref<1x32768xf32, #tpu.memory_space<hbm>>
      tpu.wait_dma2 semaphore(%run_scoped3A : memref<!tpu.dma_semaphore, #tpu.memory_space<semaphore_mem>>) src(%arg3 : memref<1x32768xf32, #tpu.memory_space<vmem>>) dst(%dma_wait3A_21 : memref<1x32768xf32, #tpu.memory_space<hbm>>)
      tpu.yield
    }) : () -> ()
    %add3A_10 = arith.constant 1 : i32
    %add3A_11 = arith.addi %mul3A_7, %add3A_10 : i32
    "tpu.region"() ({
      %run_scoped3A = tpu.sem_alloc : memref<!tpu.dma_semaphore, #tpu.memory_space<semaphore_mem>>
      %dma_start3A = arith.constant 0 : i32
      %dma_start3A_16 = tpu.memref_slice %arg2[%add3A_11, %dma_start3A] : memref<128x32768xf32, #tpu.memory_space<hbm>> -> memref<1x32768xf32, #tpu.memory_space<hbm>>
      %dma_start3A_17 = arith.constant 0 : i32
      %dma_start3A_18 = tpu.memref_slice %arg2[%add3A_11, %dma_start3A_17] : memref<128x32768xf32, #tpu.memory_space<hbm>> -> memref<1x32768xf32, #tpu.memory_space<hbm>>
      tpu.enqueue_dma source(%arg3 : memref<1x32768xf32, #tpu.memory_space<vmem>>) target(%dma_start3A_18 : memref<1x32768xf32, #tpu.memory_space<hbm>>) target_semaphore(%run_scoped3A : memref<!tpu.dma_semaphore, #tpu.memory_space<semaphore_mem>>)
      %dma_wait3A = arith.constant 0 : i32
      %dma_wait3A_19 = tpu.memref_slice %arg2[%add3A_11, %dma_wait3A] : memref<128x32768xf32, #tpu.memory_space<hbm>> -> memref<1x32768xf32, #tpu.memory_space<hbm>>
      %dma_wait3A_20 = arith.constant 0 : i32
      %dma_wait3A_21 = tpu.memref_slice %arg2[%add3A_11, %dma_wait3A_20] : memref<128x32768xf32, #tpu.memory_space<hbm>> -> memref<1x32768xf32, #tpu.memory_space<hbm>>
      tpu.wait_dma2 semaphore(%run_scoped3A : memref<!tpu.dma_semaphore, #tpu.memory_space<semaphore_mem>>) src(%arg3 : memref<1x32768xf32, #tpu.memory_space<vmem>>) dst(%dma_wait3A_21 : memref<1x32768xf32, #tpu.memory_space<hbm>>)
      tpu.yield
    }) : () -> ()
    %add3A_12 = arith.constant 2 : i32
    %add3A_13 = arith.addi %mul3A_7, %add3A_12 : i32
    "tpu.region"() ({
      %run_scoped3A = tpu.sem_alloc : memref<!tpu.dma_semaphore, #tpu.memory_space<semaphore_mem>>
      %dma_start3A = arith.constant 0 : i32
      %dma_start3A_16 = tpu.memref_slice %arg2[%add3A_13, %dma_start3A] : memref<128x32768xf32, #tpu.memory_space<hbm>> -> memref<1x32768xf32, #tpu.memory_space<hbm>>
      %dma_start3A_17 = arith.constant 0 : i32
      %dma_start3A_18 = tpu.memref_slice %arg2[%add3A_13, %dma_start3A_17] : memref<128x32768xf32, #tpu.memory_space<hbm>> -> memref<1x32768xf32, #tpu.memory_space<hbm>>
      tpu.enqueue_dma source(%arg3 : memref<1x32768xf32, #tpu.memory_space<vmem>>) target(%dma_start3A_18 : memref<1x32768xf32, #tpu.memory_space<hbm>>) target_semaphore(%run_scoped3A : memref<!tpu.dma_semaphore, #tpu.memory_space<semaphore_mem>>)
      %dma_wait3A = arith.constant 0 : i32
      %dma_wait3A_19 = tpu.memref_slice %arg2[%add3A_13, %dma_wait3A] : memref<128x32768xf32, #tpu.memory_space<hbm>> -> memref<1x32768xf32, #tpu.memory_space<hbm>>
      %dma_wait3A_20 = arith.constant 0 : i32
      %dma_wait3A_21 = tpu.memref_slice %arg2[%add3A_13, %dma_wait3A_20] : memref<128x32768xf32, #tpu.memory_space<hbm>> -> memref<1x32768xf32, #tpu.memory_space<hbm>>
      tpu.wait_dma2 semaphore(%run_scoped3A : memref<!tpu.dma_semaphore, #tpu.memory_space<semaphore_mem>>) src(%arg3 : memref<1x32768xf32, #tpu.memory_space<vmem>>) dst(%dma_wait3A_21 : memref<1x32768xf32, #tpu.memory_space<hbm>>)
      tpu.yield
    }) : () -> ()
    %add3A_14 = arith.constant 3 : i32
    %add3A_15 = arith.addi %mul3A_7, %add3A_14 : i32
    "tpu.region"() ({
      %run_scoped3A = tpu.sem_alloc : memref<!tpu.dma_semaphore, #tpu.memory_space<semaphore_mem>>
      %dma_start3A = arith.constant 0 : i32
      %dma_start3A_16 = tpu.memref_slice %arg2[%add3A_15, %dma_start3A] : memref<128x32768xf32, #tpu.memory_space<hbm>> -> memref<1x32768xf32, #tpu.memory_space<hbm>>
      %dma_start3A_17 = arith.constant 0 : i32
      %dma_start3A_18 = tpu.memref_slice %arg2[%add3A_15, %dma_start3A_17] : memref<128x32768xf32, #tpu.memory_space<hbm>> -> memref<1x32768xf32, #tpu.memory_space<hbm>>
      tpu.enqueue_dma source(%arg3 : memref<1x32768xf32, #tpu.memory_space<vmem>>) target(%dma_start3A_18 : memref<1x32768xf32, #tpu.memory_space<hbm>>) target_semaphore(%run_scoped3A : memref<!tpu.dma_semaphore, #tpu.memory_space<semaphore_mem>>)
      %dma_wait3A = arith.constant 0 : i32
      %dma_wait3A_19 = tpu.memref_slice %arg2[%add3A_15, %dma_wait3A] : memref<128x32768xf32, #tpu.memory_space<hbm>> -> memref<1x32768xf32, #tpu.memory_space<hbm>>
      %dma_wait3A_20 = arith.constant 0 : i32
      %dma_wait3A_21 = tpu.memref_slice %arg2[%add3A_15, %dma_wait3A_20] : memref<128x32768xf32, #tpu.memory_space<hbm>> -> memref<1x32768xf32, #tpu.memory_space<hbm>>
      tpu.wait_dma2 semaphore(%run_scoped3A : memref<!tpu.dma_semaphore, #tpu.memory_space<semaphore_mem>>) src(%arg3 : memref<1x32768xf32, #tpu.memory_space<vmem>>) dst(%dma_wait3A_21 : memref<1x32768xf32, #tpu.memory_space<hbm>>)
      tpu.yield
    }) : () -> ()
    return
  }
}

module attributes {stable_mosaic.version = 14 : i64} {
  func.func @_argmax_kernel(%arg0: i32, %arg1: memref<64x32768xf32, #tpu.memory_space<vmem>>, %arg2: memref<64x1xi32, #tpu.memory_space<vmem>>) attributes {dimension_semantics = [#tpu.dimension_semantics<arbitrary>], iteration_bounds = array<i64: 2>, scalar_prefetch = 0 : i64, scratch_operands = 0 : i64, tpu.core_type = #tpu.core_type<tc>, window_params = [{transform_indices = @transform_0, window_bounds = array<i64: 64, 32768>}, {transform_indices = @transform_1, window_bounds = array<i64: 64, 1>}]} {
    %get3A = arith.constant 0 : index
    %get3A_0 = arith.constant 0 : index
    %get3A_1 = vector.load %arg1[%get3A, %get3A_0] : memref<64x32768xf32, #tpu.memory_space<vmem>>, vector<64x32768xf32>
    %reduce_max3A = arith.constant dense<0xFF800000> : vector<64xf32>
    %reduce_max3A_2 = vector.multi_reduction <maximumf>, %get3A_1, %reduce_max3A [1] : vector<64x32768xf32> to vector<64xf32>
    %broadcast_in_dim3A = vector.shape_cast %reduce_max3A_2 : vector<64xf32> to vector<64x1xf32>
    %iota3A = tpu.iota {dimensions = array<i32: 1>} : vector<64x32768xi32>
    %eq3A = vector.broadcast %broadcast_in_dim3A : vector<64x1xf32> to vector<64x32768xf32>
    %eq3A_3 = arith.cmpf oeq, %get3A_1, %eq3A : vector<64x32768xf32>
    %jit3A = arith.constant 32768 : i32
    %broadcast_in_dim3A_4 = vector.broadcast %jit3A : i32 to vector<64x32768xi32>
    %select_n3A = arith.select %eq3A_3, %iota3A, %broadcast_in_dim3A_4 : vector<64x32768xi1>, vector<64x32768xi32>
    %reduce_min3A = arith.constant dense<2147483647> : vector<64xi32>
    %reduce_min3A_5 = vector.multi_reduction <minsi>, %select_n3A, %reduce_min3A [1] : vector<64x32768xi32> to vector<64xi32>
    %broadcast_in_dim3A_6 = vector.shape_cast %reduce_min3A_5 : vector<64xi32> to vector<64x1xi32>
    %swap3A = arith.constant 0 : index
    %swap3A_7 = arith.constant 0 : index
    %swap3A_8 = vector.load %arg2[%swap3A, %swap3A_7] : memref<64x1xi32, #tpu.memory_space<vmem>>, vector<64x1xi32>
    tpu.vector_store %arg2[%swap3A, %swap3A_7], %broadcast_in_dim3A_6 {strides = array<i32>} : memref<64x1xi32, #tpu.memory_space<vmem>>, vector<64x1xi32>,
    return
  }
  func.func @transform_0(%arg0: i32) -> (i32, i32) {
    %c0_i32 = arith.constant 0 : i32
    %c0_i32_0 = arith.constant 0 : i32
    return %arg0, %c0_i32 : i32, i32
  }
  func.func @transform_1(%arg0: i32) -> (i32, i32) {
    %c0_i32 = arith.constant 0 : i32
    %c0_i32_0 = arith.constant 0 : i32
    return %arg0, %c0_i32 : i32, i32
  }
}

module attributes {stable_mosaic.version = 14 : i64} {
  func.func @_scatter_kernel(%arg0: memref<128x32768xf32, #tpu.memory_space<any>>, %arg1: memref<128x1xi32, #tpu.memory_space<smem>>, %arg2: memref<128x1xi32, #tpu.memory_space<vmem>>, %arg3: memref<128x32768xf32, #tpu.memory_space<any>>, %arg4: memref<128x128xf32, #tpu.memory_space<vmem>>, %arg5: memref<1024x128xf32, #tpu.memory_space<vmem>>, %arg6: memref<!tpu.dma_semaphore, #tpu.memory_space<semaphore_mem>>) attributes {dimension_semantics = [], scalar_prefetch = 0 : i64, scratch_operands = 3 : i64, tpu.core_type = #tpu.core_type<tc>} {
    %get3A = arith.constant 0 : index
    %get3A_0 = arith.constant 0 : index
    %get3A_1 = vector.load %arg2[%get3A, %get3A_0] : memref<128x1xi32, #tpu.memory_space<vmem>>, vector<128x1xi32>
    %iota3A = tpu.iota {dimensions = array<i32: 1>} : vector<128x128xi32>
    %and3A = arith.constant 127 : i32
    %and3A_2 = vector.broadcast %and3A : i32 to vector<128x1xi32>
    %and3A_3 = arith.andi %get3A_1, %and3A_2 : vector<128x1xi32>
    %eq3A = vector.broadcast %and3A_3 : vector<128x1xi32> to vector<128x128xi32>
    %eq3A_4 = arith.cmpi eq, %iota3A, %eq3A : vector<128x128xi32>
    %convert_element_type3A = arith.extui %eq3A_4 : vector<128x128xi1> to vector<128x128xi32>
    %convert_element_type3A_5 = arith.sitofp %convert_element_type3A : vector<128x128xi32> to vector<128x128xf32>
    %swap3A = arith.constant 0 : index
    %swap3A_6 = arith.constant 0 : index
    %swap3A_7 = vector.load %arg4[%swap3A, %swap3A_6] : memref<128x128xf32, #tpu.memory_space<vmem>>, vector<128x128xf32>
    tpu.vector_store %arg4[%swap3A, %swap3A_6], %convert_element_type3A_5 {strides = array<i32>} : memref<128x128xf32, #tpu.memory_space<vmem>>, vector<128x128xf32>,
    %get3A_8 = arith.constant 0 : index
    %get3A_9 = arith.constant 0 : index
    %get3A_10 = vector.load %arg4[%get3A_8, %get3A_9] : memref<128x128xf32, #tpu.memory_space<vmem>>, vector<128x128xf32>
    %shift_right_arithmetic3A = arith.constant 7 : i32
    %shift_right_arithmetic3A_11 = vector.broadcast %shift_right_arithmetic3A : i32 to vector<128x1xi32>
    %shift_right_arithmetic3A_12 = arith.shrsi %get3A_1, %shift_right_arithmetic3A_11 : vector<128x1xi32>
    %get3A_13 = arith.constant 0 : index
    %get3A_14 = arith.constant 0 : index
    %get3A_15 = memref.load %arg1[%get3A_13, %get3A_14] : memref<128x1xi32, #tpu.memory_space<smem>>
    %shift_right_arithmetic3A_16 = arith.constant 7 : i32
    %shift_right_arithmetic3A_17 = arith.shrsi %get3A_15, %shift_right_arithmetic3A_16 : i32
    %slice3A = vector.extract_strided_slice %shift_right_arithmetic3A_12 {offsets = [0, 0], sizes = [8, 1], strides = [1, 1]} : vector<128x1xi32> to vector<8x1xi32>
    %eq3A_18 = vector.broadcast %shift_right_arithmetic3A_17 : i32 to vector<8x1xi32>
    %eq3A_19 = arith.cmpi eq, %slice3A, %eq3A_18 : vector<8x1xi32>
    %convert_element_type3A_20 = arith.extui %eq3A_19 : vector<8x1xi1> to vector<8x1xi32>
    %convert_element_type3A_21 = arith.sitofp %convert_element_type3A_20 : vector<8x1xi32> to vector<8x1xf32>
    %slice3A_22 = vector.extract_strided_slice %get3A_10 {offsets = [0, 0], sizes = [8, 128], strides = [1, 1]} : vector<128x128xf32> to vector<8x128xf32>
    %mul3A = vector.broadcast %convert_element_type3A_21 : vector<8x1xf32> to vector<8x128xf32>
    %mul3A_23 = arith.mulf %slice3A_22, %mul3A : vector<8x128xf32>
    %swap3A_24 = arith.constant 0 : index
    %swap3A_25 = arith.constant 0 : index
    %swap3A_26 = vector.load %arg5[%swap3A_24, %swap3A_25] : memref<1024x128xf32, #tpu.memory_space<vmem>>, vector<8x128xf32>
    tpu.vector_store %arg5[%swap3A_24, %swap3A_25], %mul3A_23 {strides = array<i32>} : memref<1024x128xf32, #tpu.memory_space<vmem>>, vector<8x128xf32>,
    %mul3A_27 = arith.constant 128 : i32
    %mul3A_28 = arith.muli %shift_right_arithmetic3A_17, %mul3A_27 : i32
    %multiple_of3A = tpu.assume_multiple %mul3A_28, 128 : i32
    %dma_start3A = arith.constant 0 : i32
    %dma_start3A_29 = tpu.memref_slice %arg3[%dma_start3A, %multiple_of3A] : memref<128x32768xf32, #tpu.memory_space<any>> -> memref<8x128xf32, #tpu.memory_space<any>>
    %dma_start3A_30 = arith.constant 0 : i32
    %dma_start3A_31 = arith.constant 0 : i32
    %dma_start3A_32 = tpu.memref_slice %arg5[%dma_start3A_30, %dma_start3A_31] : memref<1024x128xf32, #tpu.memory_space<vmem>> -> memref<8x128xf32, #tpu.memory_space<vmem>>
    tpu.enqueue_dma source(%dma_start3A_32 : memref<8x128xf32, #tpu.memory_space<vmem>>) target(%dma_start3A_29 : memref<8x128xf32, #tpu.memory_space<any>>) target_semaphore(%arg6 : memref<!tpu.dma_semaphore, #tpu.memory_space<semaphore_mem>>)
    %get3A_33 = arith.constant 1 : index
    %get3A_34 = arith.constant 0 : index
    %get3A_35 = memref.load %arg1[%get3A_33, %get3A_34] : memref<128x1xi32, #tpu.memory_space<smem>>
    %shift_right_arithmetic3A_36 = arith.constant 7 : i32
    %shift_right_arithmetic3A_37 = arith.shrsi %get3A_35, %shift_right_arithmetic3A_36 : i32
    %slice3A_38 = vector.extract_strided_slice %shift_right_arithmetic3A_12 {offsets = [0, 0], sizes = [8, 1], strides = [1, 1]} : vector<128x1xi32> to vector<8x1xi32>
    %eq3A_39 = vector.broadcast %shift_right_arithmetic3A_37 : i32 to vector<8x1xi32>
    %eq3A_40 = arith.cmpi eq, %slice3A_38, %eq3A_39 : vector<8x1xi32>
    %convert_element_type3A_41 = arith.extui %eq3A_40 : vector<8x1xi1> to vector<8x1xi32>
    %convert_element_type3A_42 = arith.sitofp %convert_element_type3A_41 : vector<8x1xi32> to vector<8x1xf32>
    %slice3A_43 = vector.extract_strided_slice %get3A_10 {offsets = [0, 0], sizes = [8, 128], strides = [1, 1]} : vector<128x128xf32> to vector<8x128xf32>
    %mul3A_44 = vector.broadcast %convert_element_type3A_42 : vector<8x1xf32> to vector<8x128xf32>
    %mul3A_45 = arith.mulf %slice3A_43, %mul3A_44 : vector<8x128xf32>
    %swap3A_46 = arith.constant 8 : index
    %swap3A_47 = arith.constant 0 : index
    %swap3A_48 = vector.load %arg5[%swap3A_46, %swap3A_47] : memref<1024x128xf32, #tpu.memory_space<vmem>>, vector<8x128xf32>
    tpu.vector_store %arg5[%swap3A_46, %swap3A_47], %mul3A_45 {strides = array<i32>} : memref<1024x128xf32, #tpu.memory_space<vmem>>, vector<8x128xf32>,
    %mul3A_49 = arith.constant 128 : i32
    %mul3A_50 = arith.muli %shift_right_arithmetic3A_37, %mul3A_49 : i32
    %multiple_of3A_51 = tpu.assume_multiple %mul3A_50, 128 : i32
    %dma_start3A_52 = arith.constant 0 : i32
    %dma_start3A_53 = tpu.memref_slice %arg3[%dma_start3A_52, %multiple_of3A_51] : memref<128x32768xf32, #tpu.memory_space<any>> -> memref<8x128xf32, #tpu.memory_space<any>>
    %dma_start3A_54 = arith.constant 8 : i32
    %dma_start3A_55 = arith.constant 0 : i32
    %dma_start3A_56 = tpu.memref_slice %arg5[%dma_start3A_54, %dma_start3A_55] : memref<1024x128xf32, #tpu.memory_space<vmem>> -> memref<8x128xf32, #tpu.memory_space<vmem>>
    tpu.enqueue_dma source(%dma_start3A_56 : memref<8x128xf32, #tpu.memory_space<vmem>>) target(%dma_start3A_53 : memref<8x128xf32, #tpu.memory_space<any>>) target_semaphore(%arg6 : memref<!tpu.dma_semaphore, #tpu.memory_space<semaphore_mem>>)
    %get3A_57 = arith.constant 2 : index
    %get3A_58 = arith.constant 0 : index
    %get3A_59 = memref.load %arg1[%get3A_57, %get3A_58] : memref<128x1xi32, #tpu.memory_space<smem>>
    %shift_right_arithmetic3A_60 = arith.constant 7 : i32
    %shift_right_arithmetic3A_61 = arith.shrsi %get3A_59, %shift_right_arithmetic3A_60 : i32
    %slice3A_62 = vector.extract_strided_slice %shift_right_arithmetic3A_12 {offsets = [0, 0], sizes = [8, 1], strides = [1, 1]} : vector<128x1xi32> to vector<8x1xi32>
    %eq3A_63 = vector.broadcast %shift_right_arithmetic3A_61 : i32 to vector<8x1xi32>
    %eq3A_64 = arith.cmpi eq, %slice3A_62, %eq3A_63 : vector<8x1xi32>
    %convert_element_type3A_65 = arith.extui %eq3A_64 : vector<8x1xi1> to vector<8x1xi32>
    %convert_element_type3A_66 = arith.sitofp %convert_element_type3A_65 : vector<8x1xi32> to vector<8x1xf32>
    %slice3A_67 = vector.extract_strided_slice %get3A_10 {offsets = [0, 0], sizes = [8, 128], strides = [1, 1]} : vector<128x128xf32> to vector<8x128xf32>
    %mul3A_68 = vector.broadcast %convert_element_type3A_66 : vector<8x1xf32> to vector<8x128xf32>
    %mul3A_69 = arith.mulf %slice3A_67, %mul3A_68 : vector<8x128xf32>
    %swap3A_70 = arith.constant 16 : index
    %swap3A_71 = arith.constant 0 : index
    %swap3A_72 = vector.load %arg5[%swap3A_70, %swap3A_71] : memref<1024x128xf32, #tpu.memory_space<vmem>>, vector<8x128xf32>
    tpu.vector_store %arg5[%swap3A_70, %swap3A_71], %mul3A_69 {strides = array<i32>} : memref<1024x128xf32, #tpu.memory_space<vmem>>, vector<8x128xf32>,
    %mul3A_73 = arith.constant 128 : i32
    %mul3A_74 = arith.muli %shift_right_arithmetic3A_61, %mul3A_73 : i32
    %multiple_of3A_75 = tpu.assume_multiple %mul3A_74, 128 : i32
    %dma_start3A_76 = arith.constant 0 : i32
    %dma_start3A_77 = tpu.memref_slice %arg3[%dma_start3A_76, %multiple_of3A_75] : memref<128x32768xf32, #tpu.memory_space<any>> -> memref<8x128xf32, #tpu.memory_space<any>>
    %dma_start3A_78 = arith.constant 16 : i32
    %dma_start3A_79 = arith.constant 0 : i32
    %dma_start3A_80 = tpu.memref_slice %arg5[%dma_start3A_78, %dma_start3A_79] : memref<1024x128xf32, #tpu.memory_space<vmem>> -> memref<8x128xf32, #tpu.memory_space<vmem>>
    tpu.enqueue_dma source(%dma_start3A_80 : memref<8x128xf32, #tpu.memory_space<vmem>>) target(%dma_start3A_77 : memref<8x128xf32, #tpu.memory_space<any>>) target_semaphore(%arg6 : memref<!tpu.dma_semaphore, #tpu.memory_space<semaphore_mem>>)
    %get3A_81 = arith.constant 3 : index
    %get3A_82 = arith.constant 0 : index
    %get3A_83 = memref.load %arg1[%get3A_81, %get3A_82] : memref<128x1xi32, #tpu.memory_space<smem>>
    %shift_right_arithmetic3A_84 = arith.constant 7 : i32
    %shift_right_arithmetic3A_85 = arith.shrsi %get3A_83, %shift_right_arithmetic3A_84 : i32
    %slice3A_86 = vector.extract_strided_slice %shift_right_arithmetic3A_12 {offsets = [0, 0], sizes = [8, 1], strides = [1, 1]} : vector<128x1xi32> to vector<8x1xi32>
    %eq3A_87 = vector.broadcast %shift_right_arithmetic3A_85 : i32 to vector<8x1xi32>
    %eq3A_88 = arith.cmpi eq, %slice3A_86, %eq3A_87 : vector<8x1xi32>
    %convert_element_type3A_89 = arith.extui %eq3A_88 : vector<8x1xi1> to vector<8x1xi32>
    %convert_element_type3A_90 = arith.sitofp %convert_element_type3A_89 : vector<8x1xi32> to vector<8x1xf32>
    %slice3A_91 = vector.extract_strided_slice %get3A_10 {offsets = [0, 0], sizes = [8, 128], strides = [1, 1]} : vector<128x128xf32> to vector<8x128xf32>
    %mul3A_92 = vector.broadcast %convert_element_type3A_90 : vector<8x1xf32> to vector<8x128xf32>
    %mul3A_93 = arith.mulf %slice3A_91, %mul3A_92 : vector<8x128xf32>
    %swap3A_94 = arith.constant 24 : index
    %swap3A_95 = arith.constant 0 : index
    %swap3A_96 = vector.load %arg5[%swap3A_94, %swap3A_95] : memref<1024x128xf32, #tpu.memory_space<vmem>>, vector<8x128xf32>
    tpu.vector_store %arg5[%swap3A_94, %swap3A_95], %mul3A_93 {strides = array<i32>} : memref<1024x128xf32, #tpu.memory_space<vmem>>, vector<8x128xf32>,
    %mul3A_97 = arith.constant 128 : i32
    %mul3A_98 = arith.muli %shift_right_arithmetic3A_85, %mul3A_97 : i32
    %multiple_of3A_99 = tpu.assume_multiple %mul3A_98, 128 : i32
    %dma_start3A_100 = arith.constant 0 : i32
    %dma_start3A_101 = tpu.memref_slice %arg3[%dma_start3A_100, %multiple_of3A_99] : memref<128x32768xf32, #tpu.memory_space<any>> -> memref<8x128xf32, #tpu.memory_space<any>>
    %dma_start3A_102 = arith.constant 24 : i32
    %dma_start3A_103 = arith.constant 0 : i32
    %dma_start3A_104 = tpu.memref_slice %arg5[%dma_start3A_102, %dma_start3A_103] : memref<1024x128xf32, #tpu.memory_space<vmem>> -> memref<8x128xf32, #tpu.memory_space<vmem>>
    tpu.enqueue_dma source(%dma_start3A_104 : memref<8x128xf32, #tpu.memory_space<vmem>>) target(%dma_start3A_101 : memref<8x128xf32, #tpu.memory_space<any>>) target_semaphore(%arg6 : memref<!tpu.dma_semaphore, #tpu.memory_space<semaphore_mem>>)
    %get3A_105 = arith.constant 4 : index
    %get3A_106 = arith.constant 0 : index
    %get3A_107 = memref.load %arg1[%get3A_105, %get3A_106] : memref<128x1xi32, #tpu.memory_space<smem>>
    %shift_right_arithmetic3A_108 = arith.constant 7 : i32
    %shift_right_arithmetic3A_109 = arith.shrsi %get3A_107, %shift_right_arithmetic3A_108 : i32
    %slice3A_110 = vector.extract_strided_slice %shift_right_arithmetic3A_12 {offsets = [0, 0], sizes = [8, 1], strides = [1, 1]} : vector<128x1xi32> to vector<8x1xi32>
    %eq3A_111 = vector.broadcast %shift_right_arithmetic3A_109 : i32 to vector<8x1xi32>
    %eq3A_112 = arith.cmpi eq, %slice3A_110, %eq3A_111 : vector<8x1xi32>
    %convert_element_type3A_113 = arith.extui %eq3A_112 : vector<8x1xi1> to vector<8x1xi32>
    %convert_element_type3A_114 = arith.sitofp %convert_element_type3A_113 : vector<8x1xi32> to vector<8x1xf32>
    %slice3A_115 = vector.extract_strided_slice %get3A_10 {offsets = [0, 0], sizes = [8, 128], strides = [1, 1]} : vector<128x128xf32> to vector<8x128xf32>
    %mul3A_116 = vector.broadcast %convert_element_type3A_114 : vector<8x1xf32> to vector<8x128xf32>
    %mul3A_117 = arith.mulf %slice3A_115, %mul3A_116 : vector<8x128xf32>
    %swap3A_118 = arith.constant 32 : index
    %swap3A_119 = arith.constant 0 : index
    %swap3A_120 = vector.load %arg5[%swap3A_118, %swap3A_119] : memref<1024x128xf32, #tpu.memory_space<vmem>>, vector<8x128xf32>
    tpu.vector_store %arg5[%swap3A_118, %swap3A_119], %mul3A_117 {strides = array<i32>} : memref<1024x128xf32, #tpu.memory_space<vmem>>, vector<8x128xf32>,
    %mul3A_121 = arith.constant 128 : i32
    %mul3A_122 = arith.muli %shift_right_arithmetic3A_109, %mul3A_121 : i32
    %multiple_of3A_123 = tpu.assume_multiple %mul3A_122, 128 : i32
    %dma_start3A_124 = arith.constant 0 : i32
    %dma_start3A_125 = tpu.memref_slice %arg3[%dma_start3A_124, %multiple_of3A_123] : memref<128x32768xf32, #tpu.memory_space<any>> -> memref<8x128xf32, #tpu.memory_space<any>>
    %dma_start3A_126 = arith.constant 32 : i32
    %dma_start3A_127 = arith.constant 0 : i32
    %dma_start3A_128 = tpu.memref_slice %arg5[%dma_start3A_126, %dma_start3A_127] : memref<1024x128xf32, #tpu.memory_space<vmem>> -> memref<8x128xf32, #tpu.memory_space<vmem>>
    tpu.enqueue_dma source(%dma_start3A_128 : memref<8x128xf32, #tpu.memory_space<vmem>>) target(%dma_start3A_125 : memref<8x128xf32, #tpu.memory_space<any>>) target_semaphore(%arg6 : memref<!tpu.dma_semaphore, #tpu.memory_space<semaphore_mem>>)
    %get3A_129 = arith.constant 5 : index
    %get3A_130 = arith.constant 0 : index
    %get3A_131 = memref.load %arg1[%get3A_129, %get3A_130] : memref<128x1xi32, #tpu.memory_space<smem>>
    %shift_right_arithmetic3A_132 = arith.constant 7 : i32
    %shift_right_arithmetic3A_133 = arith.shrsi %get3A_131, %shift_right_arithmetic3A_132 : i32
    %slice3A_134 = vector.extract_strided_slice %shift_right_arithmetic3A_12 {offsets = [0, 0], sizes = [8, 1], strides = [1, 1]} : vector<128x1xi32> to vector<8x1xi32>
    %eq3A_135 = vector.broadcast %shift_right_arithmetic3A_133 : i32 to vector<8x1xi32>
    %eq3A_136 = arith.cmpi eq, %slice3A_134, %eq3A_135 : vector<8x1xi32>
    %convert_element_type3A_137 = arith.extui %eq3A_136 : vector<8x1xi1> to vector<8x1xi32>
    %convert_element_type3A_138 = arith.sitofp %convert_element_type3A_137 : vector<8x1xi32> to vector<8x1xf32>
    %slice3A_139 = vector.extract_strided_slice %get3A_10 {offsets = [0, 0], sizes = [8, 128], strides = [1, 1]} : vector<128x128xf32> to vector<8x128xf32>
    %mul3A_140 = vector.broadcast %convert_element_type3A_138 : vector<8x1xf32> to vector<8x128xf32>
    %mul3A_141 = arith.mulf %slice3A_139, %mul3A_140 : vector<8x128xf32>
    %swap3A_142 = arith.constant 40 : index
    %swap3A_143 = arith.constant 0 : index
    %swap3A_144 = vector.load %arg5[%swap3A_142, %swap3A_143] : memref<1024x128xf32, #tpu.memory_space<vmem>>, vector<8x128xf32>
    tpu.vector_store %arg5[%swap3A_142, %swap3A_143], %mul3A_141 {strides = array<i32>} : memref<1024x128xf32, #tpu.memory_space<vmem>>, vector<8x128xf32>,
    %mul3A_145 = arith.constant 128 : i32
    %mul3A_146 = arith.muli %shift_right_arithmetic3A_133, %mul3A_145 : i32
    %multiple_of3A_147 = tpu.assume_multiple %mul3A_146, 128 : i32
    %dma_start3A_148 = arith.constant 0 : i32
    %dma_start3A_149 = tpu.memref_slice %arg3[%dma_start3A_148, %multiple_of3A_147] : memref<128x32768xf32, #tpu.memory_space<any>> -> memref<8x128xf32, #tpu.memory_space<any>>
    %dma_start3A_150 = arith.constant 40 : i32
    %dma_start3A_151 = arith.constant 0 : i32
    %dma_start3A_152 = tpu.memref_slice %arg5[%dma_start3A_150, %dma_start3A_151] : memref<1024x128xf32, #tpu.memory_space<vmem>> -> memref<8x128xf32, #tpu.memory_space<vmem>>
    tpu.enqueue_dma source(%dma_start3A_152 : memref<8x128xf32, #tpu.memory_space<vmem>>) target(%dma_start3A_149 : memref<8x128xf32, #tpu.memory_space<any>>) target_semaphore(%arg6 : memref<!tpu.dma_semaphore, #tpu.memory_space<semaphore_mem>>)
    %get3A_153 = arith.constant 6 : index
    %get3A_154 = arith.constant 0 : index
    %get3A_155 = memref.load %arg1[%get3A_153, %get3A_154] : memref<128x1xi32, #tpu.memory_space<smem>>
    %shift_right_arithmetic3A_156 = arith.constant 7 : i32
    %shift_right_arithmetic3A_157 = arith.shrsi %get3A_155, %shift_right_arithmetic3A_156 : i32
    %slice3A_158 = vector.extract_strided_slice %shift_right_arithmetic3A_12 {offsets = [0, 0], sizes = [8, 1], strides = [1, 1]} : vector<128x1xi32> to vector<8x1xi32>
    %eq3A_159 = vector.broadcast %shift_right_arithmetic3A_157 : i32 to vector<8x1xi32>
    %eq3A_160 = arith.cmpi eq, %slice3A_158, %eq3A_159 : vector<8x1xi32>
    %convert_element_type3A_161 = arith.extui %eq3A_160 : vector<8x1xi1> to vector<8x1xi32>
    %convert_element_type3A_162 = arith.sitofp %convert_element_type3A_161 : vector<8x1xi32> to vector<8x1xf32>
    %slice3A_163 = vector.extract_strided_slice %get3A_10 {offsets = [0, 0], sizes = [8, 128], strides = [1, 1]} : vector<128x128xf32> to vector<8x128xf32>
    %mul3A_164 = vector.broadcast %convert_element_type3A_162 : vector<8x1xf32> to vector<8x128xf32>
    %mul3A_165 = arith.mulf %slice3A_163, %mul3A_164 : vector<8x128xf32>
    %swap3A_166 = arith.constant 48 : index
    %swap3A_167 = arith.constant 0 : index
    %swap3A_168 = vector.load %arg5[%swap3A_166, %swap3A_167] : memref<1024x128xf32, #tpu.memory_space<vmem>>, vector<8x128xf32>
    tpu.vector_store %arg5[%swap3A_166, %swap3A_167], %mul3A_165 {strides = array<i32>} : memref<1024x128xf32, #tpu.memory_space<vmem>>, vector<8x128xf32>,
    %mul3A_169 = arith.constant 128 : i32
    %mul3A_170 = arith.muli %shift_right_arithmetic3A_157, %mul3A_169 : i32
    %multiple_of3A_171 = tpu.assume_multiple %mul3A_170, 128 : i32
    %dma_start3A_172 = arith.constant 0 : i32
    %dma_start3A_173 = tpu.memref_slice %arg3[%dma_start3A_172, %multiple_of3A_171] : memref<128x32768xf32, #tpu.memory_space<any>> -> memref<8x128xf32, #tpu.memory_space<any>>
    %dma_start3A_174 = arith.constant 48 : i32
    %dma_start3A_175 = arith.constant 0 : i32
    %dma_start3A_176 = tpu.memref_slice %arg5[%dma_start3A_174, %dma_start3A_175] : memref<1024x128xf32, #tpu.memory_space<vmem>> -> memref<8x128xf32, #tpu.memory_space<vmem>>
    tpu.enqueue_dma source(%dma_start3A_176 : memref<8x128xf32, #tpu.memory_space<vmem>>) target(%dma_start3A_173 : memref<8x128xf32, #tpu.memory_space<any>>) target_semaphore(%arg6 : memref<!tpu.dma_semaphore, #tpu.memory_space<semaphore_mem>>)
    %get3A_177 = arith.constant 7 : index
    %get3A_178 = arith.constant 0 : index
    %get3A_179 = memref.load %arg1[%get3A_177, %get3A_178] : memref<128x1xi32, #tpu.memory_space<smem>>
    %shift_right_arithmetic3A_180 = arith.constant 7 : i32
    %shift_right_arithmetic3A_181 = arith.shrsi %get3A_179, %shift_right_arithmetic3A_180 : i32
    %slice3A_182 = vector.extract_strided_slice %shift_right_arithmetic3A_12 {offsets = [0, 0], sizes = [8, 1], strides = [1, 1]} : vector<128x1xi32> to vector<8x1xi32>
    %eq3A_183 = vector.broadcast %shift_right_arithmetic3A_181 : i32 to vector<8x1xi32>
    %eq3A_184 = arith.cmpi eq, %slice3A_182, %eq3A_183 : vector<8x1xi32>
    %convert_element_type3A_185 = arith.extui %eq3A_184 : vector<8x1xi1> to vector<8x1xi32>
    %convert_element_type3A_186 = arith.sitofp %convert_element_type3A_185 : vector<8x1xi32> to vector<8x1xf32>
    %slice3A_187 = vector.extract_strided_slice %get3A_10 {offsets = [0, 0], sizes = [8, 128], strides = [1, 1]} : vector<128x128xf32> to vector<8x128xf32>
    %mul3A_188 = vector.broadcast %convert_element_type3A_186 : vector<8x1xf32> to vector<8x128xf32>
    %mul3A_189 = arith.mulf %slice3A_187, %mul3A_188 : vector<8x128xf32>
    %swap3A_190 = arith.constant 56 : index
    %swap3A_191 = arith.constant 0 : index
    %swap3A_192 = vector.load %arg5[%swap3A_190, %swap3A_191] : memref<1024x128xf32, #tpu.memory_space<vmem>>, vector<8x128xf32>
    tpu.vector_store %arg5[%swap3A_190, %swap3A_191], %mul3A_189 {strides = array<i32>} : memref<1024x128xf32, #tpu.memory_space<vmem>>, vector<8x128xf32>,
    %mul3A_193 = arith.constant 128 : i32
    %mul3A_194 = arith.muli %shift_right_arithmetic3A_181, %mul3A_193 : i32
    %multiple_of3A_195 = tpu.assume_multiple %mul3A_194, 128 : i32
    %dma_start3A_196 = arith.constant 0 : i32
    %dma_start3A_197 = tpu.memref_slice %arg3[%dma_start3A_196, %multiple_of3A_195] : memref<128x32768xf32, #tpu.memory_space<any>> -> memref<8x128xf32, #tpu.memory_space<any>>
    %dma_start3A_198 = arith.constant 56 : i32
    %dma_start3A_199 = arith.constant 0 : i32
    %dma_start3A_200 = tpu.memref_slice %arg5[%dma_start3A_198, %dma_start3A_199] : memref<1024x128xf32, #tpu.memory_space<vmem>> -> memref<8x128xf32, #tpu.memory_space<vmem>>
    tpu.enqueue_dma source(%dma_start3A_200 : memref<8x128xf32, #tpu.memory_space<vmem>>) target(%dma_start3A_197 : memref<8x128xf32, #tpu.memory_space<any>>) target_semaphore(%arg6 : memref<!tpu.dma_semaphore, #tpu.memory_space<semaphore_mem>>)
    %get3A_201 = arith.constant 8 : index
    %get3A_202 = arith.constant 0 : index
    %get3A_203 = memref.load %arg1[%get3A_201, %get3A_202] : memref<128x1xi32, #tpu.memory_space<smem>>
    %shift_right_arithmetic3A_204 = arith.constant 7 : i32
    %shift_right_arithmetic3A_205 = arith.shrsi %get3A_203, %shift_right_arithmetic3A_204 : i32
    %slice3A_206 = vector.extract_strided_slice %shift_right_arithmetic3A_12 {offsets = [8, 0], sizes = [8, 1], strides = [1, 1]} : vector<128x1xi32> to vector<8x1xi32>
    %eq3A_207 = vector.broadcast %shift_right_arithmetic3A_205 : i32 to vector<8x1xi32>
    %eq3A_208 = arith.cmpi eq, %slice3A_206, %eq3A_207 : vector<8x1xi32>
    %convert_element_type3A_209 = arith.extui %eq3A_208 : vector<8x1xi1> to vector<8x1xi32>
    %convert_element_type3A_210 = arith.sitofp %convert_element_type3A_209 : vector<8x1xi32> to vector<8x1xf32>
    %slice3A_211 = vector.extract_strided_slice %get3A_10 {offsets = [8, 0], sizes = [8, 128], strides = [1, 1]} : vector<128x128xf32> to vector<8x128xf32>
    %mul3A_212 = vector.broadcast %convert_element_type3A_210 : vector<8x1xf32> to vector<8x128xf32>
    %mul3A_213 = arith.mulf %slice3A_211, %mul3A_212 : vector<8x128xf32>
    %swap3A_214 = arith.constant 64 : index
    %swap3A_215 = arith.constant 0 : index
    %swap3A_216 = vector.load %arg5[%swap3A_214, %swap3A_215] : memref<1024x128xf32, #tpu.memory_space<vmem>>, vector<8x128xf32>
    tpu.vector_store %arg5[%swap3A_214, %swap3A_215], %mul3A_213 {strides = array<i32>} : memref<1024x128xf32, #tpu.memory_space<vmem>>, vector<8x128xf32>,
    %mul3A_217 = arith.constant 128 : i32
    %mul3A_218 = arith.muli %shift_right_arithmetic3A_205, %mul3A_217 : i32
    %multiple_of3A_219 = tpu.assume_multiple %mul3A_218, 128 : i32
    %dma_start3A_220 = arith.constant 8 : i32
    %dma_start3A_221 = tpu.memref_slice %arg3[%dma_start3A_220, %multiple_of3A_219] : memref<128x32768xf32, #tpu.memory_space<any>> -> memref<8x128xf32, #tpu.memory_space<any>>
    %dma_start3A_222 = arith.constant 64 : i32
    %dma_start3A_223 = arith.constant 0 : i32
    %dma_start3A_224 = tpu.memref_slice %arg5[%dma_start3A_222, %dma_start3A_223] : memref<1024x128xf32, #tpu.memory_space<vmem>> -> memref<8x128xf32, #tpu.memory_space<vmem>>
    tpu.enqueue_dma source(%dma_start3A_224 : memref<8x128xf32, #tpu.memory_space<vmem>>) target(%dma_start3A_221 : memref<8x128xf32, #tpu.memory_space<any>>) target_semaphore(%arg6 : memref<!tpu.dma_semaphore, #tpu.memory_space<semaphore_mem>>)
    %get3A_225 = arith.constant 9 : index
    %get3A_226 = arith.constant 0 : index
    %get3A_227 = memref.load %arg1[%get3A_225, %get3A_226] : memref<128x1xi32, #tpu.memory_space<smem>>
    %shift_right_arithmetic3A_228 = arith.constant 7 : i32
    %shift_right_arithmetic3A_229 = arith.shrsi %get3A_227, %shift_right_arithmetic3A_228 : i32
    %slice3A_230 = vector.extract_strided_slice %shift_right_arithmetic3A_12 {offsets = [8, 0], sizes = [8, 1], strides = [1, 1]} : vector<128x1xi32> to vector<8x1xi32>
    %eq3A_231 = vector.broadcast %shift_right_arithmetic3A_229 : i32 to vector<8x1xi32>
    %eq3A_232 = arith.cmpi eq, %slice3A_230, %eq3A_231 : vector<8x1xi32>
    %convert_element_type3A_233 = arith.extui %eq3A_232 : vector<8x1xi1> to vector<8x1xi32>
    %convert_element_type3A_234 = arith.sitofp %convert_element_type3A_233 : vector<8x1xi32> to vector<8x1xf32>
    %slice3A_235 = vector.extract_strided_slice %get3A_10 {offsets = [8, 0], sizes = [8, 128], strides = [1, 1]} : vector<128x128xf32> to vector<8x128xf32>
    %mul3A_236 = vector.broadcast %convert_element_type3A_234 : vector<8x1xf32> to vector<8x128xf32>
    %mul3A_237 = arith.mulf %slice3A_235, %mul3A_236 : vector<8x128xf32>
    %swap3A_238 = arith.constant 72 : index
    %swap3A_239 = arith.constant 0 : index
    %swap3A_240 = vector.load %arg5[%swap3A_238, %swap3A_239] : memref<1024x128xf32, #tpu.memory_space<vmem>>, vector<8x128xf32>
    tpu.vector_store %arg5[%swap3A_238, %swap3A_239], %mul3A_237 {strides = array<i32>} : memref<1024x128xf32, #tpu.memory_space<vmem>>, vector<8x128xf32>,
    %mul3A_241 = arith.constant 128 : i32
    %mul3A_242 = arith.muli %shift_right_arithmetic3A_229, %mul3A_241 : i32
    %multiple_of3A_243 = tpu.assume_multiple %mul3A_242, 128 : i32
    %dma_start3A_244 = arith.constant 8 : i32
    %dma_start3A_245 = tpu.memref_slice %arg3[%dma_start3A_244, %multiple_of3A_243] : memref<128x32768xf32, #tpu.memory_space<any>> -> memref<8x128xf32, #tpu.memory_space<any>>
    %dma_start3A_246 = arith.constant 72 : i32
    %dma_start3A_247 = arith.constant 0 : i32
    %dma_start3A_248 = tpu.memref_slice %arg5[%dma_start3A_246, %dma_start3A_247] : memref<1024x128xf32, #tpu.memory_space<vmem>> -> memref<8x128xf32, #tpu.memory_space<vmem>>
    tpu.enqueue_dma source(%dma_start3A_248 : memref<8x128xf32, #tpu.memory_space<vmem>>) target(%dma_start3A_245 : memref<8x128xf32, #tpu.memory_space<any>>) target_semaphore(%arg6 : memref<!tpu.dma_semaphore, #tpu.memory_space<semaphore_mem>>)
    %get3A_249 = arith.constant 10 : index
    %get3A_250 = arith.constant 0 : index
    %get3A_251 = memref.load %arg1[%get3A_249, %get3A_250] : memref<128x1xi32, #tpu.memory_space<smem>>
    %shift_right_arithmetic3A_252 = arith.constant 7 : i32
    %shift_right_arithmetic3A_253 = arith.shrsi %get3A_251, %shift_right_arithmetic3A_252 : i32
    %slice3A_254 = vector.extract_strided_slice %shift_right_arithmetic3A_12 {offsets = [8, 0], sizes = [8, 1], strides = [1, 1]} : vector<128x1xi32> to vector<8x1xi32>
    %eq3A_255 = vector.broadcast %shift_right_arithmetic3A_253 : i32 to vector<8x1xi32>
    %eq3A_256 = arith.cmpi eq, %slice3A_254, %eq3A_255 : vector<8x1xi32>
    %convert_element_type3A_257 = arith.extui %eq3A_256 : vector<8x1xi1> to vector<8x1xi32>
    %convert_element_type3A_258 = arith.sitofp %convert_element_type3A_257 : vector<8x1xi32> to vector<8x1xf32>
    %slice3A_259 = vector.extract_strided_slice %get3A_10 {offsets = [8, 0], sizes = [8, 128], strides = [1, 1]} : vector<128x128xf32> to vector<8x128xf32>
    %mul3A_260 = vector.broadcast %convert_element_type3A_258 : vector<8x1xf32> to vector<8x128xf32>
    %mul3A_261 = arith.mulf %slice3A_259, %mul3A_260 : vector<8x128xf32>
    %swap3A_262 = arith.constant 80 : index
    %swap3A_263 = arith.constant 0 : index
    %swap3A_264 = vector.load %arg5[%swap3A_262, %swap3A_263] : memref<1024x128xf32, #tpu.memory_space<vmem>>, vector<8x128xf32>
    tpu.vector_store %arg5[%swap3A_262, %swap3A_263], %mul3A_261 {strides = array<i32>} : memref<1024x128xf32, #tpu.memory_space<vmem>>, vector<8x128xf32>,
    %mul3A_265 = arith.constant 128 : i32
    %mul3A_266 = arith.muli %shift_right_arithmetic3A_253, %mul3A_265 : i32
    %multiple_of3A_267 = tpu.assume_multiple %mul3A_266, 128 : i32
    %dma_start3A_268 = arith.constant 8 : i32
    %dma_start3A_269 = tpu.memref_slice %arg3[%dma_start3A_268, %multiple_of3A_267] : memref<128x32768xf32, #tpu.memory_space<any>> -> memref<8x128xf32, #tpu.memory_space<any>>
    %dma_start3A_270 = arith.constant 80 : i32
    %dma_start3A_271 = arith.constant 0 : i32
    %dma_start3A_272 = tpu.memref_slice %arg5[%dma_start3A_270, %dma_start3A_271] : memref<1024x128xf32, #tpu.memory_space<vmem>> -> memref<8x128xf32, #tpu.memory_space<vmem>>
    tpu.enqueue_dma source(%dma_start3A_272 : memref<8x128xf32, #tpu.memory_space<vmem>>) target(%dma_start3A_269 : memref<8x128xf32, #tpu.memory_space<any>>) target_semaphore(%arg6 : memref<!tpu.dma_semaphore, #tpu.memory_space<semaphore_mem>>)
    %get3A_273 = arith.constant 11 : index
    %get3A_274 = arith.constant 0 : index
    %get3A_275 = memref.load %arg1[%get3A_273, %get3A_274] : memref<128x1xi32, #tpu.memory_space<smem>>
    %shift_right_arithmetic3A_276 = arith.constant 7 : i32
    %shift_right_arithmetic3A_277 = arith.shrsi %get3A_275, %shift_right_arithmetic3A_276 : i32
    %slice3A_278 = vector.extract_strided_slice %shift_right_arithmetic3A_12 {offsets = [8, 0], sizes = [8, 1], strides = [1, 1]} : vector<128x1xi32> to vector<8x1xi32>
    %eq3A_279 = vector.broadcast %shift_right_arithmetic3A_277 : i32 to vector<8x1xi32>
    %eq3A_280 = arith.cmpi eq, %slice3A_278, %eq3A_279 : vector<8x1xi32>
    %convert_element_type3A_281 = arith.extui %eq3A_280 : vector<8x1xi1> to vector<8x1xi32>
    %convert_element_type3A_282 = arith.sitofp %convert_element_type3A_281 : vector<8x1xi32> to vector<8x1xf32>
    %slice3A_283 = vector.extract_strided_slice %get3A_10 {offsets = [8, 0], sizes = [8, 128], strides = [1, 1]} : vector<128x128xf32> to vector<8x128xf32>
    %mul3A_284 = vector.broadcast %convert_element_type3A_282 : vector<8x1xf32> to vector<8x128xf32>
    %mul3A_285 = arith.mulf %slice3A_283, %mul3A_284 : vector<8x128xf32>
    %swap3A_286 = arith.constant 88 : index
    %swap3A_287 = arith.constant 0 : index
    %swap3A_288 = vector.load %arg5[%swap3A_286, %swap3A_287] : memref<1024x128xf32, #tpu.memory_space<vmem>>, vector<8x128xf32>
    tpu.vector_store %arg5[%swap3A_286, %swap3A_287], %mul3A_285 {strides = array<i32>} : memref<1024x128xf32, #tpu.memory_space<vmem>>, vector<8x128xf32>,
    %mul3A_289 = arith.constant 128 : i32
    %mul3A_290 = arith.muli %shift_right_arithmetic3A_277, %mul3A_289 : i32
    %multiple_of3A_291 = tpu.assume_multiple %mul3A_290, 128 : i32
    %dma_start3A_292 = arith.constant 8 : i32
    %dma_start3A_293 = tpu.memref_slice %arg3[%dma_start3A_292, %multiple_of3A_291] : memref<128x32768xf32, #tpu.memory_space<any>> -> memref<8x128xf32, #tpu.memory_space<any>>
    %dma_start3A_294 = arith.constant 88 : i32
    %dma_start3A_295 = arith.constant 0 : i32
    %dma_start3A_296 = tpu.memref_slice %arg5[%dma_start3A_294, %dma_start3A_295] : memref<1024x128xf32, #tpu.memory_space<vmem>> -> memref<8x128xf32, #tpu.memory_space<vmem>>
    tpu.enqueue_dma source(%dma_start3A_296 : memref<8x128xf32, #tpu.memory_space<vmem>>) target(%dma_start3A_293 : memref<8x128xf32, #tpu.memory_space<any>>) target_semaphore(%arg6 : memref<!tpu.dma_semaphore, #tpu.memory_space<semaphore_mem>>)
    %get3A_297 = arith.constant 12 : index
    %get3A_298 = arith.constant 0 : index
    %get3A_299 = memref.load %arg1[%get3A_297, %get3A_298] : memref<128x1xi32, #tpu.memory_space<smem>>
    %shift_right_arithmetic3A_300 = arith.constant 7 : i32
    %shift_right_arithmetic3A_301 = arith.shrsi %get3A_299, %shift_right_arithmetic3A_300 : i32
    %slice3A_302 = vector.extract_strided_slice %shift_right_arithmetic3A_12 {offsets = [8, 0], sizes = [8, 1], strides = [1, 1]} : vector<128x1xi32> to vector<8x1xi32>
    %eq3A_303 = vector.broadcast %shift_right_arithmetic3A_301 : i32 to vector<8x1xi32>
    %eq3A_304 = arith.cmpi eq, %slice3A_302, %eq3A_303 : vector<8x1xi32>
    %convert_element_type3A_305 = arith.extui %eq3A_304 : vector<8x1xi1> to vector<8x1xi32>
    %convert_element_type3A_306 = arith.sitofp %convert_element_type3A_305 : vector<8x1xi32> to vector<8x1xf32>
    %slice3A_307 = vector.extract_strided_slice %get3A_10 {offsets = [8, 0], sizes = [8, 128], strides = [1, 1]} : vector<128x128xf32> to vector<8x128xf32>
    %mul3A_308 = vector.broadcast %convert_element_type3A_306 : vector<8x1xf32> to vector<8x128xf32>
    %mul3A_309 = arith.mulf %slice3A_307, %mul3A_308 : vector<8x128xf32>
    %swap3A_310 = arith.constant 96 : index
    %swap3A_311 = arith.constant 0 : index
    %swap3A_312 = vector.load %arg5[%swap3A_310, %swap3A_311] : memref<1024x128xf32, #tpu.memory_space<vmem>>, vector<8x128xf32>
    tpu.vector_store %arg5[%swap3A_310, %swap3A_311], %mul3A_309 {strides = array<i32>} : memref<1024x128xf32, #tpu.memory_space<vmem>>, vector<8x128xf32>,
    %mul3A_313 = arith.constant 128 : i32
    %mul3A_314 = arith.muli %shift_right_arithmetic3A_301, %mul3A_313 : i32
    %multiple_of3A_315 = tpu.assume_multiple %mul3A_314, 128 : i32
    %dma_start3A_316 = arith.constant 8 : i32
    %dma_start3A_317 = tpu.memref_slice %arg3[%dma_start3A_316, %multiple_of3A_315] : memref<128x32768xf32, #tpu.memory_space<any>> -> memref<8x128xf32, #tpu.memory_space<any>>
    %dma_start3A_318 = arith.constant 96 : i32
    %dma_start3A_319 = arith.constant 0 : i32
    %dma_start3A_320 = tpu.memref_slice %arg5[%dma_start3A_318, %dma_start3A_319] : memref<1024x128xf32, #tpu.memory_space<vmem>> -> memref<8x128xf32, #tpu.memory_space<vmem>>
    tpu.enqueue_dma source(%dma_start3A_320 : memref<8x128xf32, #tpu.memory_space<vmem>>) target(%dma_start3A_317 : memref<8x128xf32, #tpu.memory_space<any>>) target_semaphore(%arg6 : memref<!tpu.dma_semaphore, #tpu.memory_space<semaphore_mem>>)
    %get3A_321 = arith.constant 13 : index
    %get3A_322 = arith.constant 0 : index
    %get3A_323 = memref.load %arg1[%get3A_321, %get3A_322] : memref<128x1xi32, #tpu.memory_space<smem>>
    %shift_right_arithmetic3A_324 = arith.constant 7 : i32
    %shift_right_arithmetic3A_325 = arith.shrsi %get3A_323, %shift_right_arithmetic3A_324 : i32
    %slice3A_326 = vector.extract_strided_slice %shift_right_arithmetic3A_12 {offsets = [8, 0], sizes = [8, 1], strides = [1, 1]} : vector<128x1xi32> to vector<8x1xi32>
    %eq3A_327 = vector.broadcast %shift_right_arithmetic3A_325 : i32 to vector<8x1xi32>
    %eq3A_328 = arith.cmpi eq, %slice3A_326, %eq3A_327 : vector<8x1xi32>
    %convert_element_type3A_329 = arith.extui %eq3A_328 : vector<8x1xi1> to vector<8x1xi32>
    %convert_element_type3A_330 = arith.sitofp %convert_element_type3A_329 : vector<8x1xi32> to vector<8x1xf32>
    %slice3A_331 = vector.extract_strided_slice %get3A_10 {offsets = [8, 0], sizes = [8, 128], strides = [1, 1]} : vector<128x128xf32> to vector<8x128xf32>
    %mul3A_332 = vector.broadcast %convert_element_type3A_330 : vector<8x1xf32> to vector<8x128xf32>
    %mul3A_333 = arith.mulf %slice3A_331, %mul3A_332 : vector<8x128xf32>
    %swap3A_334 = arith.constant 104 : index
    %swap3A_335 = arith.constant 0 : index
    %swap3A_336 = vector.load %arg5[%swap3A_334, %swap3A_335] : memref<1024x128xf32, #tpu.memory_space<vmem>>, vector<8x128xf32>
    tpu.vector_store %arg5[%swap3A_334, %swap3A_335], %mul3A_333 {strides = array<i32>} : memref<1024x128xf32, #tpu.memory_space<vmem>>, vector<8x128xf32>,
    %mul3A_337 = arith.constant 128 : i32
    %mul3A_338 = arith.muli %shift_right_arithmetic3A_325, %mul3A_337 : i32
    %multiple_of3A_339 = tpu.assume_multiple %mul3A_338, 128 : i32
    %dma_start3A_340 = arith.constant 8 : i32
    %dma_start3A_341 = tpu.memref_slice %arg3[%dma_start3A_340, %multiple_of3A_339] : memref<128x32768xf32, #tpu.memory_space<any>> -> memref<8x128xf32, #tpu.memory_space<any>>
    %dma_start3A_342 = arith.constant 104 : i32
    %dma_start3A_343 = arith.constant 0 : i32
    %dma_start3A_344 = tpu.memref_slice %arg5[%dma_start3A_342, %dma_start3A_343] : memref<1024x128xf32, #tpu.memory_space<vmem>> -> memref<8x128xf32, #tpu.memory_space<vmem>>
    tpu.enqueue_dma source(%dma_start3A_344 : memref<8x128xf32, #tpu.memory_space<vmem>>) target(%dma_start3A_341 : memref<8x128xf32, #tpu.memory_space<any>>) target_semaphore(%arg6 : memref<!tpu.dma_semaphore, #tpu.memory_space<semaphore_mem>>)
    %get3A_345 = arith.constant 14 : index
    %get3A_346 = arith.constant 0 : index
    %get3A_347 = memref.load %arg1[%get3A_345, %get3A_346] : memref<128x1xi32, #tpu.memory_space<smem>>
    %shift_right_arithmetic3A_348 = arith.constant 7 : i32
    %shift_right_arithmetic3A_349 = arith.shrsi %get3A_347, %shift_right_arithmetic3A_348 : i32
    %slice3A_350 = vector.extract_strided_slice %shift_right_arithmetic3A_12 {offsets = [8, 0], sizes = [8, 1], strides = [1, 1]} : vector<128x1xi32> to vector<8x1xi32>
    %eq3A_351 = vector.broadcast %shift_right_arithmetic3A_349 : i32 to vector<8x1xi32>
    %eq3A_352 = arith.cmpi eq, %slice3A_350, %eq3A_351 : vector<8x1xi32>
    %convert_element_type3A_353 = arith.extui %eq3A_352 : vector<8x1xi1> to vector<8x1xi32>
    %convert_element_type3A_354 = arith.sitofp %convert_element_type3A_353 : vector<8x1xi32> to vector<8x1xf32>
    %slice3A_355 = vector.extract_strided_slice %get3A_10 {offsets = [8, 0], sizes = [8, 128], strides = [1, 1]} : vector<128x128xf32> to vector<8x128xf32>
    %mul3A_356 = vector.broadcast %convert_element_type3A_354 : vector<8x1xf32> to vector<8x128xf32>
    %mul3A_357 = arith.mulf %slice3A_355, %mul3A_356 : vector<8x128xf32>
    %swap3A_358 = arith.constant 112 : index
    %swap3A_359 = arith.constant 0 : index
    %swap3A_360 = vector.load %arg5[%swap3A_358, %swap3A_359] : memref<1024x128xf32, #tpu.memory_space<vmem>>, vector<8x128xf32>
    tpu.vector_store %arg5[%swap3A_358, %swap3A_359], %mul3A_357 {strides = array<i32>} : memref<1024x128xf32, #tpu.memory_space<vmem>>, vector<8x128xf32>,
    %mul3A_361 = arith.constant 128 : i32
    %mul3A_362 = arith.muli %shift_right_arithmetic3A_349, %mul3A_361 : i32
    %multiple_of3A_363 = tpu.assume_multiple %mul3A_362, 128 : i32
    %dma_start3A_364 = arith.constant 8 : i32
    %dma_start3A_365 = tpu.memref_slice %arg3[%dma_start3A_364, %multiple_of3A_363] : memref<128x32768xf32, #tpu.memory_space<any>> -> memref<8x128xf32, #tpu.memory_space<any>>
    %dma_start3A_366 = arith.constant 112 : i32
    %dma_start3A_367 = arith.constant 0 : i32
    %dma_start3A_368 = tpu.memref_slice %arg5[%dma_start3A_366, %dma_start3A_367] : memref<1024x128xf32, #tpu.memory_space<vmem>> -> memref<8x128xf32, #tpu.memory_space<vmem>>
    tpu.enqueue_dma source(%dma_start3A_368 : memref<8x128xf32, #tpu.memory_space<vmem>>) target(%dma_start3A_365 : memref<8x128xf32, #tpu.memory_space<any>>) target_semaphore(%arg6 : memref<!tpu.dma_semaphore, #tpu.memory_space<semaphore_mem>>)
    %get3A_369 = arith.constant 15 : index
    %get3A_370 = arith.constant 0 : index
    %get3A_371 = memref.load %arg1[%get3A_369, %get3A_370] : memref<128x1xi32, #tpu.memory_space<smem>>
    %shift_right_arithmetic3A_372 = arith.constant 7 : i32
    %shift_right_arithmetic3A_373 = arith.shrsi %get3A_371, %shift_right_arithmetic3A_372 : i32
    %slice3A_374 = vector.extract_strided_slice %shift_right_arithmetic3A_12 {offsets = [8, 0], sizes = [8, 1], strides = [1, 1]} : vector<128x1xi32> to vector<8x1xi32>
    %eq3A_375 = vector.broadcast %shift_right_arithmetic3A_373 : i32 to vector<8x1xi32>
    %eq3A_376 = arith.cmpi eq, %slice3A_374, %eq3A_375 : vector<8x1xi32>
    %convert_element_type3A_377 = arith.extui %eq3A_376 : vector<8x1xi1> to vector<8x1xi32>
    %convert_element_type3A_378 = arith.sitofp %convert_element_type3A_377 : vector<8x1xi32> to vector<8x1xf32>
    %slice3A_379 = vector.extract_strided_slice %get3A_10 {offsets = [8, 0], sizes = [8, 128], strides = [1, 1]} : vector<128x128xf32> to vector<8x128xf32>
    %mul3A_380 = vector.broadcast %convert_element_type3A_378 : vector<8x1xf32> to vector<8x128xf32>
    %mul3A_381 = arith.mulf %slice3A_379, %mul3A_380 : vector<8x128xf32>
    %swap3A_382 = arith.constant 120 : index
    %swap3A_383 = arith.constant 0 : index
    %swap3A_384 = vector.load %arg5[%swap3A_382, %swap3A_383] : memref<1024x128xf32, #tpu.memory_space<vmem>>, vector<8x128xf32>
    tpu.vector_store %arg5[%swap3A_382, %swap3A_383], %mul3A_381 {strides = array<i32>} : memref<1024x128xf32, #tpu.memory_space<vmem>>, vector<8x128xf32>,
    %mul3A_385 = arith.constant 128 : i32
    %mul3A_386 = arith.muli %shift_right_arithmetic3A_373, %mul3A_385 : i32
    %multiple_of3A_387 = tpu.assume_multiple %mul3A_386, 128 : i32
    %dma_start3A_388 = arith.constant 8 : i32
    %dma_start3A_389 = tpu.memref_slice %arg3[%dma_start3A_388, %multiple_of3A_387] : memref<128x32768xf32, #tpu.memory_space<any>> -> memref<8x128xf32, #tpu.memory_space<any>>
    %dma_start3A_390 = arith.constant 120 : i32
    %dma_start3A_391 = arith.constant 0 : i32
    %dma_start3A_392 = tpu.memref_slice %arg5[%dma_start3A_390, %dma_start3A_391] : memref<1024x128xf32, #tpu.memory_space<vmem>> -> memref<8x128xf32, #tpu.memory_space<vmem>>
    tpu.enqueue_dma source(%dma_start3A_392 : memref<8x128xf32, #tpu.memory_space<vmem>>) target(%dma_start3A_389 : memref<8x128xf32, #tpu.memory_space<any>>) target_semaphore(%arg6 : memref<!tpu.dma_semaphore, #tpu.memory_space<semaphore_mem>>)
    %get3A_393 = arith.constant 16 : index
    %get3A_394 = arith.constant 0 : index
    %get3A_395 = memref.load %arg1[%get3A_393, %get3A_394] : memref<128x1xi32, #tpu.memory_space<smem>>
    %shift_right_arithmetic3A_396 = arith.constant 7 : i32
    %shift_right_arithmetic3A_397 = arith.shrsi %get3A_395, %shift_right_arithmetic3A_396 : i32
    %slice3A_398 = vector.extract_strided_slice %shift_right_arithmetic3A_12 {offsets = [16, 0], sizes = [8, 1], strides = [1, 1]} : vector<128x1xi32> to vector<8x1xi32>
    %eq3A_399 = vector.broadcast %shift_right_arithmetic3A_397 : i32 to vector<8x1xi32>
    %eq3A_400 = arith.cmpi eq, %slice3A_398, %eq3A_399 : vector<8x1xi32>
    %convert_element_type3A_401 = arith.extui %eq3A_400 : vector<8x1xi1> to vector<8x1xi32>
    %convert_element_type3A_402 = arith.sitofp %convert_element_type3A_401 : vector<8x1xi32> to vector<8x1xf32>
    %slice3A_403 = vector.extract_strided_slice %get3A_10 {offsets = [16, 0], sizes = [8, 128], strides = [1, 1]} : vector<128x128xf32> to vector<8x128xf32>
    %mul3A_404 = vector.broadcast %convert_element_type3A_402 : vector<8x1xf32> to vector<8x128xf32>
    %mul3A_405 = arith.mulf %slice3A_403, %mul3A_404 : vector<8x128xf32>
    %swap3A_406 = arith.constant 128 : index
    %swap3A_407 = arith.constant 0 : index
    %swap3A_408 = vector.load %arg5[%swap3A_406, %swap3A_407] : memref<1024x128xf32, #tpu.memory_space<vmem>>, vector<8x128xf32>
    tpu.vector_store %arg5[%swap3A_406, %swap3A_407], %mul3A_405 {strides = array<i32>} : memref<1024x128xf32, #tpu.memory_space<vmem>>, vector<8x128xf32>,
    %mul3A_409 = arith.constant 128 : i32
    %mul3A_410 = arith.muli %shift_right_arithmetic3A_397, %mul3A_409 : i32
    %multiple_of3A_411 = tpu.assume_multiple %mul3A_410, 128 : i32
    %dma_start3A_412 = arith.constant 16 : i32
    %dma_start3A_413 = tpu.memref_slice %arg3[%dma_start3A_412, %multiple_of3A_411] : memref<128x32768xf32, #tpu.memory_space<any>> -> memref<8x128xf32, #tpu.memory_space<any>>
    %dma_start3A_414 = arith.constant 128 : i32
    %dma_start3A_415 = arith.constant 0 : i32
    %dma_start3A_416 = tpu.memref_slice %arg5[%dma_start3A_414, %dma_start3A_415] : memref<1024x128xf32, #tpu.memory_space<vmem>> -> memref<8x128xf32, #tpu.memory_space<vmem>>
    tpu.enqueue_dma source(%dma_start3A_416 : memref<8x128xf32, #tpu.memory_space<vmem>>) target(%dma_start3A_413 : memref<8x128xf32, #tpu.memory_space<any>>) target_semaphore(%arg6 : memref<!tpu.dma_semaphore, #tpu.memory_space<semaphore_mem>>)
    %get3A_417 = arith.constant 17 : index
    %get3A_418 = arith.constant 0 : index
    %get3A_419 = memref.load %arg1[%get3A_417, %get3A_418] : memref<128x1xi32, #tpu.memory_space<smem>>
    %shift_right_arithmetic3A_420 = arith.constant 7 : i32
    %shift_right_arithmetic3A_421 = arith.shrsi %get3A_419, %shift_right_arithmetic3A_420 : i32
    %slice3A_422 = vector.extract_strided_slice %shift_right_arithmetic3A_12 {offsets = [16, 0], sizes = [8, 1], strides = [1, 1]} : vector<128x1xi32> to vector<8x1xi32>
    %eq3A_423 = vector.broadcast %shift_right_arithmetic3A_421 : i32 to vector<8x1xi32>
    %eq3A_424 = arith.cmpi eq, %slice3A_422, %eq3A_423 : vector<8x1xi32>
    %convert_element_type3A_425 = arith.extui %eq3A_424 : vector<8x1xi1> to vector<8x1xi32>
    %convert_element_type3A_426 = arith.sitofp %convert_element_type3A_425 : vector<8x1xi32> to vector<8x1xf32>
    %slice3A_427 = vector.extract_strided_slice %get3A_10 {offsets = [16, 0], sizes = [8, 128], strides = [1, 1]} : vector<128x128xf32> to vector<8x128xf32>
    %mul3A_428 = vector.broadcast %convert_element_type3A_426 : vector<8x1xf32> to vector<8x128xf32>
    %mul3A_429 = arith.mulf %slice3A_427, %mul3A_428 : vector<8x128xf32>
    %swap3A_430 = arith.constant 136 : index
    %swap3A_431 = arith.constant 0 : index
    %swap3A_432 = vector.load %arg5[%swap3A_430, %swap3A_431] : memref<1024x128xf32, #tpu.memory_space<vmem>>, vector<8x128xf32>
    tpu.vector_store %arg5[%swap3A_430, %swap3A_431], %mul3A_429 {strides = array<i32>} : memref<1024x128xf32, #tpu.memory_space<vmem>>, vector<8x128xf32>,
    %mul3A_433 = arith.constant 128 : i32
    %mul3A_434 = arith.muli %shift_right_arithmetic3A_421, %mul3A_433 : i32
    %multiple_of3A_435 = tpu.assume_multiple %mul3A_434, 128 : i32
    %dma_start3A_436 = arith.constant 16 : i32
    %dma_start3A_437 = tpu.memref_slice %arg3[%dma_start3A_436, %multiple_of3A_435] : memref<128x32768xf32, #tpu.memory_space<any>> -> memref<8x128xf32, #tpu.memory_space<any>>
    %dma_start3A_438 = arith.constant 136 : i32
    %dma_start3A_439 = arith.constant 0 : i32
    %dma_start3A_440 = tpu.memref_slice %arg5[%dma_start3A_438, %dma_start3A_439] : memref<1024x128xf32, #tpu.memory_space<vmem>> -> memref<8x128xf32, #tpu.memory_space<vmem>>
    tpu.enqueue_dma source(%dma_start3A_440 : memref<8x128xf32, #tpu.memory_space<vmem>>) target(%dma_start3A_437 : memref<8x128xf32, #tpu.memory_space<any>>) target_semaphore(%arg6 : memref<!tpu.dma_semaphore, #tpu.memory_space<semaphore_mem>>)
    %get3A_441 = arith.constant 18 : index
    %get3A_442 = arith.constant 0 : index
    %get3A_443 = memref.load %arg1[%get3A_441, %get3A_442] : memref<128x1xi32, #tpu.memory_space<smem>>
    %shift_right_arithmetic3A_444 = arith.constant 7 : i32
    %shift_right_arithmetic3A_445 = arith.shrsi %get3A_443, %shift_right_arithmetic3A_444 : i32
    %slice3A_446 = vector.extract_strided_slice %shift_right_arithmetic3A_12 {offsets = [16, 0], sizes = [8, 1], strides = [1, 1]} : vector<128x1xi32> to vector<8x1xi32>
    %eq3A_447 = vector.broadcast %shift_right_arithmetic3A_445 : i32 to vector<8x1xi32>
    %eq3A_448 = arith.cmpi eq, %slice3A_446, %eq3A_447 : vector<8x1xi32>
    %convert_element_type3A_449 = arith.extui %eq3A_448 : vector<8x1xi1> to vector<8x1xi32>
    %convert_element_type3A_450 = arith.sitofp %convert_element_type3A_449 : vector<8x1xi32> to vector<8x1xf32>
    %slice3A_451 = vector.extract_strided_slice %get3A_10 {offsets = [16, 0], sizes = [8, 128], strides = [1, 1]} : vector<128x128xf32> to vector<8x128xf32>
    %mul3A_452 = vector.broadcast %convert_element_type3A_450 : vector<8x1xf32> to vector<8x128xf32>
    %mul3A_453 = arith.mulf %slice3A_451, %mul3A_452 : vector<8x128xf32>
    %swap3A_454 = arith.constant 144 : index
    %swap3A_455 = arith.constant 0 : index
    %swap3A_456 = vector.load %arg5[%swap3A_454, %swap3A_455] : memref<1024x128xf32, #tpu.memory_space<vmem>>, vector<8x128xf32>
    tpu.vector_store %arg5[%swap3A_454, %swap3A_455], %mul3A_453 {strides = array<i32>} : memref<1024x128xf32, #tpu.memory_space<vmem>>, vector<8x128xf32>,
    %mul3A_457 = arith.constant 128 : i32
    %mul3A_458 = arith.muli %shift_right_arithmetic3A_445, %mul3A_457 : i32
    %multiple_of3A_459 = tpu.assume_multiple %mul3A_458, 128 : i32
    %dma_start3A_460 = arith.constant 16 : i32
    %dma_start3A_461 = tpu.memref_slice %arg3[%dma_start3A_460, %multiple_of3A_459] : memref<128x32768xf32, #tpu.memory_space<any>> -> memref<8x128xf32, #tpu.memory_space<any>>
    %dma_start3A_462 = arith.constant 144 : i32
    %dma_start3A_463 = arith.constant 0 : i32
    %dma_start3A_464 = tpu.memref_slice %arg5[%dma_start3A_462, %dma_start3A_463] : memref<1024x128xf32, #tpu.memory_space<vmem>> -> memref<8x128xf32, #tpu.memory_space<vmem>>
    tpu.enqueue_dma source(%dma_start3A_464 : memref<8x128xf32, #tpu.memory_space<vmem>>) target(%dma_start3A_461 : memref<8x128xf32, #tpu.memory_space<any>>) target_semaphore(%arg6 : memref<!tpu.dma_semaphore, #tpu.memory_space<semaphore_mem>>)
    %get3A_465 = arith.constant 19 : index
    %get3A_466 = arith.constant 0 : index
    %get3A_467 = memref.load %arg1[%get3A_465, %get3A_466] : memref<128x1xi32, #tpu.memory_space<smem>>
    %shift_right_arithmetic3A_468 = arith.constant 7 : i32
    %shift_right_arithmetic3A_469 = arith.shrsi %get3A_467, %shift_right_arithmetic3A_468 : i32
    %slice3A_470 = vector.extract_strided_slice %shift_right_arithmetic3A_12 {offsets = [16, 0], sizes = [8, 1], strides = [1, 1]} : vector<128x1xi32> to vector<8x1xi32>
    %eq3A_471 = vector.broadcast %shift_right_arithmetic3A_469 : i32 to vector<8x1xi32>
    %eq3A_472 = arith.cmpi eq, %slice3A_470, %eq3A_471 : vector<8x1xi32>
    %convert_element_type3A_473 = arith.extui %eq3A_472 : vector<8x1xi1> to vector<8x1xi32>
    %convert_element_type3A_474 = arith.sitofp %convert_element_type3A_473 : vector<8x1xi32> to vector<8x1xf32>
    %slice3A_475 = vector.extract_strided_slice %get3A_10 {offsets = [16, 0], sizes = [8, 128], strides = [1, 1]} : vector<128x128xf32> to vector<8x128xf32>
    %mul3A_476 = vector.broadcast %convert_element_type3A_474 : vector<8x1xf32> to vector<8x128xf32>
    %mul3A_477 = arith.mulf %slice3A_475, %mul3A_476 : vector<8x128xf32>
    %swap3A_478 = arith.constant 152 : index
    %swap3A_479 = arith.constant 0 : index
    %swap3A_480 = vector.load %arg5[%swap3A_478, %swap3A_479] : memref<1024x128xf32, #tpu.memory_space<vmem>>, vector<8x128xf32>
    tpu.vector_store %arg5[%swap3A_478, %swap3A_479], %mul3A_477 {strides = array<i32>} : memref<1024x128xf32, #tpu.memory_space<vmem>>, vector<8x128xf32>,
    %mul3A_481 = arith.constant 128 : i32
    %mul3A_482 = arith.muli %shift_right_arithmetic3A_469, %mul3A_481 : i32
    %multiple_of3A_483 = tpu.assume_multiple %mul3A_482, 128 : i32
    %dma_start3A_484 = arith.constant 16 : i32
    %dma_start3A_485 = tpu.memref_slice %arg3[%dma_start3A_484, %multiple_of3A_483] : memref<128x32768xf32, #tpu.memory_space<any>> -> memref<8x128xf32, #tpu.memory_space<any>>
    %dma_start3A_486 = arith.constant 152 : i32
    %dma_start3A_487 = arith.constant 0 : i32
    %dma_start3A_488 = tpu.memref_slice %arg5[%dma_start3A_486, %dma_start3A_487] : memref<1024x128xf32, #tpu.memory_space<vmem>> -> memref<8x128xf32, #tpu.memory_space<vmem>>
    tpu.enqueue_dma source(%dma_start3A_488 : memref<8x128xf32, #tpu.memory_space<vmem>>) target(%dma_start3A_485 : memref<8x128xf32, #tpu.memory_space<any>>) target_semaphore(%arg6 : memref<!tpu.dma_semaphore, #tpu.memory_space<semaphore_mem>>)
    %get3A_489 = arith.constant 20 : index
    %get3A_490 = arith.constant 0 : index
    %get3A_491 = memref.load %arg1[%get3A_489, %get3A_490] : memref<128x1xi32, #tpu.memory_space<smem>>
    %shift_right_arithmetic3A_492 = arith.constant 7 : i32
    %shift_right_arithmetic3A_493 = arith.shrsi %get3A_491, %shift_right_arithmetic3A_492 : i32
    %slice3A_494 = vector.extract_strided_slice %shift_right_arithmetic3A_12 {offsets = [16, 0], sizes = [8, 1], strides = [1, 1]} : vector<128x1xi32> to vector<8x1xi32>
    %eq3A_495 = vector.broadcast %shift_right_arithmetic3A_493 : i32 to vector<8x1xi32>
    %eq3A_496 = arith.cmpi eq, %slice3A_494, %eq3A_495 : vector<8x1xi32>
    %convert_element_type3A_497 = arith.extui %eq3A_496 : vector<8x1xi1> to vector<8x1xi32>
    %convert_element_type3A_498 = arith.sitofp %convert_element_type3A_497 : vector<8x1xi32> to vector<8x1xf32>
    %slice3A_499 = vector.extract_strided_slice %get3A_10 {offsets = [16, 0], sizes = [8, 128], strides = [1, 1]} : vector<128x128xf32> to vector<8x128xf32>
    %mul3A_500 = vector.broadcast %convert_element_type3A_498 : vector<8x1xf32> to vector<8x128xf32>
    %mul3A_501 = arith.mulf %slice3A_499, %mul3A_500 : vector<8x128xf32>
    %swap3A_502 = arith.constant 160 : index
    %swap3A_503 = arith.constant 0 : index
    %swap3A_504 = vector.load %arg5[%swap3A_502, %swap3A_503] : memref<1024x128xf32, #tpu.memory_space<vmem>>, vector<8x128xf32>
    tpu.vector_store %arg5[%swap3A_502, %swap3A_503], %mul3A_501 {strides = array<i32>} : memref<1024x128xf32, #tpu.memory_space<vmem>>, vector<8x128xf32>,
    %mul3A_505 = arith.constant 128 : i32
    %mul3A_506 = arith.muli %shift_right_arithmetic3A_493, %mul3A_505 : i32
    %multiple_of3A_507 = tpu.assume_multiple %mul3A_506, 128 : i32
    %dma_start3A_508 = arith.constant 16 : i32
    %dma_start3A_509 = tpu.memref_slice %arg3[%dma_start3A_508, %multiple_of3A_507] : memref<128x32768xf32, #tpu.memory_space<any>> -> memref<8x128xf32, #tpu.memory_space<any>>
    %dma_start3A_510 = arith.constant 160 : i32
    %dma_start3A_511 = arith.constant 0 : i32
    %dma_start3A_512 = tpu.memref_slice %arg5[%dma_start3A_510, %dma_start3A_511] : memref<1024x128xf32, #tpu.memory_space<vmem>> -> memref<8x128xf32, #tpu.memory_space<vmem>>
    tpu.enqueue_dma source(%dma_start3A_512 : memref<8x128xf32, #tpu.memory_space<vmem>>) target(%dma_start3A_509 : memref<8x128xf32, #tpu.memory_space<any>>) target_semaphore(%arg6 : memref<!tpu.dma_semaphore, #tpu.memory_space<semaphore_mem>>)
    %get3A_513 = arith.constant 21 : index
    %get3A_514 = arith.constant 0 : index
    %get3A_515 = memref.load %arg1[%get3A_513, %get3A_514] : memref<128x1xi32, #tpu.memory_space<smem>>
    %shift_right_arithmetic3A_516 = arith.constant 7 : i32
    %shift_right_arithmetic3A_517 = arith.shrsi %get3A_515, %shift_right_arithmetic3A_516 : i32
    %slice3A_518 = vector.extract_strided_slice %shift_right_arithmetic3A_12 {offsets = [16, 0], sizes = [8, 1], strides = [1, 1]} : vector<128x1xi32> to vector<8x1xi32>
    %eq3A_519 = vector.broadcast %shift_right_arithmetic3A_517 : i32 to vector<8x1xi32>
    %eq3A_520 = arith.cmpi eq, %slice3A_518, %eq3A_519 : vector<8x1xi32>
    %convert_element_type3A_521 = arith.extui %eq3A_520 : vector<8x1xi1> to vector<8x1xi32>
    %convert_element_type3A_522 = arith.sitofp %convert_element_type3A_521 : vector<8x1xi32> to vector<8x1xf32>
    %slice3A_523 = vector.extract_strided_slice %get3A_10 {offsets = [16, 0], sizes = [8, 128], strides = [1, 1]} : vector<128x128xf32> to vector<8x128xf32>
    %mul3A_524 = vector.broadcast %convert_element_type3A_522 : vector<8x1xf32> to vector<8x128xf32>
    %mul3A_525 = arith.mulf %slice3A_523, %mul3A_524 : vector<8x128xf32>
    %swap3A_526 = arith.constant 168 : index
    %swap3A_527 = arith.constant 0 : index
    %swap3A_528 = vector.load %arg5[%swap3A_526, %swap3A_527] : memref<1024x128xf32, #tpu.memory_space<vmem>>, vector<8x128xf32>
    tpu.vector_store %arg5[%swap3A_526, %swap3A_527], %mul3A_525 {strides = array<i32>} : memref<1024x128xf32, #tpu.memory_space<vmem>>, vector<8x128xf32>,
    %mul3A_529 = arith.constant 128 : i32
    %mul3A_530 = arith.muli %shift_right_arithmetic3A_517, %mul3A_529 : i32
    %multiple_of3A_531 = tpu.assume_multiple %mul3A_530, 128 : i32
    %dma_start3A_532 = arith.constant 16 : i32
    %dma_start3A_533 = tpu.memref_slice %arg3[%dma_start3A_532, %multiple_of3A_531] : memref<128x32768xf32, #tpu.memory_space<any>> -> memref<8x128xf32, #tpu.memory_space<any>>
    %dma_start3A_534 = arith.constant 168 : i32
    %dma_start3A_535 = arith.constant 0 : i32
    %dma_start3A_536 = tpu.memref_slice %arg5[%dma_start3A_534, %dma_start3A_535] : memref<1024x128xf32, #tpu.memory_space<vmem>> -> memref<8x128xf32, #tpu.memory_space<vmem>>
    tpu.enqueue_dma source(%dma_start3A_536 : memref<8x128xf32, #tpu.memory_space<vmem>>) target(%dma_start3A_533 : memref<8x128xf32, #tpu.memory_space<any>>) target_semaphore(%arg6 : memref<!tpu.dma_semaphore, #tpu.memory_space<semaphore_mem>>)
    %get3A_537 = arith.constant 22 : index
    %get3A_538 = arith.constant 0 : index
    %get3A_539 = memref.load %arg1[%get3A_537, %get3A_538] : memref<128x1xi32, #tpu.memory_space<smem>>
    %shift_right_arithmetic3A_540 = arith.constant 7 : i32
    %shift_right_arithmetic3A_541 = arith.shrsi %get3A_539, %shift_right_arithmetic3A_540 : i32
    %slice3A_542 = vector.extract_strided_slice %shift_right_arithmetic3A_12 {offsets = [16, 0], sizes = [8, 1], strides = [1, 1]} : vector<128x1xi32> to vector<8x1xi32>
    %eq3A_543 = vector.broadcast %shift_right_arithmetic3A_541 : i32 to vector<8x1xi32>
    %eq3A_544 = arith.cmpi eq, %slice3A_542, %eq3A_543 : vector<8x1xi32>
    %convert_element_type3A_545 = arith.extui %eq3A_544 : vector<8x1xi1> to vector<8x1xi32>
    %convert_element_type3A_546 = arith.sitofp %convert_element_type3A_545 : vector<8x1xi32> to vector<8x1xf32>
    %slice3A_547 = vector.extract_strided_slice %get3A_10 {offsets = [16, 0], sizes = [8, 128], strides = [1, 1]} : vector<128x128xf32> to vector<8x128xf32>
    %mul3A_548 = vector.broadcast %convert_element_type3A_546 : vector<8x1xf32> to vector<8x128xf32>
    %mul3A_549 = arith.mulf %slice3A_547, %mul3A_548 : vector<8x128xf32>
    %swap3A_550 = arith.constant 176 : index
    %swap3A_551 = arith.constant 0 : index
    %swap3A_552 = vector.load %arg5[%swap3A_550, %swap3A_551] : memref<1024x128xf32, #tpu.memory_space<vmem>>, vector<8x128xf32>
    tpu.vector_store %arg5[%swap3A_550, %swap3A_551], %mul3A_549 {strides = array<i32>} : memref<1024x128xf32, #tpu.memory_space<vmem>>, vector<8x128xf32>,
    %mul3A_553 = arith.constant 128 : i32
    %mul3A_554 = arith.muli %shift_right_arithmetic3A_541, %mul3A_553 : i32
    %multiple_of3A_555 = tpu.assume_multiple %mul3A_554, 128 : i32
    %dma_start3A_556 = arith.constant 16 : i32
    %dma_start3A_557 = tpu.memref_slice %arg3[%dma_start3A_556, %multiple_of3A_555] : memref<128x32768xf32, #tpu.memory_space<any>> -> memref<8x128xf32, #tpu.memory_space<any>>
    %dma_start3A_558 = arith.constant 176 : i32
    %dma_start3A_559 = arith.constant 0 : i32
    %dma_start3A_560 = tpu.memref_slice %arg5[%dma_start3A_558, %dma_start3A_559] : memref<1024x128xf32, #tpu.memory_space<vmem>> -> memref<8x128xf32, #tpu.memory_space<vmem>>
    tpu.enqueue_dma source(%dma_start3A_560 : memref<8x128xf32, #tpu.memory_space<vmem>>) target(%dma_start3A_557 : memref<8x128xf32, #tpu.memory_space<any>>) target_semaphore(%arg6 : memref<!tpu.dma_semaphore, #tpu.memory_space<semaphore_mem>>)
    %get3A_561 = arith.constant 23 : index
    %get3A_562 = arith.constant 0 : index
    %get3A_563 = memref.load %arg1[%get3A_561, %get3A_562] : memref<128x1xi32, #tpu.memory_space<smem>>
    %shift_right_arithmetic3A_564 = arith.constant 7 : i32
    %shift_right_arithmetic3A_565 = arith.shrsi %get3A_563, %shift_right_arithmetic3A_564 : i32
    %slice3A_566 = vector.extract_strided_slice %shift_right_arithmetic3A_12 {offsets = [16, 0], sizes = [8, 1], strides = [1, 1]} : vector<128x1xi32> to vector<8x1xi32>
    %eq3A_567 = vector.broadcast %shift_right_arithmetic3A_565 : i32 to vector<8x1xi32>
    %eq3A_568 = arith.cmpi eq, %slice3A_566, %eq3A_567 : vector<8x1xi32>
    %convert_element_type3A_569 = arith.extui %eq3A_568 : vector<8x1xi1> to vector<8x1xi32>
    %convert_element_type3A_570 = arith.sitofp %convert_element_type3A_569 : vector<8x1xi32> to vector<8x1xf32>
    %slice3A_571 = vector.extract_strided_slice %get3A_10 {offsets = [16, 0], sizes = [8, 128], strides = [1, 1]} : vector<128x128xf32> to vector<8x128xf32>
    %mul3A_572 = vector.broadcast %convert_element_type3A_570 : vector<8x1xf32> to vector<8x128xf32>
    %mul3A_573 = arith.mulf %slice3A_571, %mul3A_572 : vector<8x128xf32>
    %swap3A_574 = arith.constant 184 : index
    %swap3A_575 = arith.constant 0 : index
    %swap3A_576 = vector.load %arg5[%swap3A_574, %swap3A_575] : memref<1024x128xf32, #tpu.memory_space<vmem>>, vector<8x128xf32>
    tpu.vector_store %arg5[%swap3A_574, %swap3A_575], %mul3A_573 {strides = array<i32>} : memref<1024x128xf32, #tpu.memory_space<vmem>>, vector<8x128xf32>,
    %mul3A_577 = arith.constant 128 : i32
    %mul3A_578 = arith.muli %shift_right_arithmetic3A_565, %mul3A_577 : i32
    %multiple_of3A_579 = tpu.assume_multiple %mul3A_578, 128 : i32
    %dma_start3A_580 = arith.constant 16 : i32
    %dma_start3A_581 = tpu.memref_slice %arg3[%dma_start3A_580, %multiple_of3A_579] : memref<128x32768xf32, #tpu.memory_space<any>> -> memref<8x128xf32, #tpu.memory_space<any>>
    %dma_start3A_582 = arith.constant 184 : i32
    %dma_start3A_583 = arith.constant 0 : i32
    %dma_start3A_584 = tpu.memref_slice %arg5[%dma_start3A_582, %dma_start3A_583] : memref<1024x128xf32, #tpu.memory_space<vmem>> -> memref<8x128xf32, #tpu.memory_space<vmem>>
    tpu.enqueue_dma source(%dma_start3A_584 : memref<8x128xf32, #tpu.memory_space<vmem>>) target(%dma_start3A_581 : memref<8x128xf32, #tpu.memory_space<any>>) target_semaphore(%arg6 : memref<!tpu.dma_semaphore, #tpu.memory_space<semaphore_mem>>)
    %get3A_585 = arith.constant 24 : index
    %get3A_586 = arith.constant 0 : index
    %get3A_587 = memref.load %arg1[%get3A_585, %get3A_586] : memref<128x1xi32, #tpu.memory_space<smem>>
    %shift_right_arithmetic3A_588 = arith.constant 7 : i32
    %shift_right_arithmetic3A_589 = arith.shrsi %get3A_587, %shift_right_arithmetic3A_588 : i32
    %slice3A_590 = vector.extract_strided_slice %shift_right_arithmetic3A_12 {offsets = [24, 0], sizes = [8, 1], strides = [1, 1]} : vector<128x1xi32> to vector<8x1xi32>
    %eq3A_591 = vector.broadcast %shift_right_arithmetic3A_589 : i32 to vector<8x1xi32>
    %eq3A_592 = arith.cmpi eq, %slice3A_590, %eq3A_591 : vector<8x1xi32>
    %convert_element_type3A_593 = arith.extui %eq3A_592 : vector<8x1xi1> to vector<8x1xi32>
    %convert_element_type3A_594 = arith.sitofp %convert_element_type3A_593 : vector<8x1xi32> to vector<8x1xf32>
    %slice3A_595 = vector.extract_strided_slice %get3A_10 {offsets = [24, 0], sizes = [8, 128], strides = [1, 1]} : vector<128x128xf32> to vector<8x128xf32>
    %mul3A_596 = vector.broadcast %convert_element_type3A_594 : vector<8x1xf32> to vector<8x128xf32>
    %mul3A_597 = arith.mulf %slice3A_595, %mul3A_596 : vector<8x128xf32>
    %swap3A_598 = arith.constant 192 : index
    %swap3A_599 = arith.constant 0 : index
    %swap3A_600 = vector.load %arg5[%swap3A_598, %swap3A_599] : memref<1024x128xf32, #tpu.memory_space<vmem>>, vector<8x128xf32>
    tpu.vector_store %arg5[%swap3A_598, %swap3A_599], %mul3A_597 {strides = array<i32>} : memref<1024x128xf32, #tpu.memory_space<vmem>>, vector<8x128xf32>,
    %mul3A_601 = arith.constant 128 : i32
    %mul3A_602 = arith.muli %shift_right_arithmetic3A_589, %mul3A_601 : i32
    %multiple_of3A_603 = tpu.assume_multiple %mul3A_602, 128 : i32
    %dma_start3A_604 = arith.constant 24 : i32
    %dma_start3A_605 = tpu.memref_slice %arg3[%dma_start3A_604, %multiple_of3A_603] : memref<128x32768xf32, #tpu.memory_space<any>> -> memref<8x128xf32, #tpu.memory_space<any>>
    %dma_start3A_606 = arith.constant 192 : i32
    %dma_start3A_607 = arith.constant 0 : i32
    %dma_start3A_608 = tpu.memref_slice %arg5[%dma_start3A_606, %dma_start3A_607] : memref<1024x128xf32, #tpu.memory_space<vmem>> -> memref<8x128xf32, #tpu.memory_space<vmem>>
    tpu.enqueue_dma source(%dma_start3A_608 : memref<8x128xf32, #tpu.memory_space<vmem>>) target(%dma_start3A_605 : memref<8x128xf32, #tpu.memory_space<any>>) target_semaphore(%arg6 : memref<!tpu.dma_semaphore, #tpu.memory_space<semaphore_mem>>)
    %get3A_609 = arith.constant 25 : index
    %get3A_610 = arith.constant 0 : index
    %get3A_611 = memref.load %arg1[%get3A_609, %get3A_610] : memref<128x1xi32, #tpu.memory_space<smem>>
    %shift_right_arithmetic3A_612 = arith.constant 7 : i32
    %shift_right_arithmetic3A_613 = arith.shrsi %get3A_611, %shift_right_arithmetic3A_612 : i32
    %slice3A_614 = vector.extract_strided_slice %shift_right_arithmetic3A_12 {offsets = [24, 0], sizes = [8, 1], strides = [1, 1]} : vector<128x1xi32> to vector<8x1xi32>
    %eq3A_615 = vector.broadcast %shift_right_arithmetic3A_613 : i32 to vector<8x1xi32>
    %eq3A_616 = arith.cmpi eq, %slice3A_614, %eq3A_615 : vector<8x1xi32>
    %convert_element_type3A_617 = arith.extui %eq3A_616 : vector<8x1xi1> to vector<8x1xi32>
    %convert_element_type3A_618 = arith.sitofp %convert_element_type3A_617 : vector<8x1xi32> to vector<8x1xf32>
    %slice3A_619 = vector.extract_strided_slice %get3A_10 {offsets = [24, 0], sizes = [8, 128], strides = [1, 1]} : vector<128x128xf32> to vector<8x128xf32>
    %mul3A_620 = vector.broadcast %convert_element_type3A_618 : vector<8x1xf32> to vector<8x128xf32>
    %mul3A_621 = arith.mulf %slice3A_619, %mul3A_620 : vector<8x128xf32>
    %swap3A_622 = arith.constant 200 : index
    %swap3A_623 = arith.constant 0 : index
    %swap3A_624 = vector.load %arg5[%swap3A_622, %swap3A_623] : memref<1024x128xf32, #tpu.memory_space<vmem>>, vector<8x128xf32>
    tpu.vector_store %arg5[%swap3A_622, %swap3A_623], %mul3A_621 {strides = array<i32>} : memref<1024x128xf32, #tpu.memory_space<vmem>>, vector<8x128xf32>,
    %mul3A_625 = arith.constant 128 : i32
    %mul3A_626 = arith.muli %shift_right_arithmetic3A_613, %mul3A_625 : i32
    %multiple_of3A_627 = tpu.assume_multiple %mul3A_626, 128 : i32
    %dma_start3A_628 = arith.constant 24 : i32
    %dma_start3A_629 = tpu.memref_slice %arg3[%dma_start3A_628, %multiple_of3A_627] : memref<128x32768xf32, #tpu.memory_space<any>> -> memref<8x128xf32, #tpu.memory_space<any>>
    %dma_start3A_630 = arith.constant 200 : i32
    %dma_start3A_631 = arith.constant 0 : i32
    %dma_start3A_632 = tpu.memref_slice %arg5[%dma_start3A_630, %dma_start3A_631] : memref<1024x128xf32, #tpu.memory_space<vmem>> -> memref<8x128xf32, #tpu.memory_space<vmem>>
    tpu.enqueue_dma source(%dma_start3A_632 : memref<8x128xf32, #tpu.memory_space<vmem>>) target(%dma_start3A_629 : memref<8x128xf32, #tpu.memory_space<any>>) target_semaphore(%arg6 : memref<!tpu.dma_semaphore, #tpu.memory_space<semaphore_mem>>)
    %get3A_633 = arith.constant 26 : index
    %get3A_634 = arith.constant 0 : index
    %get3A_635 = memref.load %arg1[%get3A_633, %get3A_634] : memref<128x1xi32, #tpu.memory_space<smem>>
    %shift_right_arithmetic3A_636 = arith.constant 7 : i32
    %shift_right_arithmetic3A_637 = arith.shrsi %get3A_635, %shift_right_arithmetic3A_636 : i32
    %slice3A_638 = vector.extract_strided_slice %shift_right_arithmetic3A_12 {offsets = [24, 0], sizes = [8, 1], strides = [1, 1]} : vector<128x1xi32> to vector<8x1xi32>
    %eq3A_639 = vector.broadcast %shift_right_arithmetic3A_637 : i32 to vector<8x1xi32>
    %eq3A_640 = arith.cmpi eq, %slice3A_638, %eq3A_639 : vector<8x1xi32>
    %convert_element_type3A_641 = arith.extui %eq3A_640 : vector<8x1xi1> to vector<8x1xi32>
    %convert_element_type3A_642 = arith.sitofp %convert_element_type3A_641 : vector<8x1xi32> to vector<8x1xf32>
    %slice3A_643 = vector.extract_strided_slice %get3A_10 {offsets = [24, 0], sizes = [8, 128], strides = [1, 1]} : vector<128x128xf32> to vector<8x128xf32>
    %mul3A_644 = vector.broadcast %convert_element_type3A_642 : vector<8x1xf32> to vector<8x128xf32>
    %mul3A_645 = arith.mulf %slice3A_643, %mul3A_644 : vector<8x128xf32>
    %swap3A_646 = arith.constant 208 : index
    %swap3A_647 = arith.constant 0 : index
    %swap3A_648 = vector.load %arg5[%swap3A_646, %swap3A_647] : memref<1024x128xf32, #tpu.memory_space<vmem>>, vector<8x128xf32>
    tpu.vector_store %arg5[%swap3A_646, %swap3A_647], %mul3A_645 {strides = array<i32>} : memref<1024x128xf32, #tpu.memory_space<vmem>>, vector<8x128xf32>,
    %mul3A_649 = arith.constant 128 : i32
    %mul3A_650 = arith.muli %shift_right_arithmetic3A_637, %mul3A_649 : i32
    %multiple_of3A_651 = tpu.assume_multiple %mul3A_650, 128 : i32
    %dma_start3A_652 = arith.constant 24 : i32
    %dma_start3A_653 = tpu.memref_slice %arg3[%dma_start3A_652, %multiple_of3A_651] : memref<128x32768xf32, #tpu.memory_space<any>> -> memref<8x128xf32, #tpu.memory_space<any>>
    %dma_start3A_654 = arith.constant 208 : i32
    %dma_start3A_655 = arith.constant 0 : i32
    %dma_start3A_656 = tpu.memref_slice %arg5[%dma_start3A_654, %dma_start3A_655] : memref<1024x128xf32, #tpu.memory_space<vmem>> -> memref<8x128xf32, #tpu.memory_space<vmem>>
    tpu.enqueue_dma source(%dma_start3A_656 : memref<8x128xf32, #tpu.memory_space<vmem>>) target(%dma_start3A_653 : memref<8x128xf32, #tpu.memory_space<any>>) target_semaphore(%arg6 : memref<!tpu.dma_semaphore, #tpu.memory_space<semaphore_mem>>)
    %get3A_657 = arith.constant 27 : index
    %get3A_658 = arith.constant 0 : index
    %get3A_659 = memref.load %arg1[%get3A_657, %get3A_658] : memref<128x1xi32, #tpu.memory_space<smem>>
    %shift_right_arithmetic3A_660 = arith.constant 7 : i32
    %shift_right_arithmetic3A_661 = arith.shrsi %get3A_659, %shift_right_arithmetic3A_660 : i32
    %slice3A_662 = vector.extract_strided_slice %shift_right_arithmetic3A_12 {offsets = [24, 0], sizes = [8, 1], strides = [1, 1]} : vector<128x1xi32> to vector<8x1xi32>
    %eq3A_663 = vector.broadcast %shift_right_arithmetic3A_661 : i32 to vector<8x1xi32>
    %eq3A_664 = arith.cmpi eq, %slice3A_662, %eq3A_663 : vector<8x1xi32>
    %convert_element_type3A_665 = arith.extui %eq3A_664 : vector<8x1xi1> to vector<8x1xi32>
    %convert_element_type3A_666 = arith.sitofp %convert_element_type3A_665 : vector<8x1xi32> to vector<8x1xf32>
    %slice3A_667 = vector.extract_strided_slice %get3A_10 {offsets = [24, 0], sizes = [8, 128], strides = [1, 1]} : vector<128x128xf32> to vector<8x128xf32>
    %mul3A_668 = vector.broadcast %convert_element_type3A_666 : vector<8x1xf32> to vector<8x128xf32>
    %mul3A_669 = arith.mulf %slice3A_667, %mul3A_668 : vector<8x128xf32>
    %swap3A_670 = arith.constant 216 : index
    %swap3A_671 = arith.constant 0 : index
    %swap3A_672 = vector.load %arg5[%swap3A_670, %swap3A_671] : memref<1024x128xf32, #tpu.memory_space<vmem>>, vector<8x128xf32>
    tpu.vector_store %arg5[%swap3A_670, %swap3A_671], %mul3A_669 {strides = array<i32>} : memref<1024x128xf32, #tpu.memory_space<vmem>>, vector<8x128xf32>,
    %mul3A_673 = arith.constant 128 : i32
    %mul3A_674 = arith.muli %shift_right_arithmetic3A_661, %mul3A_673 : i32
    %multiple_of3A_675 = tpu.assume_multiple %mul3A_674, 128 : i32
    %dma_start3A_676 = arith.constant 24 : i32
    %dma_start3A_677 = tpu.memref_slice %arg3[%dma_start3A_676, %multiple_of3A_675] : memref<128x32768xf32, #tpu.memory_space<any>> -> memref<8x128xf32, #tpu.memory_space<any>>
    %dma_start3A_678 = arith.constant 216 : i32
    %dma_start3A_679 = arith.constant 0 : i32
    %dma_start3A_680 = tpu.memref_slice %arg5[%dma_start3A_678, %dma_start3A_679] : memref<1024x128xf32, #tpu.memory_space<vmem>> -> memref<8x128xf32, #tpu.memory_space<vmem>>
    tpu.enqueue_dma source(%dma_start3A_680 : memref<8x128xf32, #tpu.memory_space<vmem>>) target(%dma_start3A_677 : memref<8x128xf32, #tpu.memory_space<any>>) target_semaphore(%arg6 : memref<!tpu.dma_semaphore, #tpu.memory_space<semaphore_mem>>)
    %get3A_681 = arith.constant 28 : index
    %get3A_682 = arith.constant 0 : index
    %get3A_683 = memref.load %arg1[%get3A_681, %get3A_682] : memref<128x1xi32, #tpu.memory_space<smem>>
    %shift_right_arithmetic3A_684 = arith.constant 7 : i32
    %shift_right_arithmetic3A_685 = arith.shrsi %get3A_683, %shift_right_arithmetic3A_684 : i32
    %slice3A_686 = vector.extract_strided_slice %shift_right_arithmetic3A_12 {offsets = [24, 0], sizes = [8, 1], strides = [1, 1]} : vector<128x1xi32> to vector<8x1xi32>
    %eq3A_687 = vector.broadcast %shift_right_arithmetic3A_685 : i32 to vector<8x1xi32>
    %eq3A_688 = arith.cmpi eq, %slice3A_686, %eq3A_687 : vector<8x1xi32>
    %convert_element_type3A_689 = arith.extui %eq3A_688 : vector<8x1xi1> to vector<8x1xi32>
    %convert_element_type3A_690 = arith.sitofp %convert_element_type3A_689 : vector<8x1xi32> to vector<8x1xf32>
    %slice3A_691 = vector.extract_strided_slice %get3A_10 {offsets = [24, 0], sizes = [8, 128], strides = [1, 1]} : vector<128x128xf32> to vector<8x128xf32>
    %mul3A_692 = vector.broadcast %convert_element_type3A_690 : vector<8x1xf32> to vector<8x128xf32>
    %mul3A_693 = arith.mulf %slice3A_691, %mul3A_692 : vector<8x128xf32>
    %swap3A_694 = arith.constant 224 : index
    %swap3A_695 = arith.constant 0 : index
    %swap3A_696 = vector.load %arg5[%swap3A_694, %swap3A_695] : memref<1024x128xf32, #tpu.memory_space<vmem>>, vector<8x128xf32>
    tpu.vector_store %arg5[%swap3A_694, %swap3A_695], %mul3A_693 {strides = array<i32>} : memref<1024x128xf32, #tpu.memory_space<vmem>>, vector<8x128xf32>,
    %mul3A_697 = arith.constant 128 : i32
    %mul3A_698 = arith.muli %shift_right_arithmetic3A_685, %mul3A_697 : i32
    %multiple_of3A_699 = tpu.assume_multiple %mul3A_698, 128 : i32
    %dma_start3A_700 = arith.constant 24 : i32
    %dma_start3A_701 = tpu.memref_slice %arg3[%dma_start3A_700, %multiple_of3A_699] : memref<128x32768xf32, #tpu.memory_space<any>> -> memref<8x128xf32, #tpu.memory_space<any>>
    %dma_start3A_702 = arith.constant 224 : i32
    %dma_start3A_703 = arith.constant 0 : i32
    %dma_start3A_704 = tpu.memref_slice %arg5[%dma_start3A_702, %dma_start3A_703] : memref<1024x128xf32, #tpu.memory_space<vmem>> -> memref<8x128xf32, #tpu.memory_space<vmem>>
    tpu.enqueue_dma source(%dma_start3A_704 : memref<8x128xf32, #tpu.memory_space<vmem>>) target(%dma_start3A_701 : memref<8x128xf32, #tpu.memory_space<any>>) target_semaphore(%arg6 : memref<!tpu.dma_semaphore, #tpu.memory_space<semaphore_mem>>)
    %get3A_705 = arith.constant 29 : index
    %get3A_706 = arith.constant 0 : index
    %get3A_707 = memref.load %arg1[%get3A_705, %get3A_706] : memref<128x1xi32, #tpu.memory_space<smem>>
    %shift_right_arithmetic3A_708 = arith.constant 7 : i32
    %shift_right_arithmetic3A_709 = arith.shrsi %get3A_707, %shift_right_arithmetic3A_708 : i32
    %slice3A_710 = vector.extract_strided_slice %shift_right_arithmetic3A_12 {offsets = [24, 0], sizes = [8, 1], strides = [1, 1]} : vector<128x1xi32> to vector<8x1xi32>
    %eq3A_711 = vector.broadcast %shift_right_arithmetic3A_709 : i32 to vector<8x1xi32>
    %eq3A_712 = arith.cmpi eq, %slice3A_710, %eq3A_711 : vector<8x1xi32>
    %convert_element_type3A_713 = arith.extui %eq3A_712 : vector<8x1xi1> to vector<8x1xi32>
    %convert_element_type3A_714 = arith.sitofp %convert_element_type3A_713 : vector<8x1xi32> to vector<8x1xf32>
    %slice3A_715 = vector.extract_strided_slice %get3A_10 {offsets = [24, 0], sizes = [8, 128], strides = [1, 1]} : vector<128x128xf32> to vector<8x128xf32>
    %mul3A_716 = vector.broadcast %convert_element_type3A_714 : vector<8x1xf32> to vector<8x128xf32>
    %mul3A_717 = arith.mulf %slice3A_715, %mul3A_716 : vector<8x128xf32>
    %swap3A_718 = arith.constant 232 : index
    %swap3A_719 = arith.constant 0 : index
    %swap3A_720 = vector.load %arg5[%swap3A_718, %swap3A_719] : memref<1024x128xf32, #tpu.memory_space<vmem>>, vector<8x128xf32>
    tpu.vector_store %arg5[%swap3A_718, %swap3A_719], %mul3A_717 {strides = array<i32>} : memref<1024x128xf32, #tpu.memory_space<vmem>>, vector<8x128xf32>,
    %mul3A_721 = arith.constant 128 : i32
    %mul3A_722 = arith.muli %shift_right_arithmetic3A_709, %mul3A_721 : i32
    %multiple_of3A_723 = tpu.assume_multiple %mul3A_722, 128 : i32
    %dma_start3A_724 = arith.constant 24 : i32
    %dma_start3A_725 = tpu.memref_slice %arg3[%dma_start3A_724, %multiple_of3A_723] : memref<128x32768xf32, #tpu.memory_space<any>> -> memref<8x128xf32, #tpu.memory_space<any>>
    %dma_start3A_726 = arith.constant 232 : i32
    %dma_start3A_727 = arith.constant 0 : i32
    %dma_start3A_728 = tpu.memref_slice %arg5[%dma_start3A_726, %dma_start3A_727] : memref<1024x128xf32, #tpu.memory_space<vmem>> -> memref<8x128xf32, #tpu.memory_space<vmem>>
    tpu.enqueue_dma source(%dma_start3A_728 : memref<8x128xf32, #tpu.memory_space<vmem>>) target(%dma_start3A_725 : memref<8x128xf32, #tpu.memory_space<any>>) target_semaphore(%arg6 : memref<!tpu.dma_semaphore, #tpu.memory_space<semaphore_mem>>)
    %get3A_729 = arith.constant 30 : index
    %get3A_730 = arith.constant 0 : index
    %get3A_731 = memref.load %arg1[%get3A_729, %get3A_730] : memref<128x1xi32, #tpu.memory_space<smem>>
    %shift_right_arithmetic3A_732 = arith.constant 7 : i32
    %shift_right_arithmetic3A_733 = arith.shrsi %get3A_731, %shift_right_arithmetic3A_732 : i32
    %slice3A_734 = vector.extract_strided_slice %shift_right_arithmetic3A_12 {offsets = [24, 0], sizes = [8, 1], strides = [1, 1]} : vector<128x1xi32> to vector<8x1xi32>
    %eq3A_735 = vector.broadcast %shift_right_arithmetic3A_733 : i32 to vector<8x1xi32>
    %eq3A_736 = arith.cmpi eq, %slice3A_734, %eq3A_735 : vector<8x1xi32>
    %convert_element_type3A_737 = arith.extui %eq3A_736 : vector<8x1xi1> to vector<8x1xi32>
    %convert_element_type3A_738 = arith.sitofp %convert_element_type3A_737 : vector<8x1xi32> to vector<8x1xf32>
    %slice3A_739 = vector.extract_strided_slice %get3A_10 {offsets = [24, 0], sizes = [8, 128], strides = [1, 1]} : vector<128x128xf32> to vector<8x128xf32>
    %mul3A_740 = vector.broadcast %convert_element_type3A_738 : vector<8x1xf32> to vector<8x128xf32>
    %mul3A_741 = arith.mulf %slice3A_739, %mul3A_740 : vector<8x128xf32>
    %swap3A_742 = arith.constant 240 : index
    %swap3A_743 = arith.constant 0 : index
    %swap3A_744 = vector.load %arg5[%swap3A_742, %swap3A_743] : memref<1024x128xf32, #tpu.memory_space<vmem>>, vector<8x128xf32>
    tpu.vector_store %arg5[%swap3A_742, %swap3A_743], %mul3A_741 {strides = array<i32>} : memref<1024x128xf32, #tpu.memory_space<vmem>>, vector<8x128xf32>,
    %mul3A_745 = arith.constant 128 : i32
    %mul3A_746 = arith.muli %shift_right_arithmetic3A_733, %mul3A_745 : i32
    %multiple_of3A_747 = tpu.assume_multiple %mul3A_746, 128 : i32
    %dma_start3A_748 = arith.constant 24 : i32
    %dma_start3A_749 = tpu.memref_slice %arg3[%dma_start3A_748, %multiple_of3A_747] : memref<128x32768xf32, #tpu.memory_space<any>> -> memref<8x128xf32, #tpu.memory_space<any>>
    %dma_start3A_750 = arith.constant 240 : i32
    %dma_start3A_751 = arith.constant 0 : i32
    %dma_start3A_752 = tpu.memref_slice %arg5[%dma_start3A_750, %dma_start3A_751] : memref<1024x128xf32, #tpu.memory_space<vmem>> -> memref<8x128xf32, #tpu.memory_space<vmem>>
    tpu.enqueue_dma source(%dma_start3A_752 : memref<8x128xf32, #tpu.memory_space<vmem>>) target(%dma_start3A_749 : memref<8x128xf32, #tpu.memory_space<any>>) target_semaphore(%arg6 : memref<!tpu.dma_semaphore, #tpu.memory_space<semaphore_mem>>)
    %get3A_753 = arith.constant 31 : index
    %get3A_754 = arith.constant 0 : index
    %get3A_755 = memref.load %arg1[%get3A_753, %get3A_754] : memref<128x1xi32, #tpu.memory_space<smem>>
    %shift_right_arithmetic3A_756 = arith.constant 7 : i32
    %shift_right_arithmetic3A_757 = arith.shrsi %get3A_755, %shift_right_arithmetic3A_756 : i32
    %slice3A_758 = vector.extract_strided_slice %shift_right_arithmetic3A_12 {offsets = [24, 0], sizes = [8, 1], strides = [1, 1]} : vector<128x1xi32> to vector<8x1xi32>
    %eq3A_759 = vector.broadcast %shift_right_arithmetic3A_757 : i32 to vector<8x1xi32>
    %eq3A_760 = arith.cmpi eq, %slice3A_758, %eq3A_759 : vector<8x1xi32>
    %convert_element_type3A_761 = arith.extui %eq3A_760 : vector<8x1xi1> to vector<8x1xi32>
    %convert_element_type3A_762 = arith.sitofp %convert_element_type3A_761 : vector<8x1xi32> to vector<8x1xf32>
    %slice3A_763 = vector.extract_strided_slice %get3A_10 {offsets = [24, 0], sizes = [8, 128], strides = [1, 1]} : vector<128x128xf32> to vector<8x128xf32>
    %mul3A_764 = vector.broadcast %convert_element_type3A_762 : vector<8x1xf32> to vector<8x128xf32>
    %mul3A_765 = arith.mulf %slice3A_763, %mul3A_764 : vector<8x128xf32>
    %swap3A_766 = arith.constant 248 : index
    %swap3A_767 = arith.constant 0 : index
    %swap3A_768 = vector.load %arg5[%swap3A_766, %swap3A_767] : memref<1024x128xf32, #tpu.memory_space<vmem>>, vector<8x128xf32>
    tpu.vector_store %arg5[%swap3A_766, %swap3A_767], %mul3A_765 {strides = array<i32>} : memref<1024x128xf32, #tpu.memory_space<vmem>>, vector<8x128xf32>,
    %mul3A_769 = arith.constant 128 : i32
    %mul3A_770 = arith.muli %shift_right_arithmetic3A_757, %mul3A_769 : i32
    %multiple_of3A_771 = tpu.assume_multiple %mul3A_770, 128 : i32
    %dma_start3A_772 = arith.constant 24 : i32
    %dma_start3A_773 = tpu.memref_slice %arg3[%dma_start3A_772, %multiple_of3A_771] : memref<128x32768xf32, #tpu.memory_space<any>> -> memref<8x128xf32, #tpu.memory_space<any>>
    %dma_start3A_774 = arith.constant 248 : i32
    %dma_start3A_775 = arith.constant 0 : i32
    %dma_start3A_776 = tpu.memref_slice %arg5[%dma_start3A_774, %dma_start3A_775] : memref<1024x128xf32, #tpu.memory_space<vmem>> -> memref<8x128xf32, #tpu.memory_space<vmem>>
    tpu.enqueue_dma source(%dma_start3A_776 : memref<8x128xf32, #tpu.memory_space<vmem>>) target(%dma_start3A_773 : memref<8x128xf32, #tpu.memory_space<any>>) target_semaphore(%arg6 : memref<!tpu.dma_semaphore, #tpu.memory_space<semaphore_mem>>)
    %get3A_777 = arith.constant 32 : index
    %get3A_778 = arith.constant 0 : index
    %get3A_779 = memref.load %arg1[%get3A_777, %get3A_778] : memref<128x1xi32, #tpu.memory_space<smem>>
    %shift_right_arithmetic3A_780 = arith.constant 7 : i32
    %shift_right_arithmetic3A_781 = arith.shrsi %get3A_779, %shift_right_arithmetic3A_780 : i32
    %slice3A_782 = vector.extract_strided_slice %shift_right_arithmetic3A_12 {offsets = [32, 0], sizes = [8, 1], strides = [1, 1]} : vector<128x1xi32> to vector<8x1xi32>
    %eq3A_783 = vector.broadcast %shift_right_arithmetic3A_781 : i32 to vector<8x1xi32>
    %eq3A_784 = arith.cmpi eq, %slice3A_782, %eq3A_783 : vector<8x1xi32>
    %convert_element_type3A_785 = arith.extui %eq3A_784 : vector<8x1xi1> to vector<8x1xi32>
    %convert_element_type3A_786 = arith.sitofp %convert_element_type3A_785 : vector<8x1xi32> to vector<8x1xf32>
    %slice3A_787 = vector.extract_strided_slice %get3A_10 {offsets = [32, 0], sizes = [8, 128], strides = [1, 1]} : vector<128x128xf32> to vector<8x128xf32>
    %mul3A_788 = vector.broadcast %convert_element_type3A_786 : vector<8x1xf32> to vector<8x128xf32>
    %mul3A_789 = arith.mulf %slice3A_787, %mul3A_788 : vector<8x128xf32>
    %swap3A_790 = arith.constant 256 : index
    %swap3A_791 = arith.constant 0 : index
    %swap3A_792 = vector.load %arg5[%swap3A_790, %swap3A_791] : memref<1024x128xf32, #tpu.memory_space<vmem>>, vector<8x128xf32>
    tpu.vector_store %arg5[%swap3A_790, %swap3A_791], %mul3A_789 {strides = array<i32>} : memref<1024x128xf32, #tpu.memory_space<vmem>>, vector<8x128xf32>,
    %mul3A_793 = arith.constant 128 : i32
    %mul3A_794 = arith.muli %shift_right_arithmetic3A_781, %mul3A_793 : i32
    %multiple_of3A_795 = tpu.assume_multiple %mul3A_794, 128 : i32
    %dma_start3A_796 = arith.constant 32 : i32
    %dma_start3A_797 = tpu.memref_slice %arg3[%dma_start3A_796, %multiple_of3A_795] : memref<128x32768xf32, #tpu.memory_space<any>> -> memref<8x128xf32, #tpu.memory_space<any>>
    %dma_start3A_798 = arith.constant 256 : i32
    %dma_start3A_799 = arith.constant 0 : i32
    %dma_start3A_800 = tpu.memref_slice %arg5[%dma_start3A_798, %dma_start3A_799] : memref<1024x128xf32, #tpu.memory_space<vmem>> -> memref<8x128xf32, #tpu.memory_space<vmem>>
    tpu.enqueue_dma source(%dma_start3A_800 : memref<8x128xf32, #tpu.memory_space<vmem>>) target(%dma_start3A_797 : memref<8x128xf32, #tpu.memory_space<any>>) target_semaphore(%arg6 : memref<!tpu.dma_semaphore, #tpu.memory_space<semaphore_mem>>)
    %get3A_801 = arith.constant 33 : index
    %get3A_802 = arith.constant 0 : index
    %get3A_803 = memref.load %arg1[%get3A_801, %get3A_802] : memref<128x1xi32, #tpu.memory_space<smem>>
    %shift_right_arithmetic3A_804 = arith.constant 7 : i32
    %shift_right_arithmetic3A_805 = arith.shrsi %get3A_803, %shift_right_arithmetic3A_804 : i32
    %slice3A_806 = vector.extract_strided_slice %shift_right_arithmetic3A_12 {offsets = [32, 0], sizes = [8, 1], strides = [1, 1]} : vector<128x1xi32> to vector<8x1xi32>
    %eq3A_807 = vector.broadcast %shift_right_arithmetic3A_805 : i32 to vector<8x1xi32>
    %eq3A_808 = arith.cmpi eq, %slice3A_806, %eq3A_807 : vector<8x1xi32>
    %convert_element_type3A_809 = arith.extui %eq3A_808 : vector<8x1xi1> to vector<8x1xi32>
    %convert_element_type3A_810 = arith.sitofp %convert_element_type3A_809 : vector<8x1xi32> to vector<8x1xf32>
    %slice3A_811 = vector.extract_strided_slice %get3A_10 {offsets = [32, 0], sizes = [8, 128], strides = [1, 1]} : vector<128x128xf32> to vector<8x128xf32>
    %mul3A_812 = vector.broadcast %convert_element_type3A_810 : vector<8x1xf32> to vector<8x128xf32>
    %mul3A_813 = arith.mulf %slice3A_811, %mul3A_812 : vector<8x128xf32>
    %swap3A_814 = arith.constant 264 : index
    %swap3A_815 = arith.constant 0 : index
    %swap3A_816 = vector.load %arg5[%swap3A_814, %swap3A_815] : memref<1024x128xf32, #tpu.memory_space<vmem>>, vector<8x128xf32>
    tpu.vector_store %arg5[%swap3A_814, %swap3A_815], %mul3A_813 {strides = array<i32>} : memref<1024x128xf32, #tpu.memory_space<vmem>>, vector<8x128xf32>,
    %mul3A_817 = arith.constant 128 : i32
    %mul3A_818 = arith.muli %shift_right_arithmetic3A_805, %mul3A_817 : i32
    %multiple_of3A_819 = tpu.assume_multiple %mul3A_818, 128 : i32
    %dma_start3A_820 = arith.constant 32 : i32
    %dma_start3A_821 = tpu.memref_slice %arg3[%dma_start3A_820, %multiple_of3A_819] : memref<128x32768xf32, #tpu.memory_space<any>> -> memref<8x128xf32, #tpu.memory_space<any>>
    %dma_start3A_822 = arith.constant 264 : i32
    %dma_start3A_823 = arith.constant 0 : i32
    %dma_start3A_824 = tpu.memref_slice %arg5[%dma_start3A_822, %dma_start3A_823] : memref<1024x128xf32, #tpu.memory_space<vmem>> -> memref<8x128xf32, #tpu.memory_space<vmem>>
    tpu.enqueue_dma source(%dma_start3A_824 : memref<8x128xf32, #tpu.memory_space<vmem>>) target(%dma_start3A_821 : memref<8x128xf32, #tpu.memory_space<any>>) target_semaphore(%arg6 : memref<!tpu.dma_semaphore, #tpu.memory_space<semaphore_mem>>)
    %get3A_825 = arith.constant 34 : index
    %get3A_826 = arith.constant 0 : index
    %get3A_827 = memref.load %arg1[%get3A_825, %get3A_826] : memref<128x1xi32, #tpu.memory_space<smem>>
    %shift_right_arithmetic3A_828 = arith.constant 7 : i32
    %shift_right_arithmetic3A_829 = arith.shrsi %get3A_827, %shift_right_arithmetic3A_828 : i32
    %slice3A_830 = vector.extract_strided_slice %shift_right_arithmetic3A_12 {offsets = [32, 0], sizes = [8, 1], strides = [1, 1]} : vector<128x1xi32> to vector<8x1xi32>
    %eq3A_831 = vector.broadcast %shift_right_arithmetic3A_829 : i32 to vector<8x1xi32>
    %eq3A_832 = arith.cmpi eq, %slice3A_830, %eq3A_831 : vector<8x1xi32>
    %convert_element_type3A_833 = arith.extui %eq3A_832 : vector<8x1xi1> to vector<8x1xi32>
    %convert_element_type3A_834 = arith.sitofp %convert_element_type3A_833 : vector<8x1xi32> to vector<8x1xf32>
    %slice3A_835 = vector.extract_strided_slice %get3A_10 {offsets = [32, 0], sizes = [8, 128], strides = [1, 1]} : vector<128x128xf32> to vector<8x128xf32>
    %mul3A_836 = vector.broadcast %convert_element_type3A_834 : vector<8x1xf32> to vector<8x128xf32>
    %mul3A_837 = arith.mulf %slice3A_835, %mul3A_836 : vector<8x128xf32>
    %swap3A_838 = arith.constant 272 : index
    %swap3A_839 = arith.constant 0 : index
    %swap3A_840 = vector.load %arg5[%swap3A_838, %swap3A_839] : memref<1024x128xf32, #tpu.memory_space<vmem>>, vector<8x128xf32>
    tpu.vector_store %arg5[%swap3A_838, %swap3A_839], %mul3A_837 {strides = array<i32>} : memref<1024x128xf32, #tpu.memory_space<vmem>>, vector<8x128xf32>,
    %mul3A_841 = arith.constant 128 : i32
    %mul3A_842 = arith.muli %shift_right_arithmetic3A_829, %mul3A_841 : i32
    %multiple_of3A_843 = tpu.assume_multiple %mul3A_842, 128 : i32
    %dma_start3A_844 = arith.constant 32 : i32
    %dma_start3A_845 = tpu.memref_slice %arg3[%dma_start3A_844, %multiple_of3A_843] : memref<128x32768xf32, #tpu.memory_space<any>> -> memref<8x128xf32, #tpu.memory_space<any>>
    %dma_start3A_846 = arith.constant 272 : i32
    %dma_start3A_847 = arith.constant 0 : i32
    %dma_start3A_848 = tpu.memref_slice %arg5[%dma_start3A_846, %dma_start3A_847] : memref<1024x128xf32, #tpu.memory_space<vmem>> -> memref<8x128xf32, #tpu.memory_space<vmem>>
    tpu.enqueue_dma source(%dma_start3A_848 : memref<8x128xf32, #tpu.memory_space<vmem>>) target(%dma_start3A_845 : memref<8x128xf32, #tpu.memory_space<any>>) target_semaphore(%arg6 : memref<!tpu.dma_semaphore, #tpu.memory_space<semaphore_mem>>)
    %get3A_849 = arith.constant 35 : index
    %get3A_850 = arith.constant 0 : index
    %get3A_851 = memref.load %arg1[%get3A_849, %get3A_850] : memref<128x1xi32, #tpu.memory_space<smem>>
    %shift_right_arithmetic3A_852 = arith.constant 7 : i32
    %shift_right_arithmetic3A_853 = arith.shrsi %get3A_851, %shift_right_arithmetic3A_852 : i32
    %slice3A_854 = vector.extract_strided_slice %shift_right_arithmetic3A_12 {offsets = [32, 0], sizes = [8, 1], strides = [1, 1]} : vector<128x1xi32> to vector<8x1xi32>
    %eq3A_855 = vector.broadcast %shift_right_arithmetic3A_853 : i32 to vector<8x1xi32>
    %eq3A_856 = arith.cmpi eq, %slice3A_854, %eq3A_855 : vector<8x1xi32>
    %convert_element_type3A_857 = arith.extui %eq3A_856 : vector<8x1xi1> to vector<8x1xi32>
    %convert_element_type3A_858 = arith.sitofp %convert_element_type3A_857 : vector<8x1xi32> to vector<8x1xf32>
    %slice3A_859 = vector.extract_strided_slice %get3A_10 {offsets = [32, 0], sizes = [8, 128], strides = [1, 1]} : vector<128x128xf32> to vector<8x128xf32>
    %mul3A_860 = vector.broadcast %convert_element_type3A_858 : vector<8x1xf32> to vector<8x128xf32>
    %mul3A_861 = arith.mulf %slice3A_859, %mul3A_860 : vector<8x128xf32>
    %swap3A_862 = arith.constant 280 : index
    %swap3A_863 = arith.constant 0 : index
    %swap3A_864 = vector.load %arg5[%swap3A_862, %swap3A_863] : memref<1024x128xf32, #tpu.memory_space<vmem>>, vector<8x128xf32>
    tpu.vector_store %arg5[%swap3A_862, %swap3A_863], %mul3A_861 {strides = array<i32>} : memref<1024x128xf32, #tpu.memory_space<vmem>>, vector<8x128xf32>,
    %mul3A_865 = arith.constant 128 : i32
    %mul3A_866 = arith.muli %shift_right_arithmetic3A_853, %mul3A_865 : i32
    %multiple_of3A_867 = tpu.assume_multiple %mul3A_866, 128 : i32
    %dma_start3A_868 = arith.constant 32 : i32
    %dma_start3A_869 = tpu.memref_slice %arg3[%dma_start3A_868, %multiple_of3A_867] : memref<128x32768xf32, #tpu.memory_space<any>> -> memref<8x128xf32, #tpu.memory_space<any>>
    %dma_start3A_870 = arith.constant 280 : i32
    %dma_start3A_871 = arith.constant 0 : i32
    %dma_start3A_872 = tpu.memref_slice %arg5[%dma_start3A_870, %dma_start3A_871] : memref<1024x128xf32, #tpu.memory_space<vmem>> -> memref<8x128xf32, #tpu.memory_space<vmem>>
    tpu.enqueue_dma source(%dma_start3A_872 : memref<8x128xf32, #tpu.memory_space<vmem>>) target(%dma_start3A_869 : memref<8x128xf32, #tpu.memory_space<any>>) target_semaphore(%arg6 : memref<!tpu.dma_semaphore, #tpu.memory_space<semaphore_mem>>)
    %get3A_873 = arith.constant 36 : index
    %get3A_874 = arith.constant 0 : index
    %get3A_875 = memref.load %arg1[%get3A_873, %get3A_874] : memref<128x1xi32, #tpu.memory_space<smem>>
    %shift_right_arithmetic3A_876 = arith.constant 7 : i32
    %shift_right_arithmetic3A_877 = arith.shrsi %get3A_875, %shift_right_arithmetic3A_876 : i32
    %slice3A_878 = vector.extract_strided_slice %shift_right_arithmetic3A_12 {offsets = [32, 0], sizes = [8, 1], strides = [1, 1]} : vector<128x1xi32> to vector<8x1xi32>
    %eq3A_879 = vector.broadcast %shift_right_arithmetic3A_877 : i32 to vector<8x1xi32>
    %eq3A_880 = arith.cmpi eq, %slice3A_878, %eq3A_879 : vector<8x1xi32>
    %convert_element_type3A_881 = arith.extui %eq3A_880 : vector<8x1xi1> to vector<8x1xi32>
    %convert_element_type3A_882 = arith.sitofp %convert_element_type3A_881 : vector<8x1xi32> to vector<8x1xf32>
    %slice3A_883 = vector.extract_strided_slice %get3A_10 {offsets = [32, 0], sizes = [8, 128], strides = [1, 1]} : vector<128x128xf32> to vector<8x128xf32>
    %mul3A_884 = vector.broadcast %convert_element_type3A_882 : vector<8x1xf32> to vector<8x128xf32>
    %mul3A_885 = arith.mulf %slice3A_883, %mul3A_884 : vector<8x128xf32>
    %swap3A_886 = arith.constant 288 : index
    %swap3A_887 = arith.constant 0 : index
    %swap3A_888 = vector.load %arg5[%swap3A_886, %swap3A_887] : memref<1024x128xf32, #tpu.memory_space<vmem>>, vector<8x128xf32>
    tpu.vector_store %arg5[%swap3A_886, %swap3A_887], %mul3A_885 {strides = array<i32>} : memref<1024x128xf32, #tpu.memory_space<vmem>>, vector<8x128xf32>,
    %mul3A_889 = arith.constant 128 : i32
    %mul3A_890 = arith.muli %shift_right_arithmetic3A_877, %mul3A_889 : i32
    %multiple_of3A_891 = tpu.assume_multiple %mul3A_890, 128 : i32
    %dma_start3A_892 = arith.constant 32 : i32
    %dma_start3A_893 = tpu.memref_slice %arg3[%dma_start3A_892, %multiple_of3A_891] : memref<128x32768xf32, #tpu.memory_space<any>> -> memref<8x128xf32, #tpu.memory_space<any>>
    %dma_start3A_894 = arith.constant 288 : i32
    %dma_start3A_895 = arith.constant 0 : i32
    %dma_start3A_896 = tpu.memref_slice %arg5[%dma_start3A_894, %dma_start3A_895] : memref<1024x128xf32, #tpu.memory_space<vmem>> -> memref<8x128xf32, #tpu.memory_space<vmem>>
    tpu.enqueue_dma source(%dma_start3A_896 : memref<8x128xf32, #tpu.memory_space<vmem>>) target(%dma_start3A_893 : memref<8x128xf32, #tpu.memory_space<any>>) target_semaphore(%arg6 : memref<!tpu.dma_semaphore, #tpu.memory_space<semaphore_mem>>)
    %get3A_897 = arith.constant 37 : index
    %get3A_898 = arith.constant 0 : index
    %get3A_899 = memref.load %arg1[%get3A_897, %get3A_898] : memref<128x1xi32, #tpu.memory_space<smem>>
    %shift_right_arithmetic3A_900 = arith.constant 7 : i32
    %shift_right_arithmetic3A_901 = arith.shrsi %get3A_899, %shift_right_arithmetic3A_900 : i32
    %slice3A_902 = vector.extract_strided_slice %shift_right_arithmetic3A_12 {offsets = [32, 0], sizes = [8, 1], strides = [1, 1]} : vector<128x1xi32> to vector<8x1xi32>
    %eq3A_903 = vector.broadcast %shift_right_arithmetic3A_901 : i32 to vector<8x1xi32>
    %eq3A_904 = arith.cmpi eq, %slice3A_902, %eq3A_903 : vector<8x1xi32>
    %convert_element_type3A_905 = arith.extui %eq3A_904 : vector<8x1xi1> to vector<8x1xi32>
    %convert_element_type3A_906 = arith.sitofp %convert_element_type3A_905 : vector<8x1xi32> to vector<8x1xf32>
    %slice3A_907 = vector.extract_strided_slice %get3A_10 {offsets = [32, 0], sizes = [8, 128], strides = [1, 1]} : vector<128x128xf32> to vector<8x128xf32>
    %mul3A_908 = vector.broadcast %convert_element_type3A_906 : vector<8x1xf32> to vector<8x128xf32>
    %mul3A_909 = arith.mulf %slice3A_907, %mul3A_908 : vector<8x128xf32>
    %swap3A_910 = arith.constant 296 : index
    %swap3A_911 = arith.constant 0 : index
    %swap3A_912 = vector.load %arg5[%swap3A_910, %swap3A_911] : memref<1024x128xf32, #tpu.memory_space<vmem>>, vector<8x128xf32>
    tpu.vector_store %arg5[%swap3A_910, %swap3A_911], %mul3A_909 {strides = array<i32>} : memref<1024x128xf32, #tpu.memory_space<vmem>>, vector<8x128xf32>,
    %mul3A_913 = arith.constant 128 : i32
    %mul3A_914 = arith.muli %shift_right_arithmetic3A_901, %mul3A_913 : i32
    %multiple_of3A_915 = tpu.assume_multiple %mul3A_914, 128 : i32
    %dma_start3A_916 = arith.constant 32 : i32
    %dma_start3A_917 = tpu.memref_slice %arg3[%dma_start3A_916, %multiple_of3A_915] : memref<128x32768xf32, #tpu.memory_space<any>> -> memref<8x128xf32, #tpu.memory_space<any>>
    %dma_start3A_918 = arith.constant 296 : i32
    %dma_start3A_919 = arith.constant 0 : i32
    %dma_start3A_920 = tpu.memref_slice %arg5[%dma_start3A_918, %dma_start3A_919] : memref<1024x128xf32, #tpu.memory_space<vmem>> -> memref<8x128xf32, #tpu.memory_space<vmem>>
    tpu.enqueue_dma source(%dma_start3A_920 : memref<8x128xf32, #tpu.memory_space<vmem>>) target(%dma_start3A_917 : memref<8x128xf32, #tpu.memory_space<any>>) target_semaphore(%arg6 : memref<!tpu.dma_semaphore, #tpu.memory_space<semaphore_mem>>)
    %get3A_921 = arith.constant 38 : index
    %get3A_922 = arith.constant 0 : index
    %get3A_923 = memref.load %arg1[%get3A_921, %get3A_922] : memref<128x1xi32, #tpu.memory_space<smem>>
    %shift_right_arithmetic3A_924 = arith.constant 7 : i32
    %shift_right_arithmetic3A_925 = arith.shrsi %get3A_923, %shift_right_arithmetic3A_924 : i32
    %slice3A_926 = vector.extract_strided_slice %shift_right_arithmetic3A_12 {offsets = [32, 0], sizes = [8, 1], strides = [1, 1]} : vector<128x1xi32> to vector<8x1xi32>
    %eq3A_927 = vector.broadcast %shift_right_arithmetic3A_925 : i32 to vector<8x1xi32>
    %eq3A_928 = arith.cmpi eq, %slice3A_926, %eq3A_927 : vector<8x1xi32>
    %convert_element_type3A_929 = arith.extui %eq3A_928 : vector<8x1xi1> to vector<8x1xi32>
    %convert_element_type3A_930 = arith.sitofp %convert_element_type3A_929 : vector<8x1xi32> to vector<8x1xf32>
    %slice3A_931 = vector.extract_strided_slice %get3A_10 {offsets = [32, 0], sizes = [8, 128], strides = [1, 1]} : vector<128x128xf32> to vector<8x128xf32>
    %mul3A_932 = vector.broadcast %convert_element_type3A_930 : vector<8x1xf32> to vector<8x128xf32>
    %mul3A_933 = arith.mulf %slice3A_931, %mul3A_932 : vector<8x128xf32>
    %swap3A_934 = arith.constant 304 : index
    %swap3A_935 = arith.constant 0 : index
    %swap3A_936 = vector.load %arg5[%swap3A_934, %swap3A_935] : memref<1024x128xf32, #tpu.memory_space<vmem>>, vector<8x128xf32>
    tpu.vector_store %arg5[%swap3A_934, %swap3A_935], %mul3A_933 {strides = array<i32>} : memref<1024x128xf32, #tpu.memory_space<vmem>>, vector<8x128xf32>,
    %mul3A_937 = arith.constant 128 : i32
    %mul3A_938 = arith.muli %shift_right_arithmetic3A_925, %mul3A_937 : i32
    %multiple_of3A_939 = tpu.assume_multiple %mul3A_938, 128 : i32
    %dma_start3A_940 = arith.constant 32 : i32
    %dma_start3A_941 = tpu.memref_slice %arg3[%dma_start3A_940, %multiple_of3A_939] : memref<128x32768xf32, #tpu.memory_space<any>> -> memref<8x128xf32, #tpu.memory_space<any>>
    %dma_start3A_942 = arith.constant 304 : i32
    %dma_start3A_943 = arith.constant 0 : i32
    %dma_start3A_944 = tpu.memref_slice %arg5[%dma_start3A_942, %dma_start3A_943] : memref<1024x128xf32, #tpu.memory_space<vmem>> -> memref<8x128xf32, #tpu.memory_space<vmem>>
    tpu.enqueue_dma source(%dma_start3A_944 : memref<8x128xf32, #tpu.memory_space<vmem>>) target(%dma_start3A_941 : memref<8x128xf32, #tpu.memory_space<any>>) target_semaphore(%arg6 : memref<!tpu.dma_semaphore, #tpu.memory_space<semaphore_mem>>)
    %get3A_945 = arith.constant 39 : index
    %get3A_946 = arith.constant 0 : index
    %get3A_947 = memref.load %arg1[%get3A_945, %get3A_946] : memref<128x1xi32, #tpu.memory_space<smem>>
    %shift_right_arithmetic3A_948 = arith.constant 7 : i32
    %shift_right_arithmetic3A_949 = arith.shrsi %get3A_947, %shift_right_arithmetic3A_948 : i32
    %slice3A_950 = vector.extract_strided_slice %shift_right_arithmetic3A_12 {offsets = [32, 0], sizes = [8, 1], strides = [1, 1]} : vector<128x1xi32> to vector<8x1xi32>
    %eq3A_951 = vector.broadcast %shift_right_arithmetic3A_949 : i32 to vector<8x1xi32>
    %eq3A_952 = arith.cmpi eq, %slice3A_950, %eq3A_951 : vector<8x1xi32>
    %convert_element_type3A_953 = arith.extui %eq3A_952 : vector<8x1xi1> to vector<8x1xi32>
    %convert_element_type3A_954 = arith.sitofp %convert_element_type3A_953 : vector<8x1xi32> to vector<8x1xf32>
    %slice3A_955 = vector.extract_strided_slice %get3A_10 {offsets = [32, 0], sizes = [8, 128], strides = [1, 1]} : vector<128x128xf32> to vector<8x128xf32>
    %mul3A_956 = vector.broadcast %convert_element_type3A_954 : vector<8x1xf32> to vector<8x128xf32>
    %mul3A_957 = arith.mulf %slice3A_955, %mul3A_956 : vector<8x128xf32>
    %swap3A_958 = arith.constant 312 : index
    %swap3A_959 = arith.constant 0 : index
    %swap3A_960 = vector.load %arg5[%swap3A_958, %swap3A_959] : memref<1024x128xf32, #tpu.memory_space<vmem>>, vector<8x128xf32>
    tpu.vector_store %arg5[%swap3A_958, %swap3A_959], %mul3A_957 {strides = array<i32>} : memref<1024x128xf32, #tpu.memory_space<vmem>>, vector<8x128xf32>,
    %mul3A_961 = arith.constant 128 : i32
    %mul3A_962 = arith.muli %shift_right_arithmetic3A_949, %mul3A_961 : i32
    %multiple_of3A_963 = tpu.assume_multiple %mul3A_962, 128 : i32
    %dma_start3A_964 = arith.constant 32 : i32
    %dma_start3A_965 = tpu.memref_slice %arg3[%dma_start3A_964, %multiple_of3A_963] : memref<128x32768xf32, #tpu.memory_space<any>> -> memref<8x128xf32, #tpu.memory_space<any>>
    %dma_start3A_966 = arith.constant 312 : i32
    %dma_start3A_967 = arith.constant 0 : i32
    %dma_start3A_968 = tpu.memref_slice %arg5[%dma_start3A_966, %dma_start3A_967] : memref<1024x128xf32, #tpu.memory_space<vmem>> -> memref<8x128xf32, #tpu.memory_space<vmem>>
    tpu.enqueue_dma source(%dma_start3A_968 : memref<8x128xf32, #tpu.memory_space<vmem>>) target(%dma_start3A_965 : memref<8x128xf32, #tpu.memory_space<any>>) target_semaphore(%arg6 : memref<!tpu.dma_semaphore, #tpu.memory_space<semaphore_mem>>)
    %get3A_969 = arith.constant 40 : index
    %get3A_970 = arith.constant 0 : index
    %get3A_971 = memref.load %arg1[%get3A_969, %get3A_970] : memref<128x1xi32, #tpu.memory_space<smem>>
    %shift_right_arithmetic3A_972 = arith.constant 7 : i32
    %shift_right_arithmetic3A_973 = arith.shrsi %get3A_971, %shift_right_arithmetic3A_972 : i32
    %slice3A_974 = vector.extract_strided_slice %shift_right_arithmetic3A_12 {offsets = [40, 0], sizes = [8, 1], strides = [1, 1]} : vector<128x1xi32> to vector<8x1xi32>
    %eq3A_975 = vector.broadcast %shift_right_arithmetic3A_973 : i32 to vector<8x1xi32>
    %eq3A_976 = arith.cmpi eq, %slice3A_974, %eq3A_975 : vector<8x1xi32>
    %convert_element_type3A_977 = arith.extui %eq3A_976 : vector<8x1xi1> to vector<8x1xi32>
    %convert_element_type3A_978 = arith.sitofp %convert_element_type3A_977 : vector<8x1xi32> to vector<8x1xf32>
    %slice3A_979 = vector.extract_strided_slice %get3A_10 {offsets = [40, 0], sizes = [8, 128], strides = [1, 1]} : vector<128x128xf32> to vector<8x128xf32>
    %mul3A_980 = vector.broadcast %convert_element_type3A_978 : vector<8x1xf32> to vector<8x128xf32>
    %mul3A_981 = arith.mulf %slice3A_979, %mul3A_980 : vector<8x128xf32>
    %swap3A_982 = arith.constant 320 : index
    %swap3A_983 = arith.constant 0 : index
    %swap3A_984 = vector.load %arg5[%swap3A_982, %swap3A_983] : memref<1024x128xf32, #tpu.memory_space<vmem>>, vector<8x128xf32>
    tpu.vector_store %arg5[%swap3A_982, %swap3A_983], %mul3A_981 {strides = array<i32>} : memref<1024x128xf32, #tpu.memory_space<vmem>>, vector<8x128xf32>,
    %mul3A_985 = arith.constant 128 : i32
    %mul3A_986 = arith.muli %shift_right_arithmetic3A_973, %mul3A_985 : i32
    %multiple_of3A_987 = tpu.assume_multiple %mul3A_986, 128 : i32
    %dma_start3A_988 = arith.constant 40 : i32
    %dma_start3A_989 = tpu.memref_slice %arg3[%dma_start3A_988, %multiple_of3A_987] : memref<128x32768xf32, #tpu.memory_space<any>> -> memref<8x128xf32, #tpu.memory_space<any>>
    %dma_start3A_990 = arith.constant 320 : i32
    %dma_start3A_991 = arith.constant 0 : i32
    %dma_start3A_992 = tpu.memref_slice %arg5[%dma_start3A_990, %dma_start3A_991] : memref<1024x128xf32, #tpu.memory_space<vmem>> -> memref<8x128xf32, #tpu.memory_space<vmem>>
    tpu.enqueue_dma source(%dma_start3A_992 : memref<8x128xf32, #tpu.memory_space<vmem>>) target(%dma_start3A_989 : memref<8x128xf32, #tpu.memory_space<any>>) target_semaphore(%arg6 : memref<!tpu.dma_semaphore, #tpu.memory_space<semaphore_mem>>)
    %get3A_993 = arith.constant 41 : index
    %get3A_994 = arith.constant 0 : index
    %get3A_995 = memref.load %arg1[%get3A_993, %get3A_994] : memref<128x1xi32, #tpu.memory_space<smem>>
    %shift_right_arithmetic3A_996 = arith.constant 7 : i32
    %shift_right_arithmetic3A_997 = arith.shrsi %get3A_995, %shift_right_arithmetic3A_996 : i32
    %slice3A_998 = vector.extract_strided_slice %shift_right_arithmetic3A_12 {offsets = [40, 0], sizes = [8, 1], strides = [1, 1]} : vector<128x1xi32> to vector<8x1xi32>
    %eq3A_999 = vector.broadcast %shift_right_arithmetic3A_997 : i32 to vector<8x1xi32>
    %eq3A_1000 = arith.cmpi eq, %slice3A_998, %eq3A_999 : vector<8x1xi32>
    %convert_element_type3A_1001 = arith.extui %eq3A_1000 : vector<8x1xi1> to vector<8x1xi32>
    %convert_element_type3A_1002 = arith.sitofp %convert_element_type3A_1001 : vector<8x1xi32> to vector<8x1xf32>
    %slice3A_1003 = vector.extract_strided_slice %get3A_10 {offsets = [40, 0], sizes = [8, 128], strides = [1, 1]} : vector<128x128xf32> to vector<8x128xf32>
    %mul3A_1004 = vector.broadcast %convert_element_type3A_1002 : vector<8x1xf32> to vector<8x128xf32>
    %mul3A_1005 = arith.mulf %slice3A_1003, %mul3A_1004 : vector<8x128xf32>
    %swap3A_1006 = arith.constant 328 : index
    %swap3A_1007 = arith.constant 0 : index
    %swap3A_1008 = vector.load %arg5[%swap3A_1006, %swap3A_1007] : memref<1024x128xf32, #tpu.memory_space<vmem>>, vector<8x128xf32>
    tpu.vector_store %arg5[%swap3A_1006, %swap3A_1007], %mul3A_1005 {strides = array<i32>} : memref<1024x128xf32, #tpu.memory_space<vmem>>, vector<8x128xf32>,
    %mul3A_1009 = arith.constant 128 : i32
    %mul3A_1010 = arith.muli %shift_right_arithmetic3A_997, %mul3A_1009 : i32
    %multiple_of3A_1011 = tpu.assume_multiple %mul3A_1010, 128 : i32
    %dma_start3A_1012 = arith.constant 40 : i32
    %dma_start3A_1013 = tpu.memref_slice %arg3[%dma_start3A_1012, %multiple_of3A_1011] : memref<128x32768xf32, #tpu.memory_space<any>> -> memref<8x128xf32, #tpu.memory_space<any>>
    %dma_start3A_1014 = arith.constant 328 : i32
    %dma_start3A_1015 = arith.constant 0 : i32
    %dma_start3A_1016 = tpu.memref_slice %arg5[%dma_start3A_1014, %dma_start3A_1015] : memref<1024x128xf32, #tpu.memory_space<vmem>> -> memref<8x128xf32, #tpu.memory_space<vmem>>
    tpu.enqueue_dma source(%dma_start3A_1016 : memref<8x128xf32, #tpu.memory_space<vmem>>) target(%dma_start3A_1013 : memref<8x128xf32, #tpu.memory_space<any>>) target_semaphore(%arg6 : memref<!tpu.dma_semaphore, #tpu.memory_space<semaphore_mem>>)
    %get3A_1017 = arith.constant 42 : index
    %get3A_1018 = arith.constant 0 : index
    %get3A_1019 = memref.load %arg1[%get3A_1017, %get3A_1018] : memref<128x1xi32, #tpu.memory_space<smem>>
    %shift_right_arithmetic3A_1020 = arith.constant 7 : i32
    %shift_right_arithmetic3A_1021 = arith.shrsi %get3A_1019, %shift_right_arithmetic3A_1020 : i32
    %slice3A_1022 = vector.extract_strided_slice %shift_right_arithmetic3A_12 {offsets = [40, 0], sizes = [8, 1], strides = [1, 1]} : vector<128x1xi32> to vector<8x1xi32>
    %eq3A_1023 = vector.broadcast %shift_right_arithmetic3A_1021 : i32 to vector<8x1xi32>
    %eq3A_1024 = arith.cmpi eq, %slice3A_1022, %eq3A_1023 : vector<8x1xi32>
    %convert_element_type3A_1025 = arith.extui %eq3A_1024 : vector<8x1xi1> to vector<8x1xi32>
    %convert_element_type3A_1026 = arith.sitofp %convert_element_type3A_1025 : vector<8x1xi32> to vector<8x1xf32>
    %slice3A_1027 = vector.extract_strided_slice %get3A_10 {offsets = [40, 0], sizes = [8, 128], strides = [1, 1]} : vector<128x128xf32> to vector<8x128xf32>
    %mul3A_1028 = vector.broadcast %convert_element_type3A_1026 : vector<8x1xf32> to vector<8x128xf32>
    %mul3A_1029 = arith.mulf %slice3A_1027, %mul3A_1028 : vector<8x128xf32>
    %swap3A_1030 = arith.constant 336 : index
    %swap3A_1031 = arith.constant 0 : index
    %swap3A_1032 = vector.load %arg5[%swap3A_1030, %swap3A_1031] : memref<1024x128xf32, #tpu.memory_space<vmem>>, vector<8x128xf32>
    tpu.vector_store %arg5[%swap3A_1030, %swap3A_1031], %mul3A_1029 {strides = array<i32>} : memref<1024x128xf32, #tpu.memory_space<vmem>>, vector<8x128xf32>,
    %mul3A_1033 = arith.constant 128 : i32
    %mul3A_1034 = arith.muli %shift_right_arithmetic3A_1021, %mul3A_1033 : i32
    %multiple_of3A_1035 = tpu.assume_multiple %mul3A_1034, 128 : i32
    %dma_start3A_1036 = arith.constant 40 : i32
    %dma_start3A_1037 = tpu.memref_slice %arg3[%dma_start3A_1036, %multiple_of3A_1035] : memref<128x32768xf32, #tpu.memory_space<any>> -> memref<8x128xf32, #tpu.memory_space<any>>
    %dma_start3A_1038 = arith.constant 336 : i32
    %dma_start3A_1039 = arith.constant 0 : i32
    %dma_start3A_1040 = tpu.memref_slice %arg5[%dma_start3A_1038, %dma_start3A_1039] : memref<1024x128xf32, #tpu.memory_space<vmem>> -> memref<8x128xf32, #tpu.memory_space<vmem>>
    tpu.enqueue_dma source(%dma_start3A_1040 : memref<8x128xf32, #tpu.memory_space<vmem>>) target(%dma_start3A_1037 : memref<8x128xf32, #tpu.memory_space<any>>) target_semaphore(%arg6 : memref<!tpu.dma_semaphore, #tpu.memory_space<semaphore_mem>>)
    %get3A_1041 = arith.constant 43 : index
    %get3A_1042 = arith.constant 0 : index
    %get3A_1043 = memref.load %arg1[%get3A_1041, %get3A_1042] : memref<128x1xi32, #tpu.memory_space<smem>>
    %shift_right_arithmetic3A_1044 = arith.constant 7 : i32
    %shift_right_arithmetic3A_1045 = arith.shrsi %get3A_1043, %shift_right_arithmetic3A_1044 : i32
    %slice3A_1046 = vector.extract_strided_slice %shift_right_arithmetic3A_12 {offsets = [40, 0], sizes = [8, 1], strides = [1, 1]} : vector<128x1xi32> to vector<8x1xi32>
    %eq3A_1047 = vector.broadcast %shift_right_arithmetic3A_1045 : i32 to vector<8x1xi32>
    %eq3A_1048 = arith.cmpi eq, %slice3A_1046, %eq3A_1047 : vector<8x1xi32>
    %convert_element_type3A_1049 = arith.extui %eq3A_1048 : vector<8x1xi1> to vector<8x1xi32>
    %convert_element_type3A_1050 = arith.sitofp %convert_element_type3A_1049 : vector<8x1xi32> to vector<8x1xf32>
    %slice3A_1051 = vector.extract_strided_slice %get3A_10 {offsets = [40, 0], sizes = [8, 128], strides = [1, 1]} : vector<128x128xf32> to vector<8x128xf32>
    %mul3A_1052 = vector.broadcast %convert_element_type3A_1050 : vector<8x1xf32> to vector<8x128xf32>
    %mul3A_1053 = arith.mulf %slice3A_1051, %mul3A_1052 : vector<8x128xf32>
    %swap3A_1054 = arith.constant 344 : index
    %swap3A_1055 = arith.constant 0 : index
    %swap3A_1056 = vector.load %arg5[%swap3A_1054, %swap3A_1055] : memref<1024x128xf32, #tpu.memory_space<vmem>>, vector<8x128xf32>
    tpu.vector_store %arg5[%swap3A_1054, %swap3A_1055], %mul3A_1053 {strides = array<i32>} : memref<1024x128xf32, #tpu.memory_space<vmem>>, vector<8x128xf32>,
    %mul3A_1057 = arith.constant 128 : i32
    %mul3A_1058 = arith.muli %shift_right_arithmetic3A_1045, %mul3A_1057 : i32
    %multiple_of3A_1059 = tpu.assume_multiple %mul3A_1058, 128 : i32
    %dma_start3A_1060 = arith.constant 40 : i32
    %dma_start3A_1061 = tpu.memref_slice %arg3[%dma_start3A_1060, %multiple_of3A_1059] : memref<128x32768xf32, #tpu.memory_space<any>> -> memref<8x128xf32, #tpu.memory_space<any>>
    %dma_start3A_1062 = arith.constant 344 : i32
    %dma_start3A_1063 = arith.constant 0 : i32
    %dma_start3A_1064 = tpu.memref_slice %arg5[%dma_start3A_1062, %dma_start3A_1063] : memref<1024x128xf32, #tpu.memory_space<vmem>> -> memref<8x128xf32, #tpu.memory_space<vmem>>
    tpu.enqueue_dma source(%dma_start3A_1064 : memref<8x128xf32, #tpu.memory_space<vmem>>) target(%dma_start3A_1061 : memref<8x128xf32, #tpu.memory_space<any>>) target_semaphore(%arg6 : memref<!tpu.dma_semaphore, #tpu.memory_space<semaphore_mem>>)
    %get3A_1065 = arith.constant 44 : index
    %get3A_1066 = arith.constant 0 : index
    %get3A_1067 = memref.load %arg1[%get3A_1065, %get3A_1066] : memref<128x1xi32, #tpu.memory_space<smem>>
    %shift_right_arithmetic3A_1068 = arith.constant 7 : i32
    %shift_right_arithmetic3A_1069 = arith.shrsi %get3A_1067, %shift_right_arithmetic3A_1068 : i32
    %slice3A_1070 = vector.extract_strided_slice %shift_right_arithmetic3A_12 {offsets = [40, 0], sizes = [8, 1], strides = [1, 1]} : vector<128x1xi32> to vector<8x1xi32>
    %eq3A_1071 = vector.broadcast %shift_right_arithmetic3A_1069 : i32 to vector<8x1xi32>
    %eq3A_1072 = arith.cmpi eq, %slice3A_1070, %eq3A_1071 : vector<8x1xi32>
    %convert_element_type3A_1073 = arith.extui %eq3A_1072 : vector<8x1xi1> to vector<8x1xi32>
    %convert_element_type3A_1074 = arith.sitofp %convert_element_type3A_1073 : vector<8x1xi32> to vector<8x1xf32>
    %slice3A_1075 = vector.extract_strided_slice %get3A_10 {offsets = [40, 0], sizes = [8, 128], strides = [1, 1]} : vector<128x128xf32> to vector<8x128xf32>
    %mul3A_1076 = vector.broadcast %convert_element_type3A_1074 : vector<8x1xf32> to vector<8x128xf32>
    %mul3A_1077 = arith.mulf %slice3A_1075, %mul3A_1076 : vector<8x128xf32>
    %swap3A_1078 = arith.constant 352 : index
    %swap3A_1079 = arith.constant 0 : index
    %swap3A_1080 = vector.load %arg5[%swap3A_1078, %swap3A_1079] : memref<1024x128xf32, #tpu.memory_space<vmem>>, vector<8x128xf32>
    tpu.vector_store %arg5[%swap3A_1078, %swap3A_1079], %mul3A_1077 {strides = array<i32>} : memref<1024x128xf32, #tpu.memory_space<vmem>>, vector<8x128xf32>,
    %mul3A_1081 = arith.constant 128 : i32
    %mul3A_1082 = arith.muli %shift_right_arithmetic3A_1069, %mul3A_1081 : i32
    %multiple_of3A_1083 = tpu.assume_multiple %mul3A_1082, 128 : i32
    %dma_start3A_1084 = arith.constant 40 : i32
    %dma_start3A_1085 = tpu.memref_slice %arg3[%dma_start3A_1084, %multiple_of3A_1083] : memref<128x32768xf32, #tpu.memory_space<any>> -> memref<8x128xf32, #tpu.memory_space<any>>
    %dma_start3A_1086 = arith.constant 352 : i32
    %dma_start3A_1087 = arith.constant 0 : i32
    %dma_start3A_1088 = tpu.memref_slice %arg5[%dma_start3A_1086, %dma_start3A_1087] : memref<1024x128xf32, #tpu.memory_space<vmem>> -> memref<8x128xf32, #tpu.memory_space<vmem>>
    tpu.enqueue_dma source(%dma_start3A_1088 : memref<8x128xf32, #tpu.memory_space<vmem>>) target(%dma_start3A_1085 : memref<8x128xf32, #tpu.memory_space<any>>) target_semaphore(%arg6 : memref<!tpu.dma_semaphore, #tpu.memory_space<semaphore_mem>>)
    %get3A_1089 = arith.constant 45 : index
    %get3A_1090 = arith.constant 0 : index
    %get3A_1091 = memref.load %arg1[%get3A_1089, %get3A_1090] : memref<128x1xi32, #tpu.memory_space<smem>>
    %shift_right_arithmetic3A_1092 = arith.constant 7 : i32
    %shift_right_arithmetic3A_1093 = arith.shrsi %get3A_1091, %shift_right_arithmetic3A_1092 : i32
    %slice3A_1094 = vector.extract_strided_slice %shift_right_arithmetic3A_12 {offsets = [40, 0], sizes = [8, 1], strides = [1, 1]} : vector<128x1xi32> to vector<8x1xi32>
    %eq3A_1095 = vector.broadcast %shift_right_arithmetic3A_1093 : i32 to vector<8x1xi32>
    %eq3A_1096 = arith.cmpi eq, %slice3A_1094, %eq3A_1095 : vector<8x1xi32>
    %convert_element_type3A_1097 = arith.extui %eq3A_1096 : vector<8x1xi1> to vector<8x1xi32>
    %convert_element_type3A_1098 = arith.sitofp %convert_element_type3A_1097 : vector<8x1xi32> to vector<8x1xf32>
    %slice3A_1099 = vector.extract_strided_slice %get3A_10 {offsets = [40, 0], sizes = [8, 128], strides = [1, 1]} : vector<128x128xf32> to vector<8x128xf32>
    %mul3A_1100 = vector.broadcast %convert_element_type3A_1098 : vector<8x1xf32> to vector<8x128xf32>
    %mul3A_1101 = arith.mulf %slice3A_1099, %mul3A_1100 : vector<8x128xf32>
    %swap3A_1102 = arith.constant 360 : index
    %swap3A_1103 = arith.constant 0 : index
    %swap3A_1104 = vector.load %arg5[%swap3A_1102, %swap3A_1103] : memref<1024x128xf32, #tpu.memory_space<vmem>>, vector<8x128xf32>
    tpu.vector_store %arg5[%swap3A_1102, %swap3A_1103], %mul3A_1101 {strides = array<i32>} : memref<1024x128xf32, #tpu.memory_space<vmem>>, vector<8x128xf32>,
    %mul3A_1105 = arith.constant 128 : i32
    %mul3A_1106 = arith.muli %shift_right_arithmetic3A_1093, %mul3A_1105 : i32
    %multiple_of3A_1107 = tpu.assume_multiple %mul3A_1106, 128 : i32
    %dma_start3A_1108 = arith.constant 40 : i32
    %dma_start3A_1109 = tpu.memref_slice %arg3[%dma_start3A_1108, %multiple_of3A_1107] : memref<128x32768xf32, #tpu.memory_space<any>> -> memref<8x128xf32, #tpu.memory_space<any>>
    %dma_start3A_1110 = arith.constant 360 : i32
    %dma_start3A_1111 = arith.constant 0 : i32
    %dma_start3A_1112 = tpu.memref_slice %arg5[%dma_start3A_1110, %dma_start3A_1111] : memref<1024x128xf32, #tpu.memory_space<vmem>> -> memref<8x128xf32, #tpu.memory_space<vmem>>
    tpu.enqueue_dma source(%dma_start3A_1112 : memref<8x128xf32, #tpu.memory_space<vmem>>) target(%dma_start3A_1109 : memref<8x128xf32, #tpu.memory_space<any>>) target_semaphore(%arg6 : memref<!tpu.dma_semaphore, #tpu.memory_space<semaphore_mem>>)
    %get3A_1113 = arith.constant 46 : index
    %get3A_1114 = arith.constant 0 : index
    %get3A_1115 = memref.load %arg1[%get3A_1113, %get3A_1114] : memref<128x1xi32, #tpu.memory_space<smem>>
    %shift_right_arithmetic3A_1116 = arith.constant 7 : i32
    %shift_right_arithmetic3A_1117 = arith.shrsi %get3A_1115, %shift_right_arithmetic3A_1116 : i32
    %slice3A_1118 = vector.extract_strided_slice %shift_right_arithmetic3A_12 {offsets = [40, 0], sizes = [8, 1], strides = [1, 1]} : vector<128x1xi32> to vector<8x1xi32>
    %eq3A_1119 = vector.broadcast %shift_right_arithmetic3A_1117 : i32 to vector<8x1xi32>
    %eq3A_1120 = arith.cmpi eq, %slice3A_1118, %eq3A_1119 : vector<8x1xi32>
    %convert_element_type3A_1121 = arith.extui %eq3A_1120 : vector<8x1xi1> to vector<8x1xi32>
    %convert_element_type3A_1122 = arith.sitofp %convert_element_type3A_1121 : vector<8x1xi32> to vector<8x1xf32>
    %slice3A_1123 = vector.extract_strided_slice %get3A_10 {offsets = [40, 0], sizes = [8, 128], strides = [1, 1]} : vector<128x128xf32> to vector<8x128xf32>
    %mul3A_1124 = vector.broadcast %convert_element_type3A_1122 : vector<8x1xf32> to vector<8x128xf32>
    %mul3A_1125 = arith.mulf %slice3A_1123, %mul3A_1124 : vector<8x128xf32>
    %swap3A_1126 = arith.constant 368 : index
    %swap3A_1127 = arith.constant 0 : index
    %swap3A_1128 = vector.load %arg5[%swap3A_1126, %swap3A_1127] : memref<1024x128xf32, #tpu.memory_space<vmem>>, vector<8x128xf32>
    tpu.vector_store %arg5[%swap3A_1126, %swap3A_1127], %mul3A_1125 {strides = array<i32>} : memref<1024x128xf32, #tpu.memory_space<vmem>>, vector<8x128xf32>,
    %mul3A_1129 = arith.constant 128 : i32
    %mul3A_1130 = arith.muli %shift_right_arithmetic3A_1117, %mul3A_1129 : i32
    %multiple_of3A_1131 = tpu.assume_multiple %mul3A_1130, 128 : i32
    %dma_start3A_1132 = arith.constant 40 : i32
    %dma_start3A_1133 = tpu.memref_slice %arg3[%dma_start3A_1132, %multiple_of3A_1131] : memref<128x32768xf32, #tpu.memory_space<any>> -> memref<8x128xf32, #tpu.memory_space<any>>
    %dma_start3A_1134 = arith.constant 368 : i32
    %dma_start3A_1135 = arith.constant 0 : i32
    %dma_start3A_1136 = tpu.memref_slice %arg5[%dma_start3A_1134, %dma_start3A_1135] : memref<1024x128xf32, #tpu.memory_space<vmem>> -> memref<8x128xf32, #tpu.memory_space<vmem>>
    tpu.enqueue_dma source(%dma_start3A_1136 : memref<8x128xf32, #tpu.memory_space<vmem>>) target(%dma_start3A_1133 : memref<8x128xf32, #tpu.memory_space<any>>) target_semaphore(%arg6 : memref<!tpu.dma_semaphore, #tpu.memory_space<semaphore_mem>>)
    %get3A_1137 = arith.constant 47 : index
    %get3A_1138 = arith.constant 0 : index
    %get3A_1139 = memref.load %arg1[%get3A_1137, %get3A_1138] : memref<128x1xi32, #tpu.memory_space<smem>>
    %shift_right_arithmetic3A_1140 = arith.constant 7 : i32
    %shift_right_arithmetic3A_1141 = arith.shrsi %get3A_1139, %shift_right_arithmetic3A_1140 : i32
    %slice3A_1142 = vector.extract_strided_slice %shift_right_arithmetic3A_12 {offsets = [40, 0], sizes = [8, 1], strides = [1, 1]} : vector<128x1xi32> to vector<8x1xi32>
    %eq3A_1143 = vector.broadcast %shift_right_arithmetic3A_1141 : i32 to vector<8x1xi32>
    %eq3A_1144 = arith.cmpi eq, %slice3A_1142, %eq3A_1143 : vector<8x1xi32>
    %convert_element_type3A_1145 = arith.extui %eq3A_1144 : vector<8x1xi1> to vector<8x1xi32>
    %convert_element_type3A_1146 = arith.sitofp %convert_element_type3A_1145 : vector<8x1xi32> to vector<8x1xf32>
    %slice3A_1147 = vector.extract_strided_slice %get3A_10 {offsets = [40, 0], sizes = [8, 128], strides = [1, 1]} : vector<128x128xf32> to vector<8x128xf32>
    %mul3A_1148 = vector.broadcast %convert_element_type3A_1146 : vector<8x1xf32> to vector<8x128xf32>
    %mul3A_1149 = arith.mulf %slice3A_1147, %mul3A_1148 : vector<8x128xf32>
    %swap3A_1150 = arith.constant 376 : index
    %swap3A_1151 = arith.constant 0 : index
    %swap3A_1152 = vector.load %arg5[%swap3A_1150, %swap3A_1151] : memref<1024x128xf32, #tpu.memory_space<vmem>>, vector<8x128xf32>
    tpu.vector_store %arg5[%swap3A_1150, %swap3A_1151], %mul3A_1149 {strides = array<i32>} : memref<1024x128xf32, #tpu.memory_space<vmem>>, vector<8x128xf32>,
    %mul3A_1153 = arith.constant 128 : i32
    %mul3A_1154 = arith.muli %shift_right_arithmetic3A_1141, %mul3A_1153 : i32
    %multiple_of3A_1155 = tpu.assume_multiple %mul3A_1154, 128 : i32
    %dma_start3A_1156 = arith.constant 40 : i32
    %dma_start3A_1157 = tpu.memref_slice %arg3[%dma_start3A_1156, %multiple_of3A_1155] : memref<128x32768xf32, #tpu.memory_space<any>> -> memref<8x128xf32, #tpu.memory_space<any>>
    %dma_start3A_1158 = arith.constant 376 : i32
    %dma_start3A_1159 = arith.constant 0 : i32
    %dma_start3A_1160 = tpu.memref_slice %arg5[%dma_start3A_1158, %dma_start3A_1159] : memref<1024x128xf32, #tpu.memory_space<vmem>> -> memref<8x128xf32, #tpu.memory_space<vmem>>
    tpu.enqueue_dma source(%dma_start3A_1160 : memref<8x128xf32, #tpu.memory_space<vmem>>) target(%dma_start3A_1157 : memref<8x128xf32, #tpu.memory_space<any>>) target_semaphore(%arg6 : memref<!tpu.dma_semaphore, #tpu.memory_space<semaphore_mem>>)
    %get3A_1161 = arith.constant 48 : index
    %get3A_1162 = arith.constant 0 : index
    %get3A_1163 = memref.load %arg1[%get3A_1161, %get3A_1162] : memref<128x1xi32, #tpu.memory_space<smem>>
    %shift_right_arithmetic3A_1164 = arith.constant 7 : i32
    %shift_right_arithmetic3A_1165 = arith.shrsi %get3A_1163, %shift_right_arithmetic3A_1164 : i32
    %slice3A_1166 = vector.extract_strided_slice %shift_right_arithmetic3A_12 {offsets = [48, 0], sizes = [8, 1], strides = [1, 1]} : vector<128x1xi32> to vector<8x1xi32>
    %eq3A_1167 = vector.broadcast %shift_right_arithmetic3A_1165 : i32 to vector<8x1xi32>
    %eq3A_1168 = arith.cmpi eq, %slice3A_1166, %eq3A_1167 : vector<8x1xi32>
    %convert_element_type3A_1169 = arith.extui %eq3A_1168 : vector<8x1xi1> to vector<8x1xi32>
    %convert_element_type3A_1170 = arith.sitofp %convert_element_type3A_1169 : vector<8x1xi32> to vector<8x1xf32>
    %slice3A_1171 = vector.extract_strided_slice %get3A_10 {offsets = [48, 0], sizes = [8, 128], strides = [1, 1]} : vector<128x128xf32> to vector<8x128xf32>
    %mul3A_1172 = vector.broadcast %convert_element_type3A_1170 : vector<8x1xf32> to vector<8x128xf32>
    %mul3A_1173 = arith.mulf %slice3A_1171, %mul3A_1172 : vector<8x128xf32>
    %swap3A_1174 = arith.constant 384 : index
    %swap3A_1175 = arith.constant 0 : index
    %swap3A_1176 = vector.load %arg5[%swap3A_1174, %swap3A_1175] : memref<1024x128xf32, #tpu.memory_space<vmem>>, vector<8x128xf32>
    tpu.vector_store %arg5[%swap3A_1174, %swap3A_1175], %mul3A_1173 {strides = array<i32>} : memref<1024x128xf32, #tpu.memory_space<vmem>>, vector<8x128xf32>,
    %mul3A_1177 = arith.constant 128 : i32
    %mul3A_1178 = arith.muli %shift_right_arithmetic3A_1165, %mul3A_1177 : i32
    %multiple_of3A_1179 = tpu.assume_multiple %mul3A_1178, 128 : i32
    %dma_start3A_1180 = arith.constant 48 : i32
    %dma_start3A_1181 = tpu.memref_slice %arg3[%dma_start3A_1180, %multiple_of3A_1179] : memref<128x32768xf32, #tpu.memory_space<any>> -> memref<8x128xf32, #tpu.memory_space<any>>
    %dma_start3A_1182 = arith.constant 384 : i32
    %dma_start3A_1183 = arith.constant 0 : i32
    %dma_start3A_1184 = tpu.memref_slice %arg5[%dma_start3A_1182, %dma_start3A_1183] : memref<1024x128xf32, #tpu.memory_space<vmem>> -> memref<8x128xf32, #tpu.memory_space<vmem>>
    tpu.enqueue_dma source(%dma_start3A_1184 : memref<8x128xf32, #tpu.memory_space<vmem>>) target(%dma_start3A_1181 : memref<8x128xf32, #tpu.memory_space<any>>) target_semaphore(%arg6 : memref<!tpu.dma_semaphore, #tpu.memory_space<semaphore_mem>>)
    %get3A_1185 = arith.constant 49 : index
    %get3A_1186 = arith.constant 0 : index
    %get3A_1187 = memref.load %arg1[%get3A_1185, %get3A_1186] : memref<128x1xi32, #tpu.memory_space<smem>>
    %shift_right_arithmetic3A_1188 = arith.constant 7 : i32
    %shift_right_arithmetic3A_1189 = arith.shrsi %get3A_1187, %shift_right_arithmetic3A_1188 : i32
    %slice3A_1190 = vector.extract_strided_slice %shift_right_arithmetic3A_12 {offsets = [48, 0], sizes = [8, 1], strides = [1, 1]} : vector<128x1xi32> to vector<8x1xi32>
    %eq3A_1191 = vector.broadcast %shift_right_arithmetic3A_1189 : i32 to vector<8x1xi32>
    %eq3A_1192 = arith.cmpi eq, %slice3A_1190, %eq3A_1191 : vector<8x1xi32>
    %convert_element_type3A_1193 = arith.extui %eq3A_1192 : vector<8x1xi1> to vector<8x1xi32>
    %convert_element_type3A_1194 = arith.sitofp %convert_element_type3A_1193 : vector<8x1xi32> to vector<8x1xf32>
    %slice3A_1195 = vector.extract_strided_slice %get3A_10 {offsets = [48, 0], sizes = [8, 128], strides = [1, 1]} : vector<128x128xf32> to vector<8x128xf32>
    %mul3A_1196 = vector.broadcast %convert_element_type3A_1194 : vector<8x1xf32> to vector<8x128xf32>
    %mul3A_1197 = arith.mulf %slice3A_1195, %mul3A_1196 : vector<8x128xf32>
    %swap3A_1198 = arith.constant 392 : index
    %swap3A_1199 = arith.constant 0 : index
    %swap3A_1200 = vector.load %arg5[%swap3A_1198, %swap3A_1199] : memref<1024x128xf32, #tpu.memory_space<vmem>>, vector<8x128xf32>
    tpu.vector_store %arg5[%swap3A_1198, %swap3A_1199], %mul3A_1197 {strides = array<i32>} : memref<1024x128xf32, #tpu.memory_space<vmem>>, vector<8x128xf32>,
    %mul3A_1201 = arith.constant 128 : i32
    %mul3A_1202 = arith.muli %shift_right_arithmetic3A_1189, %mul3A_1201 : i32
    %multiple_of3A_1203 = tpu.assume_multiple %mul3A_1202, 128 : i32
    %dma_start3A_1204 = arith.constant 48 : i32
    %dma_start3A_1205 = tpu.memref_slice %arg3[%dma_start3A_1204, %multiple_of3A_1203] : memref<128x32768xf32, #tpu.memory_space<any>> -> memref<8x128xf32, #tpu.memory_space<any>>
    %dma_start3A_1206 = arith.constant 392 : i32
    %dma_start3A_1207 = arith.constant 0 : i32
    %dma_start3A_1208 = tpu.memref_slice %arg5[%dma_start3A_1206, %dma_start3A_1207] : memref<1024x128xf32, #tpu.memory_space<vmem>> -> memref<8x128xf32, #tpu.memory_space<vmem>>
    tpu.enqueue_dma source(%dma_start3A_1208 : memref<8x128xf32, #tpu.memory_space<vmem>>) target(%dma_start3A_1205 : memref<8x128xf32, #tpu.memory_space<any>>) target_semaphore(%arg6 : memref<!tpu.dma_semaphore, #tpu.memory_space<semaphore_mem>>)
    %get3A_1209 = arith.constant 50 : index
    %get3A_1210 = arith.constant 0 : index
    %get3A_1211 = memref.load %arg1[%get3A_1209, %get3A_1210] : memref<128x1xi32, #tpu.memory_space<smem>>
    %shift_right_arithmetic3A_1212 = arith.constant 7 : i32
    %shift_right_arithmetic3A_1213 = arith.shrsi %get3A_1211, %shift_right_arithmetic3A_1212 : i32
    %slice3A_1214 = vector.extract_strided_slice %shift_right_arithmetic3A_12 {offsets = [48, 0], sizes = [8, 1], strides = [1, 1]} : vector<128x1xi32> to vector<8x1xi32>
    %eq3A_1215 = vector.broadcast %shift_right_arithmetic3A_1213 : i32 to vector<8x1xi32>
    %eq3A_1216 = arith.cmpi eq, %slice3A_1214, %eq3A_1215 : vector<8x1xi32>
    %convert_element_type3A_1217 = arith.extui %eq3A_1216 : vector<8x1xi1> to vector<8x1xi32>
    %convert_element_type3A_1218 = arith.sitofp %convert_element_type3A_1217 : vector<8x1xi32> to vector<8x1xf32>
    %slice3A_1219 = vector.extract_strided_slice %get3A_10 {offsets = [48, 0], sizes = [8, 128], strides = [1, 1]} : vector<128x128xf32> to vector<8x128xf32>
    %mul3A_1220 = vector.broadcast %convert_element_type3A_1218 : vector<8x1xf32> to vector<8x128xf32>
    %mul3A_1221 = arith.mulf %slice3A_1219, %mul3A_1220 : vector<8x128xf32>
    %swap3A_1222 = arith.constant 400 : index
    %swap3A_1223 = arith.constant 0 : index
    %swap3A_1224 = vector.load %arg5[%swap3A_1222, %swap3A_1223] : memref<1024x128xf32, #tpu.memory_space<vmem>>, vector<8x128xf32>
    tpu.vector_store %arg5[%swap3A_1222, %swap3A_1223], %mul3A_1221 {strides = array<i32>} : memref<1024x128xf32, #tpu.memory_space<vmem>>, vector<8x128xf32>,
    %mul3A_1225 = arith.constant 128 : i32
    %mul3A_1226 = arith.muli %shift_right_arithmetic3A_1213, %mul3A_1225 : i32
    %multiple_of3A_1227 = tpu.assume_multiple %mul3A_1226, 128 : i32
    %dma_start3A_1228 = arith.constant 48 : i32
    %dma_start3A_1229 = tpu.memref_slice %arg3[%dma_start3A_1228, %multiple_of3A_1227] : memref<128x32768xf32, #tpu.memory_space<any>> -> memref<8x128xf32, #tpu.memory_space<any>>
    %dma_start3A_1230 = arith.constant 400 : i32
    %dma_start3A_1231 = arith.constant 0 : i32
    %dma_start3A_1232 = tpu.memref_slice %arg5[%dma_start3A_1230, %dma_start3A_1231] : memref<1024x128xf32, #tpu.memory_space<vmem>> -> memref<8x128xf32, #tpu.memory_space<vmem>>
    tpu.enqueue_dma source(%dma_start3A_1232 : memref<8x128xf32, #tpu.memory_space<vmem>>) target(%dma_start3A_1229 : memref<8x128xf32, #tpu.memory_space<any>>) target_semaphore(%arg6 : memref<!tpu.dma_semaphore, #tpu.memory_space<semaphore_mem>>)
    %get3A_1233 = arith.constant 51 : index
    %get3A_1234 = arith.constant 0 : index
    %get3A_1235 = memref.load %arg1[%get3A_1233, %get3A_1234] : memref<128x1xi32, #tpu.memory_space<smem>>
    %shift_right_arithmetic3A_1236 = arith.constant 7 : i32
    %shift_right_arithmetic3A_1237 = arith.shrsi %get3A_1235, %shift_right_arithmetic3A_1236 : i32
    %slice3A_1238 = vector.extract_strided_slice %shift_right_arithmetic3A_12 {offsets = [48, 0], sizes = [8, 1], strides = [1, 1]} : vector<128x1xi32> to vector<8x1xi32>
    %eq3A_1239 = vector.broadcast %shift_right_arithmetic3A_1237 : i32 to vector<8x1xi32>
    %eq3A_1240 = arith.cmpi eq, %slice3A_1238, %eq3A_1239 : vector<8x1xi32>
    %convert_element_type3A_1241 = arith.extui %eq3A_1240 : vector<8x1xi1> to vector<8x1xi32>
    %convert_element_type3A_1242 = arith.sitofp %convert_element_type3A_1241 : vector<8x1xi32> to vector<8x1xf32>
    %slice3A_1243 = vector.extract_strided_slice %get3A_10 {offsets = [48, 0], sizes = [8, 128], strides = [1, 1]} : vector<128x128xf32> to vector<8x128xf32>
    %mul3A_1244 = vector.broadcast %convert_element_type3A_1242 : vector<8x1xf32> to vector<8x128xf32>
    %mul3A_1245 = arith.mulf %slice3A_1243, %mul3A_1244 : vector<8x128xf32>
    %swap3A_1246 = arith.constant 408 : index
    %swap3A_1247 = arith.constant 0 : index
    %swap3A_1248 = vector.load %arg5[%swap3A_1246, %swap3A_1247] : memref<1024x128xf32, #tpu.memory_space<vmem>>, vector<8x128xf32>
    tpu.vector_store %arg5[%swap3A_1246, %swap3A_1247], %mul3A_1245 {strides = array<i32>} : memref<1024x128xf32, #tpu.memory_space<vmem>>, vector<8x128xf32>,
    %mul3A_1249 = arith.constant 128 : i32
    %mul3A_1250 = arith.muli %shift_right_arithmetic3A_1237, %mul3A_1249 : i32
    %multiple_of3A_1251 = tpu.assume_multiple %mul3A_1250, 128 : i32
    %dma_start3A_1252 = arith.constant 48 : i32
    %dma_start3A_1253 = tpu.memref_slice %arg3[%dma_start3A_1252, %multiple_of3A_1251] : memref<128x32768xf32, #tpu.memory_space<any>> -> memref<8x128xf32, #tpu.memory_space<any>>
    %dma_start3A_1254 = arith.constant 408 : i32
    %dma_start3A_1255 = arith.constant 0 : i32
    %dma_start3A_1256 = tpu.memref_slice %arg5[%dma_start3A_1254, %dma_start3A_1255] : memref<1024x128xf32, #tpu.memory_space<vmem>> -> memref<8x128xf32, #tpu.memory_space<vmem>>
    tpu.enqueue_dma source(%dma_start3A_1256 : memref<8x128xf32, #tpu.memory_space<vmem>>) target(%dma_start3A_1253 : memref<8x128xf32, #tpu.memory_space<any>>) target_semaphore(%arg6 : memref<!tpu.dma_semaphore, #tpu.memory_space<semaphore_mem>>)
    %get3A_1257 = arith.constant 52 : index
    %get3A_1258 = arith.constant 0 : index
    %get3A_1259 = memref.load %arg1[%get3A_1257, %get3A_1258] : memref<128x1xi32, #tpu.memory_space<smem>>
    %shift_right_arithmetic3A_1260 = arith.constant 7 : i32
    %shift_right_arithmetic3A_1261 = arith.shrsi %get3A_1259, %shift_right_arithmetic3A_1260 : i32
    %slice3A_1262 = vector.extract_strided_slice %shift_right_arithmetic3A_12 {offsets = [48, 0], sizes = [8, 1], strides = [1, 1]} : vector<128x1xi32> to vector<8x1xi32>
    %eq3A_1263 = vector.broadcast %shift_right_arithmetic3A_1261 : i32 to vector<8x1xi32>
    %eq3A_1264 = arith.cmpi eq, %slice3A_1262, %eq3A_1263 : vector<8x1xi32>
    %convert_element_type3A_1265 = arith.extui %eq3A_1264 : vector<8x1xi1> to vector<8x1xi32>
    %convert_element_type3A_1266 = arith.sitofp %convert_element_type3A_1265 : vector<8x1xi32> to vector<8x1xf32>
    %slice3A_1267 = vector.extract_strided_slice %get3A_10 {offsets = [48, 0], sizes = [8, 128], strides = [1, 1]} : vector<128x128xf32> to vector<8x128xf32>
    %mul3A_1268 = vector.broadcast %convert_element_type3A_1266 : vector<8x1xf32> to vector<8x128xf32>
    %mul3A_1269 = arith.mulf %slice3A_1267, %mul3A_1268 : vector<8x128xf32>
    %swap3A_1270 = arith.constant 416 : index
    %swap3A_1271 = arith.constant 0 : index
    %swap3A_1272 = vector.load %arg5[%swap3A_1270, %swap3A_1271] : memref<1024x128xf32, #tpu.memory_space<vmem>>, vector<8x128xf32>
    tpu.vector_store %arg5[%swap3A_1270, %swap3A_1271], %mul3A_1269 {strides = array<i32>} : memref<1024x128xf32, #tpu.memory_space<vmem>>, vector<8x128xf32>,
    %mul3A_1273 = arith.constant 128 : i32
    %mul3A_1274 = arith.muli %shift_right_arithmetic3A_1261, %mul3A_1273 : i32
    %multiple_of3A_1275 = tpu.assume_multiple %mul3A_1274, 128 : i32
    %dma_start3A_1276 = arith.constant 48 : i32
    %dma_start3A_1277 = tpu.memref_slice %arg3[%dma_start3A_1276, %multiple_of3A_1275] : memref<128x32768xf32, #tpu.memory_space<any>> -> memref<8x128xf32, #tpu.memory_space<any>>
    %dma_start3A_1278 = arith.constant 416 : i32
    %dma_start3A_1279 = arith.constant 0 : i32
    %dma_start3A_1280 = tpu.memref_slice %arg5[%dma_start3A_1278, %dma_start3A_1279] : memref<1024x128xf32, #tpu.memory_space<vmem>> -> memref<8x128xf32, #tpu.memory_space<vmem>>
    tpu.enqueue_dma source(%dma_start3A_1280 : memref<8x128xf32, #tpu.memory_space<vmem>>) target(%dma_start3A_1277 : memref<8x128xf32, #tpu.memory_space<any>>) target_semaphore(%arg6 : memref<!tpu.dma_semaphore, #tpu.memory_space<semaphore_mem>>)
    %get3A_1281 = arith.constant 53 : index
    %get3A_1282 = arith.constant 0 : index
    %get3A_1283 = memref.load %arg1[%get3A_1281, %get3A_1282] : memref<128x1xi32, #tpu.memory_space<smem>>
    %shift_right_arithmetic3A_1284 = arith.constant 7 : i32
    %shift_right_arithmetic3A_1285 = arith.shrsi %get3A_1283, %shift_right_arithmetic3A_1284 : i32
    %slice3A_1286 = vector.extract_strided_slice %shift_right_arithmetic3A_12 {offsets = [48, 0], sizes = [8, 1], strides = [1, 1]} : vector<128x1xi32> to vector<8x1xi32>
    %eq3A_1287 = vector.broadcast %shift_right_arithmetic3A_1285 : i32 to vector<8x1xi32>
    %eq3A_1288 = arith.cmpi eq, %slice3A_1286, %eq3A_1287 : vector<8x1xi32>
    %convert_element_type3A_1289 = arith.extui %eq3A_1288 : vector<8x1xi1> to vector<8x1xi32>
    %convert_element_type3A_1290 = arith.sitofp %convert_element_type3A_1289 : vector<8x1xi32> to vector<8x1xf32>
    %slice3A_1291 = vector.extract_strided_slice %get3A_10 {offsets = [48, 0], sizes = [8, 128], strides = [1, 1]} : vector<128x128xf32> to vector<8x128xf32>
    %mul3A_1292 = vector.broadcast %convert_element_type3A_1290 : vector<8x1xf32> to vector<8x128xf32>
    %mul3A_1293 = arith.mulf %slice3A_1291, %mul3A_1292 : vector<8x128xf32>
    %swap3A_1294 = arith.constant 424 : index
    %swap3A_1295 = arith.constant 0 : index
    %swap3A_1296 = vector.load %arg5[%swap3A_1294, %swap3A_1295] : memref<1024x128xf32, #tpu.memory_space<vmem>>, vector<8x128xf32>
    tpu.vector_store %arg5[%swap3A_1294, %swap3A_1295], %mul3A_1293 {strides = array<i32>} : memref<1024x128xf32, #tpu.memory_space<vmem>>, vector<8x128xf32>,
    %mul3A_1297 = arith.constant 128 : i32
    %mul3A_1298 = arith.muli %shift_right_arithmetic3A_1285, %mul3A_1297 : i32
    %multiple_of3A_1299 = tpu.assume_multiple %mul3A_1298, 128 : i32
    %dma_start3A_1300 = arith.constant 48 : i32
    %dma_start3A_1301 = tpu.memref_slice %arg3[%dma_start3A_1300, %multiple_of3A_1299] : memref<128x32768xf32, #tpu.memory_space<any>> -> memref<8x128xf32, #tpu.memory_space<any>>
    %dma_start3A_1302 = arith.constant 424 : i32
    %dma_start3A_1303 = arith.constant 0 : i32
    %dma_start3A_1304 = tpu.memref_slice %arg5[%dma_start3A_1302, %dma_start3A_1303] : memref<1024x128xf32, #tpu.memory_space<vmem>> -> memref<8x128xf32, #tpu.memory_space<vmem>>
    tpu.enqueue_dma source(%dma_start3A_1304 : memref<8x128xf32, #tpu.memory_space<vmem>>) target(%dma_start3A_1301 : memref<8x128xf32, #tpu.memory_space<any>>) target_semaphore(%arg6 : memref<!tpu.dma_semaphore, #tpu.memory_space<semaphore_mem>>)
    %get3A_1305 = arith.constant 54 : index
    %get3A_1306 = arith.constant 0 : index
    %get3A_1307 = memref.load %arg1[%get3A_1305, %get3A_1306] : memref<128x1xi32, #tpu.memory_space<smem>>
    %shift_right_arithmetic3A_1308 = arith.constant 7 : i32
    %shift_right_arithmetic3A_1309 = arith.shrsi %get3A_1307, %shift_right_arithmetic3A_1308 : i32
    %slice3A_1310 = vector.extract_strided_slice %shift_right_arithmetic3A_12 {offsets = [48, 0], sizes = [8, 1], strides = [1, 1]} : vector<128x1xi32> to vector<8x1xi32>
    %eq3A_1311 = vector.broadcast %shift_right_arithmetic3A_1309 : i32 to vector<8x1xi32>
    %eq3A_1312 = arith.cmpi eq, %slice3A_1310, %eq3A_1311 : vector<8x1xi32>
    %convert_element_type3A_1313 = arith.extui %eq3A_1312 : vector<8x1xi1> to vector<8x1xi32>
    %convert_element_type3A_1314 = arith.sitofp %convert_element_type3A_1313 : vector<8x1xi32> to vector<8x1xf32>
    %slice3A_1315 = vector.extract_strided_slice %get3A_10 {offsets = [48, 0], sizes = [8, 128], strides = [1, 1]} : vector<128x128xf32> to vector<8x128xf32>
    %mul3A_1316 = vector.broadcast %convert_element_type3A_1314 : vector<8x1xf32> to vector<8x128xf32>
    %mul3A_1317 = arith.mulf %slice3A_1315, %mul3A_1316 : vector<8x128xf32>
    %swap3A_1318 = arith.constant 432 : index
    %swap3A_1319 = arith.constant 0 : index
    %swap3A_1320 = vector.load %arg5[%swap3A_1318, %swap3A_1319] : memref<1024x128xf32, #tpu.memory_space<vmem>>, vector<8x128xf32>
    tpu.vector_store %arg5[%swap3A_1318, %swap3A_1319], %mul3A_1317 {strides = array<i32>} : memref<1024x128xf32, #tpu.memory_space<vmem>>, vector<8x128xf32>,
    %mul3A_1321 = arith.constant 128 : i32
    %mul3A_1322 = arith.muli %shift_right_arithmetic3A_1309, %mul3A_1321 : i32
    %multiple_of3A_1323 = tpu.assume_multiple %mul3A_1322, 128 : i32
    %dma_start3A_1324 = arith.constant 48 : i32
    %dma_start3A_1325 = tpu.memref_slice %arg3[%dma_start3A_1324, %multiple_of3A_1323] : memref<128x32768xf32, #tpu.memory_space<any>> -> memref<8x128xf32, #tpu.memory_space<any>>
    %dma_start3A_1326 = arith.constant 432 : i32
    %dma_start3A_1327 = arith.constant 0 : i32
    %dma_start3A_1328 = tpu.memref_slice %arg5[%dma_start3A_1326, %dma_start3A_1327] : memref<1024x128xf32, #tpu.memory_space<vmem>> -> memref<8x128xf32, #tpu.memory_space<vmem>>
    tpu.enqueue_dma source(%dma_start3A_1328 : memref<8x128xf32, #tpu.memory_space<vmem>>) target(%dma_start3A_1325 : memref<8x128xf32, #tpu.memory_space<any>>) target_semaphore(%arg6 : memref<!tpu.dma_semaphore, #tpu.memory_space<semaphore_mem>>)
    %get3A_1329 = arith.constant 55 : index
    %get3A_1330 = arith.constant 0 : index
    %get3A_1331 = memref.load %arg1[%get3A_1329, %get3A_1330] : memref<128x1xi32, #tpu.memory_space<smem>>
    %shift_right_arithmetic3A_1332 = arith.constant 7 : i32
    %shift_right_arithmetic3A_1333 = arith.shrsi %get3A_1331, %shift_right_arithmetic3A_1332 : i32
    %slice3A_1334 = vector.extract_strided_slice %shift_right_arithmetic3A_12 {offsets = [48, 0], sizes = [8, 1], strides = [1, 1]} : vector<128x1xi32> to vector<8x1xi32>
    %eq3A_1335 = vector.broadcast %shift_right_arithmetic3A_1333 : i32 to vector<8x1xi32>
    %eq3A_1336 = arith.cmpi eq, %slice3A_1334, %eq3A_1335 : vector<8x1xi32>
    %convert_element_type3A_1337 = arith.extui %eq3A_1336 : vector<8x1xi1> to vector<8x1xi32>
    %convert_element_type3A_1338 = arith.sitofp %convert_element_type3A_1337 : vector<8x1xi32> to vector<8x1xf32>
    %slice3A_1339 = vector.extract_strided_slice %get3A_10 {offsets = [48, 0], sizes = [8, 128], strides = [1, 1]} : vector<128x128xf32> to vector<8x128xf32>
    %mul3A_1340 = vector.broadcast %convert_element_type3A_1338 : vector<8x1xf32> to vector<8x128xf32>
    %mul3A_1341 = arith.mulf %slice3A_1339, %mul3A_1340 : vector<8x128xf32>
    %swap3A_1342 = arith.constant 440 : index
    %swap3A_1343 = arith.constant 0 : index
    %swap3A_1344 = vector.load %arg5[%swap3A_1342, %swap3A_1343] : memref<1024x128xf32, #tpu.memory_space<vmem>>, vector<8x128xf32>
    tpu.vector_store %arg5[%swap3A_1342, %swap3A_1343], %mul3A_1341 {strides = array<i32>} : memref<1024x128xf32, #tpu.memory_space<vmem>>, vector<8x128xf32>,
    %mul3A_1345 = arith.constant 128 : i32
    %mul3A_1346 = arith.muli %shift_right_arithmetic3A_1333, %mul3A_1345 : i32
    %multiple_of3A_1347 = tpu.assume_multiple %mul3A_1346, 128 : i32
    %dma_start3A_1348 = arith.constant 48 : i32
    %dma_start3A_1349 = tpu.memref_slice %arg3[%dma_start3A_1348, %multiple_of3A_1347] : memref<128x32768xf32, #tpu.memory_space<any>> -> memref<8x128xf32, #tpu.memory_space<any>>
    %dma_start3A_1350 = arith.constant 440 : i32
    %dma_start3A_1351 = arith.constant 0 : i32
    %dma_start3A_1352 = tpu.memref_slice %arg5[%dma_start3A_1350, %dma_start3A_1351] : memref<1024x128xf32, #tpu.memory_space<vmem>> -> memref<8x128xf32, #tpu.memory_space<vmem>>
    tpu.enqueue_dma source(%dma_start3A_1352 : memref<8x128xf32, #tpu.memory_space<vmem>>) target(%dma_start3A_1349 : memref<8x128xf32, #tpu.memory_space<any>>) target_semaphore(%arg6 : memref<!tpu.dma_semaphore, #tpu.memory_space<semaphore_mem>>)
    %get3A_1353 = arith.constant 56 : index
    %get3A_1354 = arith.constant 0 : index
    %get3A_1355 = memref.load %arg1[%get3A_1353, %get3A_1354] : memref<128x1xi32, #tpu.memory_space<smem>>
    %shift_right_arithmetic3A_1356 = arith.constant 7 : i32
    %shift_right_arithmetic3A_1357 = arith.shrsi %get3A_1355, %shift_right_arithmetic3A_1356 : i32
    %slice3A_1358 = vector.extract_strided_slice %shift_right_arithmetic3A_12 {offsets = [56, 0], sizes = [8, 1], strides = [1, 1]} : vector<128x1xi32> to vector<8x1xi32>
    %eq3A_1359 = vector.broadcast %shift_right_arithmetic3A_1357 : i32 to vector<8x1xi32>
    %eq3A_1360 = arith.cmpi eq, %slice3A_1358, %eq3A_1359 : vector<8x1xi32>
    %convert_element_type3A_1361 = arith.extui %eq3A_1360 : vector<8x1xi1> to vector<8x1xi32>
    %convert_element_type3A_1362 = arith.sitofp %convert_element_type3A_1361 : vector<8x1xi32> to vector<8x1xf32>
    %slice3A_1363 = vector.extract_strided_slice %get3A_10 {offsets = [56, 0], sizes = [8, 128], strides = [1, 1]} : vector<128x128xf32> to vector<8x128xf32>
    %mul3A_1364 = vector.broadcast %convert_element_type3A_1362 : vector<8x1xf32> to vector<8x128xf32>
    %mul3A_1365 = arith.mulf %slice3A_1363, %mul3A_1364 : vector<8x128xf32>
    %swap3A_1366 = arith.constant 448 : index
    %swap3A_1367 = arith.constant 0 : index
    %swap3A_1368 = vector.load %arg5[%swap3A_1366, %swap3A_1367] : memref<1024x128xf32, #tpu.memory_space<vmem>>, vector<8x128xf32>
    tpu.vector_store %arg5[%swap3A_1366, %swap3A_1367], %mul3A_1365 {strides = array<i32>} : memref<1024x128xf32, #tpu.memory_space<vmem>>, vector<8x128xf32>,
    %mul3A_1369 = arith.constant 128 : i32
    %mul3A_1370 = arith.muli %shift_right_arithmetic3A_1357, %mul3A_1369 : i32
    %multiple_of3A_1371 = tpu.assume_multiple %mul3A_1370, 128 : i32
    %dma_start3A_1372 = arith.constant 56 : i32
    %dma_start3A_1373 = tpu.memref_slice %arg3[%dma_start3A_1372, %multiple_of3A_1371] : memref<128x32768xf32, #tpu.memory_space<any>> -> memref<8x128xf32, #tpu.memory_space<any>>
    %dma_start3A_1374 = arith.constant 448 : i32
    %dma_start3A_1375 = arith.constant 0 : i32
    %dma_start3A_1376 = tpu.memref_slice %arg5[%dma_start3A_1374, %dma_start3A_1375] : memref<1024x128xf32, #tpu.memory_space<vmem>> -> memref<8x128xf32, #tpu.memory_space<vmem>>
    tpu.enqueue_dma source(%dma_start3A_1376 : memref<8x128xf32, #tpu.memory_space<vmem>>) target(%dma_start3A_1373 : memref<8x128xf32, #tpu.memory_space<any>>) target_semaphore(%arg6 : memref<!tpu.dma_semaphore, #tpu.memory_space<semaphore_mem>>)
    %get3A_1377 = arith.constant 57 : index
    %get3A_1378 = arith.constant 0 : index
    %get3A_1379 = memref.load %arg1[%get3A_1377, %get3A_1378] : memref<128x1xi32, #tpu.memory_space<smem>>
    %shift_right_arithmetic3A_1380 = arith.constant 7 : i32
    %shift_right_arithmetic3A_1381 = arith.shrsi %get3A_1379, %shift_right_arithmetic3A_1380 : i32
    %slice3A_1382 = vector.extract_strided_slice %shift_right_arithmetic3A_12 {offsets = [56, 0], sizes = [8, 1], strides = [1, 1]} : vector<128x1xi32> to vector<8x1xi32>
    %eq3A_1383 = vector.broadcast %shift_right_arithmetic3A_1381 : i32 to vector<8x1xi32>
    %eq3A_1384 = arith.cmpi eq, %slice3A_1382, %eq3A_1383 : vector<8x1xi32>
    %convert_element_type3A_1385 = arith.extui %eq3A_1384 : vector<8x1xi1> to vector<8x1xi32>
    %convert_element_type3A_1386 = arith.sitofp %convert_element_type3A_1385 : vector<8x1xi32> to vector<8x1xf32>
    %slice3A_1387 = vector.extract_strided_slice %get3A_10 {offsets = [56, 0], sizes = [8, 128], strides = [1, 1]} : vector<128x128xf32> to vector<8x128xf32>
    %mul3A_1388 = vector.broadcast %convert_element_type3A_1386 : vector<8x1xf32> to vector<8x128xf32>
    %mul3A_1389 = arith.mulf %slice3A_1387, %mul3A_1388 : vector<8x128xf32>
    %swap3A_1390 = arith.constant 456 : index
    %swap3A_1391 = arith.constant 0 : index
    %swap3A_1392 = vector.load %arg5[%swap3A_1390, %swap3A_1391] : memref<1024x128xf32, #tpu.memory_space<vmem>>, vector<8x128xf32>
    tpu.vector_store %arg5[%swap3A_1390, %swap3A_1391], %mul3A_1389 {strides = array<i32>} : memref<1024x128xf32, #tpu.memory_space<vmem>>, vector<8x128xf32>,
    %mul3A_1393 = arith.constant 128 : i32
    %mul3A_1394 = arith.muli %shift_right_arithmetic3A_1381, %mul3A_1393 : i32
    %multiple_of3A_1395 = tpu.assume_multiple %mul3A_1394, 128 : i32
    %dma_start3A_1396 = arith.constant 56 : i32
    %dma_start3A_1397 = tpu.memref_slice %arg3[%dma_start3A_1396, %multiple_of3A_1395] : memref<128x32768xf32, #tpu.memory_space<any>> -> memref<8x128xf32, #tpu.memory_space<any>>
    %dma_start3A_1398 = arith.constant 456 : i32
    %dma_start3A_1399 = arith.constant 0 : i32
    %dma_start3A_1400 = tpu.memref_slice %arg5[%dma_start3A_1398, %dma_start3A_1399] : memref<1024x128xf32, #tpu.memory_space<vmem>> -> memref<8x128xf32, #tpu.memory_space<vmem>>
    tpu.enqueue_dma source(%dma_start3A_1400 : memref<8x128xf32, #tpu.memory_space<vmem>>) target(%dma_start3A_1397 : memref<8x128xf32, #tpu.memory_space<any>>) target_semaphore(%arg6 : memref<!tpu.dma_semaphore, #tpu.memory_space<semaphore_mem>>)
    %get3A_1401 = arith.constant 58 : index
    %get3A_1402 = arith.constant 0 : index
    %get3A_1403 = memref.load %arg1[%get3A_1401, %get3A_1402] : memref<128x1xi32, #tpu.memory_space<smem>>
    %shift_right_arithmetic3A_1404 = arith.constant 7 : i32
    %shift_right_arithmetic3A_1405 = arith.shrsi %get3A_1403, %shift_right_arithmetic3A_1404 : i32
    %slice3A_1406 = vector.extract_strided_slice %shift_right_arithmetic3A_12 {offsets = [56, 0], sizes = [8, 1], strides = [1, 1]} : vector<128x1xi32> to vector<8x1xi32>
    %eq3A_1407 = vector.broadcast %shift_right_arithmetic3A_1405 : i32 to vector<8x1xi32>
    %eq3A_1408 = arith.cmpi eq, %slice3A_1406, %eq3A_1407 : vector<8x1xi32>
    %convert_element_type3A_1409 = arith.extui %eq3A_1408 : vector<8x1xi1> to vector<8x1xi32>
    %convert_element_type3A_1410 = arith.sitofp %convert_element_type3A_1409 : vector<8x1xi32> to vector<8x1xf32>
    %slice3A_1411 = vector.extract_strided_slice %get3A_10 {offsets = [56, 0], sizes = [8, 128], strides = [1, 1]} : vector<128x128xf32> to vector<8x128xf32>
    %mul3A_1412 = vector.broadcast %convert_element_type3A_1410 : vector<8x1xf32> to vector<8x128xf32>
    %mul3A_1413 = arith.mulf %slice3A_1411, %mul3A_1412 : vector<8x128xf32>
    %swap3A_1414 = arith.constant 464 : index
    %swap3A_1415 = arith.constant 0 : index
    %swap3A_1416 = vector.load %arg5[%swap3A_1414, %swap3A_1415] : memref<1024x128xf32, #tpu.memory_space<vmem>>, vector<8x128xf32>
    tpu.vector_store %arg5[%swap3A_1414, %swap3A_1415], %mul3A_1413 {strides = array<i32>} : memref<1024x128xf32, #tpu.memory_space<vmem>>, vector<8x128xf32>,
    %mul3A_1417 = arith.constant 128 : i32
    %mul3A_1418 = arith.muli %shift_right_arithmetic3A_1405, %mul3A_1417 : i32
    %multiple_of3A_1419 = tpu.assume_multiple %mul3A_1418, 128 : i32
    %dma_start3A_1420 = arith.constant 56 : i32
    %dma_start3A_1421 = tpu.memref_slice %arg3[%dma_start3A_1420, %multiple_of3A_1419] : memref<128x32768xf32, #tpu.memory_space<any>> -> memref<8x128xf32, #tpu.memory_space<any>>
    %dma_start3A_1422 = arith.constant 464 : i32
    %dma_start3A_1423 = arith.constant 0 : i32
    %dma_start3A_1424 = tpu.memref_slice %arg5[%dma_start3A_1422, %dma_start3A_1423] : memref<1024x128xf32, #tpu.memory_space<vmem>> -> memref<8x128xf32, #tpu.memory_space<vmem>>
    tpu.enqueue_dma source(%dma_start3A_1424 : memref<8x128xf32, #tpu.memory_space<vmem>>) target(%dma_start3A_1421 : memref<8x128xf32, #tpu.memory_space<any>>) target_semaphore(%arg6 : memref<!tpu.dma_semaphore, #tpu.memory_space<semaphore_mem>>)
    %get3A_1425 = arith.constant 59 : index
    %get3A_1426 = arith.constant 0 : index
    %get3A_1427 = memref.load %arg1[%get3A_1425, %get3A_1426] : memref<128x1xi32, #tpu.memory_space<smem>>
    %shift_right_arithmetic3A_1428 = arith.constant 7 : i32
    %shift_right_arithmetic3A_1429 = arith.shrsi %get3A_1427, %shift_right_arithmetic3A_1428 : i32
    %slice3A_1430 = vector.extract_strided_slice %shift_right_arithmetic3A_12 {offsets = [56, 0], sizes = [8, 1], strides = [1, 1]} : vector<128x1xi32> to vector<8x1xi32>
    %eq3A_1431 = vector.broadcast %shift_right_arithmetic3A_1429 : i32 to vector<8x1xi32>
    %eq3A_1432 = arith.cmpi eq, %slice3A_1430, %eq3A_1431 : vector<8x1xi32>
    %convert_element_type3A_1433 = arith.extui %eq3A_1432 : vector<8x1xi1> to vector<8x1xi32>
    %convert_element_type3A_1434 = arith.sitofp %convert_element_type3A_1433 : vector<8x1xi32> to vector<8x1xf32>
    %slice3A_1435 = vector.extract_strided_slice %get3A_10 {offsets = [56, 0], sizes = [8, 128], strides = [1, 1]} : vector<128x128xf32> to vector<8x128xf32>
    %mul3A_1436 = vector.broadcast %convert_element_type3A_1434 : vector<8x1xf32> to vector<8x128xf32>
    %mul3A_1437 = arith.mulf %slice3A_1435, %mul3A_1436 : vector<8x128xf32>
    %swap3A_1438 = arith.constant 472 : index
    %swap3A_1439 = arith.constant 0 : index
    %swap3A_1440 = vector.load %arg5[%swap3A_1438, %swap3A_1439] : memref<1024x128xf32, #tpu.memory_space<vmem>>, vector<8x128xf32>
    tpu.vector_store %arg5[%swap3A_1438, %swap3A_1439], %mul3A_1437 {strides = array<i32>} : memref<1024x128xf32, #tpu.memory_space<vmem>>, vector<8x128xf32>,
    %mul3A_1441 = arith.constant 128 : i32
    %mul3A_1442 = arith.muli %shift_right_arithmetic3A_1429, %mul3A_1441 : i32
    %multiple_of3A_1443 = tpu.assume_multiple %mul3A_1442, 128 : i32
    %dma_start3A_1444 = arith.constant 56 : i32
    %dma_start3A_1445 = tpu.memref_slice %arg3[%dma_start3A_1444, %multiple_of3A_1443] : memref<128x32768xf32, #tpu.memory_space<any>> -> memref<8x128xf32, #tpu.memory_space<any>>
    %dma_start3A_1446 = arith.constant 472 : i32
    %dma_start3A_1447 = arith.constant 0 : i32
    %dma_start3A_1448 = tpu.memref_slice %arg5[%dma_start3A_1446, %dma_start3A_1447] : memref<1024x128xf32, #tpu.memory_space<vmem>> -> memref<8x128xf32, #tpu.memory_space<vmem>>
    tpu.enqueue_dma source(%dma_start3A_1448 : memref<8x128xf32, #tpu.memory_space<vmem>>) target(%dma_start3A_1445 : memref<8x128xf32, #tpu.memory_space<any>>) target_semaphore(%arg6 : memref<!tpu.dma_semaphore, #tpu.memory_space<semaphore_mem>>)
    %get3A_1449 = arith.constant 60 : index
    %get3A_1450 = arith.constant 0 : index
    %get3A_1451 = memref.load %arg1[%get3A_1449, %get3A_1450] : memref<128x1xi32, #tpu.memory_space<smem>>
    %shift_right_arithmetic3A_1452 = arith.constant 7 : i32
    %shift_right_arithmetic3A_1453 = arith.shrsi %get3A_1451, %shift_right_arithmetic3A_1452 : i32
    %slice3A_1454 = vector.extract_strided_slice %shift_right_arithmetic3A_12 {offsets = [56, 0], sizes = [8, 1], strides = [1, 1]} : vector<128x1xi32> to vector<8x1xi32>
    %eq3A_1455 = vector.broadcast %shift_right_arithmetic3A_1453 : i32 to vector<8x1xi32>
    %eq3A_1456 = arith.cmpi eq, %slice3A_1454, %eq3A_1455 : vector<8x1xi32>
    %convert_element_type3A_1457 = arith.extui %eq3A_1456 : vector<8x1xi1> to vector<8x1xi32>
    %convert_element_type3A_1458 = arith.sitofp %convert_element_type3A_1457 : vector<8x1xi32> to vector<8x1xf32>
    %slice3A_1459 = vector.extract_strided_slice %get3A_10 {offsets = [56, 0], sizes = [8, 128], strides = [1, 1]} : vector<128x128xf32> to vector<8x128xf32>
    %mul3A_1460 = vector.broadcast %convert_element_type3A_1458 : vector<8x1xf32> to vector<8x128xf32>
    %mul3A_1461 = arith.mulf %slice3A_1459, %mul3A_1460 : vector<8x128xf32>
    %swap3A_1462 = arith.constant 480 : index
    %swap3A_1463 = arith.constant 0 : index
    %swap3A_1464 = vector.load %arg5[%swap3A_1462, %swap3A_1463] : memref<1024x128xf32, #tpu.memory_space<vmem>>, vector<8x128xf32>
    tpu.vector_store %arg5[%swap3A_1462, %swap3A_1463], %mul3A_1461 {strides = array<i32>} : memref<1024x128xf32, #tpu.memory_space<vmem>>, vector<8x128xf32>,
    %mul3A_1465 = arith.constant 128 : i32
    %mul3A_1466 = arith.muli %shift_right_arithmetic3A_1453, %mul3A_1465 : i32
    %multiple_of3A_1467 = tpu.assume_multiple %mul3A_1466, 128 : i32
    %dma_start3A_1468 = arith.constant 56 : i32
    %dma_start3A_1469 = tpu.memref_slice %arg3[%dma_start3A_1468, %multiple_of3A_1467] : memref<128x32768xf32, #tpu.memory_space<any>> -> memref<8x128xf32, #tpu.memory_space<any>>
    %dma_start3A_1470 = arith.constant 480 : i32
    %dma_start3A_1471 = arith.constant 0 : i32
    %dma_start3A_1472 = tpu.memref_slice %arg5[%dma_start3A_1470, %dma_start3A_1471] : memref<1024x128xf32, #tpu.memory_space<vmem>> -> memref<8x128xf32, #tpu.memory_space<vmem>>
    tpu.enqueue_dma source(%dma_start3A_1472 : memref<8x128xf32, #tpu.memory_space<vmem>>) target(%dma_start3A_1469 : memref<8x128xf32, #tpu.memory_space<any>>) target_semaphore(%arg6 : memref<!tpu.dma_semaphore, #tpu.memory_space<semaphore_mem>>)
    %get3A_1473 = arith.constant 61 : index
    %get3A_1474 = arith.constant 0 : index
    %get3A_1475 = memref.load %arg1[%get3A_1473, %get3A_1474] : memref<128x1xi32, #tpu.memory_space<smem>>
    %shift_right_arithmetic3A_1476 = arith.constant 7 : i32
    %shift_right_arithmetic3A_1477 = arith.shrsi %get3A_1475, %shift_right_arithmetic3A_1476 : i32
    %slice3A_1478 = vector.extract_strided_slice %shift_right_arithmetic3A_12 {offsets = [56, 0], sizes = [8, 1], strides = [1, 1]} : vector<128x1xi32> to vector<8x1xi32>
    %eq3A_1479 = vector.broadcast %shift_right_arithmetic3A_1477 : i32 to vector<8x1xi32>
    %eq3A_1480 = arith.cmpi eq, %slice3A_1478, %eq3A_1479 : vector<8x1xi32>
    %convert_element_type3A_1481 = arith.extui %eq3A_1480 : vector<8x1xi1> to vector<8x1xi32>
    %convert_element_type3A_1482 = arith.sitofp %convert_element_type3A_1481 : vector<8x1xi32> to vector<8x1xf32>
    %slice3A_1483 = vector.extract_strided_slice %get3A_10 {offsets = [56, 0], sizes = [8, 128], strides = [1, 1]} : vector<128x128xf32> to vector<8x128xf32>
    %mul3A_1484 = vector.broadcast %convert_element_type3A_1482 : vector<8x1xf32> to vector<8x128xf32>
    %mul3A_1485 = arith.mulf %slice3A_1483, %mul3A_1484 : vector<8x128xf32>
    %swap3A_1486 = arith.constant 488 : index
    %swap3A_1487 = arith.constant 0 : index
    %swap3A_1488 = vector.load %arg5[%swap3A_1486, %swap3A_1487] : memref<1024x128xf32, #tpu.memory_space<vmem>>, vector<8x128xf32>
    tpu.vector_store %arg5[%swap3A_1486, %swap3A_1487], %mul3A_1485 {strides = array<i32>} : memref<1024x128xf32, #tpu.memory_space<vmem>>, vector<8x128xf32>,
    %mul3A_1489 = arith.constant 128 : i32
    %mul3A_1490 = arith.muli %shift_right_arithmetic3A_1477, %mul3A_1489 : i32
    %multiple_of3A_1491 = tpu.assume_multiple %mul3A_1490, 128 : i32
    %dma_start3A_1492 = arith.constant 56 : i32
    %dma_start3A_1493 = tpu.memref_slice %arg3[%dma_start3A_1492, %multiple_of3A_1491] : memref<128x32768xf32, #tpu.memory_space<any>> -> memref<8x128xf32, #tpu.memory_space<any>>
    %dma_start3A_1494 = arith.constant 488 : i32
    %dma_start3A_1495 = arith.constant 0 : i32
    %dma_start3A_1496 = tpu.memref_slice %arg5[%dma_start3A_1494, %dma_start3A_1495] : memref<1024x128xf32, #tpu.memory_space<vmem>> -> memref<8x128xf32, #tpu.memory_space<vmem>>
    tpu.enqueue_dma source(%dma_start3A_1496 : memref<8x128xf32, #tpu.memory_space<vmem>>) target(%dma_start3A_1493 : memref<8x128xf32, #tpu.memory_space<any>>) target_semaphore(%arg6 : memref<!tpu.dma_semaphore, #tpu.memory_space<semaphore_mem>>)
    %get3A_1497 = arith.constant 62 : index
    %get3A_1498 = arith.constant 0 : index
    %get3A_1499 = memref.load %arg1[%get3A_1497, %get3A_1498] : memref<128x1xi32, #tpu.memory_space<smem>>
    %shift_right_arithmetic3A_1500 = arith.constant 7 : i32
    %shift_right_arithmetic3A_1501 = arith.shrsi %get3A_1499, %shift_right_arithmetic3A_1500 : i32
    %slice3A_1502 = vector.extract_strided_slice %shift_right_arithmetic3A_12 {offsets = [56, 0], sizes = [8, 1], strides = [1, 1]} : vector<128x1xi32> to vector<8x1xi32>
    %eq3A_1503 = vector.broadcast %shift_right_arithmetic3A_1501 : i32 to vector<8x1xi32>
    %eq3A_1504 = arith.cmpi eq, %slice3A_1502, %eq3A_1503 : vector<8x1xi32>
    %convert_element_type3A_1505 = arith.extui %eq3A_1504 : vector<8x1xi1> to vector<8x1xi32>
    %convert_element_type3A_1506 = arith.sitofp %convert_element_type3A_1505 : vector<8x1xi32> to vector<8x1xf32>
    %slice3A_1507 = vector.extract_strided_slice %get3A_10 {offsets = [56, 0], sizes = [8, 128], strides = [1, 1]} : vector<128x128xf32> to vector<8x128xf32>
    %mul3A_1508 = vector.broadcast %convert_element_type3A_1506 : vector<8x1xf32> to vector<8x128xf32>
    %mul3A_1509 = arith.mulf %slice3A_1507, %mul3A_1508 : vector<8x128xf32>
    %swap3A_1510 = arith.constant 496 : index
    %swap3A_1511 = arith.constant 0 : index
    %swap3A_1512 = vector.load %arg5[%swap3A_1510, %swap3A_1511] : memref<1024x128xf32, #tpu.memory_space<vmem>>, vector<8x128xf32>
    tpu.vector_store %arg5[%swap3A_1510, %swap3A_1511], %mul3A_1509 {strides = array<i32>} : memref<1024x128xf32, #tpu.memory_space<vmem>>, vector<8x128xf32>,
    %mul3A_1513 = arith.constant 128 : i32
    %mul3A_1514 = arith.muli %shift_right_arithmetic3A_1501, %mul3A_1513 : i32
    %multiple_of3A_1515 = tpu.assume_multiple %mul3A_1514, 128 : i32
    %dma_start3A_1516 = arith.constant 56 : i32
    %dma_start3A_1517 = tpu.memref_slice %arg3[%dma_start3A_1516, %multiple_of3A_1515] : memref<128x32768xf32, #tpu.memory_space<any>> -> memref<8x128xf32, #tpu.memory_space<any>>
    %dma_start3A_1518 = arith.constant 496 : i32
    %dma_start3A_1519 = arith.constant 0 : i32
    %dma_start3A_1520 = tpu.memref_slice %arg5[%dma_start3A_1518, %dma_start3A_1519] : memref<1024x128xf32, #tpu.memory_space<vmem>> -> memref<8x128xf32, #tpu.memory_space<vmem>>
    tpu.enqueue_dma source(%dma_start3A_1520 : memref<8x128xf32, #tpu.memory_space<vmem>>) target(%dma_start3A_1517 : memref<8x128xf32, #tpu.memory_space<any>>) target_semaphore(%arg6 : memref<!tpu.dma_semaphore, #tpu.memory_space<semaphore_mem>>)
    %get3A_1521 = arith.constant 63 : index
    %get3A_1522 = arith.constant 0 : index
    %get3A_1523 = memref.load %arg1[%get3A_1521, %get3A_1522] : memref<128x1xi32, #tpu.memory_space<smem>>
    %shift_right_arithmetic3A_1524 = arith.constant 7 : i32
    %shift_right_arithmetic3A_1525 = arith.shrsi %get3A_1523, %shift_right_arithmetic3A_1524 : i32
    %slice3A_1526 = vector.extract_strided_slice %shift_right_arithmetic3A_12 {offsets = [56, 0], sizes = [8, 1], strides = [1, 1]} : vector<128x1xi32> to vector<8x1xi32>
    %eq3A_1527 = vector.broadcast %shift_right_arithmetic3A_1525 : i32 to vector<8x1xi32>
    %eq3A_1528 = arith.cmpi eq, %slice3A_1526, %eq3A_1527 : vector<8x1xi32>
    %convert_element_type3A_1529 = arith.extui %eq3A_1528 : vector<8x1xi1> to vector<8x1xi32>
    %convert_element_type3A_1530 = arith.sitofp %convert_element_type3A_1529 : vector<8x1xi32> to vector<8x1xf32>
    %slice3A_1531 = vector.extract_strided_slice %get3A_10 {offsets = [56, 0], sizes = [8, 128], strides = [1, 1]} : vector<128x128xf32> to vector<8x128xf32>
    %mul3A_1532 = vector.broadcast %convert_element_type3A_1530 : vector<8x1xf32> to vector<8x128xf32>
    %mul3A_1533 = arith.mulf %slice3A_1531, %mul3A_1532 : vector<8x128xf32>
    %swap3A_1534 = arith.constant 504 : index
    %swap3A_1535 = arith.constant 0 : index
    %swap3A_1536 = vector.load %arg5[%swap3A_1534, %swap3A_1535] : memref<1024x128xf32, #tpu.memory_space<vmem>>, vector<8x128xf32>
    tpu.vector_store %arg5[%swap3A_1534, %swap3A_1535], %mul3A_1533 {strides = array<i32>} : memref<1024x128xf32, #tpu.memory_space<vmem>>, vector<8x128xf32>,
    %mul3A_1537 = arith.constant 128 : i32
    %mul3A_1538 = arith.muli %shift_right_arithmetic3A_1525, %mul3A_1537 : i32
    %multiple_of3A_1539 = tpu.assume_multiple %mul3A_1538, 128 : i32
    %dma_start3A_1540 = arith.constant 56 : i32
    %dma_start3A_1541 = tpu.memref_slice %arg3[%dma_start3A_1540, %multiple_of3A_1539] : memref<128x32768xf32, #tpu.memory_space<any>> -> memref<8x128xf32, #tpu.memory_space<any>>
    %dma_start3A_1542 = arith.constant 504 : i32
    %dma_start3A_1543 = arith.constant 0 : i32
    %dma_start3A_1544 = tpu.memref_slice %arg5[%dma_start3A_1542, %dma_start3A_1543] : memref<1024x128xf32, #tpu.memory_space<vmem>> -> memref<8x128xf32, #tpu.memory_space<vmem>>
    tpu.enqueue_dma source(%dma_start3A_1544 : memref<8x128xf32, #tpu.memory_space<vmem>>) target(%dma_start3A_1541 : memref<8x128xf32, #tpu.memory_space<any>>) target_semaphore(%arg6 : memref<!tpu.dma_semaphore, #tpu.memory_space<semaphore_mem>>)
    %get3A_1545 = arith.constant 64 : index
    %get3A_1546 = arith.constant 0 : index
    %get3A_1547 = memref.load %arg1[%get3A_1545, %get3A_1546] : memref<128x1xi32, #tpu.memory_space<smem>>
    %shift_right_arithmetic3A_1548 = arith.constant 7 : i32
    %shift_right_arithmetic3A_1549 = arith.shrsi %get3A_1547, %shift_right_arithmetic3A_1548 : i32
    %slice3A_1550 = vector.extract_strided_slice %shift_right_arithmetic3A_12 {offsets = [64, 0], sizes = [8, 1], strides = [1, 1]} : vector<128x1xi32> to vector<8x1xi32>
    %eq3A_1551 = vector.broadcast %shift_right_arithmetic3A_1549 : i32 to vector<8x1xi32>
    %eq3A_1552 = arith.cmpi eq, %slice3A_1550, %eq3A_1551 : vector<8x1xi32>
    %convert_element_type3A_1553 = arith.extui %eq3A_1552 : vector<8x1xi1> to vector<8x1xi32>
    %convert_element_type3A_1554 = arith.sitofp %convert_element_type3A_1553 : vector<8x1xi32> to vector<8x1xf32>
    %slice3A_1555 = vector.extract_strided_slice %get3A_10 {offsets = [64, 0], sizes = [8, 128], strides = [1, 1]} : vector<128x128xf32> to vector<8x128xf32>
    %mul3A_1556 = vector.broadcast %convert_element_type3A_1554 : vector<8x1xf32> to vector<8x128xf32>
    %mul3A_1557 = arith.mulf %slice3A_1555, %mul3A_1556 : vector<8x128xf32>
    %swap3A_1558 = arith.constant 512 : index
    %swap3A_1559 = arith.constant 0 : index
    %swap3A_1560 = vector.load %arg5[%swap3A_1558, %swap3A_1559] : memref<1024x128xf32, #tpu.memory_space<vmem>>, vector<8x128xf32>
    tpu.vector_store %arg5[%swap3A_1558, %swap3A_1559], %mul3A_1557 {strides = array<i32>} : memref<1024x128xf32, #tpu.memory_space<vmem>>, vector<8x128xf32>,
    %mul3A_1561 = arith.constant 128 : i32
    %mul3A_1562 = arith.muli %shift_right_arithmetic3A_1549, %mul3A_1561 : i32
    %multiple_of3A_1563 = tpu.assume_multiple %mul3A_1562, 128 : i32
    %dma_start3A_1564 = arith.constant 64 : i32
    %dma_start3A_1565 = tpu.memref_slice %arg3[%dma_start3A_1564, %multiple_of3A_1563] : memref<128x32768xf32, #tpu.memory_space<any>> -> memref<8x128xf32, #tpu.memory_space<any>>
    %dma_start3A_1566 = arith.constant 512 : i32
    %dma_start3A_1567 = arith.constant 0 : i32
    %dma_start3A_1568 = tpu.memref_slice %arg5[%dma_start3A_1566, %dma_start3A_1567] : memref<1024x128xf32, #tpu.memory_space<vmem>> -> memref<8x128xf32, #tpu.memory_space<vmem>>
    tpu.enqueue_dma source(%dma_start3A_1568 : memref<8x128xf32, #tpu.memory_space<vmem>>) target(%dma_start3A_1565 : memref<8x128xf32, #tpu.memory_space<any>>) target_semaphore(%arg6 : memref<!tpu.dma_semaphore, #tpu.memory_space<semaphore_mem>>)
    %get3A_1569 = arith.constant 65 : index
    %get3A_1570 = arith.constant 0 : index
    %get3A_1571 = memref.load %arg1[%get3A_1569, %get3A_1570] : memref<128x1xi32, #tpu.memory_space<smem>>
    %shift_right_arithmetic3A_1572 = arith.constant 7 : i32
    %shift_right_arithmetic3A_1573 = arith.shrsi %get3A_1571, %shift_right_arithmetic3A_1572 : i32
    %slice3A_1574 = vector.extract_strided_slice %shift_right_arithmetic3A_12 {offsets = [64, 0], sizes = [8, 1], strides = [1, 1]} : vector<128x1xi32> to vector<8x1xi32>
    %eq3A_1575 = vector.broadcast %shift_right_arithmetic3A_1573 : i32 to vector<8x1xi32>
    %eq3A_1576 = arith.cmpi eq, %slice3A_1574, %eq3A_1575 : vector<8x1xi32>
    %convert_element_type3A_1577 = arith.extui %eq3A_1576 : vector<8x1xi1> to vector<8x1xi32>
    %convert_element_type3A_1578 = arith.sitofp %convert_element_type3A_1577 : vector<8x1xi32> to vector<8x1xf32>
    %slice3A_1579 = vector.extract_strided_slice %get3A_10 {offsets = [64, 0], sizes = [8, 128], strides = [1, 1]} : vector<128x128xf32> to vector<8x128xf32>
    %mul3A_1580 = vector.broadcast %convert_element_type3A_1578 : vector<8x1xf32> to vector<8x128xf32>
    %mul3A_1581 = arith.mulf %slice3A_1579, %mul3A_1580 : vector<8x128xf32>
    %swap3A_1582 = arith.constant 520 : index
    %swap3A_1583 = arith.constant 0 : index
    %swap3A_1584 = vector.load %arg5[%swap3A_1582, %swap3A_1583] : memref<1024x128xf32, #tpu.memory_space<vmem>>, vector<8x128xf32>
    tpu.vector_store %arg5[%swap3A_1582, %swap3A_1583], %mul3A_1581 {strides = array<i32>} : memref<1024x128xf32, #tpu.memory_space<vmem>>, vector<8x128xf32>,
    %mul3A_1585 = arith.constant 128 : i32
    %mul3A_1586 = arith.muli %shift_right_arithmetic3A_1573, %mul3A_1585 : i32
    %multiple_of3A_1587 = tpu.assume_multiple %mul3A_1586, 128 : i32
    %dma_start3A_1588 = arith.constant 64 : i32
    %dma_start3A_1589 = tpu.memref_slice %arg3[%dma_start3A_1588, %multiple_of3A_1587] : memref<128x32768xf32, #tpu.memory_space<any>> -> memref<8x128xf32, #tpu.memory_space<any>>
    %dma_start3A_1590 = arith.constant 520 : i32
    %dma_start3A_1591 = arith.constant 0 : i32
    %dma_start3A_1592 = tpu.memref_slice %arg5[%dma_start3A_1590, %dma_start3A_1591] : memref<1024x128xf32, #tpu.memory_space<vmem>> -> memref<8x128xf32, #tpu.memory_space<vmem>>
    tpu.enqueue_dma source(%dma_start3A_1592 : memref<8x128xf32, #tpu.memory_space<vmem>>) target(%dma_start3A_1589 : memref<8x128xf32, #tpu.memory_space<any>>) target_semaphore(%arg6 : memref<!tpu.dma_semaphore, #tpu.memory_space<semaphore_mem>>)
    %get3A_1593 = arith.constant 66 : index
    %get3A_1594 = arith.constant 0 : index
    %get3A_1595 = memref.load %arg1[%get3A_1593, %get3A_1594] : memref<128x1xi32, #tpu.memory_space<smem>>
    %shift_right_arithmetic3A_1596 = arith.constant 7 : i32
    %shift_right_arithmetic3A_1597 = arith.shrsi %get3A_1595, %shift_right_arithmetic3A_1596 : i32
    %slice3A_1598 = vector.extract_strided_slice %shift_right_arithmetic3A_12 {offsets = [64, 0], sizes = [8, 1], strides = [1, 1]} : vector<128x1xi32> to vector<8x1xi32>
    %eq3A_1599 = vector.broadcast %shift_right_arithmetic3A_1597 : i32 to vector<8x1xi32>
    %eq3A_1600 = arith.cmpi eq, %slice3A_1598, %eq3A_1599 : vector<8x1xi32>
    %convert_element_type3A_1601 = arith.extui %eq3A_1600 : vector<8x1xi1> to vector<8x1xi32>
    %convert_element_type3A_1602 = arith.sitofp %convert_element_type3A_1601 : vector<8x1xi32> to vector<8x1xf32>
    %slice3A_1603 = vector.extract_strided_slice %get3A_10 {offsets = [64, 0], sizes = [8, 128], strides = [1, 1]} : vector<128x128xf32> to vector<8x128xf32>
    %mul3A_1604 = vector.broadcast %convert_element_type3A_1602 : vector<8x1xf32> to vector<8x128xf32>
    %mul3A_1605 = arith.mulf %slice3A_1603, %mul3A_1604 : vector<8x128xf32>
    %swap3A_1606 = arith.constant 528 : index
    %swap3A_1607 = arith.constant 0 : index
    %swap3A_1608 = vector.load %arg5[%swap3A_1606, %swap3A_1607] : memref<1024x128xf32, #tpu.memory_space<vmem>>, vector<8x128xf32>
    tpu.vector_store %arg5[%swap3A_1606, %swap3A_1607], %mul3A_1605 {strides = array<i32>} : memref<1024x128xf32, #tpu.memory_space<vmem>>, vector<8x128xf32>,
    %mul3A_1609 = arith.constant 128 : i32
    %mul3A_1610 = arith.muli %shift_right_arithmetic3A_1597, %mul3A_1609 : i32
    %multiple_of3A_1611 = tpu.assume_multiple %mul3A_1610, 128 : i32
    %dma_start3A_1612 = arith.constant 64 : i32
    %dma_start3A_1613 = tpu.memref_slice %arg3[%dma_start3A_1612, %multiple_of3A_1611] : memref<128x32768xf32, #tpu.memory_space<any>> -> memref<8x128xf32, #tpu.memory_space<any>>
    %dma_start3A_1614 = arith.constant 528 : i32
    %dma_start3A_1615 = arith.constant 0 : i32
    %dma_start3A_1616 = tpu.memref_slice %arg5[%dma_start3A_1614, %dma_start3A_1615] : memref<1024x128xf32, #tpu.memory_space<vmem>> -> memref<8x128xf32, #tpu.memory_space<vmem>>
    tpu.enqueue_dma source(%dma_start3A_1616 : memref<8x128xf32, #tpu.memory_space<vmem>>) target(%dma_start3A_1613 : memref<8x128xf32, #tpu.memory_space<any>>) target_semaphore(%arg6 : memref<!tpu.dma_semaphore, #tpu.memory_space<semaphore_mem>>)
    %get3A_1617 = arith.constant 67 : index
    %get3A_1618 = arith.constant 0 : index
    %get3A_1619 = memref.load %arg1[%get3A_1617, %get3A_1618] : memref<128x1xi32, #tpu.memory_space<smem>>
    %shift_right_arithmetic3A_1620 = arith.constant 7 : i32
    %shift_right_arithmetic3A_1621 = arith.shrsi %get3A_1619, %shift_right_arithmetic3A_1620 : i32
    %slice3A_1622 = vector.extract_strided_slice %shift_right_arithmetic3A_12 {offsets = [64, 0], sizes = [8, 1], strides = [1, 1]} : vector<128x1xi32> to vector<8x1xi32>
    %eq3A_1623 = vector.broadcast %shift_right_arithmetic3A_1621 : i32 to vector<8x1xi32>
    %eq3A_1624 = arith.cmpi eq, %slice3A_1622, %eq3A_1623 : vector<8x1xi32>
    %convert_element_type3A_1625 = arith.extui %eq3A_1624 : vector<8x1xi1> to vector<8x1xi32>
    %convert_element_type3A_1626 = arith.sitofp %convert_element_type3A_1625 : vector<8x1xi32> to vector<8x1xf32>
    %slice3A_1627 = vector.extract_strided_slice %get3A_10 {offsets = [64, 0], sizes = [8, 128], strides = [1, 1]} : vector<128x128xf32> to vector<8x128xf32>
    %mul3A_1628 = vector.broadcast %convert_element_type3A_1626 : vector<8x1xf32> to vector<8x128xf32>
    %mul3A_1629 = arith.mulf %slice3A_1627, %mul3A_1628 : vector<8x128xf32>
    %swap3A_1630 = arith.constant 536 : index
    %swap3A_1631 = arith.constant 0 : index
    %swap3A_1632 = vector.load %arg5[%swap3A_1630, %swap3A_1631] : memref<1024x128xf32, #tpu.memory_space<vmem>>, vector<8x128xf32>
    tpu.vector_store %arg5[%swap3A_1630, %swap3A_1631], %mul3A_1629 {strides = array<i32>} : memref<1024x128xf32, #tpu.memory_space<vmem>>, vector<8x128xf32>,
    %mul3A_1633 = arith.constant 128 : i32
    %mul3A_1634 = arith.muli %shift_right_arithmetic3A_1621, %mul3A_1633 : i32
    %multiple_of3A_1635 = tpu.assume_multiple %mul3A_1634, 128 : i32
    %dma_start3A_1636 = arith.constant 64 : i32
    %dma_start3A_1637 = tpu.memref_slice %arg3[%dma_start3A_1636, %multiple_of3A_1635] : memref<128x32768xf32, #tpu.memory_space<any>> -> memref<8x128xf32, #tpu.memory_space<any>>
    %dma_start3A_1638 = arith.constant 536 : i32
    %dma_start3A_1639 = arith.constant 0 : i32
    %dma_start3A_1640 = tpu.memref_slice %arg5[%dma_start3A_1638, %dma_start3A_1639] : memref<1024x128xf32, #tpu.memory_space<vmem>> -> memref<8x128xf32, #tpu.memory_space<vmem>>
    tpu.enqueue_dma source(%dma_start3A_1640 : memref<8x128xf32, #tpu.memory_space<vmem>>) target(%dma_start3A_1637 : memref<8x128xf32, #tpu.memory_space<any>>) target_semaphore(%arg6 : memref<!tpu.dma_semaphore, #tpu.memory_space<semaphore_mem>>)
    %get3A_1641 = arith.constant 68 : index
    %get3A_1642 = arith.constant 0 : index
    %get3A_1643 = memref.load %arg1[%get3A_1641, %get3A_1642] : memref<128x1xi32, #tpu.memory_space<smem>>
    %shift_right_arithmetic3A_1644 = arith.constant 7 : i32
    %shift_right_arithmetic3A_1645 = arith.shrsi %get3A_1643, %shift_right_arithmetic3A_1644 : i32
    %slice3A_1646 = vector.extract_strided_slice %shift_right_arithmetic3A_12 {offsets = [64, 0], sizes = [8, 1], strides = [1, 1]} : vector<128x1xi32> to vector<8x1xi32>
    %eq3A_1647 = vector.broadcast %shift_right_arithmetic3A_1645 : i32 to vector<8x1xi32>
    %eq3A_1648 = arith.cmpi eq, %slice3A_1646, %eq3A_1647 : vector<8x1xi32>
    %convert_element_type3A_1649 = arith.extui %eq3A_1648 : vector<8x1xi1> to vector<8x1xi32>
    %convert_element_type3A_1650 = arith.sitofp %convert_element_type3A_1649 : vector<8x1xi32> to vector<8x1xf32>
    %slice3A_1651 = vector.extract_strided_slice %get3A_10 {offsets = [64, 0], sizes = [8, 128], strides = [1, 1]} : vector<128x128xf32> to vector<8x128xf32>
    %mul3A_1652 = vector.broadcast %convert_element_type3A_1650 : vector<8x1xf32> to vector<8x128xf32>
    %mul3A_1653 = arith.mulf %slice3A_1651, %mul3A_1652 : vector<8x128xf32>
    %swap3A_1654 = arith.constant 544 : index
    %swap3A_1655 = arith.constant 0 : index
    %swap3A_1656 = vector.load %arg5[%swap3A_1654, %swap3A_1655] : memref<1024x128xf32, #tpu.memory_space<vmem>>, vector<8x128xf32>
    tpu.vector_store %arg5[%swap3A_1654, %swap3A_1655], %mul3A_1653 {strides = array<i32>} : memref<1024x128xf32, #tpu.memory_space<vmem>>, vector<8x128xf32>,
    %mul3A_1657 = arith.constant 128 : i32
    %mul3A_1658 = arith.muli %shift_right_arithmetic3A_1645, %mul3A_1657 : i32
    %multiple_of3A_1659 = tpu.assume_multiple %mul3A_1658, 128 : i32
    %dma_start3A_1660 = arith.constant 64 : i32
    %dma_start3A_1661 = tpu.memref_slice %arg3[%dma_start3A_1660, %multiple_of3A_1659] : memref<128x32768xf32, #tpu.memory_space<any>> -> memref<8x128xf32, #tpu.memory_space<any>>
    %dma_start3A_1662 = arith.constant 544 : i32
    %dma_start3A_1663 = arith.constant 0 : i32
    %dma_start3A_1664 = tpu.memref_slice %arg5[%dma_start3A_1662, %dma_start3A_1663] : memref<1024x128xf32, #tpu.memory_space<vmem>> -> memref<8x128xf32, #tpu.memory_space<vmem>>
    tpu.enqueue_dma source(%dma_start3A_1664 : memref<8x128xf32, #tpu.memory_space<vmem>>) target(%dma_start3A_1661 : memref<8x128xf32, #tpu.memory_space<any>>) target_semaphore(%arg6 : memref<!tpu.dma_semaphore, #tpu.memory_space<semaphore_mem>>)
    %get3A_1665 = arith.constant 69 : index
    %get3A_1666 = arith.constant 0 : index
    %get3A_1667 = memref.load %arg1[%get3A_1665, %get3A_1666] : memref<128x1xi32, #tpu.memory_space<smem>>
    %shift_right_arithmetic3A_1668 = arith.constant 7 : i32
    %shift_right_arithmetic3A_1669 = arith.shrsi %get3A_1667, %shift_right_arithmetic3A_1668 : i32
    %slice3A_1670 = vector.extract_strided_slice %shift_right_arithmetic3A_12 {offsets = [64, 0], sizes = [8, 1], strides = [1, 1]} : vector<128x1xi32> to vector<8x1xi32>
    %eq3A_1671 = vector.broadcast %shift_right_arithmetic3A_1669 : i32 to vector<8x1xi32>
    %eq3A_1672 = arith.cmpi eq, %slice3A_1670, %eq3A_1671 : vector<8x1xi32>
    %convert_element_type3A_1673 = arith.extui %eq3A_1672 : vector<8x1xi1> to vector<8x1xi32>
    %convert_element_type3A_1674 = arith.sitofp %convert_element_type3A_1673 : vector<8x1xi32> to vector<8x1xf32>
    %slice3A_1675 = vector.extract_strided_slice %get3A_10 {offsets = [64, 0], sizes = [8, 128], strides = [1, 1]} : vector<128x128xf32> to vector<8x128xf32>
    %mul3A_1676 = vector.broadcast %convert_element_type3A_1674 : vector<8x1xf32> to vector<8x128xf32>
    %mul3A_1677 = arith.mulf %slice3A_1675, %mul3A_1676 : vector<8x128xf32>
    %swap3A_1678 = arith.constant 552 : index
    %swap3A_1679 = arith.constant 0 : index
    %swap3A_1680 = vector.load %arg5[%swap3A_1678, %swap3A_1679] : memref<1024x128xf32, #tpu.memory_space<vmem>>, vector<8x128xf32>
    tpu.vector_store %arg5[%swap3A_1678, %swap3A_1679], %mul3A_1677 {strides = array<i32>} : memref<1024x128xf32, #tpu.memory_space<vmem>>, vector<8x128xf32>,
    %mul3A_1681 = arith.constant 128 : i32
    %mul3A_1682 = arith.muli %shift_right_arithmetic3A_1669, %mul3A_1681 : i32
    %multiple_of3A_1683 = tpu.assume_multiple %mul3A_1682, 128 : i32
    %dma_start3A_1684 = arith.constant 64 : i32
    %dma_start3A_1685 = tpu.memref_slice %arg3[%dma_start3A_1684, %multiple_of3A_1683] : memref<128x32768xf32, #tpu.memory_space<any>> -> memref<8x128xf32, #tpu.memory_space<any>>
    %dma_start3A_1686 = arith.constant 552 : i32
    %dma_start3A_1687 = arith.constant 0 : i32
    %dma_start3A_1688 = tpu.memref_slice %arg5[%dma_start3A_1686, %dma_start3A_1687] : memref<1024x128xf32, #tpu.memory_space<vmem>> -> memref<8x128xf32, #tpu.memory_space<vmem>>
    tpu.enqueue_dma source(%dma_start3A_1688 : memref<8x128xf32, #tpu.memory_space<vmem>>) target(%dma_start3A_1685 : memref<8x128xf32, #tpu.memory_space<any>>) target_semaphore(%arg6 : memref<!tpu.dma_semaphore, #tpu.memory_space<semaphore_mem>>)
    %get3A_1689 = arith.constant 70 : index
    %get3A_1690 = arith.constant 0 : index
    %get3A_1691 = memref.load %arg1[%get3A_1689, %get3A_1690] : memref<128x1xi32, #tpu.memory_space<smem>>
    %shift_right_arithmetic3A_1692 = arith.constant 7 : i32
    %shift_right_arithmetic3A_1693 = arith.shrsi %get3A_1691, %shift_right_arithmetic3A_1692 : i32
    %slice3A_1694 = vector.extract_strided_slice %shift_right_arithmetic3A_12 {offsets = [64, 0], sizes = [8, 1], strides = [1, 1]} : vector<128x1xi32> to vector<8x1xi32>
    %eq3A_1695 = vector.broadcast %shift_right_arithmetic3A_1693 : i32 to vector<8x1xi32>
    %eq3A_1696 = arith.cmpi eq, %slice3A_1694, %eq3A_1695 : vector<8x1xi32>
    %convert_element_type3A_1697 = arith.extui %eq3A_1696 : vector<8x1xi1> to vector<8x1xi32>
    %convert_element_type3A_1698 = arith.sitofp %convert_element_type3A_1697 : vector<8x1xi32> to vector<8x1xf32>
    %slice3A_1699 = vector.extract_strided_slice %get3A_10 {offsets = [64, 0], sizes = [8, 128], strides = [1, 1]} : vector<128x128xf32> to vector<8x128xf32>
    %mul3A_1700 = vector.broadcast %convert_element_type3A_1698 : vector<8x1xf32> to vector<8x128xf32>
    %mul3A_1701 = arith.mulf %slice3A_1699, %mul3A_1700 : vector<8x128xf32>
    %swap3A_1702 = arith.constant 560 : index
    %swap3A_1703 = arith.constant 0 : index
    %swap3A_1704 = vector.load %arg5[%swap3A_1702, %swap3A_1703] : memref<1024x128xf32, #tpu.memory_space<vmem>>, vector<8x128xf32>
    tpu.vector_store %arg5[%swap3A_1702, %swap3A_1703], %mul3A_1701 {strides = array<i32>} : memref<1024x128xf32, #tpu.memory_space<vmem>>, vector<8x128xf32>,
    %mul3A_1705 = arith.constant 128 : i32
    %mul3A_1706 = arith.muli %shift_right_arithmetic3A_1693, %mul3A_1705 : i32
    %multiple_of3A_1707 = tpu.assume_multiple %mul3A_1706, 128 : i32
    %dma_start3A_1708 = arith.constant 64 : i32
    %dma_start3A_1709 = tpu.memref_slice %arg3[%dma_start3A_1708, %multiple_of3A_1707] : memref<128x32768xf32, #tpu.memory_space<any>> -> memref<8x128xf32, #tpu.memory_space<any>>
    %dma_start3A_1710 = arith.constant 560 : i32
    %dma_start3A_1711 = arith.constant 0 : i32
    %dma_start3A_1712 = tpu.memref_slice %arg5[%dma_start3A_1710, %dma_start3A_1711] : memref<1024x128xf32, #tpu.memory_space<vmem>> -> memref<8x128xf32, #tpu.memory_space<vmem>>
    tpu.enqueue_dma source(%dma_start3A_1712 : memref<8x128xf32, #tpu.memory_space<vmem>>) target(%dma_start3A_1709 : memref<8x128xf32, #tpu.memory_space<any>>) target_semaphore(%arg6 : memref<!tpu.dma_semaphore, #tpu.memory_space<semaphore_mem>>)
    %get3A_1713 = arith.constant 71 : index
    %get3A_1714 = arith.constant 0 : index
    %get3A_1715 = memref.load %arg1[%get3A_1713, %get3A_1714] : memref<128x1xi32, #tpu.memory_space<smem>>
    %shift_right_arithmetic3A_1716 = arith.constant 7 : i32
    %shift_right_arithmetic3A_1717 = arith.shrsi %get3A_1715, %shift_right_arithmetic3A_1716 : i32
    %slice3A_1718 = vector.extract_strided_slice %shift_right_arithmetic3A_12 {offsets = [64, 0], sizes = [8, 1], strides = [1, 1]} : vector<128x1xi32> to vector<8x1xi32>
    %eq3A_1719 = vector.broadcast %shift_right_arithmetic3A_1717 : i32 to vector<8x1xi32>
    %eq3A_1720 = arith.cmpi eq, %slice3A_1718, %eq3A_1719 : vector<8x1xi32>
    %convert_element_type3A_1721 = arith.extui %eq3A_1720 : vector<8x1xi1> to vector<8x1xi32>
    %convert_element_type3A_1722 = arith.sitofp %convert_element_type3A_1721 : vector<8x1xi32> to vector<8x1xf32>
    %slice3A_1723 = vector.extract_strided_slice %get3A_10 {offsets = [64, 0], sizes = [8, 128], strides = [1, 1]} : vector<128x128xf32> to vector<8x128xf32>
    %mul3A_1724 = vector.broadcast %convert_element_type3A_1722 : vector<8x1xf32> to vector<8x128xf32>
    %mul3A_1725 = arith.mulf %slice3A_1723, %mul3A_1724 : vector<8x128xf32>
    %swap3A_1726 = arith.constant 568 : index
    %swap3A_1727 = arith.constant 0 : index
    %swap3A_1728 = vector.load %arg5[%swap3A_1726, %swap3A_1727] : memref<1024x128xf32, #tpu.memory_space<vmem>>, vector<8x128xf32>
    tpu.vector_store %arg5[%swap3A_1726, %swap3A_1727], %mul3A_1725 {strides = array<i32>} : memref<1024x128xf32, #tpu.memory_space<vmem>>, vector<8x128xf32>,
    %mul3A_1729 = arith.constant 128 : i32
    %mul3A_1730 = arith.muli %shift_right_arithmetic3A_1717, %mul3A_1729 : i32
    %multiple_of3A_1731 = tpu.assume_multiple %mul3A_1730, 128 : i32
    %dma_start3A_1732 = arith.constant 64 : i32
    %dma_start3A_1733 = tpu.memref_slice %arg3[%dma_start3A_1732, %multiple_of3A_1731] : memref<128x32768xf32, #tpu.memory_space<any>> -> memref<8x128xf32, #tpu.memory_space<any>>
    %dma_start3A_1734 = arith.constant 568 : i32
    %dma_start3A_1735 = arith.constant 0 : i32
    %dma_start3A_1736 = tpu.memref_slice %arg5[%dma_start3A_1734, %dma_start3A_1735] : memref<1024x128xf32, #tpu.memory_space<vmem>> -> memref<8x128xf32, #tpu.memory_space<vmem>>
    tpu.enqueue_dma source(%dma_start3A_1736 : memref<8x128xf32, #tpu.memory_space<vmem>>) target(%dma_start3A_1733 : memref<8x128xf32, #tpu.memory_space<any>>) target_semaphore(%arg6 : memref<!tpu.dma_semaphore, #tpu.memory_space<semaphore_mem>>)
    %get3A_1737 = arith.constant 72 : index
    %get3A_1738 = arith.constant 0 : index
    %get3A_1739 = memref.load %arg1[%get3A_1737, %get3A_1738] : memref<128x1xi32, #tpu.memory_space<smem>>
    %shift_right_arithmetic3A_1740 = arith.constant 7 : i32
    %shift_right_arithmetic3A_1741 = arith.shrsi %get3A_1739, %shift_right_arithmetic3A_1740 : i32
    %slice3A_1742 = vector.extract_strided_slice %shift_right_arithmetic3A_12 {offsets = [72, 0], sizes = [8, 1], strides = [1, 1]} : vector<128x1xi32> to vector<8x1xi32>
    %eq3A_1743 = vector.broadcast %shift_right_arithmetic3A_1741 : i32 to vector<8x1xi32>
    %eq3A_1744 = arith.cmpi eq, %slice3A_1742, %eq3A_1743 : vector<8x1xi32>
    %convert_element_type3A_1745 = arith.extui %eq3A_1744 : vector<8x1xi1> to vector<8x1xi32>
    %convert_element_type3A_1746 = arith.sitofp %convert_element_type3A_1745 : vector<8x1xi32> to vector<8x1xf32>
    %slice3A_1747 = vector.extract_strided_slice %get3A_10 {offsets = [72, 0], sizes = [8, 128], strides = [1, 1]} : vector<128x128xf32> to vector<8x128xf32>
    %mul3A_1748 = vector.broadcast %convert_element_type3A_1746 : vector<8x1xf32> to vector<8x128xf32>
    %mul3A_1749 = arith.mulf %slice3A_1747, %mul3A_1748 : vector<8x128xf32>
    %swap3A_1750 = arith.constant 576 : index
    %swap3A_1751 = arith.constant 0 : index
    %swap3A_1752 = vector.load %arg5[%swap3A_1750, %swap3A_1751] : memref<1024x128xf32, #tpu.memory_space<vmem>>, vector<8x128xf32>
    tpu.vector_store %arg5[%swap3A_1750, %swap3A_1751], %mul3A_1749 {strides = array<i32>} : memref<1024x128xf32, #tpu.memory_space<vmem>>, vector<8x128xf32>,
    %mul3A_1753 = arith.constant 128 : i32
    %mul3A_1754 = arith.muli %shift_right_arithmetic3A_1741, %mul3A_1753 : i32
    %multiple_of3A_1755 = tpu.assume_multiple %mul3A_1754, 128 : i32
    %dma_start3A_1756 = arith.constant 72 : i32
    %dma_start3A_1757 = tpu.memref_slice %arg3[%dma_start3A_1756, %multiple_of3A_1755] : memref<128x32768xf32, #tpu.memory_space<any>> -> memref<8x128xf32, #tpu.memory_space<any>>
    %dma_start3A_1758 = arith.constant 576 : i32
    %dma_start3A_1759 = arith.constant 0 : i32
    %dma_start3A_1760 = tpu.memref_slice %arg5[%dma_start3A_1758, %dma_start3A_1759] : memref<1024x128xf32, #tpu.memory_space<vmem>> -> memref<8x128xf32, #tpu.memory_space<vmem>>
    tpu.enqueue_dma source(%dma_start3A_1760 : memref<8x128xf32, #tpu.memory_space<vmem>>) target(%dma_start3A_1757 : memref<8x128xf32, #tpu.memory_space<any>>) target_semaphore(%arg6 : memref<!tpu.dma_semaphore, #tpu.memory_space<semaphore_mem>>)
    %get3A_1761 = arith.constant 73 : index
    %get3A_1762 = arith.constant 0 : index
    %get3A_1763 = memref.load %arg1[%get3A_1761, %get3A_1762] : memref<128x1xi32, #tpu.memory_space<smem>>
    %shift_right_arithmetic3A_1764 = arith.constant 7 : i32
    %shift_right_arithmetic3A_1765 = arith.shrsi %get3A_1763, %shift_right_arithmetic3A_1764 : i32
    %slice3A_1766 = vector.extract_strided_slice %shift_right_arithmetic3A_12 {offsets = [72, 0], sizes = [8, 1], strides = [1, 1]} : vector<128x1xi32> to vector<8x1xi32>
    %eq3A_1767 = vector.broadcast %shift_right_arithmetic3A_1765 : i32 to vector<8x1xi32>
    %eq3A_1768 = arith.cmpi eq, %slice3A_1766, %eq3A_1767 : vector<8x1xi32>
    %convert_element_type3A_1769 = arith.extui %eq3A_1768 : vector<8x1xi1> to vector<8x1xi32>
    %convert_element_type3A_1770 = arith.sitofp %convert_element_type3A_1769 : vector<8x1xi32> to vector<8x1xf32>
    %slice3A_1771 = vector.extract_strided_slice %get3A_10 {offsets = [72, 0], sizes = [8, 128], strides = [1, 1]} : vector<128x128xf32> to vector<8x128xf32>
    %mul3A_1772 = vector.broadcast %convert_element_type3A_1770 : vector<8x1xf32> to vector<8x128xf32>
    %mul3A_1773 = arith.mulf %slice3A_1771, %mul3A_1772 : vector<8x128xf32>
    %swap3A_1774 = arith.constant 584 : index
    %swap3A_1775 = arith.constant 0 : index
    %swap3A_1776 = vector.load %arg5[%swap3A_1774, %swap3A_1775] : memref<1024x128xf32, #tpu.memory_space<vmem>>, vector<8x128xf32>
    tpu.vector_store %arg5[%swap3A_1774, %swap3A_1775], %mul3A_1773 {strides = array<i32>} : memref<1024x128xf32, #tpu.memory_space<vmem>>, vector<8x128xf32>,
    %mul3A_1777 = arith.constant 128 : i32
    %mul3A_1778 = arith.muli %shift_right_arithmetic3A_1765, %mul3A_1777 : i32
    %multiple_of3A_1779 = tpu.assume_multiple %mul3A_1778, 128 : i32
    %dma_start3A_1780 = arith.constant 72 : i32
    %dma_start3A_1781 = tpu.memref_slice %arg3[%dma_start3A_1780, %multiple_of3A_1779] : memref<128x32768xf32, #tpu.memory_space<any>> -> memref<8x128xf32, #tpu.memory_space<any>>
    %dma_start3A_1782 = arith.constant 584 : i32
    %dma_start3A_1783 = arith.constant 0 : i32
    %dma_start3A_1784 = tpu.memref_slice %arg5[%dma_start3A_1782, %dma_start3A_1783] : memref<1024x128xf32, #tpu.memory_space<vmem>> -> memref<8x128xf32, #tpu.memory_space<vmem>>
    tpu.enqueue_dma source(%dma_start3A_1784 : memref<8x128xf32, #tpu.memory_space<vmem>>) target(%dma_start3A_1781 : memref<8x128xf32, #tpu.memory_space<any>>) target_semaphore(%arg6 : memref<!tpu.dma_semaphore, #tpu.memory_space<semaphore_mem>>)
    %get3A_1785 = arith.constant 74 : index
    %get3A_1786 = arith.constant 0 : index
    %get3A_1787 = memref.load %arg1[%get3A_1785, %get3A_1786] : memref<128x1xi32, #tpu.memory_space<smem>>
    %shift_right_arithmetic3A_1788 = arith.constant 7 : i32
    %shift_right_arithmetic3A_1789 = arith.shrsi %get3A_1787, %shift_right_arithmetic3A_1788 : i32
    %slice3A_1790 = vector.extract_strided_slice %shift_right_arithmetic3A_12 {offsets = [72, 0], sizes = [8, 1], strides = [1, 1]} : vector<128x1xi32> to vector<8x1xi32>
    %eq3A_1791 = vector.broadcast %shift_right_arithmetic3A_1789 : i32 to vector<8x1xi32>
    %eq3A_1792 = arith.cmpi eq, %slice3A_1790, %eq3A_1791 : vector<8x1xi32>
    %convert_element_type3A_1793 = arith.extui %eq3A_1792 : vector<8x1xi1> to vector<8x1xi32>
    %convert_element_type3A_1794 = arith.sitofp %convert_element_type3A_1793 : vector<8x1xi32> to vector<8x1xf32>
    %slice3A_1795 = vector.extract_strided_slice %get3A_10 {offsets = [72, 0], sizes = [8, 128], strides = [1, 1]} : vector<128x128xf32> to vector<8x128xf32>
    %mul3A_1796 = vector.broadcast %convert_element_type3A_1794 : vector<8x1xf32> to vector<8x128xf32>
    %mul3A_1797 = arith.mulf %slice3A_1795, %mul3A_1796 : vector<8x128xf32>
    %swap3A_1798 = arith.constant 592 : index
    %swap3A_1799 = arith.constant 0 : index
    %swap3A_1800 = vector.load %arg5[%swap3A_1798, %swap3A_1799] : memref<1024x128xf32, #tpu.memory_space<vmem>>, vector<8x128xf32>
    tpu.vector_store %arg5[%swap3A_1798, %swap3A_1799], %mul3A_1797 {strides = array<i32>} : memref<1024x128xf32, #tpu.memory_space<vmem>>, vector<8x128xf32>,
    %mul3A_1801 = arith.constant 128 : i32
    %mul3A_1802 = arith.muli %shift_right_arithmetic3A_1789, %mul3A_1801 : i32
    %multiple_of3A_1803 = tpu.assume_multiple %mul3A_1802, 128 : i32
    %dma_start3A_1804 = arith.constant 72 : i32
    %dma_start3A_1805 = tpu.memref_slice %arg3[%dma_start3A_1804, %multiple_of3A_1803] : memref<128x32768xf32, #tpu.memory_space<any>> -> memref<8x128xf32, #tpu.memory_space<any>>
    %dma_start3A_1806 = arith.constant 592 : i32
    %dma_start3A_1807 = arith.constant 0 : i32
    %dma_start3A_1808 = tpu.memref_slice %arg5[%dma_start3A_1806, %dma_start3A_1807] : memref<1024x128xf32, #tpu.memory_space<vmem>> -> memref<8x128xf32, #tpu.memory_space<vmem>>
    tpu.enqueue_dma source(%dma_start3A_1808 : memref<8x128xf32, #tpu.memory_space<vmem>>) target(%dma_start3A_1805 : memref<8x128xf32, #tpu.memory_space<any>>) target_semaphore(%arg6 : memref<!tpu.dma_semaphore, #tpu.memory_space<semaphore_mem>>)
    %get3A_1809 = arith.constant 75 : index
    %get3A_1810 = arith.constant 0 : index
    %get3A_1811 = memref.load %arg1[%get3A_1809, %get3A_1810] : memref<128x1xi32, #tpu.memory_space<smem>>
    %shift_right_arithmetic3A_1812 = arith.constant 7 : i32
    %shift_right_arithmetic3A_1813 = arith.shrsi %get3A_1811, %shift_right_arithmetic3A_1812 : i32
    %slice3A_1814 = vector.extract_strided_slice %shift_right_arithmetic3A_12 {offsets = [72, 0], sizes = [8, 1], strides = [1, 1]} : vector<128x1xi32> to vector<8x1xi32>
    %eq3A_1815 = vector.broadcast %shift_right_arithmetic3A_1813 : i32 to vector<8x1xi32>
    %eq3A_1816 = arith.cmpi eq, %slice3A_1814, %eq3A_1815 : vector<8x1xi32>
    %convert_element_type3A_1817 = arith.extui %eq3A_1816 : vector<8x1xi1> to vector<8x1xi32>
    %convert_element_type3A_1818 = arith.sitofp %convert_element_type3A_1817 : vector<8x1xi32> to vector<8x1xf32>
    %slice3A_1819 = vector.extract_strided_slice %get3A_10 {offsets = [72, 0], sizes = [8, 128], strides = [1, 1]} : vector<128x128xf32> to vector<8x128xf32>
    %mul3A_1820 = vector.broadcast %convert_element_type3A_1818 : vector<8x1xf32> to vector<8x128xf32>
    %mul3A_1821 = arith.mulf %slice3A_1819, %mul3A_1820 : vector<8x128xf32>
    %swap3A_1822 = arith.constant 600 : index
    %swap3A_1823 = arith.constant 0 : index
    %swap3A_1824 = vector.load %arg5[%swap3A_1822, %swap3A_1823] : memref<1024x128xf32, #tpu.memory_space<vmem>>, vector<8x128xf32>
    tpu.vector_store %arg5[%swap3A_1822, %swap3A_1823], %mul3A_1821 {strides = array<i32>} : memref<1024x128xf32, #tpu.memory_space<vmem>>, vector<8x128xf32>,
    %mul3A_1825 = arith.constant 128 : i32
    %mul3A_1826 = arith.muli %shift_right_arithmetic3A_1813, %mul3A_1825 : i32
    %multiple_of3A_1827 = tpu.assume_multiple %mul3A_1826, 128 : i32
    %dma_start3A_1828 = arith.constant 72 : i32
    %dma_start3A_1829 = tpu.memref_slice %arg3[%dma_start3A_1828, %multiple_of3A_1827] : memref<128x32768xf32, #tpu.memory_space<any>> -> memref<8x128xf32, #tpu.memory_space<any>>
    %dma_start3A_1830 = arith.constant 600 : i32
    %dma_start3A_1831 = arith.constant 0 : i32
    %dma_start3A_1832 = tpu.memref_slice %arg5[%dma_start3A_1830, %dma_start3A_1831] : memref<1024x128xf32, #tpu.memory_space<vmem>> -> memref<8x128xf32, #tpu.memory_space<vmem>>
    tpu.enqueue_dma source(%dma_start3A_1832 : memref<8x128xf32, #tpu.memory_space<vmem>>) target(%dma_start3A_1829 : memref<8x128xf32, #tpu.memory_space<any>>) target_semaphore(%arg6 : memref<!tpu.dma_semaphore, #tpu.memory_space<semaphore_mem>>)
    %get3A_1833 = arith.constant 76 : index
    %get3A_1834 = arith.constant 0 : index
    %get3A_1835 = memref.load %arg1[%get3A_1833, %get3A_1834] : memref<128x1xi32, #tpu.memory_space<smem>>
    %shift_right_arithmetic3A_1836 = arith.constant 7 : i32
    %shift_right_arithmetic3A_1837 = arith.shrsi %get3A_1835, %shift_right_arithmetic3A_1836 : i32
    %slice3A_1838 = vector.extract_strided_slice %shift_right_arithmetic3A_12 {offsets = [72, 0], sizes = [8, 1], strides = [1, 1]} : vector<128x1xi32> to vector<8x1xi32>
    %eq3A_1839 = vector.broadcast %shift_right_arithmetic3A_1837 : i32 to vector<8x1xi32>
    %eq3A_1840 = arith.cmpi eq, %slice3A_1838, %eq3A_1839 : vector<8x1xi32>
    %convert_element_type3A_1841 = arith.extui %eq3A_1840 : vector<8x1xi1> to vector<8x1xi32>
    %convert_element_type3A_1842 = arith.sitofp %convert_element_type3A_1841 : vector<8x1xi32> to vector<8x1xf32>
    %slice3A_1843 = vector.extract_strided_slice %get3A_10 {offsets = [72, 0], sizes = [8, 128], strides = [1, 1]} : vector<128x128xf32> to vector<8x128xf32>
    %mul3A_1844 = vector.broadcast %convert_element_type3A_1842 : vector<8x1xf32> to vector<8x128xf32>
    %mul3A_1845 = arith.mulf %slice3A_1843, %mul3A_1844 : vector<8x128xf32>
    %swap3A_1846 = arith.constant 608 : index
    %swap3A_1847 = arith.constant 0 : index
    %swap3A_1848 = vector.load %arg5[%swap3A_1846, %swap3A_1847] : memref<1024x128xf32, #tpu.memory_space<vmem>>, vector<8x128xf32>
    tpu.vector_store %arg5[%swap3A_1846, %swap3A_1847], %mul3A_1845 {strides = array<i32>} : memref<1024x128xf32, #tpu.memory_space<vmem>>, vector<8x128xf32>,
    %mul3A_1849 = arith.constant 128 : i32
    %mul3A_1850 = arith.muli %shift_right_arithmetic3A_1837, %mul3A_1849 : i32
    %multiple_of3A_1851 = tpu.assume_multiple %mul3A_1850, 128 : i32
    %dma_start3A_1852 = arith.constant 72 : i32
    %dma_start3A_1853 = tpu.memref_slice %arg3[%dma_start3A_1852, %multiple_of3A_1851] : memref<128x32768xf32, #tpu.memory_space<any>> -> memref<8x128xf32, #tpu.memory_space<any>>
    %dma_start3A_1854 = arith.constant 608 : i32
    %dma_start3A_1855 = arith.constant 0 : i32
    %dma_start3A_1856 = tpu.memref_slice %arg5[%dma_start3A_1854, %dma_start3A_1855] : memref<1024x128xf32, #tpu.memory_space<vmem>> -> memref<8x128xf32, #tpu.memory_space<vmem>>
    tpu.enqueue_dma source(%dma_start3A_1856 : memref<8x128xf32, #tpu.memory_space<vmem>>) target(%dma_start3A_1853 : memref<8x128xf32, #tpu.memory_space<any>>) target_semaphore(%arg6 : memref<!tpu.dma_semaphore, #tpu.memory_space<semaphore_mem>>)
    %get3A_1857 = arith.constant 77 : index
    %get3A_1858 = arith.constant 0 : index
    %get3A_1859 = memref.load %arg1[%get3A_1857, %get3A_1858] : memref<128x1xi32, #tpu.memory_space<smem>>
    %shift_right_arithmetic3A_1860 = arith.constant 7 : i32
    %shift_right_arithmetic3A_1861 = arith.shrsi %get3A_1859, %shift_right_arithmetic3A_1860 : i32
    %slice3A_1862 = vector.extract_strided_slice %shift_right_arithmetic3A_12 {offsets = [72, 0], sizes = [8, 1], strides = [1, 1]} : vector<128x1xi32> to vector<8x1xi32>
    %eq3A_1863 = vector.broadcast %shift_right_arithmetic3A_1861 : i32 to vector<8x1xi32>
    %eq3A_1864 = arith.cmpi eq, %slice3A_1862, %eq3A_1863 : vector<8x1xi32>
    %convert_element_type3A_1865 = arith.extui %eq3A_1864 : vector<8x1xi1> to vector<8x1xi32>
    %convert_element_type3A_1866 = arith.sitofp %convert_element_type3A_1865 : vector<8x1xi32> to vector<8x1xf32>
    %slice3A_1867 = vector.extract_strided_slice %get3A_10 {offsets = [72, 0], sizes = [8, 128], strides = [1, 1]} : vector<128x128xf32> to vector<8x128xf32>
    %mul3A_1868 = vector.broadcast %convert_element_type3A_1866 : vector<8x1xf32> to vector<8x128xf32>
    %mul3A_1869 = arith.mulf %slice3A_1867, %mul3A_1868 : vector<8x128xf32>
    %swap3A_1870 = arith.constant 616 : index
    %swap3A_1871 = arith.constant 0 : index
    %swap3A_1872 = vector.load %arg5[%swap3A_1870, %swap3A_1871] : memref<1024x128xf32, #tpu.memory_space<vmem>>, vector<8x128xf32>
    tpu.vector_store %arg5[%swap3A_1870, %swap3A_1871], %mul3A_1869 {strides = array<i32>} : memref<1024x128xf32, #tpu.memory_space<vmem>>, vector<8x128xf32>,
    %mul3A_1873 = arith.constant 128 : i32
    %mul3A_1874 = arith.muli %shift_right_arithmetic3A_1861, %mul3A_1873 : i32
    %multiple_of3A_1875 = tpu.assume_multiple %mul3A_1874, 128 : i32
    %dma_start3A_1876 = arith.constant 72 : i32
    %dma_start3A_1877 = tpu.memref_slice %arg3[%dma_start3A_1876, %multiple_of3A_1875] : memref<128x32768xf32, #tpu.memory_space<any>> -> memref<8x128xf32, #tpu.memory_space<any>>
    %dma_start3A_1878 = arith.constant 616 : i32
    %dma_start3A_1879 = arith.constant 0 : i32
    %dma_start3A_1880 = tpu.memref_slice %arg5[%dma_start3A_1878, %dma_start3A_1879] : memref<1024x128xf32, #tpu.memory_space<vmem>> -> memref<8x128xf32, #tpu.memory_space<vmem>>
    tpu.enqueue_dma source(%dma_start3A_1880 : memref<8x128xf32, #tpu.memory_space<vmem>>) target(%dma_start3A_1877 : memref<8x128xf32, #tpu.memory_space<any>>) target_semaphore(%arg6 : memref<!tpu.dma_semaphore, #tpu.memory_space<semaphore_mem>>)
    %get3A_1881 = arith.constant 78 : index
    %get3A_1882 = arith.constant 0 : index
    %get3A_1883 = memref.load %arg1[%get3A_1881, %get3A_1882] : memref<128x1xi32, #tpu.memory_space<smem>>
    %shift_right_arithmetic3A_1884 = arith.constant 7 : i32
    %shift_right_arithmetic3A_1885 = arith.shrsi %get3A_1883, %shift_right_arithmetic3A_1884 : i32
    %slice3A_1886 = vector.extract_strided_slice %shift_right_arithmetic3A_12 {offsets = [72, 0], sizes = [8, 1], strides = [1, 1]} : vector<128x1xi32> to vector<8x1xi32>
    %eq3A_1887 = vector.broadcast %shift_right_arithmetic3A_1885 : i32 to vector<8x1xi32>
    %eq3A_1888 = arith.cmpi eq, %slice3A_1886, %eq3A_1887 : vector<8x1xi32>
    %convert_element_type3A_1889 = arith.extui %eq3A_1888 : vector<8x1xi1> to vector<8x1xi32>
    %convert_element_type3A_1890 = arith.sitofp %convert_element_type3A_1889 : vector<8x1xi32> to vector<8x1xf32>
    %slice3A_1891 = vector.extract_strided_slice %get3A_10 {offsets = [72, 0], sizes = [8, 128], strides = [1, 1]} : vector<128x128xf32> to vector<8x128xf32>
    %mul3A_1892 = vector.broadcast %convert_element_type3A_1890 : vector<8x1xf32> to vector<8x128xf32>
    %mul3A_1893 = arith.mulf %slice3A_1891, %mul3A_1892 : vector<8x128xf32>
    %swap3A_1894 = arith.constant 624 : index
    %swap3A_1895 = arith.constant 0 : index
    %swap3A_1896 = vector.load %arg5[%swap3A_1894, %swap3A_1895] : memref<1024x128xf32, #tpu.memory_space<vmem>>, vector<8x128xf32>
    tpu.vector_store %arg5[%swap3A_1894, %swap3A_1895], %mul3A_1893 {strides = array<i32>} : memref<1024x128xf32, #tpu.memory_space<vmem>>, vector<8x128xf32>,
    %mul3A_1897 = arith.constant 128 : i32
    %mul3A_1898 = arith.muli %shift_right_arithmetic3A_1885, %mul3A_1897 : i32
    %multiple_of3A_1899 = tpu.assume_multiple %mul3A_1898, 128 : i32
    %dma_start3A_1900 = arith.constant 72 : i32
    %dma_start3A_1901 = tpu.memref_slice %arg3[%dma_start3A_1900, %multiple_of3A_1899] : memref<128x32768xf32, #tpu.memory_space<any>> -> memref<8x128xf32, #tpu.memory_space<any>>
    %dma_start3A_1902 = arith.constant 624 : i32
    %dma_start3A_1903 = arith.constant 0 : i32
    %dma_start3A_1904 = tpu.memref_slice %arg5[%dma_start3A_1902, %dma_start3A_1903] : memref<1024x128xf32, #tpu.memory_space<vmem>> -> memref<8x128xf32, #tpu.memory_space<vmem>>
    tpu.enqueue_dma source(%dma_start3A_1904 : memref<8x128xf32, #tpu.memory_space<vmem>>) target(%dma_start3A_1901 : memref<8x128xf32, #tpu.memory_space<any>>) target_semaphore(%arg6 : memref<!tpu.dma_semaphore, #tpu.memory_space<semaphore_mem>>)
    %get3A_1905 = arith.constant 79 : index
    %get3A_1906 = arith.constant 0 : index
    %get3A_1907 = memref.load %arg1[%get3A_1905, %get3A_1906] : memref<128x1xi32, #tpu.memory_space<smem>>
    %shift_right_arithmetic3A_1908 = arith.constant 7 : i32
    %shift_right_arithmetic3A_1909 = arith.shrsi %get3A_1907, %shift_right_arithmetic3A_1908 : i32
    %slice3A_1910 = vector.extract_strided_slice %shift_right_arithmetic3A_12 {offsets = [72, 0], sizes = [8, 1], strides = [1, 1]} : vector<128x1xi32> to vector<8x1xi32>
    %eq3A_1911 = vector.broadcast %shift_right_arithmetic3A_1909 : i32 to vector<8x1xi32>
    %eq3A_1912 = arith.cmpi eq, %slice3A_1910, %eq3A_1911 : vector<8x1xi32>
    %convert_element_type3A_1913 = arith.extui %eq3A_1912 : vector<8x1xi1> to vector<8x1xi32>
    %convert_element_type3A_1914 = arith.sitofp %convert_element_type3A_1913 : vector<8x1xi32> to vector<8x1xf32>
    %slice3A_1915 = vector.extract_strided_slice %get3A_10 {offsets = [72, 0], sizes = [8, 128], strides = [1, 1]} : vector<128x128xf32> to vector<8x128xf32>
    %mul3A_1916 = vector.broadcast %convert_element_type3A_1914 : vector<8x1xf32> to vector<8x128xf32>
    %mul3A_1917 = arith.mulf %slice3A_1915, %mul3A_1916 : vector<8x128xf32>
    %swap3A_1918 = arith.constant 632 : index
    %swap3A_1919 = arith.constant 0 : index
    %swap3A_1920 = vector.load %arg5[%swap3A_1918, %swap3A_1919] : memref<1024x128xf32, #tpu.memory_space<vmem>>, vector<8x128xf32>
    tpu.vector_store %arg5[%swap3A_1918, %swap3A_1919], %mul3A_1917 {strides = array<i32>} : memref<1024x128xf32, #tpu.memory_space<vmem>>, vector<8x128xf32>,
    %mul3A_1921 = arith.constant 128 : i32
    %mul3A_1922 = arith.muli %shift_right_arithmetic3A_1909, %mul3A_1921 : i32
    %multiple_of3A_1923 = tpu.assume_multiple %mul3A_1922, 128 : i32
    %dma_start3A_1924 = arith.constant 72 : i32
    %dma_start3A_1925 = tpu.memref_slice %arg3[%dma_start3A_1924, %multiple_of3A_1923] : memref<128x32768xf32, #tpu.memory_space<any>> -> memref<8x128xf32, #tpu.memory_space<any>>
    %dma_start3A_1926 = arith.constant 632 : i32
    %dma_start3A_1927 = arith.constant 0 : i32
    %dma_start3A_1928 = tpu.memref_slice %arg5[%dma_start3A_1926, %dma_start3A_1927] : memref<1024x128xf32, #tpu.memory_space<vmem>> -> memref<8x128xf32, #tpu.memory_space<vmem>>
    tpu.enqueue_dma source(%dma_start3A_1928 : memref<8x128xf32, #tpu.memory_space<vmem>>) target(%dma_start3A_1925 : memref<8x128xf32, #tpu.memory_space<any>>) target_semaphore(%arg6 : memref<!tpu.dma_semaphore, #tpu.memory_space<semaphore_mem>>)
    %get3A_1929 = arith.constant 80 : index
    %get3A_1930 = arith.constant 0 : index
    %get3A_1931 = memref.load %arg1[%get3A_1929, %get3A_1930] : memref<128x1xi32, #tpu.memory_space<smem>>
    %shift_right_arithmetic3A_1932 = arith.constant 7 : i32
    %shift_right_arithmetic3A_1933 = arith.shrsi %get3A_1931, %shift_right_arithmetic3A_1932 : i32
    %slice3A_1934 = vector.extract_strided_slice %shift_right_arithmetic3A_12 {offsets = [80, 0], sizes = [8, 1], strides = [1, 1]} : vector<128x1xi32> to vector<8x1xi32>
    %eq3A_1935 = vector.broadcast %shift_right_arithmetic3A_1933 : i32 to vector<8x1xi32>
    %eq3A_1936 = arith.cmpi eq, %slice3A_1934, %eq3A_1935 : vector<8x1xi32>
    %convert_element_type3A_1937 = arith.extui %eq3A_1936 : vector<8x1xi1> to vector<8x1xi32>
    %convert_element_type3A_1938 = arith.sitofp %convert_element_type3A_1937 : vector<8x1xi32> to vector<8x1xf32>
    %slice3A_1939 = vector.extract_strided_slice %get3A_10 {offsets = [80, 0], sizes = [8, 128], strides = [1, 1]} : vector<128x128xf32> to vector<8x128xf32>
    %mul3A_1940 = vector.broadcast %convert_element_type3A_1938 : vector<8x1xf32> to vector<8x128xf32>
    %mul3A_1941 = arith.mulf %slice3A_1939, %mul3A_1940 : vector<8x128xf32>
    %swap3A_1942 = arith.constant 640 : index
    %swap3A_1943 = arith.constant 0 : index
    %swap3A_1944 = vector.load %arg5[%swap3A_1942, %swap3A_1943] : memref<1024x128xf32, #tpu.memory_space<vmem>>, vector<8x128xf32>
    tpu.vector_store %arg5[%swap3A_1942, %swap3A_1943], %mul3A_1941 {strides = array<i32>} : memref<1024x128xf32, #tpu.memory_space<vmem>>, vector<8x128xf32>,
    %mul3A_1945 = arith.constant 128 : i32
    %mul3A_1946 = arith.muli %shift_right_arithmetic3A_1933, %mul3A_1945 : i32
    %multiple_of3A_1947 = tpu.assume_multiple %mul3A_1946, 128 : i32
    %dma_start3A_1948 = arith.constant 80 : i32
    %dma_start3A_1949 = tpu.memref_slice %arg3[%dma_start3A_1948, %multiple_of3A_1947] : memref<128x32768xf32, #tpu.memory_space<any>> -> memref<8x128xf32, #tpu.memory_space<any>>
    %dma_start3A_1950 = arith.constant 640 : i32
    %dma_start3A_1951 = arith.constant 0 : i32
    %dma_start3A_1952 = tpu.memref_slice %arg5[%dma_start3A_1950, %dma_start3A_1951] : memref<1024x128xf32, #tpu.memory_space<vmem>> -> memref<8x128xf32, #tpu.memory_space<vmem>>
    tpu.enqueue_dma source(%dma_start3A_1952 : memref<8x128xf32, #tpu.memory_space<vmem>>) target(%dma_start3A_1949 : memref<8x128xf32, #tpu.memory_space<any>>) target_semaphore(%arg6 : memref<!tpu.dma_semaphore, #tpu.memory_space<semaphore_mem>>)
    %get3A_1953 = arith.constant 81 : index
    %get3A_1954 = arith.constant 0 : index
    %get3A_1955 = memref.load %arg1[%get3A_1953, %get3A_1954] : memref<128x1xi32, #tpu.memory_space<smem>>
    %shift_right_arithmetic3A_1956 = arith.constant 7 : i32
    %shift_right_arithmetic3A_1957 = arith.shrsi %get3A_1955, %shift_right_arithmetic3A_1956 : i32
    %slice3A_1958 = vector.extract_strided_slice %shift_right_arithmetic3A_12 {offsets = [80, 0], sizes = [8, 1], strides = [1, 1]} : vector<128x1xi32> to vector<8x1xi32>
    %eq3A_1959 = vector.broadcast %shift_right_arithmetic3A_1957 : i32 to vector<8x1xi32>
    %eq3A_1960 = arith.cmpi eq, %slice3A_1958, %eq3A_1959 : vector<8x1xi32>
    %convert_element_type3A_1961 = arith.extui %eq3A_1960 : vector<8x1xi1> to vector<8x1xi32>
    %convert_element_type3A_1962 = arith.sitofp %convert_element_type3A_1961 : vector<8x1xi32> to vector<8x1xf32>
    %slice3A_1963 = vector.extract_strided_slice %get3A_10 {offsets = [80, 0], sizes = [8, 128], strides = [1, 1]} : vector<128x128xf32> to vector<8x128xf32>
    %mul3A_1964 = vector.broadcast %convert_element_type3A_1962 : vector<8x1xf32> to vector<8x128xf32>
    %mul3A_1965 = arith.mulf %slice3A_1963, %mul3A_1964 : vector<8x128xf32>
    %swap3A_1966 = arith.constant 648 : index
    %swap3A_1967 = arith.constant 0 : index
    %swap3A_1968 = vector.load %arg5[%swap3A_1966, %swap3A_1967] : memref<1024x128xf32, #tpu.memory_space<vmem>>, vector<8x128xf32>
    tpu.vector_store %arg5[%swap3A_1966, %swap3A_1967], %mul3A_1965 {strides = array<i32>} : memref<1024x128xf32, #tpu.memory_space<vmem>>, vector<8x128xf32>,
    %mul3A_1969 = arith.constant 128 : i32
    %mul3A_1970 = arith.muli %shift_right_arithmetic3A_1957, %mul3A_1969 : i32
    %multiple_of3A_1971 = tpu.assume_multiple %mul3A_1970, 128 : i32
    %dma_start3A_1972 = arith.constant 80 : i32
    %dma_start3A_1973 = tpu.memref_slice %arg3[%dma_start3A_1972, %multiple_of3A_1971] : memref<128x32768xf32, #tpu.memory_space<any>> -> memref<8x128xf32, #tpu.memory_space<any>>
    %dma_start3A_1974 = arith.constant 648 : i32
    %dma_start3A_1975 = arith.constant 0 : i32
    %dma_start3A_1976 = tpu.memref_slice %arg5[%dma_start3A_1974, %dma_start3A_1975] : memref<1024x128xf32, #tpu.memory_space<vmem>> -> memref<8x128xf32, #tpu.memory_space<vmem>>
    tpu.enqueue_dma source(%dma_start3A_1976 : memref<8x128xf32, #tpu.memory_space<vmem>>) target(%dma_start3A_1973 : memref<8x128xf32, #tpu.memory_space<any>>) target_semaphore(%arg6 : memref<!tpu.dma_semaphore, #tpu.memory_space<semaphore_mem>>)
    %get3A_1977 = arith.constant 82 : index
    %get3A_1978 = arith.constant 0 : index
    %get3A_1979 = memref.load %arg1[%get3A_1977, %get3A_1978] : memref<128x1xi32, #tpu.memory_space<smem>>
    %shift_right_arithmetic3A_1980 = arith.constant 7 : i32
    %shift_right_arithmetic3A_1981 = arith.shrsi %get3A_1979, %shift_right_arithmetic3A_1980 : i32
    %slice3A_1982 = vector.extract_strided_slice %shift_right_arithmetic3A_12 {offsets = [80, 0], sizes = [8, 1], strides = [1, 1]} : vector<128x1xi32> to vector<8x1xi32>
    %eq3A_1983 = vector.broadcast %shift_right_arithmetic3A_1981 : i32 to vector<8x1xi32>
    %eq3A_1984 = arith.cmpi eq, %slice3A_1982, %eq3A_1983 : vector<8x1xi32>
    %convert_element_type3A_1985 = arith.extui %eq3A_1984 : vector<8x1xi1> to vector<8x1xi32>
    %convert_element_type3A_1986 = arith.sitofp %convert_element_type3A_1985 : vector<8x1xi32> to vector<8x1xf32>
    %slice3A_1987 = vector.extract_strided_slice %get3A_10 {offsets = [80, 0], sizes = [8, 128], strides = [1, 1]} : vector<128x128xf32> to vector<8x128xf32>
    %mul3A_1988 = vector.broadcast %convert_element_type3A_1986 : vector<8x1xf32> to vector<8x128xf32>
    %mul3A_1989 = arith.mulf %slice3A_1987, %mul3A_1988 : vector<8x128xf32>
    %swap3A_1990 = arith.constant 656 : index
    %swap3A_1991 = arith.constant 0 : index
    %swap3A_1992 = vector.load %arg5[%swap3A_1990, %swap3A_1991] : memref<1024x128xf32, #tpu.memory_space<vmem>>, vector<8x128xf32>
    tpu.vector_store %arg5[%swap3A_1990, %swap3A_1991], %mul3A_1989 {strides = array<i32>} : memref<1024x128xf32, #tpu.memory_space<vmem>>, vector<8x128xf32>,
    %mul3A_1993 = arith.constant 128 : i32
    %mul3A_1994 = arith.muli %shift_right_arithmetic3A_1981, %mul3A_1993 : i32
    %multiple_of3A_1995 = tpu.assume_multiple %mul3A_1994, 128 : i32
    %dma_start3A_1996 = arith.constant 80 : i32
    %dma_start3A_1997 = tpu.memref_slice %arg3[%dma_start3A_1996, %multiple_of3A_1995] : memref<128x32768xf32, #tpu.memory_space<any>> -> memref<8x128xf32, #tpu.memory_space<any>>
    %dma_start3A_1998 = arith.constant 656 : i32
    %dma_start3A_1999 = arith.constant 0 : i32
    %dma_start3A_2000 = tpu.memref_slice %arg5[%dma_start3A_1998, %dma_start3A_1999] : memref<1024x128xf32, #tpu.memory_space<vmem>> -> memref<8x128xf32, #tpu.memory_space<vmem>>
    tpu.enqueue_dma source(%dma_start3A_2000 : memref<8x128xf32, #tpu.memory_space<vmem>>) target(%dma_start3A_1997 : memref<8x128xf32, #tpu.memory_space<any>>) target_semaphore(%arg6 : memref<!tpu.dma_semaphore, #tpu.memory_space<semaphore_mem>>)
    %get3A_2001 = arith.constant 83 : index
    %get3A_2002 = arith.constant 0 : index
    %get3A_2003 = memref.load %arg1[%get3A_2001, %get3A_2002] : memref<128x1xi32, #tpu.memory_space<smem>>
    %shift_right_arithmetic3A_2004 = arith.constant 7 : i32
    %shift_right_arithmetic3A_2005 = arith.shrsi %get3A_2003, %shift_right_arithmetic3A_2004 : i32
    %slice3A_2006 = vector.extract_strided_slice %shift_right_arithmetic3A_12 {offsets = [80, 0], sizes = [8, 1], strides = [1, 1]} : vector<128x1xi32> to vector<8x1xi32>
    %eq3A_2007 = vector.broadcast %shift_right_arithmetic3A_2005 : i32 to vector<8x1xi32>
    %eq3A_2008 = arith.cmpi eq, %slice3A_2006, %eq3A_2007 : vector<8x1xi32>
    %convert_element_type3A_2009 = arith.extui %eq3A_2008 : vector<8x1xi1> to vector<8x1xi32>
    %convert_element_type3A_2010 = arith.sitofp %convert_element_type3A_2009 : vector<8x1xi32> to vector<8x1xf32>
    %slice3A_2011 = vector.extract_strided_slice %get3A_10 {offsets = [80, 0], sizes = [8, 128], strides = [1, 1]} : vector<128x128xf32> to vector<8x128xf32>
    %mul3A_2012 = vector.broadcast %convert_element_type3A_2010 : vector<8x1xf32> to vector<8x128xf32>
    %mul3A_2013 = arith.mulf %slice3A_2011, %mul3A_2012 : vector<8x128xf32>
    %swap3A_2014 = arith.constant 664 : index
    %swap3A_2015 = arith.constant 0 : index
    %swap3A_2016 = vector.load %arg5[%swap3A_2014, %swap3A_2015] : memref<1024x128xf32, #tpu.memory_space<vmem>>, vector<8x128xf32>
    tpu.vector_store %arg5[%swap3A_2014, %swap3A_2015], %mul3A_2013 {strides = array<i32>} : memref<1024x128xf32, #tpu.memory_space<vmem>>, vector<8x128xf32>,
    %mul3A_2017 = arith.constant 128 : i32
    %mul3A_2018 = arith.muli %shift_right_arithmetic3A_2005, %mul3A_2017 : i32
    %multiple_of3A_2019 = tpu.assume_multiple %mul3A_2018, 128 : i32
    %dma_start3A_2020 = arith.constant 80 : i32
    %dma_start3A_2021 = tpu.memref_slice %arg3[%dma_start3A_2020, %multiple_of3A_2019] : memref<128x32768xf32, #tpu.memory_space<any>> -> memref<8x128xf32, #tpu.memory_space<any>>
    %dma_start3A_2022 = arith.constant 664 : i32
    %dma_start3A_2023 = arith.constant 0 : i32
    %dma_start3A_2024 = tpu.memref_slice %arg5[%dma_start3A_2022, %dma_start3A_2023] : memref<1024x128xf32, #tpu.memory_space<vmem>> -> memref<8x128xf32, #tpu.memory_space<vmem>>
    tpu.enqueue_dma source(%dma_start3A_2024 : memref<8x128xf32, #tpu.memory_space<vmem>>) target(%dma_start3A_2021 : memref<8x128xf32, #tpu.memory_space<any>>) target_semaphore(%arg6 : memref<!tpu.dma_semaphore, #tpu.memory_space<semaphore_mem>>)
    %get3A_2025 = arith.constant 84 : index
    %get3A_2026 = arith.constant 0 : index
    %get3A_2027 = memref.load %arg1[%get3A_2025, %get3A_2026] : memref<128x1xi32, #tpu.memory_space<smem>>
    %shift_right_arithmetic3A_2028 = arith.constant 7 : i32
    %shift_right_arithmetic3A_2029 = arith.shrsi %get3A_2027, %shift_right_arithmetic3A_2028 : i32
    %slice3A_2030 = vector.extract_strided_slice %shift_right_arithmetic3A_12 {offsets = [80, 0], sizes = [8, 1], strides = [1, 1]} : vector<128x1xi32> to vector<8x1xi32>
    %eq3A_2031 = vector.broadcast %shift_right_arithmetic3A_2029 : i32 to vector<8x1xi32>
    %eq3A_2032 = arith.cmpi eq, %slice3A_2030, %eq3A_2031 : vector<8x1xi32>
    %convert_element_type3A_2033 = arith.extui %eq3A_2032 : vector<8x1xi1> to vector<8x1xi32>
    %convert_element_type3A_2034 = arith.sitofp %convert_element_type3A_2033 : vector<8x1xi32> to vector<8x1xf32>
    %slice3A_2035 = vector.extract_strided_slice %get3A_10 {offsets = [80, 0], sizes = [8, 128], strides = [1, 1]} : vector<128x128xf32> to vector<8x128xf32>
    %mul3A_2036 = vector.broadcast %convert_element_type3A_2034 : vector<8x1xf32> to vector<8x128xf32>
    %mul3A_2037 = arith.mulf %slice3A_2035, %mul3A_2036 : vector<8x128xf32>
    %swap3A_2038 = arith.constant 672 : index
    %swap3A_2039 = arith.constant 0 : index
    %swap3A_2040 = vector.load %arg5[%swap3A_2038, %swap3A_2039] : memref<1024x128xf32, #tpu.memory_space<vmem>>, vector<8x128xf32>
    tpu.vector_store %arg5[%swap3A_2038, %swap3A_2039], %mul3A_2037 {strides = array<i32>} : memref<1024x128xf32, #tpu.memory_space<vmem>>, vector<8x128xf32>,
    %mul3A_2041 = arith.constant 128 : i32
    %mul3A_2042 = arith.muli %shift_right_arithmetic3A_2029, %mul3A_2041 : i32
    %multiple_of3A_2043 = tpu.assume_multiple %mul3A_2042, 128 : i32
    %dma_start3A_2044 = arith.constant 80 : i32
    %dma_start3A_2045 = tpu.memref_slice %arg3[%dma_start3A_2044, %multiple_of3A_2043] : memref<128x32768xf32, #tpu.memory_space<any>> -> memref<8x128xf32, #tpu.memory_space<any>>
    %dma_start3A_2046 = arith.constant 672 : i32
    %dma_start3A_2047 = arith.constant 0 : i32
    %dma_start3A_2048 = tpu.memref_slice %arg5[%dma_start3A_2046, %dma_start3A_2047] : memref<1024x128xf32, #tpu.memory_space<vmem>> -> memref<8x128xf32, #tpu.memory_space<vmem>>
    tpu.enqueue_dma source(%dma_start3A_2048 : memref<8x128xf32, #tpu.memory_space<vmem>>) target(%dma_start3A_2045 : memref<8x128xf32, #tpu.memory_space<any>>) target_semaphore(%arg6 : memref<!tpu.dma_semaphore, #tpu.memory_space<semaphore_mem>>)
    %get3A_2049 = arith.constant 85 : index
    %get3A_2050 = arith.constant 0 : index
    %get3A_2051 = memref.load %arg1[%get3A_2049, %get3A_2050] : memref<128x1xi32, #tpu.memory_space<smem>>
    %shift_right_arithmetic3A_2052 = arith.constant 7 : i32
    %shift_right_arithmetic3A_2053 = arith.shrsi %get3A_2051, %shift_right_arithmetic3A_2052 : i32
    %slice3A_2054 = vector.extract_strided_slice %shift_right_arithmetic3A_12 {offsets = [80, 0], sizes = [8, 1], strides = [1, 1]} : vector<128x1xi32> to vector<8x1xi32>
    %eq3A_2055 = vector.broadcast %shift_right_arithmetic3A_2053 : i32 to vector<8x1xi32>
    %eq3A_2056 = arith.cmpi eq, %slice3A_2054, %eq3A_2055 : vector<8x1xi32>
    %convert_element_type3A_2057 = arith.extui %eq3A_2056 : vector<8x1xi1> to vector<8x1xi32>
    %convert_element_type3A_2058 = arith.sitofp %convert_element_type3A_2057 : vector<8x1xi32> to vector<8x1xf32>
    %slice3A_2059 = vector.extract_strided_slice %get3A_10 {offsets = [80, 0], sizes = [8, 128], strides = [1, 1]} : vector<128x128xf32> to vector<8x128xf32>
    %mul3A_2060 = vector.broadcast %convert_element_type3A_2058 : vector<8x1xf32> to vector<8x128xf32>
    %mul3A_2061 = arith.mulf %slice3A_2059, %mul3A_2060 : vector<8x128xf32>
    %swap3A_2062 = arith.constant 680 : index
    %swap3A_2063 = arith.constant 0 : index
    %swap3A_2064 = vector.load %arg5[%swap3A_2062, %swap3A_2063] : memref<1024x128xf32, #tpu.memory_space<vmem>>, vector<8x128xf32>
    tpu.vector_store %arg5[%swap3A_2062, %swap3A_2063], %mul3A_2061 {strides = array<i32>} : memref<1024x128xf32, #tpu.memory_space<vmem>>, vector<8x128xf32>,
    %mul3A_2065 = arith.constant 128 : i32
    %mul3A_2066 = arith.muli %shift_right_arithmetic3A_2053, %mul3A_2065 : i32
    %multiple_of3A_2067 = tpu.assume_multiple %mul3A_2066, 128 : i32
    %dma_start3A_2068 = arith.constant 80 : i32
    %dma_start3A_2069 = tpu.memref_slice %arg3[%dma_start3A_2068, %multiple_of3A_2067] : memref<128x32768xf32, #tpu.memory_space<any>> -> memref<8x128xf32, #tpu.memory_space<any>>
    %dma_start3A_2070 = arith.constant 680 : i32
    %dma_start3A_2071 = arith.constant 0 : i32
    %dma_start3A_2072 = tpu.memref_slice %arg5[%dma_start3A_2070, %dma_start3A_2071] : memref<1024x128xf32, #tpu.memory_space<vmem>> -> memref<8x128xf32, #tpu.memory_space<vmem>>
    tpu.enqueue_dma source(%dma_start3A_2072 : memref<8x128xf32, #tpu.memory_space<vmem>>) target(%dma_start3A_2069 : memref<8x128xf32, #tpu.memory_space<any>>) target_semaphore(%arg6 : memref<!tpu.dma_semaphore, #tpu.memory_space<semaphore_mem>>)
    %get3A_2073 = arith.constant 86 : index
    %get3A_2074 = arith.constant 0 : index
    %get3A_2075 = memref.load %arg1[%get3A_2073, %get3A_2074] : memref<128x1xi32, #tpu.memory_space<smem>>
    %shift_right_arithmetic3A_2076 = arith.constant 7 : i32
    %shift_right_arithmetic3A_2077 = arith.shrsi %get3A_2075, %shift_right_arithmetic3A_2076 : i32
    %slice3A_2078 = vector.extract_strided_slice %shift_right_arithmetic3A_12 {offsets = [80, 0], sizes = [8, 1], strides = [1, 1]} : vector<128x1xi32> to vector<8x1xi32>
    %eq3A_2079 = vector.broadcast %shift_right_arithmetic3A_2077 : i32 to vector<8x1xi32>
    %eq3A_2080 = arith.cmpi eq, %slice3A_2078, %eq3A_2079 : vector<8x1xi32>
    %convert_element_type3A_2081 = arith.extui %eq3A_2080 : vector<8x1xi1> to vector<8x1xi32>
    %convert_element_type3A_2082 = arith.sitofp %convert_element_type3A_2081 : vector<8x1xi32> to vector<8x1xf32>
    %slice3A_2083 = vector.extract_strided_slice %get3A_10 {offsets = [80, 0], sizes = [8, 128], strides = [1, 1]} : vector<128x128xf32> to vector<8x128xf32>
    %mul3A_2084 = vector.broadcast %convert_element_type3A_2082 : vector<8x1xf32> to vector<8x128xf32>
    %mul3A_2085 = arith.mulf %slice3A_2083, %mul3A_2084 : vector<8x128xf32>
    %swap3A_2086 = arith.constant 688 : index
    %swap3A_2087 = arith.constant 0 : index
    %swap3A_2088 = vector.load %arg5[%swap3A_2086, %swap3A_2087] : memref<1024x128xf32, #tpu.memory_space<vmem>>, vector<8x128xf32>
    tpu.vector_store %arg5[%swap3A_2086, %swap3A_2087], %mul3A_2085 {strides = array<i32>} : memref<1024x128xf32, #tpu.memory_space<vmem>>, vector<8x128xf32>,
    %mul3A_2089 = arith.constant 128 : i32
    %mul3A_2090 = arith.muli %shift_right_arithmetic3A_2077, %mul3A_2089 : i32
    %multiple_of3A_2091 = tpu.assume_multiple %mul3A_2090, 128 : i32
    %dma_start3A_2092 = arith.constant 80 : i32
    %dma_start3A_2093 = tpu.memref_slice %arg3[%dma_start3A_2092, %multiple_of3A_2091] : memref<128x32768xf32, #tpu.memory_space<any>> -> memref<8x128xf32, #tpu.memory_space<any>>
    %dma_start3A_2094 = arith.constant 688 : i32
    %dma_start3A_2095 = arith.constant 0 : i32
    %dma_start3A_2096 = tpu.memref_slice %arg5[%dma_start3A_2094, %dma_start3A_2095] : memref<1024x128xf32, #tpu.memory_space<vmem>> -> memref<8x128xf32, #tpu.memory_space<vmem>>
    tpu.enqueue_dma source(%dma_start3A_2096 : memref<8x128xf32, #tpu.memory_space<vmem>>) target(%dma_start3A_2093 : memref<8x128xf32, #tpu.memory_space<any>>) target_semaphore(%arg6 : memref<!tpu.dma_semaphore, #tpu.memory_space<semaphore_mem>>)
    %get3A_2097 = arith.constant 87 : index
    %get3A_2098 = arith.constant 0 : index
    %get3A_2099 = memref.load %arg1[%get3A_2097, %get3A_2098] : memref<128x1xi32, #tpu.memory_space<smem>>
    %shift_right_arithmetic3A_2100 = arith.constant 7 : i32
    %shift_right_arithmetic3A_2101 = arith.shrsi %get3A_2099, %shift_right_arithmetic3A_2100 : i32
    %slice3A_2102 = vector.extract_strided_slice %shift_right_arithmetic3A_12 {offsets = [80, 0], sizes = [8, 1], strides = [1, 1]} : vector<128x1xi32> to vector<8x1xi32>
    %eq3A_2103 = vector.broadcast %shift_right_arithmetic3A_2101 : i32 to vector<8x1xi32>
    %eq3A_2104 = arith.cmpi eq, %slice3A_2102, %eq3A_2103 : vector<8x1xi32>
    %convert_element_type3A_2105 = arith.extui %eq3A_2104 : vector<8x1xi1> to vector<8x1xi32>
    %convert_element_type3A_2106 = arith.sitofp %convert_element_type3A_2105 : vector<8x1xi32> to vector<8x1xf32>
    %slice3A_2107 = vector.extract_strided_slice %get3A_10 {offsets = [80, 0], sizes = [8, 128], strides = [1, 1]} : vector<128x128xf32> to vector<8x128xf32>
    %mul3A_2108 = vector.broadcast %convert_element_type3A_2106 : vector<8x1xf32> to vector<8x128xf32>
    %mul3A_2109 = arith.mulf %slice3A_2107, %mul3A_2108 : vector<8x128xf32>
    %swap3A_2110 = arith.constant 696 : index
    %swap3A_2111 = arith.constant 0 : index
    %swap3A_2112 = vector.load %arg5[%swap3A_2110, %swap3A_2111] : memref<1024x128xf32, #tpu.memory_space<vmem>>, vector<8x128xf32>
    tpu.vector_store %arg5[%swap3A_2110, %swap3A_2111], %mul3A_2109 {strides = array<i32>} : memref<1024x128xf32, #tpu.memory_space<vmem>>, vector<8x128xf32>,
    %mul3A_2113 = arith.constant 128 : i32
    %mul3A_2114 = arith.muli %shift_right_arithmetic3A_2101, %mul3A_2113 : i32
    %multiple_of3A_2115 = tpu.assume_multiple %mul3A_2114, 128 : i32
    %dma_start3A_2116 = arith.constant 80 : i32
    %dma_start3A_2117 = tpu.memref_slice %arg3[%dma_start3A_2116, %multiple_of3A_2115] : memref<128x32768xf32, #tpu.memory_space<any>> -> memref<8x128xf32, #tpu.memory_space<any>>
    %dma_start3A_2118 = arith.constant 696 : i32
    %dma_start3A_2119 = arith.constant 0 : i32
    %dma_start3A_2120 = tpu.memref_slice %arg5[%dma_start3A_2118, %dma_start3A_2119] : memref<1024x128xf32, #tpu.memory_space<vmem>> -> memref<8x128xf32, #tpu.memory_space<vmem>>
    tpu.enqueue_dma source(%dma_start3A_2120 : memref<8x128xf32, #tpu.memory_space<vmem>>) target(%dma_start3A_2117 : memref<8x128xf32, #tpu.memory_space<any>>) target_semaphore(%arg6 : memref<!tpu.dma_semaphore, #tpu.memory_space<semaphore_mem>>)
    %get3A_2121 = arith.constant 88 : index
    %get3A_2122 = arith.constant 0 : index
    %get3A_2123 = memref.load %arg1[%get3A_2121, %get3A_2122] : memref<128x1xi32, #tpu.memory_space<smem>>
    %shift_right_arithmetic3A_2124 = arith.constant 7 : i32
    %shift_right_arithmetic3A_2125 = arith.shrsi %get3A_2123, %shift_right_arithmetic3A_2124 : i32
    %slice3A_2126 = vector.extract_strided_slice %shift_right_arithmetic3A_12 {offsets = [88, 0], sizes = [8, 1], strides = [1, 1]} : vector<128x1xi32> to vector<8x1xi32>
    %eq3A_2127 = vector.broadcast %shift_right_arithmetic3A_2125 : i32 to vector<8x1xi32>
    %eq3A_2128 = arith.cmpi eq, %slice3A_2126, %eq3A_2127 : vector<8x1xi32>
    %convert_element_type3A_2129 = arith.extui %eq3A_2128 : vector<8x1xi1> to vector<8x1xi32>
    %convert_element_type3A_2130 = arith.sitofp %convert_element_type3A_2129 : vector<8x1xi32> to vector<8x1xf32>
    %slice3A_2131 = vector.extract_strided_slice %get3A_10 {offsets = [88, 0], sizes = [8, 128], strides = [1, 1]} : vector<128x128xf32> to vector<8x128xf32>
    %mul3A_2132 = vector.broadcast %convert_element_type3A_2130 : vector<8x1xf32> to vector<8x128xf32>
    %mul3A_2133 = arith.mulf %slice3A_2131, %mul3A_2132 : vector<8x128xf32>
    %swap3A_2134 = arith.constant 704 : index
    %swap3A_2135 = arith.constant 0 : index
    %swap3A_2136 = vector.load %arg5[%swap3A_2134, %swap3A_2135] : memref<1024x128xf32, #tpu.memory_space<vmem>>, vector<8x128xf32>
    tpu.vector_store %arg5[%swap3A_2134, %swap3A_2135], %mul3A_2133 {strides = array<i32>} : memref<1024x128xf32, #tpu.memory_space<vmem>>, vector<8x128xf32>,
    %mul3A_2137 = arith.constant 128 : i32
    %mul3A_2138 = arith.muli %shift_right_arithmetic3A_2125, %mul3A_2137 : i32
    %multiple_of3A_2139 = tpu.assume_multiple %mul3A_2138, 128 : i32
    %dma_start3A_2140 = arith.constant 88 : i32
    %dma_start3A_2141 = tpu.memref_slice %arg3[%dma_start3A_2140, %multiple_of3A_2139] : memref<128x32768xf32, #tpu.memory_space<any>> -> memref<8x128xf32, #tpu.memory_space<any>>
    %dma_start3A_2142 = arith.constant 704 : i32
    %dma_start3A_2143 = arith.constant 0 : i32
    %dma_start3A_2144 = tpu.memref_slice %arg5[%dma_start3A_2142, %dma_start3A_2143] : memref<1024x128xf32, #tpu.memory_space<vmem>> -> memref<8x128xf32, #tpu.memory_space<vmem>>
    tpu.enqueue_dma source(%dma_start3A_2144 : memref<8x128xf32, #tpu.memory_space<vmem>>) target(%dma_start3A_2141 : memref<8x128xf32, #tpu.memory_space<any>>) target_semaphore(%arg6 : memref<!tpu.dma_semaphore, #tpu.memory_space<semaphore_mem>>)
    %get3A_2145 = arith.constant 89 : index
    %get3A_2146 = arith.constant 0 : index
    %get3A_2147 = memref.load %arg1[%get3A_2145, %get3A_2146] : memref<128x1xi32, #tpu.memory_space<smem>>
    %shift_right_arithmetic3A_2148 = arith.constant 7 : i32
    %shift_right_arithmetic3A_2149 = arith.shrsi %get3A_2147, %shift_right_arithmetic3A_2148 : i32
    %slice3A_2150 = vector.extract_strided_slice %shift_right_arithmetic3A_12 {offsets = [88, 0], sizes = [8, 1], strides = [1, 1]} : vector<128x1xi32> to vector<8x1xi32>
    %eq3A_2151 = vector.broadcast %shift_right_arithmetic3A_2149 : i32 to vector<8x1xi32>
    %eq3A_2152 = arith.cmpi eq, %slice3A_2150, %eq3A_2151 : vector<8x1xi32>
    %convert_element_type3A_2153 = arith.extui %eq3A_2152 : vector<8x1xi1> to vector<8x1xi32>
    %convert_element_type3A_2154 = arith.sitofp %convert_element_type3A_2153 : vector<8x1xi32> to vector<8x1xf32>
    %slice3A_2155 = vector.extract_strided_slice %get3A_10 {offsets = [88, 0], sizes = [8, 128], strides = [1, 1]} : vector<128x128xf32> to vector<8x128xf32>
    %mul3A_2156 = vector.broadcast %convert_element_type3A_2154 : vector<8x1xf32> to vector<8x128xf32>
    %mul3A_2157 = arith.mulf %slice3A_2155, %mul3A_2156 : vector<8x128xf32>
    %swap3A_2158 = arith.constant 712 : index
    %swap3A_2159 = arith.constant 0 : index
    %swap3A_2160 = vector.load %arg5[%swap3A_2158, %swap3A_2159] : memref<1024x128xf32, #tpu.memory_space<vmem>>, vector<8x128xf32>
    tpu.vector_store %arg5[%swap3A_2158, %swap3A_2159], %mul3A_2157 {strides = array<i32>} : memref<1024x128xf32, #tpu.memory_space<vmem>>, vector<8x128xf32>,
    %mul3A_2161 = arith.constant 128 : i32
    %mul3A_2162 = arith.muli %shift_right_arithmetic3A_2149, %mul3A_2161 : i32
    %multiple_of3A_2163 = tpu.assume_multiple %mul3A_2162, 128 : i32
    %dma_start3A_2164 = arith.constant 88 : i32
    %dma_start3A_2165 = tpu.memref_slice %arg3[%dma_start3A_2164, %multiple_of3A_2163] : memref<128x32768xf32, #tpu.memory_space<any>> -> memref<8x128xf32, #tpu.memory_space<any>>
    %dma_start3A_2166 = arith.constant 712 : i32
    %dma_start3A_2167 = arith.constant 0 : i32
    %dma_start3A_2168 = tpu.memref_slice %arg5[%dma_start3A_2166, %dma_start3A_2167] : memref<1024x128xf32, #tpu.memory_space<vmem>> -> memref<8x128xf32, #tpu.memory_space<vmem>>
    tpu.enqueue_dma source(%dma_start3A_2168 : memref<8x128xf32, #tpu.memory_space<vmem>>) target(%dma_start3A_2165 : memref<8x128xf32, #tpu.memory_space<any>>) target_semaphore(%arg6 : memref<!tpu.dma_semaphore, #tpu.memory_space<semaphore_mem>>)
    %get3A_2169 = arith.constant 90 : index
    %get3A_2170 = arith.constant 0 : index
    %get3A_2171 = memref.load %arg1[%get3A_2169, %get3A_2170] : memref<128x1xi32, #tpu.memory_space<smem>>
    %shift_right_arithmetic3A_2172 = arith.constant 7 : i32
    %shift_right_arithmetic3A_2173 = arith.shrsi %get3A_2171, %shift_right_arithmetic3A_2172 : i32
    %slice3A_2174 = vector.extract_strided_slice %shift_right_arithmetic3A_12 {offsets = [88, 0], sizes = [8, 1], strides = [1, 1]} : vector<128x1xi32> to vector<8x1xi32>
    %eq3A_2175 = vector.broadcast %shift_right_arithmetic3A_2173 : i32 to vector<8x1xi32>
    %eq3A_2176 = arith.cmpi eq, %slice3A_2174, %eq3A_2175 : vector<8x1xi32>
    %convert_element_type3A_2177 = arith.extui %eq3A_2176 : vector<8x1xi1> to vector<8x1xi32>
    %convert_element_type3A_2178 = arith.sitofp %convert_element_type3A_2177 : vector<8x1xi32> to vector<8x1xf32>
    %slice3A_2179 = vector.extract_strided_slice %get3A_10 {offsets = [88, 0], sizes = [8, 128], strides = [1, 1]} : vector<128x128xf32> to vector<8x128xf32>
    %mul3A_2180 = vector.broadcast %convert_element_type3A_2178 : vector<8x1xf32> to vector<8x128xf32>
    %mul3A_2181 = arith.mulf %slice3A_2179, %mul3A_2180 : vector<8x128xf32>
    %swap3A_2182 = arith.constant 720 : index
    %swap3A_2183 = arith.constant 0 : index
    %swap3A_2184 = vector.load %arg5[%swap3A_2182, %swap3A_2183] : memref<1024x128xf32, #tpu.memory_space<vmem>>, vector<8x128xf32>
    tpu.vector_store %arg5[%swap3A_2182, %swap3A_2183], %mul3A_2181 {strides = array<i32>} : memref<1024x128xf32, #tpu.memory_space<vmem>>, vector<8x128xf32>,
    %mul3A_2185 = arith.constant 128 : i32
    %mul3A_2186 = arith.muli %shift_right_arithmetic3A_2173, %mul3A_2185 : i32
    %multiple_of3A_2187 = tpu.assume_multiple %mul3A_2186, 128 : i32
    %dma_start3A_2188 = arith.constant 88 : i32
    %dma_start3A_2189 = tpu.memref_slice %arg3[%dma_start3A_2188, %multiple_of3A_2187] : memref<128x32768xf32, #tpu.memory_space<any>> -> memref<8x128xf32, #tpu.memory_space<any>>
    %dma_start3A_2190 = arith.constant 720 : i32
    %dma_start3A_2191 = arith.constant 0 : i32
    %dma_start3A_2192 = tpu.memref_slice %arg5[%dma_start3A_2190, %dma_start3A_2191] : memref<1024x128xf32, #tpu.memory_space<vmem>> -> memref<8x128xf32, #tpu.memory_space<vmem>>
    tpu.enqueue_dma source(%dma_start3A_2192 : memref<8x128xf32, #tpu.memory_space<vmem>>) target(%dma_start3A_2189 : memref<8x128xf32, #tpu.memory_space<any>>) target_semaphore(%arg6 : memref<!tpu.dma_semaphore, #tpu.memory_space<semaphore_mem>>)
    %get3A_2193 = arith.constant 91 : index
    %get3A_2194 = arith.constant 0 : index
    %get3A_2195 = memref.load %arg1[%get3A_2193, %get3A_2194] : memref<128x1xi32, #tpu.memory_space<smem>>
    %shift_right_arithmetic3A_2196 = arith.constant 7 : i32
    %shift_right_arithmetic3A_2197 = arith.shrsi %get3A_2195, %shift_right_arithmetic3A_2196 : i32
    %slice3A_2198 = vector.extract_strided_slice %shift_right_arithmetic3A_12 {offsets = [88, 0], sizes = [8, 1], strides = [1, 1]} : vector<128x1xi32> to vector<8x1xi32>
    %eq3A_2199 = vector.broadcast %shift_right_arithmetic3A_2197 : i32 to vector<8x1xi32>
    %eq3A_2200 = arith.cmpi eq, %slice3A_2198, %eq3A_2199 : vector<8x1xi32>
    %convert_element_type3A_2201 = arith.extui %eq3A_2200 : vector<8x1xi1> to vector<8x1xi32>
    %convert_element_type3A_2202 = arith.sitofp %convert_element_type3A_2201 : vector<8x1xi32> to vector<8x1xf32>
    %slice3A_2203 = vector.extract_strided_slice %get3A_10 {offsets = [88, 0], sizes = [8, 128], strides = [1, 1]} : vector<128x128xf32> to vector<8x128xf32>
    %mul3A_2204 = vector.broadcast %convert_element_type3A_2202 : vector<8x1xf32> to vector<8x128xf32>
    %mul3A_2205 = arith.mulf %slice3A_2203, %mul3A_2204 : vector<8x128xf32>
    %swap3A_2206 = arith.constant 728 : index
    %swap3A_2207 = arith.constant 0 : index
    %swap3A_2208 = vector.load %arg5[%swap3A_2206, %swap3A_2207] : memref<1024x128xf32, #tpu.memory_space<vmem>>, vector<8x128xf32>
    tpu.vector_store %arg5[%swap3A_2206, %swap3A_2207], %mul3A_2205 {strides = array<i32>} : memref<1024x128xf32, #tpu.memory_space<vmem>>, vector<8x128xf32>,
    %mul3A_2209 = arith.constant 128 : i32
    %mul3A_2210 = arith.muli %shift_right_arithmetic3A_2197, %mul3A_2209 : i32
    %multiple_of3A_2211 = tpu.assume_multiple %mul3A_2210, 128 : i32
    %dma_start3A_2212 = arith.constant 88 : i32
    %dma_start3A_2213 = tpu.memref_slice %arg3[%dma_start3A_2212, %multiple_of3A_2211] : memref<128x32768xf32, #tpu.memory_space<any>> -> memref<8x128xf32, #tpu.memory_space<any>>
    %dma_start3A_2214 = arith.constant 728 : i32
    %dma_start3A_2215 = arith.constant 0 : i32
    %dma_start3A_2216 = tpu.memref_slice %arg5[%dma_start3A_2214, %dma_start3A_2215] : memref<1024x128xf32, #tpu.memory_space<vmem>> -> memref<8x128xf32, #tpu.memory_space<vmem>>
    tpu.enqueue_dma source(%dma_start3A_2216 : memref<8x128xf32, #tpu.memory_space<vmem>>) target(%dma_start3A_2213 : memref<8x128xf32, #tpu.memory_space<any>>) target_semaphore(%arg6 : memref<!tpu.dma_semaphore, #tpu.memory_space<semaphore_mem>>)
    %get3A_2217 = arith.constant 92 : index
    %get3A_2218 = arith.constant 0 : index
    %get3A_2219 = memref.load %arg1[%get3A_2217, %get3A_2218] : memref<128x1xi32, #tpu.memory_space<smem>>
    %shift_right_arithmetic3A_2220 = arith.constant 7 : i32
    %shift_right_arithmetic3A_2221 = arith.shrsi %get3A_2219, %shift_right_arithmetic3A_2220 : i32
    %slice3A_2222 = vector.extract_strided_slice %shift_right_arithmetic3A_12 {offsets = [88, 0], sizes = [8, 1], strides = [1, 1]} : vector<128x1xi32> to vector<8x1xi32>
    %eq3A_2223 = vector.broadcast %shift_right_arithmetic3A_2221 : i32 to vector<8x1xi32>
    %eq3A_2224 = arith.cmpi eq, %slice3A_2222, %eq3A_2223 : vector<8x1xi32>
    %convert_element_type3A_2225 = arith.extui %eq3A_2224 : vector<8x1xi1> to vector<8x1xi32>
    %convert_element_type3A_2226 = arith.sitofp %convert_element_type3A_2225 : vector<8x1xi32> to vector<8x1xf32>
    %slice3A_2227 = vector.extract_strided_slice %get3A_10 {offsets = [88, 0], sizes = [8, 128], strides = [1, 1]} : vector<128x128xf32> to vector<8x128xf32>
    %mul3A_2228 = vector.broadcast %convert_element_type3A_2226 : vector<8x1xf32> to vector<8x128xf32>
    %mul3A_2229 = arith.mulf %slice3A_2227, %mul3A_2228 : vector<8x128xf32>
    %swap3A_2230 = arith.constant 736 : index
    %swap3A_2231 = arith.constant 0 : index
    %swap3A_2232 = vector.load %arg5[%swap3A_2230, %swap3A_2231] : memref<1024x128xf32, #tpu.memory_space<vmem>>, vector<8x128xf32>
    tpu.vector_store %arg5[%swap3A_2230, %swap3A_2231], %mul3A_2229 {strides = array<i32>} : memref<1024x128xf32, #tpu.memory_space<vmem>>, vector<8x128xf32>,
    %mul3A_2233 = arith.constant 128 : i32
    %mul3A_2234 = arith.muli %shift_right_arithmetic3A_2221, %mul3A_2233 : i32
    %multiple_of3A_2235 = tpu.assume_multiple %mul3A_2234, 128 : i32
    %dma_start3A_2236 = arith.constant 88 : i32
    %dma_start3A_2237 = tpu.memref_slice %arg3[%dma_start3A_2236, %multiple_of3A_2235] : memref<128x32768xf32, #tpu.memory_space<any>> -> memref<8x128xf32, #tpu.memory_space<any>>
    %dma_start3A_2238 = arith.constant 736 : i32
    %dma_start3A_2239 = arith.constant 0 : i32
    %dma_start3A_2240 = tpu.memref_slice %arg5[%dma_start3A_2238, %dma_start3A_2239] : memref<1024x128xf32, #tpu.memory_space<vmem>> -> memref<8x128xf32, #tpu.memory_space<vmem>>
    tpu.enqueue_dma source(%dma_start3A_2240 : memref<8x128xf32, #tpu.memory_space<vmem>>) target(%dma_start3A_2237 : memref<8x128xf32, #tpu.memory_space<any>>) target_semaphore(%arg6 : memref<!tpu.dma_semaphore, #tpu.memory_space<semaphore_mem>>)
    %get3A_2241 = arith.constant 93 : index
    %get3A_2242 = arith.constant 0 : index
    %get3A_2243 = memref.load %arg1[%get3A_2241, %get3A_2242] : memref<128x1xi32, #tpu.memory_space<smem>>
    %shift_right_arithmetic3A_2244 = arith.constant 7 : i32
    %shift_right_arithmetic3A_2245 = arith.shrsi %get3A_2243, %shift_right_arithmetic3A_2244 : i32
    %slice3A_2246 = vector.extract_strided_slice %shift_right_arithmetic3A_12 {offsets = [88, 0], sizes = [8, 1], strides = [1, 1]} : vector<128x1xi32> to vector<8x1xi32>
    %eq3A_2247 = vector.broadcast %shift_right_arithmetic3A_2245 : i32 to vector<8x1xi32>
    %eq3A_2248 = arith.cmpi eq, %slice3A_2246, %eq3A_2247 : vector<8x1xi32>
    %convert_element_type3A_2249 = arith.extui %eq3A_2248 : vector<8x1xi1> to vector<8x1xi32>
    %convert_element_type3A_2250 = arith.sitofp %convert_element_type3A_2249 : vector<8x1xi32> to vector<8x1xf32>
    %slice3A_2251 = vector.extract_strided_slice %get3A_10 {offsets = [88, 0], sizes = [8, 128], strides = [1, 1]} : vector<128x128xf32> to vector<8x128xf32>
    %mul3A_2252 = vector.broadcast %convert_element_type3A_2250 : vector<8x1xf32> to vector<8x128xf32>
    %mul3A_2253 = arith.mulf %slice3A_2251, %mul3A_2252 : vector<8x128xf32>
    %swap3A_2254 = arith.constant 744 : index
    %swap3A_2255 = arith.constant 0 : index
    %swap3A_2256 = vector.load %arg5[%swap3A_2254, %swap3A_2255] : memref<1024x128xf32, #tpu.memory_space<vmem>>, vector<8x128xf32>
    tpu.vector_store %arg5[%swap3A_2254, %swap3A_2255], %mul3A_2253 {strides = array<i32>} : memref<1024x128xf32, #tpu.memory_space<vmem>>, vector<8x128xf32>,
    %mul3A_2257 = arith.constant 128 : i32
    %mul3A_2258 = arith.muli %shift_right_arithmetic3A_2245, %mul3A_2257 : i32
    %multiple_of3A_2259 = tpu.assume_multiple %mul3A_2258, 128 : i32
    %dma_start3A_2260 = arith.constant 88 : i32
    %dma_start3A_2261 = tpu.memref_slice %arg3[%dma_start3A_2260, %multiple_of3A_2259] : memref<128x32768xf32, #tpu.memory_space<any>> -> memref<8x128xf32, #tpu.memory_space<any>>
    %dma_start3A_2262 = arith.constant 744 : i32
    %dma_start3A_2263 = arith.constant 0 : i32
    %dma_start3A_2264 = tpu.memref_slice %arg5[%dma_start3A_2262, %dma_start3A_2263] : memref<1024x128xf32, #tpu.memory_space<vmem>> -> memref<8x128xf32, #tpu.memory_space<vmem>>
    tpu.enqueue_dma source(%dma_start3A_2264 : memref<8x128xf32, #tpu.memory_space<vmem>>) target(%dma_start3A_2261 : memref<8x128xf32, #tpu.memory_space<any>>) target_semaphore(%arg6 : memref<!tpu.dma_semaphore, #tpu.memory_space<semaphore_mem>>)
    %get3A_2265 = arith.constant 94 : index
    %get3A_2266 = arith.constant 0 : index
    %get3A_2267 = memref.load %arg1[%get3A_2265, %get3A_2266] : memref<128x1xi32, #tpu.memory_space<smem>>
    %shift_right_arithmetic3A_2268 = arith.constant 7 : i32
    %shift_right_arithmetic3A_2269 = arith.shrsi %get3A_2267, %shift_right_arithmetic3A_2268 : i32
    %slice3A_2270 = vector.extract_strided_slice %shift_right_arithmetic3A_12 {offsets = [88, 0], sizes = [8, 1], strides = [1, 1]} : vector<128x1xi32> to vector<8x1xi32>
    %eq3A_2271 = vector.broadcast %shift_right_arithmetic3A_2269 : i32 to vector<8x1xi32>
    %eq3A_2272 = arith.cmpi eq, %slice3A_2270, %eq3A_2271 : vector<8x1xi32>
    %convert_element_type3A_2273 = arith.extui %eq3A_2272 : vector<8x1xi1> to vector<8x1xi32>
    %convert_element_type3A_2274 = arith.sitofp %convert_element_type3A_2273 : vector<8x1xi32> to vector<8x1xf32>
    %slice3A_2275 = vector.extract_strided_slice %get3A_10 {offsets = [88, 0], sizes = [8, 128], strides = [1, 1]} : vector<128x128xf32> to vector<8x128xf32>
    %mul3A_2276 = vector.broadcast %convert_element_type3A_2274 : vector<8x1xf32> to vector<8x128xf32>
    %mul3A_2277 = arith.mulf %slice3A_2275, %mul3A_2276 : vector<8x128xf32>
    %swap3A_2278 = arith.constant 752 : index
    %swap3A_2279 = arith.constant 0 : index
    %swap3A_2280 = vector.load %arg5[%swap3A_2278, %swap3A_2279] : memref<1024x128xf32, #tpu.memory_space<vmem>>, vector<8x128xf32>
    tpu.vector_store %arg5[%swap3A_2278, %swap3A_2279], %mul3A_2277 {strides = array<i32>} : memref<1024x128xf32, #tpu.memory_space<vmem>>, vector<8x128xf32>,
    %mul3A_2281 = arith.constant 128 : i32
    %mul3A_2282 = arith.muli %shift_right_arithmetic3A_2269, %mul3A_2281 : i32
    %multiple_of3A_2283 = tpu.assume_multiple %mul3A_2282, 128 : i32
    %dma_start3A_2284 = arith.constant 88 : i32
    %dma_start3A_2285 = tpu.memref_slice %arg3[%dma_start3A_2284, %multiple_of3A_2283] : memref<128x32768xf32, #tpu.memory_space<any>> -> memref<8x128xf32, #tpu.memory_space<any>>
    %dma_start3A_2286 = arith.constant 752 : i32
    %dma_start3A_2287 = arith.constant 0 : i32
    %dma_start3A_2288 = tpu.memref_slice %arg5[%dma_start3A_2286, %dma_start3A_2287] : memref<1024x128xf32, #tpu.memory_space<vmem>> -> memref<8x128xf32, #tpu.memory_space<vmem>>
    tpu.enqueue_dma source(%dma_start3A_2288 : memref<8x128xf32, #tpu.memory_space<vmem>>) target(%dma_start3A_2285 : memref<8x128xf32, #tpu.memory_space<any>>) target_semaphore(%arg6 : memref<!tpu.dma_semaphore, #tpu.memory_space<semaphore_mem>>)
    %get3A_2289 = arith.constant 95 : index
    %get3A_2290 = arith.constant 0 : index
    %get3A_2291 = memref.load %arg1[%get3A_2289, %get3A_2290] : memref<128x1xi32, #tpu.memory_space<smem>>
    %shift_right_arithmetic3A_2292 = arith.constant 7 : i32
    %shift_right_arithmetic3A_2293 = arith.shrsi %get3A_2291, %shift_right_arithmetic3A_2292 : i32
    %slice3A_2294 = vector.extract_strided_slice %shift_right_arithmetic3A_12 {offsets = [88, 0], sizes = [8, 1], strides = [1, 1]} : vector<128x1xi32> to vector<8x1xi32>
    %eq3A_2295 = vector.broadcast %shift_right_arithmetic3A_2293 : i32 to vector<8x1xi32>
    %eq3A_2296 = arith.cmpi eq, %slice3A_2294, %eq3A_2295 : vector<8x1xi32>
    %convert_element_type3A_2297 = arith.extui %eq3A_2296 : vector<8x1xi1> to vector<8x1xi32>
    %convert_element_type3A_2298 = arith.sitofp %convert_element_type3A_2297 : vector<8x1xi32> to vector<8x1xf32>
    %slice3A_2299 = vector.extract_strided_slice %get3A_10 {offsets = [88, 0], sizes = [8, 128], strides = [1, 1]} : vector<128x128xf32> to vector<8x128xf32>
    %mul3A_2300 = vector.broadcast %convert_element_type3A_2298 : vector<8x1xf32> to vector<8x128xf32>
    %mul3A_2301 = arith.mulf %slice3A_2299, %mul3A_2300 : vector<8x128xf32>
    %swap3A_2302 = arith.constant 760 : index
    %swap3A_2303 = arith.constant 0 : index
    %swap3A_2304 = vector.load %arg5[%swap3A_2302, %swap3A_2303] : memref<1024x128xf32, #tpu.memory_space<vmem>>, vector<8x128xf32>
    tpu.vector_store %arg5[%swap3A_2302, %swap3A_2303], %mul3A_2301 {strides = array<i32>} : memref<1024x128xf32, #tpu.memory_space<vmem>>, vector<8x128xf32>,
    %mul3A_2305 = arith.constant 128 : i32
    %mul3A_2306 = arith.muli %shift_right_arithmetic3A_2293, %mul3A_2305 : i32
    %multiple_of3A_2307 = tpu.assume_multiple %mul3A_2306, 128 : i32
    %dma_start3A_2308 = arith.constant 88 : i32
    %dma_start3A_2309 = tpu.memref_slice %arg3[%dma_start3A_2308, %multiple_of3A_2307] : memref<128x32768xf32, #tpu.memory_space<any>> -> memref<8x128xf32, #tpu.memory_space<any>>
    %dma_start3A_2310 = arith.constant 760 : i32
    %dma_start3A_2311 = arith.constant 0 : i32
    %dma_start3A_2312 = tpu.memref_slice %arg5[%dma_start3A_2310, %dma_start3A_2311] : memref<1024x128xf32, #tpu.memory_space<vmem>> -> memref<8x128xf32, #tpu.memory_space<vmem>>
    tpu.enqueue_dma source(%dma_start3A_2312 : memref<8x128xf32, #tpu.memory_space<vmem>>) target(%dma_start3A_2309 : memref<8x128xf32, #tpu.memory_space<any>>) target_semaphore(%arg6 : memref<!tpu.dma_semaphore, #tpu.memory_space<semaphore_mem>>)
    %get3A_2313 = arith.constant 96 : index
    %get3A_2314 = arith.constant 0 : index
    %get3A_2315 = memref.load %arg1[%get3A_2313, %get3A_2314] : memref<128x1xi32, #tpu.memory_space<smem>>
    %shift_right_arithmetic3A_2316 = arith.constant 7 : i32
    %shift_right_arithmetic3A_2317 = arith.shrsi %get3A_2315, %shift_right_arithmetic3A_2316 : i32
    %slice3A_2318 = vector.extract_strided_slice %shift_right_arithmetic3A_12 {offsets = [96, 0], sizes = [8, 1], strides = [1, 1]} : vector<128x1xi32> to vector<8x1xi32>
    %eq3A_2319 = vector.broadcast %shift_right_arithmetic3A_2317 : i32 to vector<8x1xi32>
    %eq3A_2320 = arith.cmpi eq, %slice3A_2318, %eq3A_2319 : vector<8x1xi32>
    %convert_element_type3A_2321 = arith.extui %eq3A_2320 : vector<8x1xi1> to vector<8x1xi32>
    %convert_element_type3A_2322 = arith.sitofp %convert_element_type3A_2321 : vector<8x1xi32> to vector<8x1xf32>
    %slice3A_2323 = vector.extract_strided_slice %get3A_10 {offsets = [96, 0], sizes = [8, 128], strides = [1, 1]} : vector<128x128xf32> to vector<8x128xf32>
    %mul3A_2324 = vector.broadcast %convert_element_type3A_2322 : vector<8x1xf32> to vector<8x128xf32>
    %mul3A_2325 = arith.mulf %slice3A_2323, %mul3A_2324 : vector<8x128xf32>
    %swap3A_2326 = arith.constant 768 : index
    %swap3A_2327 = arith.constant 0 : index
    %swap3A_2328 = vector.load %arg5[%swap3A_2326, %swap3A_2327] : memref<1024x128xf32, #tpu.memory_space<vmem>>, vector<8x128xf32>
    tpu.vector_store %arg5[%swap3A_2326, %swap3A_2327], %mul3A_2325 {strides = array<i32>} : memref<1024x128xf32, #tpu.memory_space<vmem>>, vector<8x128xf32>,
    %mul3A_2329 = arith.constant 128 : i32
    %mul3A_2330 = arith.muli %shift_right_arithmetic3A_2317, %mul3A_2329 : i32
    %multiple_of3A_2331 = tpu.assume_multiple %mul3A_2330, 128 : i32
    %dma_start3A_2332 = arith.constant 96 : i32
    %dma_start3A_2333 = tpu.memref_slice %arg3[%dma_start3A_2332, %multiple_of3A_2331] : memref<128x32768xf32, #tpu.memory_space<any>> -> memref<8x128xf32, #tpu.memory_space<any>>
    %dma_start3A_2334 = arith.constant 768 : i32
    %dma_start3A_2335 = arith.constant 0 : i32
    %dma_start3A_2336 = tpu.memref_slice %arg5[%dma_start3A_2334, %dma_start3A_2335] : memref<1024x128xf32, #tpu.memory_space<vmem>> -> memref<8x128xf32, #tpu.memory_space<vmem>>
    tpu.enqueue_dma source(%dma_start3A_2336 : memref<8x128xf32, #tpu.memory_space<vmem>>) target(%dma_start3A_2333 : memref<8x128xf32, #tpu.memory_space<any>>) target_semaphore(%arg6 : memref<!tpu.dma_semaphore, #tpu.memory_space<semaphore_mem>>)
    %get3A_2337 = arith.constant 97 : index
    %get3A_2338 = arith.constant 0 : index
    %get3A_2339 = memref.load %arg1[%get3A_2337, %get3A_2338] : memref<128x1xi32, #tpu.memory_space<smem>>
    %shift_right_arithmetic3A_2340 = arith.constant 7 : i32
    %shift_right_arithmetic3A_2341 = arith.shrsi %get3A_2339, %shift_right_arithmetic3A_2340 : i32
    %slice3A_2342 = vector.extract_strided_slice %shift_right_arithmetic3A_12 {offsets = [96, 0], sizes = [8, 1], strides = [1, 1]} : vector<128x1xi32> to vector<8x1xi32>
    %eq3A_2343 = vector.broadcast %shift_right_arithmetic3A_2341 : i32 to vector<8x1xi32>
    %eq3A_2344 = arith.cmpi eq, %slice3A_2342, %eq3A_2343 : vector<8x1xi32>
    %convert_element_type3A_2345 = arith.extui %eq3A_2344 : vector<8x1xi1> to vector<8x1xi32>
    %convert_element_type3A_2346 = arith.sitofp %convert_element_type3A_2345 : vector<8x1xi32> to vector<8x1xf32>
    %slice3A_2347 = vector.extract_strided_slice %get3A_10 {offsets = [96, 0], sizes = [8, 128], strides = [1, 1]} : vector<128x128xf32> to vector<8x128xf32>
    %mul3A_2348 = vector.broadcast %convert_element_type3A_2346 : vector<8x1xf32> to vector<8x128xf32>
    %mul3A_2349 = arith.mulf %slice3A_2347, %mul3A_2348 : vector<8x128xf32>
    %swap3A_2350 = arith.constant 776 : index
    %swap3A_2351 = arith.constant 0 : index
    %swap3A_2352 = vector.load %arg5[%swap3A_2350, %swap3A_2351] : memref<1024x128xf32, #tpu.memory_space<vmem>>, vector<8x128xf32>
    tpu.vector_store %arg5[%swap3A_2350, %swap3A_2351], %mul3A_2349 {strides = array<i32>} : memref<1024x128xf32, #tpu.memory_space<vmem>>, vector<8x128xf32>,
    %mul3A_2353 = arith.constant 128 : i32
    %mul3A_2354 = arith.muli %shift_right_arithmetic3A_2341, %mul3A_2353 : i32
    %multiple_of3A_2355 = tpu.assume_multiple %mul3A_2354, 128 : i32
    %dma_start3A_2356 = arith.constant 96 : i32
    %dma_start3A_2357 = tpu.memref_slice %arg3[%dma_start3A_2356, %multiple_of3A_2355] : memref<128x32768xf32, #tpu.memory_space<any>> -> memref<8x128xf32, #tpu.memory_space<any>>
    %dma_start3A_2358 = arith.constant 776 : i32
    %dma_start3A_2359 = arith.constant 0 : i32
    %dma_start3A_2360 = tpu.memref_slice %arg5[%dma_start3A_2358, %dma_start3A_2359] : memref<1024x128xf32, #tpu.memory_space<vmem>> -> memref<8x128xf32, #tpu.memory_space<vmem>>
    tpu.enqueue_dma source(%dma_start3A_2360 : memref<8x128xf32, #tpu.memory_space<vmem>>) target(%dma_start3A_2357 : memref<8x128xf32, #tpu.memory_space<any>>) target_semaphore(%arg6 : memref<!tpu.dma_semaphore, #tpu.memory_space<semaphore_mem>>)
    %get3A_2361 = arith.constant 98 : index
    %get3A_2362 = arith.constant 0 : index
    %get3A_2363 = memref.load %arg1[%get3A_2361, %get3A_2362] : memref<128x1xi32, #tpu.memory_space<smem>>
    %shift_right_arithmetic3A_2364 = arith.constant 7 : i32
    %shift_right_arithmetic3A_2365 = arith.shrsi %get3A_2363, %shift_right_arithmetic3A_2364 : i32
    %slice3A_2366 = vector.extract_strided_slice %shift_right_arithmetic3A_12 {offsets = [96, 0], sizes = [8, 1], strides = [1, 1]} : vector<128x1xi32> to vector<8x1xi32>
    %eq3A_2367 = vector.broadcast %shift_right_arithmetic3A_2365 : i32 to vector<8x1xi32>
    %eq3A_2368 = arith.cmpi eq, %slice3A_2366, %eq3A_2367 : vector<8x1xi32>
    %convert_element_type3A_2369 = arith.extui %eq3A_2368 : vector<8x1xi1> to vector<8x1xi32>
    %convert_element_type3A_2370 = arith.sitofp %convert_element_type3A_2369 : vector<8x1xi32> to vector<8x1xf32>
    %slice3A_2371 = vector.extract_strided_slice %get3A_10 {offsets = [96, 0], sizes = [8, 128], strides = [1, 1]} : vector<128x128xf32> to vector<8x128xf32>
    %mul3A_2372 = vector.broadcast %convert_element_type3A_2370 : vector<8x1xf32> to vector<8x128xf32>
    %mul3A_2373 = arith.mulf %slice3A_2371, %mul3A_2372 : vector<8x128xf32>
    %swap3A_2374 = arith.constant 784 : index
    %swap3A_2375 = arith.constant 0 : index
    %swap3A_2376 = vector.load %arg5[%swap3A_2374, %swap3A_2375] : memref<1024x128xf32, #tpu.memory_space<vmem>>, vector<8x128xf32>
    tpu.vector_store %arg5[%swap3A_2374, %swap3A_2375], %mul3A_2373 {strides = array<i32>} : memref<1024x128xf32, #tpu.memory_space<vmem>>, vector<8x128xf32>,
    %mul3A_2377 = arith.constant 128 : i32
    %mul3A_2378 = arith.muli %shift_right_arithmetic3A_2365, %mul3A_2377 : i32
    %multiple_of3A_2379 = tpu.assume_multiple %mul3A_2378, 128 : i32
    %dma_start3A_2380 = arith.constant 96 : i32
    %dma_start3A_2381 = tpu.memref_slice %arg3[%dma_start3A_2380, %multiple_of3A_2379] : memref<128x32768xf32, #tpu.memory_space<any>> -> memref<8x128xf32, #tpu.memory_space<any>>
    %dma_start3A_2382 = arith.constant 784 : i32
    %dma_start3A_2383 = arith.constant 0 : i32
    %dma_start3A_2384 = tpu.memref_slice %arg5[%dma_start3A_2382, %dma_start3A_2383] : memref<1024x128xf32, #tpu.memory_space<vmem>> -> memref<8x128xf32, #tpu.memory_space<vmem>>
    tpu.enqueue_dma source(%dma_start3A_2384 : memref<8x128xf32, #tpu.memory_space<vmem>>) target(%dma_start3A_2381 : memref<8x128xf32, #tpu.memory_space<any>>) target_semaphore(%arg6 : memref<!tpu.dma_semaphore, #tpu.memory_space<semaphore_mem>>)
    %get3A_2385 = arith.constant 99 : index
    %get3A_2386 = arith.constant 0 : index
    %get3A_2387 = memref.load %arg1[%get3A_2385, %get3A_2386] : memref<128x1xi32, #tpu.memory_space<smem>>
    %shift_right_arithmetic3A_2388 = arith.constant 7 : i32
    %shift_right_arithmetic3A_2389 = arith.shrsi %get3A_2387, %shift_right_arithmetic3A_2388 : i32
    %slice3A_2390 = vector.extract_strided_slice %shift_right_arithmetic3A_12 {offsets = [96, 0], sizes = [8, 1], strides = [1, 1]} : vector<128x1xi32> to vector<8x1xi32>
    %eq3A_2391 = vector.broadcast %shift_right_arithmetic3A_2389 : i32 to vector<8x1xi32>
    %eq3A_2392 = arith.cmpi eq, %slice3A_2390, %eq3A_2391 : vector<8x1xi32>
    %convert_element_type3A_2393 = arith.extui %eq3A_2392 : vector<8x1xi1> to vector<8x1xi32>
    %convert_element_type3A_2394 = arith.sitofp %convert_element_type3A_2393 : vector<8x1xi32> to vector<8x1xf32>
    %slice3A_2395 = vector.extract_strided_slice %get3A_10 {offsets = [96, 0], sizes = [8, 128], strides = [1, 1]} : vector<128x128xf32> to vector<8x128xf32>
    %mul3A_2396 = vector.broadcast %convert_element_type3A_2394 : vector<8x1xf32> to vector<8x128xf32>
    %mul3A_2397 = arith.mulf %slice3A_2395, %mul3A_2396 : vector<8x128xf32>
    %swap3A_2398 = arith.constant 792 : index
    %swap3A_2399 = arith.constant 0 : index
    %swap3A_2400 = vector.load %arg5[%swap3A_2398, %swap3A_2399] : memref<1024x128xf32, #tpu.memory_space<vmem>>, vector<8x128xf32>
    tpu.vector_store %arg5[%swap3A_2398, %swap3A_2399], %mul3A_2397 {strides = array<i32>} : memref<1024x128xf32, #tpu.memory_space<vmem>>, vector<8x128xf32>,
    %mul3A_2401 = arith.constant 128 : i32
    %mul3A_2402 = arith.muli %shift_right_arithmetic3A_2389, %mul3A_2401 : i32
    %multiple_of3A_2403 = tpu.assume_multiple %mul3A_2402, 128 : i32
    %dma_start3A_2404 = arith.constant 96 : i32
    %dma_start3A_2405 = tpu.memref_slice %arg3[%dma_start3A_2404, %multiple_of3A_2403] : memref<128x32768xf32, #tpu.memory_space<any>> -> memref<8x128xf32, #tpu.memory_space<any>>
    %dma_start3A_2406 = arith.constant 792 : i32
    %dma_start3A_2407 = arith.constant 0 : i32
    %dma_start3A_2408 = tpu.memref_slice %arg5[%dma_start3A_2406, %dma_start3A_2407] : memref<1024x128xf32, #tpu.memory_space<vmem>> -> memref<8x128xf32, #tpu.memory_space<vmem>>
    tpu.enqueue_dma source(%dma_start3A_2408 : memref<8x128xf32, #tpu.memory_space<vmem>>) target(%dma_start3A_2405 : memref<8x128xf32, #tpu.memory_space<any>>) target_semaphore(%arg6 : memref<!tpu.dma_semaphore, #tpu.memory_space<semaphore_mem>>)
    %get3A_2409 = arith.constant 100 : index
    %get3A_2410 = arith.constant 0 : index
    %get3A_2411 = memref.load %arg1[%get3A_2409, %get3A_2410] : memref<128x1xi32, #tpu.memory_space<smem>>
    %shift_right_arithmetic3A_2412 = arith.constant 7 : i32
    %shift_right_arithmetic3A_2413 = arith.shrsi %get3A_2411, %shift_right_arithmetic3A_2412 : i32
    %slice3A_2414 = vector.extract_strided_slice %shift_right_arithmetic3A_12 {offsets = [96, 0], sizes = [8, 1], strides = [1, 1]} : vector<128x1xi32> to vector<8x1xi32>
    %eq3A_2415 = vector.broadcast %shift_right_arithmetic3A_2413 : i32 to vector<8x1xi32>
    %eq3A_2416 = arith.cmpi eq, %slice3A_2414, %eq3A_2415 : vector<8x1xi32>
    %convert_element_type3A_2417 = arith.extui %eq3A_2416 : vector<8x1xi1> to vector<8x1xi32>
    %convert_element_type3A_2418 = arith.sitofp %convert_element_type3A_2417 : vector<8x1xi32> to vector<8x1xf32>
    %slice3A_2419 = vector.extract_strided_slice %get3A_10 {offsets = [96, 0], sizes = [8, 128], strides = [1, 1]} : vector<128x128xf32> to vector<8x128xf32>
    %mul3A_2420 = vector.broadcast %convert_element_type3A_2418 : vector<8x1xf32> to vector<8x128xf32>
    %mul3A_2421 = arith.mulf %slice3A_2419, %mul3A_2420 : vector<8x128xf32>
    %swap3A_2422 = arith.constant 800 : index
    %swap3A_2423 = arith.constant 0 : index
    %swap3A_2424 = vector.load %arg5[%swap3A_2422, %swap3A_2423] : memref<1024x128xf32, #tpu.memory_space<vmem>>, vector<8x128xf32>
    tpu.vector_store %arg5[%swap3A_2422, %swap3A_2423], %mul3A_2421 {strides = array<i32>} : memref<1024x128xf32, #tpu.memory_space<vmem>>, vector<8x128xf32>,
    %mul3A_2425 = arith.constant 128 : i32
    %mul3A_2426 = arith.muli %shift_right_arithmetic3A_2413, %mul3A_2425 : i32
    %multiple_of3A_2427 = tpu.assume_multiple %mul3A_2426, 128 : i32
    %dma_start3A_2428 = arith.constant 96 : i32
    %dma_start3A_2429 = tpu.memref_slice %arg3[%dma_start3A_2428, %multiple_of3A_2427] : memref<128x32768xf32, #tpu.memory_space<any>> -> memref<8x128xf32, #tpu.memory_space<any>>
    %dma_start3A_2430 = arith.constant 800 : i32
    %dma_start3A_2431 = arith.constant 0 : i32
    %dma_start3A_2432 = tpu.memref_slice %arg5[%dma_start3A_2430, %dma_start3A_2431] : memref<1024x128xf32, #tpu.memory_space<vmem>> -> memref<8x128xf32, #tpu.memory_space<vmem>>
    tpu.enqueue_dma source(%dma_start3A_2432 : memref<8x128xf32, #tpu.memory_space<vmem>>) target(%dma_start3A_2429 : memref<8x128xf32, #tpu.memory_space<any>>) target_semaphore(%arg6 : memref<!tpu.dma_semaphore, #tpu.memory_space<semaphore_mem>>)
    %get3A_2433 = arith.constant 101 : index
    %get3A_2434 = arith.constant 0 : index
    %get3A_2435 = memref.load %arg1[%get3A_2433, %get3A_2434] : memref<128x1xi32, #tpu.memory_space<smem>>
    %shift_right_arithmetic3A_2436 = arith.constant 7 : i32
    %shift_right_arithmetic3A_2437 = arith.shrsi %get3A_2435, %shift_right_arithmetic3A_2436 : i32
    %slice3A_2438 = vector.extract_strided_slice %shift_right_arithmetic3A_12 {offsets = [96, 0], sizes = [8, 1], strides = [1, 1]} : vector<128x1xi32> to vector<8x1xi32>
    %eq3A_2439 = vector.broadcast %shift_right_arithmetic3A_2437 : i32 to vector<8x1xi32>
    %eq3A_2440 = arith.cmpi eq, %slice3A_2438, %eq3A_2439 : vector<8x1xi32>
    %convert_element_type3A_2441 = arith.extui %eq3A_2440 : vector<8x1xi1> to vector<8x1xi32>
    %convert_element_type3A_2442 = arith.sitofp %convert_element_type3A_2441 : vector<8x1xi32> to vector<8x1xf32>
    %slice3A_2443 = vector.extract_strided_slice %get3A_10 {offsets = [96, 0], sizes = [8, 128], strides = [1, 1]} : vector<128x128xf32> to vector<8x128xf32>
    %mul3A_2444 = vector.broadcast %convert_element_type3A_2442 : vector<8x1xf32> to vector<8x128xf32>
    %mul3A_2445 = arith.mulf %slice3A_2443, %mul3A_2444 : vector<8x128xf32>
    %swap3A_2446 = arith.constant 808 : index
    %swap3A_2447 = arith.constant 0 : index
    %swap3A_2448 = vector.load %arg5[%swap3A_2446, %swap3A_2447] : memref<1024x128xf32, #tpu.memory_space<vmem>>, vector<8x128xf32>
    tpu.vector_store %arg5[%swap3A_2446, %swap3A_2447], %mul3A_2445 {strides = array<i32>} : memref<1024x128xf32, #tpu.memory_space<vmem>>, vector<8x128xf32>,
    %mul3A_2449 = arith.constant 128 : i32
    %mul3A_2450 = arith.muli %shift_right_arithmetic3A_2437, %mul3A_2449 : i32
    %multiple_of3A_2451 = tpu.assume_multiple %mul3A_2450, 128 : i32
    %dma_start3A_2452 = arith.constant 96 : i32
    %dma_start3A_2453 = tpu.memref_slice %arg3[%dma_start3A_2452, %multiple_of3A_2451] : memref<128x32768xf32, #tpu.memory_space<any>> -> memref<8x128xf32, #tpu.memory_space<any>>
    %dma_start3A_2454 = arith.constant 808 : i32
    %dma_start3A_2455 = arith.constant 0 : i32
    %dma_start3A_2456 = tpu.memref_slice %arg5[%dma_start3A_2454, %dma_start3A_2455] : memref<1024x128xf32, #tpu.memory_space<vmem>> -> memref<8x128xf32, #tpu.memory_space<vmem>>
    tpu.enqueue_dma source(%dma_start3A_2456 : memref<8x128xf32, #tpu.memory_space<vmem>>) target(%dma_start3A_2453 : memref<8x128xf32, #tpu.memory_space<any>>) target_semaphore(%arg6 : memref<!tpu.dma_semaphore, #tpu.memory_space<semaphore_mem>>)
    %get3A_2457 = arith.constant 102 : index
    %get3A_2458 = arith.constant 0 : index
    %get3A_2459 = memref.load %arg1[%get3A_2457, %get3A_2458] : memref<128x1xi32, #tpu.memory_space<smem>>
    %shift_right_arithmetic3A_2460 = arith.constant 7 : i32
    %shift_right_arithmetic3A_2461 = arith.shrsi %get3A_2459, %shift_right_arithmetic3A_2460 : i32
    %slice3A_2462 = vector.extract_strided_slice %shift_right_arithmetic3A_12 {offsets = [96, 0], sizes = [8, 1], strides = [1, 1]} : vector<128x1xi32> to vector<8x1xi32>
    %eq3A_2463 = vector.broadcast %shift_right_arithmetic3A_2461 : i32 to vector<8x1xi32>
    %eq3A_2464 = arith.cmpi eq, %slice3A_2462, %eq3A_2463 : vector<8x1xi32>
    %convert_element_type3A_2465 = arith.extui %eq3A_2464 : vector<8x1xi1> to vector<8x1xi32>
    %convert_element_type3A_2466 = arith.sitofp %convert_element_type3A_2465 : vector<8x1xi32> to vector<8x1xf32>
    %slice3A_2467 = vector.extract_strided_slice %get3A_10 {offsets = [96, 0], sizes = [8, 128], strides = [1, 1]} : vector<128x128xf32> to vector<8x128xf32>
    %mul3A_2468 = vector.broadcast %convert_element_type3A_2466 : vector<8x1xf32> to vector<8x128xf32>
    %mul3A_2469 = arith.mulf %slice3A_2467, %mul3A_2468 : vector<8x128xf32>
    %swap3A_2470 = arith.constant 816 : index
    %swap3A_2471 = arith.constant 0 : index
    %swap3A_2472 = vector.load %arg5[%swap3A_2470, %swap3A_2471] : memref<1024x128xf32, #tpu.memory_space<vmem>>, vector<8x128xf32>
    tpu.vector_store %arg5[%swap3A_2470, %swap3A_2471], %mul3A_2469 {strides = array<i32>} : memref<1024x128xf32, #tpu.memory_space<vmem>>, vector<8x128xf32>,
    %mul3A_2473 = arith.constant 128 : i32
    %mul3A_2474 = arith.muli %shift_right_arithmetic3A_2461, %mul3A_2473 : i32
    %multiple_of3A_2475 = tpu.assume_multiple %mul3A_2474, 128 : i32
    %dma_start3A_2476 = arith.constant 96 : i32
    %dma_start3A_2477 = tpu.memref_slice %arg3[%dma_start3A_2476, %multiple_of3A_2475] : memref<128x32768xf32, #tpu.memory_space<any>> -> memref<8x128xf32, #tpu.memory_space<any>>
    %dma_start3A_2478 = arith.constant 816 : i32
    %dma_start3A_2479 = arith.constant 0 : i32
    %dma_start3A_2480 = tpu.memref_slice %arg5[%dma_start3A_2478, %dma_start3A_2479] : memref<1024x128xf32, #tpu.memory_space<vmem>> -> memref<8x128xf32, #tpu.memory_space<vmem>>
    tpu.enqueue_dma source(%dma_start3A_2480 : memref<8x128xf32, #tpu.memory_space<vmem>>) target(%dma_start3A_2477 : memref<8x128xf32, #tpu.memory_space<any>>) target_semaphore(%arg6 : memref<!tpu.dma_semaphore, #tpu.memory_space<semaphore_mem>>)
    %get3A_2481 = arith.constant 103 : index
    %get3A_2482 = arith.constant 0 : index
    %get3A_2483 = memref.load %arg1[%get3A_2481, %get3A_2482] : memref<128x1xi32, #tpu.memory_space<smem>>
    %shift_right_arithmetic3A_2484 = arith.constant 7 : i32
    %shift_right_arithmetic3A_2485 = arith.shrsi %get3A_2483, %shift_right_arithmetic3A_2484 : i32
    %slice3A_2486 = vector.extract_strided_slice %shift_right_arithmetic3A_12 {offsets = [96, 0], sizes = [8, 1], strides = [1, 1]} : vector<128x1xi32> to vector<8x1xi32>
    %eq3A_2487 = vector.broadcast %shift_right_arithmetic3A_2485 : i32 to vector<8x1xi32>
    %eq3A_2488 = arith.cmpi eq, %slice3A_2486, %eq3A_2487 : vector<8x1xi32>
    %convert_element_type3A_2489 = arith.extui %eq3A_2488 : vector<8x1xi1> to vector<8x1xi32>
    %convert_element_type3A_2490 = arith.sitofp %convert_element_type3A_2489 : vector<8x1xi32> to vector<8x1xf32>
    %slice3A_2491 = vector.extract_strided_slice %get3A_10 {offsets = [96, 0], sizes = [8, 128], strides = [1, 1]} : vector<128x128xf32> to vector<8x128xf32>
    %mul3A_2492 = vector.broadcast %convert_element_type3A_2490 : vector<8x1xf32> to vector<8x128xf32>
    %mul3A_2493 = arith.mulf %slice3A_2491, %mul3A_2492 : vector<8x128xf32>
    %swap3A_2494 = arith.constant 824 : index
    %swap3A_2495 = arith.constant 0 : index
    %swap3A_2496 = vector.load %arg5[%swap3A_2494, %swap3A_2495] : memref<1024x128xf32, #tpu.memory_space<vmem>>, vector<8x128xf32>
    tpu.vector_store %arg5[%swap3A_2494, %swap3A_2495], %mul3A_2493 {strides = array<i32>} : memref<1024x128xf32, #tpu.memory_space<vmem>>, vector<8x128xf32>,
    %mul3A_2497 = arith.constant 128 : i32
    %mul3A_2498 = arith.muli %shift_right_arithmetic3A_2485, %mul3A_2497 : i32
    %multiple_of3A_2499 = tpu.assume_multiple %mul3A_2498, 128 : i32
    %dma_start3A_2500 = arith.constant 96 : i32
    %dma_start3A_2501 = tpu.memref_slice %arg3[%dma_start3A_2500, %multiple_of3A_2499] : memref<128x32768xf32, #tpu.memory_space<any>> -> memref<8x128xf32, #tpu.memory_space<any>>
    %dma_start3A_2502 = arith.constant 824 : i32
    %dma_start3A_2503 = arith.constant 0 : i32
    %dma_start3A_2504 = tpu.memref_slice %arg5[%dma_start3A_2502, %dma_start3A_2503] : memref<1024x128xf32, #tpu.memory_space<vmem>> -> memref<8x128xf32, #tpu.memory_space<vmem>>
    tpu.enqueue_dma source(%dma_start3A_2504 : memref<8x128xf32, #tpu.memory_space<vmem>>) target(%dma_start3A_2501 : memref<8x128xf32, #tpu.memory_space<any>>) target_semaphore(%arg6 : memref<!tpu.dma_semaphore, #tpu.memory_space<semaphore_mem>>)
    %get3A_2505 = arith.constant 104 : index
    %get3A_2506 = arith.constant 0 : index
    %get3A_2507 = memref.load %arg1[%get3A_2505, %get3A_2506] : memref<128x1xi32, #tpu.memory_space<smem>>
    %shift_right_arithmetic3A_2508 = arith.constant 7 : i32
    %shift_right_arithmetic3A_2509 = arith.shrsi %get3A_2507, %shift_right_arithmetic3A_2508 : i32
    %slice3A_2510 = vector.extract_strided_slice %shift_right_arithmetic3A_12 {offsets = [104, 0], sizes = [8, 1], strides = [1, 1]} : vector<128x1xi32> to vector<8x1xi32>
    %eq3A_2511 = vector.broadcast %shift_right_arithmetic3A_2509 : i32 to vector<8x1xi32>
    %eq3A_2512 = arith.cmpi eq, %slice3A_2510, %eq3A_2511 : vector<8x1xi32>
    %convert_element_type3A_2513 = arith.extui %eq3A_2512 : vector<8x1xi1> to vector<8x1xi32>
    %convert_element_type3A_2514 = arith.sitofp %convert_element_type3A_2513 : vector<8x1xi32> to vector<8x1xf32>
    %slice3A_2515 = vector.extract_strided_slice %get3A_10 {offsets = [104, 0], sizes = [8, 128], strides = [1, 1]} : vector<128x128xf32> to vector<8x128xf32>
    %mul3A_2516 = vector.broadcast %convert_element_type3A_2514 : vector<8x1xf32> to vector<8x128xf32>
    %mul3A_2517 = arith.mulf %slice3A_2515, %mul3A_2516 : vector<8x128xf32>
    %swap3A_2518 = arith.constant 832 : index
    %swap3A_2519 = arith.constant 0 : index
    %swap3A_2520 = vector.load %arg5[%swap3A_2518, %swap3A_2519] : memref<1024x128xf32, #tpu.memory_space<vmem>>, vector<8x128xf32>
    tpu.vector_store %arg5[%swap3A_2518, %swap3A_2519], %mul3A_2517 {strides = array<i32>} : memref<1024x128xf32, #tpu.memory_space<vmem>>, vector<8x128xf32>,
    %mul3A_2521 = arith.constant 128 : i32
    %mul3A_2522 = arith.muli %shift_right_arithmetic3A_2509, %mul3A_2521 : i32
    %multiple_of3A_2523 = tpu.assume_multiple %mul3A_2522, 128 : i32
    %dma_start3A_2524 = arith.constant 104 : i32
    %dma_start3A_2525 = tpu.memref_slice %arg3[%dma_start3A_2524, %multiple_of3A_2523] : memref<128x32768xf32, #tpu.memory_space<any>> -> memref<8x128xf32, #tpu.memory_space<any>>
    %dma_start3A_2526 = arith.constant 832 : i32
    %dma_start3A_2527 = arith.constant 0 : i32
    %dma_start3A_2528 = tpu.memref_slice %arg5[%dma_start3A_2526, %dma_start3A_2527] : memref<1024x128xf32, #tpu.memory_space<vmem>> -> memref<8x128xf32, #tpu.memory_space<vmem>>
    tpu.enqueue_dma source(%dma_start3A_2528 : memref<8x128xf32, #tpu.memory_space<vmem>>) target(%dma_start3A_2525 : memref<8x128xf32, #tpu.memory_space<any>>) target_semaphore(%arg6 : memref<!tpu.dma_semaphore, #tpu.memory_space<semaphore_mem>>)
    %get3A_2529 = arith.constant 105 : index
    %get3A_2530 = arith.constant 0 : index
    %get3A_2531 = memref.load %arg1[%get3A_2529, %get3A_2530] : memref<128x1xi32, #tpu.memory_space<smem>>
    %shift_right_arithmetic3A_2532 = arith.constant 7 : i32
    %shift_right_arithmetic3A_2533 = arith.shrsi %get3A_2531, %shift_right_arithmetic3A_2532 : i32
    %slice3A_2534 = vector.extract_strided_slice %shift_right_arithmetic3A_12 {offsets = [104, 0], sizes = [8, 1], strides = [1, 1]} : vector<128x1xi32> to vector<8x1xi32>
    %eq3A_2535 = vector.broadcast %shift_right_arithmetic3A_2533 : i32 to vector<8x1xi32>
    %eq3A_2536 = arith.cmpi eq, %slice3A_2534, %eq3A_2535 : vector<8x1xi32>
    %convert_element_type3A_2537 = arith.extui %eq3A_2536 : vector<8x1xi1> to vector<8x1xi32>
    %convert_element_type3A_2538 = arith.sitofp %convert_element_type3A_2537 : vector<8x1xi32> to vector<8x1xf32>
    %slice3A_2539 = vector.extract_strided_slice %get3A_10 {offsets = [104, 0], sizes = [8, 128], strides = [1, 1]} : vector<128x128xf32> to vector<8x128xf32>
    %mul3A_2540 = vector.broadcast %convert_element_type3A_2538 : vector<8x1xf32> to vector<8x128xf32>
    %mul3A_2541 = arith.mulf %slice3A_2539, %mul3A_2540 : vector<8x128xf32>
    %swap3A_2542 = arith.constant 840 : index
    %swap3A_2543 = arith.constant 0 : index
    %swap3A_2544 = vector.load %arg5[%swap3A_2542, %swap3A_2543] : memref<1024x128xf32, #tpu.memory_space<vmem>>, vector<8x128xf32>
    tpu.vector_store %arg5[%swap3A_2542, %swap3A_2543], %mul3A_2541 {strides = array<i32>} : memref<1024x128xf32, #tpu.memory_space<vmem>>, vector<8x128xf32>,
    %mul3A_2545 = arith.constant 128 : i32
    %mul3A_2546 = arith.muli %shift_right_arithmetic3A_2533, %mul3A_2545 : i32
    %multiple_of3A_2547 = tpu.assume_multiple %mul3A_2546, 128 : i32
    %dma_start3A_2548 = arith.constant 104 : i32
    %dma_start3A_2549 = tpu.memref_slice %arg3[%dma_start3A_2548, %multiple_of3A_2547] : memref<128x32768xf32, #tpu.memory_space<any>> -> memref<8x128xf32, #tpu.memory_space<any>>
    %dma_start3A_2550 = arith.constant 840 : i32
    %dma_start3A_2551 = arith.constant 0 : i32
    %dma_start3A_2552 = tpu.memref_slice %arg5[%dma_start3A_2550, %dma_start3A_2551] : memref<1024x128xf32, #tpu.memory_space<vmem>> -> memref<8x128xf32, #tpu.memory_space<vmem>>
    tpu.enqueue_dma source(%dma_start3A_2552 : memref<8x128xf32, #tpu.memory_space<vmem>>) target(%dma_start3A_2549 : memref<8x128xf32, #tpu.memory_space<any>>) target_semaphore(%arg6 : memref<!tpu.dma_semaphore, #tpu.memory_space<semaphore_mem>>)
    %get3A_2553 = arith.constant 106 : index
    %get3A_2554 = arith.constant 0 : index
    %get3A_2555 = memref.load %arg1[%get3A_2553, %get3A_2554] : memref<128x1xi32, #tpu.memory_space<smem>>
    %shift_right_arithmetic3A_2556 = arith.constant 7 : i32
    %shift_right_arithmetic3A_2557 = arith.shrsi %get3A_2555, %shift_right_arithmetic3A_2556 : i32
    %slice3A_2558 = vector.extract_strided_slice %shift_right_arithmetic3A_12 {offsets = [104, 0], sizes = [8, 1], strides = [1, 1]} : vector<128x1xi32> to vector<8x1xi32>
    %eq3A_2559 = vector.broadcast %shift_right_arithmetic3A_2557 : i32 to vector<8x1xi32>
    %eq3A_2560 = arith.cmpi eq, %slice3A_2558, %eq3A_2559 : vector<8x1xi32>
    %convert_element_type3A_2561 = arith.extui %eq3A_2560 : vector<8x1xi1> to vector<8x1xi32>
    %convert_element_type3A_2562 = arith.sitofp %convert_element_type3A_2561 : vector<8x1xi32> to vector<8x1xf32>
    %slice3A_2563 = vector.extract_strided_slice %get3A_10 {offsets = [104, 0], sizes = [8, 128], strides = [1, 1]} : vector<128x128xf32> to vector<8x128xf32>
    %mul3A_2564 = vector.broadcast %convert_element_type3A_2562 : vector<8x1xf32> to vector<8x128xf32>
    %mul3A_2565 = arith.mulf %slice3A_2563, %mul3A_2564 : vector<8x128xf32>
    %swap3A_2566 = arith.constant 848 : index
    %swap3A_2567 = arith.constant 0 : index
    %swap3A_2568 = vector.load %arg5[%swap3A_2566, %swap3A_2567] : memref<1024x128xf32, #tpu.memory_space<vmem>>, vector<8x128xf32>
    tpu.vector_store %arg5[%swap3A_2566, %swap3A_2567], %mul3A_2565 {strides = array<i32>} : memref<1024x128xf32, #tpu.memory_space<vmem>>, vector<8x128xf32>,
    %mul3A_2569 = arith.constant 128 : i32
    %mul3A_2570 = arith.muli %shift_right_arithmetic3A_2557, %mul3A_2569 : i32
    %multiple_of3A_2571 = tpu.assume_multiple %mul3A_2570, 128 : i32
    %dma_start3A_2572 = arith.constant 104 : i32
    %dma_start3A_2573 = tpu.memref_slice %arg3[%dma_start3A_2572, %multiple_of3A_2571] : memref<128x32768xf32, #tpu.memory_space<any>> -> memref<8x128xf32, #tpu.memory_space<any>>
    %dma_start3A_2574 = arith.constant 848 : i32
    %dma_start3A_2575 = arith.constant 0 : i32
    %dma_start3A_2576 = tpu.memref_slice %arg5[%dma_start3A_2574, %dma_start3A_2575] : memref<1024x128xf32, #tpu.memory_space<vmem>> -> memref<8x128xf32, #tpu.memory_space<vmem>>
    tpu.enqueue_dma source(%dma_start3A_2576 : memref<8x128xf32, #tpu.memory_space<vmem>>) target(%dma_start3A_2573 : memref<8x128xf32, #tpu.memory_space<any>>) target_semaphore(%arg6 : memref<!tpu.dma_semaphore, #tpu.memory_space<semaphore_mem>>)
    %get3A_2577 = arith.constant 107 : index
    %get3A_2578 = arith.constant 0 : index
    %get3A_2579 = memref.load %arg1[%get3A_2577, %get3A_2578] : memref<128x1xi32, #tpu.memory_space<smem>>
    %shift_right_arithmetic3A_2580 = arith.constant 7 : i32
    %shift_right_arithmetic3A_2581 = arith.shrsi %get3A_2579, %shift_right_arithmetic3A_2580 : i32
    %slice3A_2582 = vector.extract_strided_slice %shift_right_arithmetic3A_12 {offsets = [104, 0], sizes = [8, 1], strides = [1, 1]} : vector<128x1xi32> to vector<8x1xi32>
    %eq3A_2583 = vector.broadcast %shift_right_arithmetic3A_2581 : i32 to vector<8x1xi32>
    %eq3A_2584 = arith.cmpi eq, %slice3A_2582, %eq3A_2583 : vector<8x1xi32>
    %convert_element_type3A_2585 = arith.extui %eq3A_2584 : vector<8x1xi1> to vector<8x1xi32>
    %convert_element_type3A_2586 = arith.sitofp %convert_element_type3A_2585 : vector<8x1xi32> to vector<8x1xf32>
    %slice3A_2587 = vector.extract_strided_slice %get3A_10 {offsets = [104, 0], sizes = [8, 128], strides = [1, 1]} : vector<128x128xf32> to vector<8x128xf32>
    %mul3A_2588 = vector.broadcast %convert_element_type3A_2586 : vector<8x1xf32> to vector<8x128xf32>
    %mul3A_2589 = arith.mulf %slice3A_2587, %mul3A_2588 : vector<8x128xf32>
    %swap3A_2590 = arith.constant 856 : index
    %swap3A_2591 = arith.constant 0 : index
    %swap3A_2592 = vector.load %arg5[%swap3A_2590, %swap3A_2591] : memref<1024x128xf32, #tpu.memory_space<vmem>>, vector<8x128xf32>
    tpu.vector_store %arg5[%swap3A_2590, %swap3A_2591], %mul3A_2589 {strides = array<i32>} : memref<1024x128xf32, #tpu.memory_space<vmem>>, vector<8x128xf32>,
    %mul3A_2593 = arith.constant 128 : i32
    %mul3A_2594 = arith.muli %shift_right_arithmetic3A_2581, %mul3A_2593 : i32
    %multiple_of3A_2595 = tpu.assume_multiple %mul3A_2594, 128 : i32
    %dma_start3A_2596 = arith.constant 104 : i32
    %dma_start3A_2597 = tpu.memref_slice %arg3[%dma_start3A_2596, %multiple_of3A_2595] : memref<128x32768xf32, #tpu.memory_space<any>> -> memref<8x128xf32, #tpu.memory_space<any>>
    %dma_start3A_2598 = arith.constant 856 : i32
    %dma_start3A_2599 = arith.constant 0 : i32
    %dma_start3A_2600 = tpu.memref_slice %arg5[%dma_start3A_2598, %dma_start3A_2599] : memref<1024x128xf32, #tpu.memory_space<vmem>> -> memref<8x128xf32, #tpu.memory_space<vmem>>
    tpu.enqueue_dma source(%dma_start3A_2600 : memref<8x128xf32, #tpu.memory_space<vmem>>) target(%dma_start3A_2597 : memref<8x128xf32, #tpu.memory_space<any>>) target_semaphore(%arg6 : memref<!tpu.dma_semaphore, #tpu.memory_space<semaphore_mem>>)
    %get3A_2601 = arith.constant 108 : index
    %get3A_2602 = arith.constant 0 : index
    %get3A_2603 = memref.load %arg1[%get3A_2601, %get3A_2602] : memref<128x1xi32, #tpu.memory_space<smem>>
    %shift_right_arithmetic3A_2604 = arith.constant 7 : i32
    %shift_right_arithmetic3A_2605 = arith.shrsi %get3A_2603, %shift_right_arithmetic3A_2604 : i32
    %slice3A_2606 = vector.extract_strided_slice %shift_right_arithmetic3A_12 {offsets = [104, 0], sizes = [8, 1], strides = [1, 1]} : vector<128x1xi32> to vector<8x1xi32>
    %eq3A_2607 = vector.broadcast %shift_right_arithmetic3A_2605 : i32 to vector<8x1xi32>
    %eq3A_2608 = arith.cmpi eq, %slice3A_2606, %eq3A_2607 : vector<8x1xi32>
    %convert_element_type3A_2609 = arith.extui %eq3A_2608 : vector<8x1xi1> to vector<8x1xi32>
    %convert_element_type3A_2610 = arith.sitofp %convert_element_type3A_2609 : vector<8x1xi32> to vector<8x1xf32>
    %slice3A_2611 = vector.extract_strided_slice %get3A_10 {offsets = [104, 0], sizes = [8, 128], strides = [1, 1]} : vector<128x128xf32> to vector<8x128xf32>
    %mul3A_2612 = vector.broadcast %convert_element_type3A_2610 : vector<8x1xf32> to vector<8x128xf32>
    %mul3A_2613 = arith.mulf %slice3A_2611, %mul3A_2612 : vector<8x128xf32>
    %swap3A_2614 = arith.constant 864 : index
    %swap3A_2615 = arith.constant 0 : index
    %swap3A_2616 = vector.load %arg5[%swap3A_2614, %swap3A_2615] : memref<1024x128xf32, #tpu.memory_space<vmem>>, vector<8x128xf32>
    tpu.vector_store %arg5[%swap3A_2614, %swap3A_2615], %mul3A_2613 {strides = array<i32>} : memref<1024x128xf32, #tpu.memory_space<vmem>>, vector<8x128xf32>,
    %mul3A_2617 = arith.constant 128 : i32
    %mul3A_2618 = arith.muli %shift_right_arithmetic3A_2605, %mul3A_2617 : i32
    %multiple_of3A_2619 = tpu.assume_multiple %mul3A_2618, 128 : i32
    %dma_start3A_2620 = arith.constant 104 : i32
    %dma_start3A_2621 = tpu.memref_slice %arg3[%dma_start3A_2620, %multiple_of3A_2619] : memref<128x32768xf32, #tpu.memory_space<any>> -> memref<8x128xf32, #tpu.memory_space<any>>
    %dma_start3A_2622 = arith.constant 864 : i32
    %dma_start3A_2623 = arith.constant 0 : i32
    %dma_start3A_2624 = tpu.memref_slice %arg5[%dma_start3A_2622, %dma_start3A_2623] : memref<1024x128xf32, #tpu.memory_space<vmem>> -> memref<8x128xf32, #tpu.memory_space<vmem>>
    tpu.enqueue_dma source(%dma_start3A_2624 : memref<8x128xf32, #tpu.memory_space<vmem>>) target(%dma_start3A_2621 : memref<8x128xf32, #tpu.memory_space<any>>) target_semaphore(%arg6 : memref<!tpu.dma_semaphore, #tpu.memory_space<semaphore_mem>>)
    %get3A_2625 = arith.constant 109 : index
    %get3A_2626 = arith.constant 0 : index
    %get3A_2627 = memref.load %arg1[%get3A_2625, %get3A_2626] : memref<128x1xi32, #tpu.memory_space<smem>>
    %shift_right_arithmetic3A_2628 = arith.constant 7 : i32
    %shift_right_arithmetic3A_2629 = arith.shrsi %get3A_2627, %shift_right_arithmetic3A_2628 : i32
    %slice3A_2630 = vector.extract_strided_slice %shift_right_arithmetic3A_12 {offsets = [104, 0], sizes = [8, 1], strides = [1, 1]} : vector<128x1xi32> to vector<8x1xi32>
    %eq3A_2631 = vector.broadcast %shift_right_arithmetic3A_2629 : i32 to vector<8x1xi32>
    %eq3A_2632 = arith.cmpi eq, %slice3A_2630, %eq3A_2631 : vector<8x1xi32>
    %convert_element_type3A_2633 = arith.extui %eq3A_2632 : vector<8x1xi1> to vector<8x1xi32>
    %convert_element_type3A_2634 = arith.sitofp %convert_element_type3A_2633 : vector<8x1xi32> to vector<8x1xf32>
    %slice3A_2635 = vector.extract_strided_slice %get3A_10 {offsets = [104, 0], sizes = [8, 128], strides = [1, 1]} : vector<128x128xf32> to vector<8x128xf32>
    %mul3A_2636 = vector.broadcast %convert_element_type3A_2634 : vector<8x1xf32> to vector<8x128xf32>
    %mul3A_2637 = arith.mulf %slice3A_2635, %mul3A_2636 : vector<8x128xf32>
    %swap3A_2638 = arith.constant 872 : index
    %swap3A_2639 = arith.constant 0 : index
    %swap3A_2640 = vector.load %arg5[%swap3A_2638, %swap3A_2639] : memref<1024x128xf32, #tpu.memory_space<vmem>>, vector<8x128xf32>
    tpu.vector_store %arg5[%swap3A_2638, %swap3A_2639], %mul3A_2637 {strides = array<i32>} : memref<1024x128xf32, #tpu.memory_space<vmem>>, vector<8x128xf32>,
    %mul3A_2641 = arith.constant 128 : i32
    %mul3A_2642 = arith.muli %shift_right_arithmetic3A_2629, %mul3A_2641 : i32
    %multiple_of3A_2643 = tpu.assume_multiple %mul3A_2642, 128 : i32
    %dma_start3A_2644 = arith.constant 104 : i32
    %dma_start3A_2645 = tpu.memref_slice %arg3[%dma_start3A_2644, %multiple_of3A_2643] : memref<128x32768xf32, #tpu.memory_space<any>> -> memref<8x128xf32, #tpu.memory_space<any>>
    %dma_start3A_2646 = arith.constant 872 : i32
    %dma_start3A_2647 = arith.constant 0 : i32
    %dma_start3A_2648 = tpu.memref_slice %arg5[%dma_start3A_2646, %dma_start3A_2647] : memref<1024x128xf32, #tpu.memory_space<vmem>> -> memref<8x128xf32, #tpu.memory_space<vmem>>
    tpu.enqueue_dma source(%dma_start3A_2648 : memref<8x128xf32, #tpu.memory_space<vmem>>) target(%dma_start3A_2645 : memref<8x128xf32, #tpu.memory_space<any>>) target_semaphore(%arg6 : memref<!tpu.dma_semaphore, #tpu.memory_space<semaphore_mem>>)
    %get3A_2649 = arith.constant 110 : index
    %get3A_2650 = arith.constant 0 : index
    %get3A_2651 = memref.load %arg1[%get3A_2649, %get3A_2650] : memref<128x1xi32, #tpu.memory_space<smem>>
    %shift_right_arithmetic3A_2652 = arith.constant 7 : i32
    %shift_right_arithmetic3A_2653 = arith.shrsi %get3A_2651, %shift_right_arithmetic3A_2652 : i32
    %slice3A_2654 = vector.extract_strided_slice %shift_right_arithmetic3A_12 {offsets = [104, 0], sizes = [8, 1], strides = [1, 1]} : vector<128x1xi32> to vector<8x1xi32>
    %eq3A_2655 = vector.broadcast %shift_right_arithmetic3A_2653 : i32 to vector<8x1xi32>
    %eq3A_2656 = arith.cmpi eq, %slice3A_2654, %eq3A_2655 : vector<8x1xi32>
    %convert_element_type3A_2657 = arith.extui %eq3A_2656 : vector<8x1xi1> to vector<8x1xi32>
    %convert_element_type3A_2658 = arith.sitofp %convert_element_type3A_2657 : vector<8x1xi32> to vector<8x1xf32>
    %slice3A_2659 = vector.extract_strided_slice %get3A_10 {offsets = [104, 0], sizes = [8, 128], strides = [1, 1]} : vector<128x128xf32> to vector<8x128xf32>
    %mul3A_2660 = vector.broadcast %convert_element_type3A_2658 : vector<8x1xf32> to vector<8x128xf32>
    %mul3A_2661 = arith.mulf %slice3A_2659, %mul3A_2660 : vector<8x128xf32>
    %swap3A_2662 = arith.constant 880 : index
    %swap3A_2663 = arith.constant 0 : index
    %swap3A_2664 = vector.load %arg5[%swap3A_2662, %swap3A_2663] : memref<1024x128xf32, #tpu.memory_space<vmem>>, vector<8x128xf32>
    tpu.vector_store %arg5[%swap3A_2662, %swap3A_2663], %mul3A_2661 {strides = array<i32>} : memref<1024x128xf32, #tpu.memory_space<vmem>>, vector<8x128xf32>,
    %mul3A_2665 = arith.constant 128 : i32
    %mul3A_2666 = arith.muli %shift_right_arithmetic3A_2653, %mul3A_2665 : i32
    %multiple_of3A_2667 = tpu.assume_multiple %mul3A_2666, 128 : i32
    %dma_start3A_2668 = arith.constant 104 : i32
    %dma_start3A_2669 = tpu.memref_slice %arg3[%dma_start3A_2668, %multiple_of3A_2667] : memref<128x32768xf32, #tpu.memory_space<any>> -> memref<8x128xf32, #tpu.memory_space<any>>
    %dma_start3A_2670 = arith.constant 880 : i32
    %dma_start3A_2671 = arith.constant 0 : i32
    %dma_start3A_2672 = tpu.memref_slice %arg5[%dma_start3A_2670, %dma_start3A_2671] : memref<1024x128xf32, #tpu.memory_space<vmem>> -> memref<8x128xf32, #tpu.memory_space<vmem>>
    tpu.enqueue_dma source(%dma_start3A_2672 : memref<8x128xf32, #tpu.memory_space<vmem>>) target(%dma_start3A_2669 : memref<8x128xf32, #tpu.memory_space<any>>) target_semaphore(%arg6 : memref<!tpu.dma_semaphore, #tpu.memory_space<semaphore_mem>>)
    %get3A_2673 = arith.constant 111 : index
    %get3A_2674 = arith.constant 0 : index
    %get3A_2675 = memref.load %arg1[%get3A_2673, %get3A_2674] : memref<128x1xi32, #tpu.memory_space<smem>>
    %shift_right_arithmetic3A_2676 = arith.constant 7 : i32
    %shift_right_arithmetic3A_2677 = arith.shrsi %get3A_2675, %shift_right_arithmetic3A_2676 : i32
    %slice3A_2678 = vector.extract_strided_slice %shift_right_arithmetic3A_12 {offsets = [104, 0], sizes = [8, 1], strides = [1, 1]} : vector<128x1xi32> to vector<8x1xi32>
    %eq3A_2679 = vector.broadcast %shift_right_arithmetic3A_2677 : i32 to vector<8x1xi32>
    %eq3A_2680 = arith.cmpi eq, %slice3A_2678, %eq3A_2679 : vector<8x1xi32>
    %convert_element_type3A_2681 = arith.extui %eq3A_2680 : vector<8x1xi1> to vector<8x1xi32>
    %convert_element_type3A_2682 = arith.sitofp %convert_element_type3A_2681 : vector<8x1xi32> to vector<8x1xf32>
    %slice3A_2683 = vector.extract_strided_slice %get3A_10 {offsets = [104, 0], sizes = [8, 128], strides = [1, 1]} : vector<128x128xf32> to vector<8x128xf32>
    %mul3A_2684 = vector.broadcast %convert_element_type3A_2682 : vector<8x1xf32> to vector<8x128xf32>
    %mul3A_2685 = arith.mulf %slice3A_2683, %mul3A_2684 : vector<8x128xf32>
    %swap3A_2686 = arith.constant 888 : index
    %swap3A_2687 = arith.constant 0 : index
    %swap3A_2688 = vector.load %arg5[%swap3A_2686, %swap3A_2687] : memref<1024x128xf32, #tpu.memory_space<vmem>>, vector<8x128xf32>
    tpu.vector_store %arg5[%swap3A_2686, %swap3A_2687], %mul3A_2685 {strides = array<i32>} : memref<1024x128xf32, #tpu.memory_space<vmem>>, vector<8x128xf32>,
    %mul3A_2689 = arith.constant 128 : i32
    %mul3A_2690 = arith.muli %shift_right_arithmetic3A_2677, %mul3A_2689 : i32
    %multiple_of3A_2691 = tpu.assume_multiple %mul3A_2690, 128 : i32
    %dma_start3A_2692 = arith.constant 104 : i32
    %dma_start3A_2693 = tpu.memref_slice %arg3[%dma_start3A_2692, %multiple_of3A_2691] : memref<128x32768xf32, #tpu.memory_space<any>> -> memref<8x128xf32, #tpu.memory_space<any>>
    %dma_start3A_2694 = arith.constant 888 : i32
    %dma_start3A_2695 = arith.constant 0 : i32
    %dma_start3A_2696 = tpu.memref_slice %arg5[%dma_start3A_2694, %dma_start3A_2695] : memref<1024x128xf32, #tpu.memory_space<vmem>> -> memref<8x128xf32, #tpu.memory_space<vmem>>
    tpu.enqueue_dma source(%dma_start3A_2696 : memref<8x128xf32, #tpu.memory_space<vmem>>) target(%dma_start3A_2693 : memref<8x128xf32, #tpu.memory_space<any>>) target_semaphore(%arg6 : memref<!tpu.dma_semaphore, #tpu.memory_space<semaphore_mem>>)
    %get3A_2697 = arith.constant 112 : index
    %get3A_2698 = arith.constant 0 : index
    %get3A_2699 = memref.load %arg1[%get3A_2697, %get3A_2698] : memref<128x1xi32, #tpu.memory_space<smem>>
    %shift_right_arithmetic3A_2700 = arith.constant 7 : i32
    %shift_right_arithmetic3A_2701 = arith.shrsi %get3A_2699, %shift_right_arithmetic3A_2700 : i32
    %slice3A_2702 = vector.extract_strided_slice %shift_right_arithmetic3A_12 {offsets = [112, 0], sizes = [8, 1], strides = [1, 1]} : vector<128x1xi32> to vector<8x1xi32>
    %eq3A_2703 = vector.broadcast %shift_right_arithmetic3A_2701 : i32 to vector<8x1xi32>
    %eq3A_2704 = arith.cmpi eq, %slice3A_2702, %eq3A_2703 : vector<8x1xi32>
    %convert_element_type3A_2705 = arith.extui %eq3A_2704 : vector<8x1xi1> to vector<8x1xi32>
    %convert_element_type3A_2706 = arith.sitofp %convert_element_type3A_2705 : vector<8x1xi32> to vector<8x1xf32>
    %slice3A_2707 = vector.extract_strided_slice %get3A_10 {offsets = [112, 0], sizes = [8, 128], strides = [1, 1]} : vector<128x128xf32> to vector<8x128xf32>
    %mul3A_2708 = vector.broadcast %convert_element_type3A_2706 : vector<8x1xf32> to vector<8x128xf32>
    %mul3A_2709 = arith.mulf %slice3A_2707, %mul3A_2708 : vector<8x128xf32>
    %swap3A_2710 = arith.constant 896 : index
    %swap3A_2711 = arith.constant 0 : index
    %swap3A_2712 = vector.load %arg5[%swap3A_2710, %swap3A_2711] : memref<1024x128xf32, #tpu.memory_space<vmem>>, vector<8x128xf32>
    tpu.vector_store %arg5[%swap3A_2710, %swap3A_2711], %mul3A_2709 {strides = array<i32>} : memref<1024x128xf32, #tpu.memory_space<vmem>>, vector<8x128xf32>,
    %mul3A_2713 = arith.constant 128 : i32
    %mul3A_2714 = arith.muli %shift_right_arithmetic3A_2701, %mul3A_2713 : i32
    %multiple_of3A_2715 = tpu.assume_multiple %mul3A_2714, 128 : i32
    %dma_start3A_2716 = arith.constant 112 : i32
    %dma_start3A_2717 = tpu.memref_slice %arg3[%dma_start3A_2716, %multiple_of3A_2715] : memref<128x32768xf32, #tpu.memory_space<any>> -> memref<8x128xf32, #tpu.memory_space<any>>
    %dma_start3A_2718 = arith.constant 896 : i32
    %dma_start3A_2719 = arith.constant 0 : i32
    %dma_start3A_2720 = tpu.memref_slice %arg5[%dma_start3A_2718, %dma_start3A_2719] : memref<1024x128xf32, #tpu.memory_space<vmem>> -> memref<8x128xf32, #tpu.memory_space<vmem>>
    tpu.enqueue_dma source(%dma_start3A_2720 : memref<8x128xf32, #tpu.memory_space<vmem>>) target(%dma_start3A_2717 : memref<8x128xf32, #tpu.memory_space<any>>) target_semaphore(%arg6 : memref<!tpu.dma_semaphore, #tpu.memory_space<semaphore_mem>>)
    %get3A_2721 = arith.constant 113 : index
    %get3A_2722 = arith.constant 0 : index
    %get3A_2723 = memref.load %arg1[%get3A_2721, %get3A_2722] : memref<128x1xi32, #tpu.memory_space<smem>>
    %shift_right_arithmetic3A_2724 = arith.constant 7 : i32
    %shift_right_arithmetic3A_2725 = arith.shrsi %get3A_2723, %shift_right_arithmetic3A_2724 : i32
    %slice3A_2726 = vector.extract_strided_slice %shift_right_arithmetic3A_12 {offsets = [112, 0], sizes = [8, 1], strides = [1, 1]} : vector<128x1xi32> to vector<8x1xi32>
    %eq3A_2727 = vector.broadcast %shift_right_arithmetic3A_2725 : i32 to vector<8x1xi32>
    %eq3A_2728 = arith.cmpi eq, %slice3A_2726, %eq3A_2727 : vector<8x1xi32>
    %convert_element_type3A_2729 = arith.extui %eq3A_2728 : vector<8x1xi1> to vector<8x1xi32>
    %convert_element_type3A_2730 = arith.sitofp %convert_element_type3A_2729 : vector<8x1xi32> to vector<8x1xf32>
    %slice3A_2731 = vector.extract_strided_slice %get3A_10 {offsets = [112, 0], sizes = [8, 128], strides = [1, 1]} : vector<128x128xf32> to vector<8x128xf32>
    %mul3A_2732 = vector.broadcast %convert_element_type3A_2730 : vector<8x1xf32> to vector<8x128xf32>
    %mul3A_2733 = arith.mulf %slice3A_2731, %mul3A_2732 : vector<8x128xf32>
    %swap3A_2734 = arith.constant 904 : index
    %swap3A_2735 = arith.constant 0 : index
    %swap3A_2736 = vector.load %arg5[%swap3A_2734, %swap3A_2735] : memref<1024x128xf32, #tpu.memory_space<vmem>>, vector<8x128xf32>
    tpu.vector_store %arg5[%swap3A_2734, %swap3A_2735], %mul3A_2733 {strides = array<i32>} : memref<1024x128xf32, #tpu.memory_space<vmem>>, vector<8x128xf32>,
    %mul3A_2737 = arith.constant 128 : i32
    %mul3A_2738 = arith.muli %shift_right_arithmetic3A_2725, %mul3A_2737 : i32
    %multiple_of3A_2739 = tpu.assume_multiple %mul3A_2738, 128 : i32
    %dma_start3A_2740 = arith.constant 112 : i32
    %dma_start3A_2741 = tpu.memref_slice %arg3[%dma_start3A_2740, %multiple_of3A_2739] : memref<128x32768xf32, #tpu.memory_space<any>> -> memref<8x128xf32, #tpu.memory_space<any>>
    %dma_start3A_2742 = arith.constant 904 : i32
    %dma_start3A_2743 = arith.constant 0 : i32
    %dma_start3A_2744 = tpu.memref_slice %arg5[%dma_start3A_2742, %dma_start3A_2743] : memref<1024x128xf32, #tpu.memory_space<vmem>> -> memref<8x128xf32, #tpu.memory_space<vmem>>
    tpu.enqueue_dma source(%dma_start3A_2744 : memref<8x128xf32, #tpu.memory_space<vmem>>) target(%dma_start3A_2741 : memref<8x128xf32, #tpu.memory_space<any>>) target_semaphore(%arg6 : memref<!tpu.dma_semaphore, #tpu.memory_space<semaphore_mem>>)
    %get3A_2745 = arith.constant 114 : index
    %get3A_2746 = arith.constant 0 : index
    %get3A_2747 = memref.load %arg1[%get3A_2745, %get3A_2746] : memref<128x1xi32, #tpu.memory_space<smem>>
    %shift_right_arithmetic3A_2748 = arith.constant 7 : i32
    %shift_right_arithmetic3A_2749 = arith.shrsi %get3A_2747, %shift_right_arithmetic3A_2748 : i32
    %slice3A_2750 = vector.extract_strided_slice %shift_right_arithmetic3A_12 {offsets = [112, 0], sizes = [8, 1], strides = [1, 1]} : vector<128x1xi32> to vector<8x1xi32>
    %eq3A_2751 = vector.broadcast %shift_right_arithmetic3A_2749 : i32 to vector<8x1xi32>
    %eq3A_2752 = arith.cmpi eq, %slice3A_2750, %eq3A_2751 : vector<8x1xi32>
    %convert_element_type3A_2753 = arith.extui %eq3A_2752 : vector<8x1xi1> to vector<8x1xi32>
    %convert_element_type3A_2754 = arith.sitofp %convert_element_type3A_2753 : vector<8x1xi32> to vector<8x1xf32>
    %slice3A_2755 = vector.extract_strided_slice %get3A_10 {offsets = [112, 0], sizes = [8, 128], strides = [1, 1]} : vector<128x128xf32> to vector<8x128xf32>
    %mul3A_2756 = vector.broadcast %convert_element_type3A_2754 : vector<8x1xf32> to vector<8x128xf32>
    %mul3A_2757 = arith.mulf %slice3A_2755, %mul3A_2756 : vector<8x128xf32>
    %swap3A_2758 = arith.constant 912 : index
    %swap3A_2759 = arith.constant 0 : index
    %swap3A_2760 = vector.load %arg5[%swap3A_2758, %swap3A_2759] : memref<1024x128xf32, #tpu.memory_space<vmem>>, vector<8x128xf32>
    tpu.vector_store %arg5[%swap3A_2758, %swap3A_2759], %mul3A_2757 {strides = array<i32>} : memref<1024x128xf32, #tpu.memory_space<vmem>>, vector<8x128xf32>,
    %mul3A_2761 = arith.constant 128 : i32
    %mul3A_2762 = arith.muli %shift_right_arithmetic3A_2749, %mul3A_2761 : i32
    %multiple_of3A_2763 = tpu.assume_multiple %mul3A_2762, 128 : i32
    %dma_start3A_2764 = arith.constant 112 : i32
    %dma_start3A_2765 = tpu.memref_slice %arg3[%dma_start3A_2764, %multiple_of3A_2763] : memref<128x32768xf32, #tpu.memory_space<any>> -> memref<8x128xf32, #tpu.memory_space<any>>
    %dma_start3A_2766 = arith.constant 912 : i32
    %dma_start3A_2767 = arith.constant 0 : i32
    %dma_start3A_2768 = tpu.memref_slice %arg5[%dma_start3A_2766, %dma_start3A_2767] : memref<1024x128xf32, #tpu.memory_space<vmem>> -> memref<8x128xf32, #tpu.memory_space<vmem>>
    tpu.enqueue_dma source(%dma_start3A_2768 : memref<8x128xf32, #tpu.memory_space<vmem>>) target(%dma_start3A_2765 : memref<8x128xf32, #tpu.memory_space<any>>) target_semaphore(%arg6 : memref<!tpu.dma_semaphore, #tpu.memory_space<semaphore_mem>>)
    %get3A_2769 = arith.constant 115 : index
    %get3A_2770 = arith.constant 0 : index
    %get3A_2771 = memref.load %arg1[%get3A_2769, %get3A_2770] : memref<128x1xi32, #tpu.memory_space<smem>>
    %shift_right_arithmetic3A_2772 = arith.constant 7 : i32
    %shift_right_arithmetic3A_2773 = arith.shrsi %get3A_2771, %shift_right_arithmetic3A_2772 : i32
    %slice3A_2774 = vector.extract_strided_slice %shift_right_arithmetic3A_12 {offsets = [112, 0], sizes = [8, 1], strides = [1, 1]} : vector<128x1xi32> to vector<8x1xi32>
    %eq3A_2775 = vector.broadcast %shift_right_arithmetic3A_2773 : i32 to vector<8x1xi32>
    %eq3A_2776 = arith.cmpi eq, %slice3A_2774, %eq3A_2775 : vector<8x1xi32>
    %convert_element_type3A_2777 = arith.extui %eq3A_2776 : vector<8x1xi1> to vector<8x1xi32>
    %convert_element_type3A_2778 = arith.sitofp %convert_element_type3A_2777 : vector<8x1xi32> to vector<8x1xf32>
    %slice3A_2779 = vector.extract_strided_slice %get3A_10 {offsets = [112, 0], sizes = [8, 128], strides = [1, 1]} : vector<128x128xf32> to vector<8x128xf32>
    %mul3A_2780 = vector.broadcast %convert_element_type3A_2778 : vector<8x1xf32> to vector<8x128xf32>
    %mul3A_2781 = arith.mulf %slice3A_2779, %mul3A_2780 : vector<8x128xf32>
    %swap3A_2782 = arith.constant 920 : index
    %swap3A_2783 = arith.constant 0 : index
    %swap3A_2784 = vector.load %arg5[%swap3A_2782, %swap3A_2783] : memref<1024x128xf32, #tpu.memory_space<vmem>>, vector<8x128xf32>
    tpu.vector_store %arg5[%swap3A_2782, %swap3A_2783], %mul3A_2781 {strides = array<i32>} : memref<1024x128xf32, #tpu.memory_space<vmem>>, vector<8x128xf32>,
    %mul3A_2785 = arith.constant 128 : i32
    %mul3A_2786 = arith.muli %shift_right_arithmetic3A_2773, %mul3A_2785 : i32
    %multiple_of3A_2787 = tpu.assume_multiple %mul3A_2786, 128 : i32
    %dma_start3A_2788 = arith.constant 112 : i32
    %dma_start3A_2789 = tpu.memref_slice %arg3[%dma_start3A_2788, %multiple_of3A_2787] : memref<128x32768xf32, #tpu.memory_space<any>> -> memref<8x128xf32, #tpu.memory_space<any>>
    %dma_start3A_2790 = arith.constant 920 : i32
    %dma_start3A_2791 = arith.constant 0 : i32
    %dma_start3A_2792 = tpu.memref_slice %arg5[%dma_start3A_2790, %dma_start3A_2791] : memref<1024x128xf32, #tpu.memory_space<vmem>> -> memref<8x128xf32, #tpu.memory_space<vmem>>
    tpu.enqueue_dma source(%dma_start3A_2792 : memref<8x128xf32, #tpu.memory_space<vmem>>) target(%dma_start3A_2789 : memref<8x128xf32, #tpu.memory_space<any>>) target_semaphore(%arg6 : memref<!tpu.dma_semaphore, #tpu.memory_space<semaphore_mem>>)
    %get3A_2793 = arith.constant 116 : index
    %get3A_2794 = arith.constant 0 : index
    %get3A_2795 = memref.load %arg1[%get3A_2793, %get3A_2794] : memref<128x1xi32, #tpu.memory_space<smem>>
    %shift_right_arithmetic3A_2796 = arith.constant 7 : i32
    %shift_right_arithmetic3A_2797 = arith.shrsi %get3A_2795, %shift_right_arithmetic3A_2796 : i32
    %slice3A_2798 = vector.extract_strided_slice %shift_right_arithmetic3A_12 {offsets = [112, 0], sizes = [8, 1], strides = [1, 1]} : vector<128x1xi32> to vector<8x1xi32>
    %eq3A_2799 = vector.broadcast %shift_right_arithmetic3A_2797 : i32 to vector<8x1xi32>
    %eq3A_2800 = arith.cmpi eq, %slice3A_2798, %eq3A_2799 : vector<8x1xi32>
    %convert_element_type3A_2801 = arith.extui %eq3A_2800 : vector<8x1xi1> to vector<8x1xi32>
    %convert_element_type3A_2802 = arith.sitofp %convert_element_type3A_2801 : vector<8x1xi32> to vector<8x1xf32>
    %slice3A_2803 = vector.extract_strided_slice %get3A_10 {offsets = [112, 0], sizes = [8, 128], strides = [1, 1]} : vector<128x128xf32> to vector<8x128xf32>
    %mul3A_2804 = vector.broadcast %convert_element_type3A_2802 : vector<8x1xf32> to vector<8x128xf32>
    %mul3A_2805 = arith.mulf %slice3A_2803, %mul3A_2804 : vector<8x128xf32>
    %swap3A_2806 = arith.constant 928 : index
    %swap3A_2807 = arith.constant 0 : index
    %swap3A_2808 = vector.load %arg5[%swap3A_2806, %swap3A_2807] : memref<1024x128xf32, #tpu.memory_space<vmem>>, vector<8x128xf32>
    tpu.vector_store %arg5[%swap3A_2806, %swap3A_2807], %mul3A_2805 {strides = array<i32>} : memref<1024x128xf32, #tpu.memory_space<vmem>>, vector<8x128xf32>,
    %mul3A_2809 = arith.constant 128 : i32
    %mul3A_2810 = arith.muli %shift_right_arithmetic3A_2797, %mul3A_2809 : i32
    %multiple_of3A_2811 = tpu.assume_multiple %mul3A_2810, 128 : i32
    %dma_start3A_2812 = arith.constant 112 : i32
    %dma_start3A_2813 = tpu.memref_slice %arg3[%dma_start3A_2812, %multiple_of3A_2811] : memref<128x32768xf32, #tpu.memory_space<any>> -> memref<8x128xf32, #tpu.memory_space<any>>
    %dma_start3A_2814 = arith.constant 928 : i32
    %dma_start3A_2815 = arith.constant 0 : i32
    %dma_start3A_2816 = tpu.memref_slice %arg5[%dma_start3A_2814, %dma_start3A_2815] : memref<1024x128xf32, #tpu.memory_space<vmem>> -> memref<8x128xf32, #tpu.memory_space<vmem>>
    tpu.enqueue_dma source(%dma_start3A_2816 : memref<8x128xf32, #tpu.memory_space<vmem>>) target(%dma_start3A_2813 : memref<8x128xf32, #tpu.memory_space<any>>) target_semaphore(%arg6 : memref<!tpu.dma_semaphore, #tpu.memory_space<semaphore_mem>>)
    %get3A_2817 = arith.constant 117 : index
    %get3A_2818 = arith.constant 0 : index
    %get3A_2819 = memref.load %arg1[%get3A_2817, %get3A_2818] : memref<128x1xi32, #tpu.memory_space<smem>>
    %shift_right_arithmetic3A_2820 = arith.constant 7 : i32
    %shift_right_arithmetic3A_2821 = arith.shrsi %get3A_2819, %shift_right_arithmetic3A_2820 : i32
    %slice3A_2822 = vector.extract_strided_slice %shift_right_arithmetic3A_12 {offsets = [112, 0], sizes = [8, 1], strides = [1, 1]} : vector<128x1xi32> to vector<8x1xi32>
    %eq3A_2823 = vector.broadcast %shift_right_arithmetic3A_2821 : i32 to vector<8x1xi32>
    %eq3A_2824 = arith.cmpi eq, %slice3A_2822, %eq3A_2823 : vector<8x1xi32>
    %convert_element_type3A_2825 = arith.extui %eq3A_2824 : vector<8x1xi1> to vector<8x1xi32>
    %convert_element_type3A_2826 = arith.sitofp %convert_element_type3A_2825 : vector<8x1xi32> to vector<8x1xf32>
    %slice3A_2827 = vector.extract_strided_slice %get3A_10 {offsets = [112, 0], sizes = [8, 128], strides = [1, 1]} : vector<128x128xf32> to vector<8x128xf32>
    %mul3A_2828 = vector.broadcast %convert_element_type3A_2826 : vector<8x1xf32> to vector<8x128xf32>
    %mul3A_2829 = arith.mulf %slice3A_2827, %mul3A_2828 : vector<8x128xf32>
    %swap3A_2830 = arith.constant 936 : index
    %swap3A_2831 = arith.constant 0 : index
    %swap3A_2832 = vector.load %arg5[%swap3A_2830, %swap3A_2831] : memref<1024x128xf32, #tpu.memory_space<vmem>>, vector<8x128xf32>
    tpu.vector_store %arg5[%swap3A_2830, %swap3A_2831], %mul3A_2829 {strides = array<i32>} : memref<1024x128xf32, #tpu.memory_space<vmem>>, vector<8x128xf32>,
    %mul3A_2833 = arith.constant 128 : i32
    %mul3A_2834 = arith.muli %shift_right_arithmetic3A_2821, %mul3A_2833 : i32
    %multiple_of3A_2835 = tpu.assume_multiple %mul3A_2834, 128 : i32
    %dma_start3A_2836 = arith.constant 112 : i32
    %dma_start3A_2837 = tpu.memref_slice %arg3[%dma_start3A_2836, %multiple_of3A_2835] : memref<128x32768xf32, #tpu.memory_space<any>> -> memref<8x128xf32, #tpu.memory_space<any>>
    %dma_start3A_2838 = arith.constant 936 : i32
    %dma_start3A_2839 = arith.constant 0 : i32
    %dma_start3A_2840 = tpu.memref_slice %arg5[%dma_start3A_2838, %dma_start3A_2839] : memref<1024x128xf32, #tpu.memory_space<vmem>> -> memref<8x128xf32, #tpu.memory_space<vmem>>
    tpu.enqueue_dma source(%dma_start3A_2840 : memref<8x128xf32, #tpu.memory_space<vmem>>) target(%dma_start3A_2837 : memref<8x128xf32, #tpu.memory_space<any>>) target_semaphore(%arg6 : memref<!tpu.dma_semaphore, #tpu.memory_space<semaphore_mem>>)
    %get3A_2841 = arith.constant 118 : index
    %get3A_2842 = arith.constant 0 : index
    %get3A_2843 = memref.load %arg1[%get3A_2841, %get3A_2842] : memref<128x1xi32, #tpu.memory_space<smem>>
    %shift_right_arithmetic3A_2844 = arith.constant 7 : i32
    %shift_right_arithmetic3A_2845 = arith.shrsi %get3A_2843, %shift_right_arithmetic3A_2844 : i32
    %slice3A_2846 = vector.extract_strided_slice %shift_right_arithmetic3A_12 {offsets = [112, 0], sizes = [8, 1], strides = [1, 1]} : vector<128x1xi32> to vector<8x1xi32>
    %eq3A_2847 = vector.broadcast %shift_right_arithmetic3A_2845 : i32 to vector<8x1xi32>
    %eq3A_2848 = arith.cmpi eq, %slice3A_2846, %eq3A_2847 : vector<8x1xi32>
    %convert_element_type3A_2849 = arith.extui %eq3A_2848 : vector<8x1xi1> to vector<8x1xi32>
    %convert_element_type3A_2850 = arith.sitofp %convert_element_type3A_2849 : vector<8x1xi32> to vector<8x1xf32>
    %slice3A_2851 = vector.extract_strided_slice %get3A_10 {offsets = [112, 0], sizes = [8, 128], strides = [1, 1]} : vector<128x128xf32> to vector<8x128xf32>
    %mul3A_2852 = vector.broadcast %convert_element_type3A_2850 : vector<8x1xf32> to vector<8x128xf32>
    %mul3A_2853 = arith.mulf %slice3A_2851, %mul3A_2852 : vector<8x128xf32>
    %swap3A_2854 = arith.constant 944 : index
    %swap3A_2855 = arith.constant 0 : index
    %swap3A_2856 = vector.load %arg5[%swap3A_2854, %swap3A_2855] : memref<1024x128xf32, #tpu.memory_space<vmem>>, vector<8x128xf32>
    tpu.vector_store %arg5[%swap3A_2854, %swap3A_2855], %mul3A_2853 {strides = array<i32>} : memref<1024x128xf32, #tpu.memory_space<vmem>>, vector<8x128xf32>,
    %mul3A_2857 = arith.constant 128 : i32
    %mul3A_2858 = arith.muli %shift_right_arithmetic3A_2845, %mul3A_2857 : i32
    %multiple_of3A_2859 = tpu.assume_multiple %mul3A_2858, 128 : i32
    %dma_start3A_2860 = arith.constant 112 : i32
    %dma_start3A_2861 = tpu.memref_slice %arg3[%dma_start3A_2860, %multiple_of3A_2859] : memref<128x32768xf32, #tpu.memory_space<any>> -> memref<8x128xf32, #tpu.memory_space<any>>
    %dma_start3A_2862 = arith.constant 944 : i32
    %dma_start3A_2863 = arith.constant 0 : i32
    %dma_start3A_2864 = tpu.memref_slice %arg5[%dma_start3A_2862, %dma_start3A_2863] : memref<1024x128xf32, #tpu.memory_space<vmem>> -> memref<8x128xf32, #tpu.memory_space<vmem>>
    tpu.enqueue_dma source(%dma_start3A_2864 : memref<8x128xf32, #tpu.memory_space<vmem>>) target(%dma_start3A_2861 : memref<8x128xf32, #tpu.memory_space<any>>) target_semaphore(%arg6 : memref<!tpu.dma_semaphore, #tpu.memory_space<semaphore_mem>>)
    %get3A_2865 = arith.constant 119 : index
    %get3A_2866 = arith.constant 0 : index
    %get3A_2867 = memref.load %arg1[%get3A_2865, %get3A_2866] : memref<128x1xi32, #tpu.memory_space<smem>>
    %shift_right_arithmetic3A_2868 = arith.constant 7 : i32
    %shift_right_arithmetic3A_2869 = arith.shrsi %get3A_2867, %shift_right_arithmetic3A_2868 : i32
    %slice3A_2870 = vector.extract_strided_slice %shift_right_arithmetic3A_12 {offsets = [112, 0], sizes = [8, 1], strides = [1, 1]} : vector<128x1xi32> to vector<8x1xi32>
    %eq3A_2871 = vector.broadcast %shift_right_arithmetic3A_2869 : i32 to vector<8x1xi32>
    %eq3A_2872 = arith.cmpi eq, %slice3A_2870, %eq3A_2871 : vector<8x1xi32>
    %convert_element_type3A_2873 = arith.extui %eq3A_2872 : vector<8x1xi1> to vector<8x1xi32>
    %convert_element_type3A_2874 = arith.sitofp %convert_element_type3A_2873 : vector<8x1xi32> to vector<8x1xf32>
    %slice3A_2875 = vector.extract_strided_slice %get3A_10 {offsets = [112, 0], sizes = [8, 128], strides = [1, 1]} : vector<128x128xf32> to vector<8x128xf32>
    %mul3A_2876 = vector.broadcast %convert_element_type3A_2874 : vector<8x1xf32> to vector<8x128xf32>
    %mul3A_2877 = arith.mulf %slice3A_2875, %mul3A_2876 : vector<8x128xf32>
    %swap3A_2878 = arith.constant 952 : index
    %swap3A_2879 = arith.constant 0 : index
    %swap3A_2880 = vector.load %arg5[%swap3A_2878, %swap3A_2879] : memref<1024x128xf32, #tpu.memory_space<vmem>>, vector<8x128xf32>
    tpu.vector_store %arg5[%swap3A_2878, %swap3A_2879], %mul3A_2877 {strides = array<i32>} : memref<1024x128xf32, #tpu.memory_space<vmem>>, vector<8x128xf32>,
    %mul3A_2881 = arith.constant 128 : i32
    %mul3A_2882 = arith.muli %shift_right_arithmetic3A_2869, %mul3A_2881 : i32
    %multiple_of3A_2883 = tpu.assume_multiple %mul3A_2882, 128 : i32
    %dma_start3A_2884 = arith.constant 112 : i32
    %dma_start3A_2885 = tpu.memref_slice %arg3[%dma_start3A_2884, %multiple_of3A_2883] : memref<128x32768xf32, #tpu.memory_space<any>> -> memref<8x128xf32, #tpu.memory_space<any>>
    %dma_start3A_2886 = arith.constant 952 : i32
    %dma_start3A_2887 = arith.constant 0 : i32
    %dma_start3A_2888 = tpu.memref_slice %arg5[%dma_start3A_2886, %dma_start3A_2887] : memref<1024x128xf32, #tpu.memory_space<vmem>> -> memref<8x128xf32, #tpu.memory_space<vmem>>
    tpu.enqueue_dma source(%dma_start3A_2888 : memref<8x128xf32, #tpu.memory_space<vmem>>) target(%dma_start3A_2885 : memref<8x128xf32, #tpu.memory_space<any>>) target_semaphore(%arg6 : memref<!tpu.dma_semaphore, #tpu.memory_space<semaphore_mem>>)
    %get3A_2889 = arith.constant 120 : index
    %get3A_2890 = arith.constant 0 : index
    %get3A_2891 = memref.load %arg1[%get3A_2889, %get3A_2890] : memref<128x1xi32, #tpu.memory_space<smem>>
    %shift_right_arithmetic3A_2892 = arith.constant 7 : i32
    %shift_right_arithmetic3A_2893 = arith.shrsi %get3A_2891, %shift_right_arithmetic3A_2892 : i32
    %slice3A_2894 = vector.extract_strided_slice %shift_right_arithmetic3A_12 {offsets = [120, 0], sizes = [8, 1], strides = [1, 1]} : vector<128x1xi32> to vector<8x1xi32>
    %eq3A_2895 = vector.broadcast %shift_right_arithmetic3A_2893 : i32 to vector<8x1xi32>
    %eq3A_2896 = arith.cmpi eq, %slice3A_2894, %eq3A_2895 : vector<8x1xi32>
    %convert_element_type3A_2897 = arith.extui %eq3A_2896 : vector<8x1xi1> to vector<8x1xi32>
    %convert_element_type3A_2898 = arith.sitofp %convert_element_type3A_2897 : vector<8x1xi32> to vector<8x1xf32>
    %slice3A_2899 = vector.extract_strided_slice %get3A_10 {offsets = [120, 0], sizes = [8, 128], strides = [1, 1]} : vector<128x128xf32> to vector<8x128xf32>
    %mul3A_2900 = vector.broadcast %convert_element_type3A_2898 : vector<8x1xf32> to vector<8x128xf32>
    %mul3A_2901 = arith.mulf %slice3A_2899, %mul3A_2900 : vector<8x128xf32>
    %swap3A_2902 = arith.constant 960 : index
    %swap3A_2903 = arith.constant 0 : index
    %swap3A_2904 = vector.load %arg5[%swap3A_2902, %swap3A_2903] : memref<1024x128xf32, #tpu.memory_space<vmem>>, vector<8x128xf32>
    tpu.vector_store %arg5[%swap3A_2902, %swap3A_2903], %mul3A_2901 {strides = array<i32>} : memref<1024x128xf32, #tpu.memory_space<vmem>>, vector<8x128xf32>,
    %mul3A_2905 = arith.constant 128 : i32
    %mul3A_2906 = arith.muli %shift_right_arithmetic3A_2893, %mul3A_2905 : i32
    %multiple_of3A_2907 = tpu.assume_multiple %mul3A_2906, 128 : i32
    %dma_start3A_2908 = arith.constant 120 : i32
    %dma_start3A_2909 = tpu.memref_slice %arg3[%dma_start3A_2908, %multiple_of3A_2907] : memref<128x32768xf32, #tpu.memory_space<any>> -> memref<8x128xf32, #tpu.memory_space<any>>
    %dma_start3A_2910 = arith.constant 960 : i32
    %dma_start3A_2911 = arith.constant 0 : i32
    %dma_start3A_2912 = tpu.memref_slice %arg5[%dma_start3A_2910, %dma_start3A_2911] : memref<1024x128xf32, #tpu.memory_space<vmem>> -> memref<8x128xf32, #tpu.memory_space<vmem>>
    tpu.enqueue_dma source(%dma_start3A_2912 : memref<8x128xf32, #tpu.memory_space<vmem>>) target(%dma_start3A_2909 : memref<8x128xf32, #tpu.memory_space<any>>) target_semaphore(%arg6 : memref<!tpu.dma_semaphore, #tpu.memory_space<semaphore_mem>>)
    %get3A_2913 = arith.constant 121 : index
    %get3A_2914 = arith.constant 0 : index
    %get3A_2915 = memref.load %arg1[%get3A_2913, %get3A_2914] : memref<128x1xi32, #tpu.memory_space<smem>>
    %shift_right_arithmetic3A_2916 = arith.constant 7 : i32
    %shift_right_arithmetic3A_2917 = arith.shrsi %get3A_2915, %shift_right_arithmetic3A_2916 : i32
    %slice3A_2918 = vector.extract_strided_slice %shift_right_arithmetic3A_12 {offsets = [120, 0], sizes = [8, 1], strides = [1, 1]} : vector<128x1xi32> to vector<8x1xi32>
    %eq3A_2919 = vector.broadcast %shift_right_arithmetic3A_2917 : i32 to vector<8x1xi32>
    %eq3A_2920 = arith.cmpi eq, %slice3A_2918, %eq3A_2919 : vector<8x1xi32>
    %convert_element_type3A_2921 = arith.extui %eq3A_2920 : vector<8x1xi1> to vector<8x1xi32>
    %convert_element_type3A_2922 = arith.sitofp %convert_element_type3A_2921 : vector<8x1xi32> to vector<8x1xf32>
    %slice3A_2923 = vector.extract_strided_slice %get3A_10 {offsets = [120, 0], sizes = [8, 128], strides = [1, 1]} : vector<128x128xf32> to vector<8x128xf32>
    %mul3A_2924 = vector.broadcast %convert_element_type3A_2922 : vector<8x1xf32> to vector<8x128xf32>
    %mul3A_2925 = arith.mulf %slice3A_2923, %mul3A_2924 : vector<8x128xf32>
    %swap3A_2926 = arith.constant 968 : index
    %swap3A_2927 = arith.constant 0 : index
    %swap3A_2928 = vector.load %arg5[%swap3A_2926, %swap3A_2927] : memref<1024x128xf32, #tpu.memory_space<vmem>>, vector<8x128xf32>
    tpu.vector_store %arg5[%swap3A_2926, %swap3A_2927], %mul3A_2925 {strides = array<i32>} : memref<1024x128xf32, #tpu.memory_space<vmem>>, vector<8x128xf32>,
    %mul3A_2929 = arith.constant 128 : i32
    %mul3A_2930 = arith.muli %shift_right_arithmetic3A_2917, %mul3A_2929 : i32
    %multiple_of3A_2931 = tpu.assume_multiple %mul3A_2930, 128 : i32
    %dma_start3A_2932 = arith.constant 120 : i32
    %dma_start3A_2933 = tpu.memref_slice %arg3[%dma_start3A_2932, %multiple_of3A_2931] : memref<128x32768xf32, #tpu.memory_space<any>> -> memref<8x128xf32, #tpu.memory_space<any>>
    %dma_start3A_2934 = arith.constant 968 : i32
    %dma_start3A_2935 = arith.constant 0 : i32
    %dma_start3A_2936 = tpu.memref_slice %arg5[%dma_start3A_2934, %dma_start3A_2935] : memref<1024x128xf32, #tpu.memory_space<vmem>> -> memref<8x128xf32, #tpu.memory_space<vmem>>
    tpu.enqueue_dma source(%dma_start3A_2936 : memref<8x128xf32, #tpu.memory_space<vmem>>) target(%dma_start3A_2933 : memref<8x128xf32, #tpu.memory_space<any>>) target_semaphore(%arg6 : memref<!tpu.dma_semaphore, #tpu.memory_space<semaphore_mem>>)
    %get3A_2937 = arith.constant 122 : index
    %get3A_2938 = arith.constant 0 : index
    %get3A_2939 = memref.load %arg1[%get3A_2937, %get3A_2938] : memref<128x1xi32, #tpu.memory_space<smem>>
    %shift_right_arithmetic3A_2940 = arith.constant 7 : i32
    %shift_right_arithmetic3A_2941 = arith.shrsi %get3A_2939, %shift_right_arithmetic3A_2940 : i32
    %slice3A_2942 = vector.extract_strided_slice %shift_right_arithmetic3A_12 {offsets = [120, 0], sizes = [8, 1], strides = [1, 1]} : vector<128x1xi32> to vector<8x1xi32>
    %eq3A_2943 = vector.broadcast %shift_right_arithmetic3A_2941 : i32 to vector<8x1xi32>
    %eq3A_2944 = arith.cmpi eq, %slice3A_2942, %eq3A_2943 : vector<8x1xi32>
    %convert_element_type3A_2945 = arith.extui %eq3A_2944 : vector<8x1xi1> to vector<8x1xi32>
    %convert_element_type3A_2946 = arith.sitofp %convert_element_type3A_2945 : vector<8x1xi32> to vector<8x1xf32>
    %slice3A_2947 = vector.extract_strided_slice %get3A_10 {offsets = [120, 0], sizes = [8, 128], strides = [1, 1]} : vector<128x128xf32> to vector<8x128xf32>
    %mul3A_2948 = vector.broadcast %convert_element_type3A_2946 : vector<8x1xf32> to vector<8x128xf32>
    %mul3A_2949 = arith.mulf %slice3A_2947, %mul3A_2948 : vector<8x128xf32>
    %swap3A_2950 = arith.constant 976 : index
    %swap3A_2951 = arith.constant 0 : index
    %swap3A_2952 = vector.load %arg5[%swap3A_2950, %swap3A_2951] : memref<1024x128xf32, #tpu.memory_space<vmem>>, vector<8x128xf32>
    tpu.vector_store %arg5[%swap3A_2950, %swap3A_2951], %mul3A_2949 {strides = array<i32>} : memref<1024x128xf32, #tpu.memory_space<vmem>>, vector<8x128xf32>,
    %mul3A_2953 = arith.constant 128 : i32
    %mul3A_2954 = arith.muli %shift_right_arithmetic3A_2941, %mul3A_2953 : i32
    %multiple_of3A_2955 = tpu.assume_multiple %mul3A_2954, 128 : i32
    %dma_start3A_2956 = arith.constant 120 : i32
    %dma_start3A_2957 = tpu.memref_slice %arg3[%dma_start3A_2956, %multiple_of3A_2955] : memref<128x32768xf32, #tpu.memory_space<any>> -> memref<8x128xf32, #tpu.memory_space<any>>
    %dma_start3A_2958 = arith.constant 976 : i32
    %dma_start3A_2959 = arith.constant 0 : i32
    %dma_start3A_2960 = tpu.memref_slice %arg5[%dma_start3A_2958, %dma_start3A_2959] : memref<1024x128xf32, #tpu.memory_space<vmem>> -> memref<8x128xf32, #tpu.memory_space<vmem>>
    tpu.enqueue_dma source(%dma_start3A_2960 : memref<8x128xf32, #tpu.memory_space<vmem>>) target(%dma_start3A_2957 : memref<8x128xf32, #tpu.memory_space<any>>) target_semaphore(%arg6 : memref<!tpu.dma_semaphore, #tpu.memory_space<semaphore_mem>>)
    %get3A_2961 = arith.constant 123 : index
    %get3A_2962 = arith.constant 0 : index
    %get3A_2963 = memref.load %arg1[%get3A_2961, %get3A_2962] : memref<128x1xi32, #tpu.memory_space<smem>>
    %shift_right_arithmetic3A_2964 = arith.constant 7 : i32
    %shift_right_arithmetic3A_2965 = arith.shrsi %get3A_2963, %shift_right_arithmetic3A_2964 : i32
    %slice3A_2966 = vector.extract_strided_slice %shift_right_arithmetic3A_12 {offsets = [120, 0], sizes = [8, 1], strides = [1, 1]} : vector<128x1xi32> to vector<8x1xi32>
    %eq3A_2967 = vector.broadcast %shift_right_arithmetic3A_2965 : i32 to vector<8x1xi32>
    %eq3A_2968 = arith.cmpi eq, %slice3A_2966, %eq3A_2967 : vector<8x1xi32>
    %convert_element_type3A_2969 = arith.extui %eq3A_2968 : vector<8x1xi1> to vector<8x1xi32>
    %convert_element_type3A_2970 = arith.sitofp %convert_element_type3A_2969 : vector<8x1xi32> to vector<8x1xf32>
    %slice3A_2971 = vector.extract_strided_slice %get3A_10 {offsets = [120, 0], sizes = [8, 128], strides = [1, 1]} : vector<128x128xf32> to vector<8x128xf32>
    %mul3A_2972 = vector.broadcast %convert_element_type3A_2970 : vector<8x1xf32> to vector<8x128xf32>
    %mul3A_2973 = arith.mulf %slice3A_2971, %mul3A_2972 : vector<8x128xf32>
    %swap3A_2974 = arith.constant 984 : index
    %swap3A_2975 = arith.constant 0 : index
    %swap3A_2976 = vector.load %arg5[%swap3A_2974, %swap3A_2975] : memref<1024x128xf32, #tpu.memory_space<vmem>>, vector<8x128xf32>
    tpu.vector_store %arg5[%swap3A_2974, %swap3A_2975], %mul3A_2973 {strides = array<i32>} : memref<1024x128xf32, #tpu.memory_space<vmem>>, vector<8x128xf32>,
    %mul3A_2977 = arith.constant 128 : i32
    %mul3A_2978 = arith.muli %shift_right_arithmetic3A_2965, %mul3A_2977 : i32
    %multiple_of3A_2979 = tpu.assume_multiple %mul3A_2978, 128 : i32
    %dma_start3A_2980 = arith.constant 120 : i32
    %dma_start3A_2981 = tpu.memref_slice %arg3[%dma_start3A_2980, %multiple_of3A_2979] : memref<128x32768xf32, #tpu.memory_space<any>> -> memref<8x128xf32, #tpu.memory_space<any>>
    %dma_start3A_2982 = arith.constant 984 : i32
    %dma_start3A_2983 = arith.constant 0 : i32
    %dma_start3A_2984 = tpu.memref_slice %arg5[%dma_start3A_2982, %dma_start3A_2983] : memref<1024x128xf32, #tpu.memory_space<vmem>> -> memref<8x128xf32, #tpu.memory_space<vmem>>
    tpu.enqueue_dma source(%dma_start3A_2984 : memref<8x128xf32, #tpu.memory_space<vmem>>) target(%dma_start3A_2981 : memref<8x128xf32, #tpu.memory_space<any>>) target_semaphore(%arg6 : memref<!tpu.dma_semaphore, #tpu.memory_space<semaphore_mem>>)
    %get3A_2985 = arith.constant 124 : index
    %get3A_2986 = arith.constant 0 : index
    %get3A_2987 = memref.load %arg1[%get3A_2985, %get3A_2986] : memref<128x1xi32, #tpu.memory_space<smem>>
    %shift_right_arithmetic3A_2988 = arith.constant 7 : i32
    %shift_right_arithmetic3A_2989 = arith.shrsi %get3A_2987, %shift_right_arithmetic3A_2988 : i32
    %slice3A_2990 = vector.extract_strided_slice %shift_right_arithmetic3A_12 {offsets = [120, 0], sizes = [8, 1], strides = [1, 1]} : vector<128x1xi32> to vector<8x1xi32>
    %eq3A_2991 = vector.broadcast %shift_right_arithmetic3A_2989 : i32 to vector<8x1xi32>
    %eq3A_2992 = arith.cmpi eq, %slice3A_2990, %eq3A_2991 : vector<8x1xi32>
    %convert_element_type3A_2993 = arith.extui %eq3A_2992 : vector<8x1xi1> to vector<8x1xi32>
    %convert_element_type3A_2994 = arith.sitofp %convert_element_type3A_2993 : vector<8x1xi32> to vector<8x1xf32>
    %slice3A_2995 = vector.extract_strided_slice %get3A_10 {offsets = [120, 0], sizes = [8, 128], strides = [1, 1]} : vector<128x128xf32> to vector<8x128xf32>
    %mul3A_2996 = vector.broadcast %convert_element_type3A_2994 : vector<8x1xf32> to vector<8x128xf32>
    %mul3A_2997 = arith.mulf %slice3A_2995, %mul3A_2996 : vector<8x128xf32>
    %swap3A_2998 = arith.constant 992 : index
    %swap3A_2999 = arith.constant 0 : index
    %swap3A_3000 = vector.load %arg5[%swap3A_2998, %swap3A_2999] : memref<1024x128xf32, #tpu.memory_space<vmem>>, vector<8x128xf32>
    tpu.vector_store %arg5[%swap3A_2998, %swap3A_2999], %mul3A_2997 {strides = array<i32>} : memref<1024x128xf32, #tpu.memory_space<vmem>>, vector<8x128xf32>,
    %mul3A_3001 = arith.constant 128 : i32
    %mul3A_3002 = arith.muli %shift_right_arithmetic3A_2989, %mul3A_3001 : i32
    %multiple_of3A_3003 = tpu.assume_multiple %mul3A_3002, 128 : i32
    %dma_start3A_3004 = arith.constant 120 : i32
    %dma_start3A_3005 = tpu.memref_slice %arg3[%dma_start3A_3004, %multiple_of3A_3003] : memref<128x32768xf32, #tpu.memory_space<any>> -> memref<8x128xf32, #tpu.memory_space<any>>
    %dma_start3A_3006 = arith.constant 992 : i32
    %dma_start3A_3007 = arith.constant 0 : i32
    %dma_start3A_3008 = tpu.memref_slice %arg5[%dma_start3A_3006, %dma_start3A_3007] : memref<1024x128xf32, #tpu.memory_space<vmem>> -> memref<8x128xf32, #tpu.memory_space<vmem>>
    tpu.enqueue_dma source(%dma_start3A_3008 : memref<8x128xf32, #tpu.memory_space<vmem>>) target(%dma_start3A_3005 : memref<8x128xf32, #tpu.memory_space<any>>) target_semaphore(%arg6 : memref<!tpu.dma_semaphore, #tpu.memory_space<semaphore_mem>>)
    %get3A_3009 = arith.constant 125 : index
    %get3A_3010 = arith.constant 0 : index
    %get3A_3011 = memref.load %arg1[%get3A_3009, %get3A_3010] : memref<128x1xi32, #tpu.memory_space<smem>>
    %shift_right_arithmetic3A_3012 = arith.constant 7 : i32
    %shift_right_arithmetic3A_3013 = arith.shrsi %get3A_3011, %shift_right_arithmetic3A_3012 : i32
    %slice3A_3014 = vector.extract_strided_slice %shift_right_arithmetic3A_12 {offsets = [120, 0], sizes = [8, 1], strides = [1, 1]} : vector<128x1xi32> to vector<8x1xi32>
    %eq3A_3015 = vector.broadcast %shift_right_arithmetic3A_3013 : i32 to vector<8x1xi32>
    %eq3A_3016 = arith.cmpi eq, %slice3A_3014, %eq3A_3015 : vector<8x1xi32>
    %convert_element_type3A_3017 = arith.extui %eq3A_3016 : vector<8x1xi1> to vector<8x1xi32>
    %convert_element_type3A_3018 = arith.sitofp %convert_element_type3A_3017 : vector<8x1xi32> to vector<8x1xf32>
    %slice3A_3019 = vector.extract_strided_slice %get3A_10 {offsets = [120, 0], sizes = [8, 128], strides = [1, 1]} : vector<128x128xf32> to vector<8x128xf32>
    %mul3A_3020 = vector.broadcast %convert_element_type3A_3018 : vector<8x1xf32> to vector<8x128xf32>
    %mul3A_3021 = arith.mulf %slice3A_3019, %mul3A_3020 : vector<8x128xf32>
    %swap3A_3022 = arith.constant 1000 : index
    %swap3A_3023 = arith.constant 0 : index
    %swap3A_3024 = vector.load %arg5[%swap3A_3022, %swap3A_3023] : memref<1024x128xf32, #tpu.memory_space<vmem>>, vector<8x128xf32>
    tpu.vector_store %arg5[%swap3A_3022, %swap3A_3023], %mul3A_3021 {strides = array<i32>} : memref<1024x128xf32, #tpu.memory_space<vmem>>, vector<8x128xf32>,
    %mul3A_3025 = arith.constant 128 : i32
    %mul3A_3026 = arith.muli %shift_right_arithmetic3A_3013, %mul3A_3025 : i32
    %multiple_of3A_3027 = tpu.assume_multiple %mul3A_3026, 128 : i32
    %dma_start3A_3028 = arith.constant 120 : i32
    %dma_start3A_3029 = tpu.memref_slice %arg3[%dma_start3A_3028, %multiple_of3A_3027] : memref<128x32768xf32, #tpu.memory_space<any>> -> memref<8x128xf32, #tpu.memory_space<any>>
    %dma_start3A_3030 = arith.constant 1000 : i32
    %dma_start3A_3031 = arith.constant 0 : i32
    %dma_start3A_3032 = tpu.memref_slice %arg5[%dma_start3A_3030, %dma_start3A_3031] : memref<1024x128xf32, #tpu.memory_space<vmem>> -> memref<8x128xf32, #tpu.memory_space<vmem>>
    tpu.enqueue_dma source(%dma_start3A_3032 : memref<8x128xf32, #tpu.memory_space<vmem>>) target(%dma_start3A_3029 : memref<8x128xf32, #tpu.memory_space<any>>) target_semaphore(%arg6 : memref<!tpu.dma_semaphore, #tpu.memory_space<semaphore_mem>>)
    %get3A_3033 = arith.constant 126 : index
    %get3A_3034 = arith.constant 0 : index
    %get3A_3035 = memref.load %arg1[%get3A_3033, %get3A_3034] : memref<128x1xi32, #tpu.memory_space<smem>>
    %shift_right_arithmetic3A_3036 = arith.constant 7 : i32
    %shift_right_arithmetic3A_3037 = arith.shrsi %get3A_3035, %shift_right_arithmetic3A_3036 : i32
    %slice3A_3038 = vector.extract_strided_slice %shift_right_arithmetic3A_12 {offsets = [120, 0], sizes = [8, 1], strides = [1, 1]} : vector<128x1xi32> to vector<8x1xi32>
    %eq3A_3039 = vector.broadcast %shift_right_arithmetic3A_3037 : i32 to vector<8x1xi32>
    %eq3A_3040 = arith.cmpi eq, %slice3A_3038, %eq3A_3039 : vector<8x1xi32>
    %convert_element_type3A_3041 = arith.extui %eq3A_3040 : vector<8x1xi1> to vector<8x1xi32>
    %convert_element_type3A_3042 = arith.sitofp %convert_element_type3A_3041 : vector<8x1xi32> to vector<8x1xf32>
    %slice3A_3043 = vector.extract_strided_slice %get3A_10 {offsets = [120, 0], sizes = [8, 128], strides = [1, 1]} : vector<128x128xf32> to vector<8x128xf32>
    %mul3A_3044 = vector.broadcast %convert_element_type3A_3042 : vector<8x1xf32> to vector<8x128xf32>
    %mul3A_3045 = arith.mulf %slice3A_3043, %mul3A_3044 : vector<8x128xf32>
    %swap3A_3046 = arith.constant 1008 : index
    %swap3A_3047 = arith.constant 0 : index
    %swap3A_3048 = vector.load %arg5[%swap3A_3046, %swap3A_3047] : memref<1024x128xf32, #tpu.memory_space<vmem>>, vector<8x128xf32>
    tpu.vector_store %arg5[%swap3A_3046, %swap3A_3047], %mul3A_3045 {strides = array<i32>} : memref<1024x128xf32, #tpu.memory_space<vmem>>, vector<8x128xf32>,
    %mul3A_3049 = arith.constant 128 : i32
    %mul3A_3050 = arith.muli %shift_right_arithmetic3A_3037, %mul3A_3049 : i32
    %multiple_of3A_3051 = tpu.assume_multiple %mul3A_3050, 128 : i32
    %dma_start3A_3052 = arith.constant 120 : i32
    %dma_start3A_3053 = tpu.memref_slice %arg3[%dma_start3A_3052, %multiple_of3A_3051] : memref<128x32768xf32, #tpu.memory_space<any>> -> memref<8x128xf32, #tpu.memory_space<any>>
    %dma_start3A_3054 = arith.constant 1008 : i32
    %dma_start3A_3055 = arith.constant 0 : i32
    %dma_start3A_3056 = tpu.memref_slice %arg5[%dma_start3A_3054, %dma_start3A_3055] : memref<1024x128xf32, #tpu.memory_space<vmem>> -> memref<8x128xf32, #tpu.memory_space<vmem>>
    tpu.enqueue_dma source(%dma_start3A_3056 : memref<8x128xf32, #tpu.memory_space<vmem>>) target(%dma_start3A_3053 : memref<8x128xf32, #tpu.memory_space<any>>) target_semaphore(%arg6 : memref<!tpu.dma_semaphore, #tpu.memory_space<semaphore_mem>>)
    %get3A_3057 = arith.constant 127 : index
    %get3A_3058 = arith.constant 0 : index
    %get3A_3059 = memref.load %arg1[%get3A_3057, %get3A_3058] : memref<128x1xi32, #tpu.memory_space<smem>>
    %shift_right_arithmetic3A_3060 = arith.constant 7 : i32
    %shift_right_arithmetic3A_3061 = arith.shrsi %get3A_3059, %shift_right_arithmetic3A_3060 : i32
    %slice3A_3062 = vector.extract_strided_slice %shift_right_arithmetic3A_12 {offsets = [120, 0], sizes = [8, 1], strides = [1, 1]} : vector<128x1xi32> to vector<8x1xi32>
    %eq3A_3063 = vector.broadcast %shift_right_arithmetic3A_3061 : i32 to vector<8x1xi32>
    %eq3A_3064 = arith.cmpi eq, %slice3A_3062, %eq3A_3063 : vector<8x1xi32>
    %convert_element_type3A_3065 = arith.extui %eq3A_3064 : vector<8x1xi1> to vector<8x1xi32>
    %convert_element_type3A_3066 = arith.sitofp %convert_element_type3A_3065 : vector<8x1xi32> to vector<8x1xf32>
    %slice3A_3067 = vector.extract_strided_slice %get3A_10 {offsets = [120, 0], sizes = [8, 128], strides = [1, 1]} : vector<128x128xf32> to vector<8x128xf32>
    %mul3A_3068 = vector.broadcast %convert_element_type3A_3066 : vector<8x1xf32> to vector<8x128xf32>
    %mul3A_3069 = arith.mulf %slice3A_3067, %mul3A_3068 : vector<8x128xf32>
    %swap3A_3070 = arith.constant 1016 : index
    %swap3A_3071 = arith.constant 0 : index
    %swap3A_3072 = vector.load %arg5[%swap3A_3070, %swap3A_3071] : memref<1024x128xf32, #tpu.memory_space<vmem>>, vector<8x128xf32>
    tpu.vector_store %arg5[%swap3A_3070, %swap3A_3071], %mul3A_3069 {strides = array<i32>} : memref<1024x128xf32, #tpu.memory_space<vmem>>, vector<8x128xf32>,
    %mul3A_3073 = arith.constant 128 : i32
    %mul3A_3074 = arith.muli %shift_right_arithmetic3A_3061, %mul3A_3073 : i32
    %multiple_of3A_3075 = tpu.assume_multiple %mul3A_3074, 128 : i32
    %dma_start3A_3076 = arith.constant 120 : i32
    %dma_start3A_3077 = tpu.memref_slice %arg3[%dma_start3A_3076, %multiple_of3A_3075] : memref<128x32768xf32, #tpu.memory_space<any>> -> memref<8x128xf32, #tpu.memory_space<any>>
    %dma_start3A_3078 = arith.constant 1016 : i32
    %dma_start3A_3079 = arith.constant 0 : i32
    %dma_start3A_3080 = tpu.memref_slice %arg5[%dma_start3A_3078, %dma_start3A_3079] : memref<1024x128xf32, #tpu.memory_space<vmem>> -> memref<8x128xf32, #tpu.memory_space<vmem>>
    tpu.enqueue_dma source(%dma_start3A_3080 : memref<8x128xf32, #tpu.memory_space<vmem>>) target(%dma_start3A_3077 : memref<8x128xf32, #tpu.memory_space<any>>) target_semaphore(%arg6 : memref<!tpu.dma_semaphore, #tpu.memory_space<semaphore_mem>>)
    %dma_wait3A = arith.constant 0 : i32
    %dma_wait3A_3081 = tpu.memref_slice %arg3[%dma_wait3A, %multiple_of3A] : memref<128x32768xf32, #tpu.memory_space<any>> -> memref<8x128xf32, #tpu.memory_space<any>>
    %dma_wait3A_3082 = arith.constant 0 : i32
    %dma_wait3A_3083 = arith.constant 0 : i32
    %dma_wait3A_3084 = tpu.memref_slice %arg5[%dma_wait3A_3082, %dma_wait3A_3083] : memref<1024x128xf32, #tpu.memory_space<vmem>> -> memref<8x128xf32, #tpu.memory_space<vmem>>
    tpu.wait_dma2 semaphore(%arg6 : memref<!tpu.dma_semaphore, #tpu.memory_space<semaphore_mem>>) src(%dma_wait3A_3084 : memref<8x128xf32, #tpu.memory_space<vmem>>) dst(%dma_wait3A_3081 : memref<8x128xf32, #tpu.memory_space<any>>)
    %dma_wait3A_3085 = arith.constant 0 : i32
    %dma_wait3A_3086 = tpu.memref_slice %arg3[%dma_wait3A_3085, %multiple_of3A_51] : memref<128x32768xf32, #tpu.memory_space<any>> -> memref<8x128xf32, #tpu.memory_space<any>>
    %dma_wait3A_3087 = arith.constant 8 : i32
    %dma_wait3A_3088 = arith.constant 0 : i32
    %dma_wait3A_3089 = tpu.memref_slice %arg5[%dma_wait3A_3087, %dma_wait3A_3088] : memref<1024x128xf32, #tpu.memory_space<vmem>> -> memref<8x128xf32, #tpu.memory_space<vmem>>
    tpu.wait_dma2 semaphore(%arg6 : memref<!tpu.dma_semaphore, #tpu.memory_space<semaphore_mem>>) src(%dma_wait3A_3089 : memref<8x128xf32, #tpu.memory_space<vmem>>) dst(%dma_wait3A_3086 : memref<8x128xf32, #tpu.memory_space<any>>)
    %dma_wait3A_3090 = arith.constant 0 : i32
    %dma_wait3A_3091 = tpu.memref_slice %arg3[%dma_wait3A_3090, %multiple_of3A_75] : memref<128x32768xf32, #tpu.memory_space<any>> -> memref<8x128xf32, #tpu.memory_space<any>>
    %dma_wait3A_3092 = arith.constant 16 : i32
    %dma_wait3A_3093 = arith.constant 0 : i32
    %dma_wait3A_3094 = tpu.memref_slice %arg5[%dma_wait3A_3092, %dma_wait3A_3093] : memref<1024x128xf32, #tpu.memory_space<vmem>> -> memref<8x128xf32, #tpu.memory_space<vmem>>
    tpu.wait_dma2 semaphore(%arg6 : memref<!tpu.dma_semaphore, #tpu.memory_space<semaphore_mem>>) src(%dma_wait3A_3094 : memref<8x128xf32, #tpu.memory_space<vmem>>) dst(%dma_wait3A_3091 : memref<8x128xf32, #tpu.memory_space<any>>)
    %dma_wait3A_3095 = arith.constant 0 : i32
    %dma_wait3A_3096 = tpu.memref_slice %arg3[%dma_wait3A_3095, %multiple_of3A_99] : memref<128x32768xf32, #tpu.memory_space<any>> -> memref<8x128xf32, #tpu.memory_space<any>>
    %dma_wait3A_3097 = arith.constant 24 : i32
    %dma_wait3A_3098 = arith.constant 0 : i32
    %dma_wait3A_3099 = tpu.memref_slice %arg5[%dma_wait3A_3097, %dma_wait3A_3098] : memref<1024x128xf32, #tpu.memory_space<vmem>> -> memref<8x128xf32, #tpu.memory_space<vmem>>
    tpu.wait_dma2 semaphore(%arg6 : memref<!tpu.dma_semaphore, #tpu.memory_space<semaphore_mem>>) src(%dma_wait3A_3099 : memref<8x128xf32, #tpu.memory_space<vmem>>) dst(%dma_wait3A_3096 : memref<8x128xf32, #tpu.memory_space<any>>)
    %dma_wait3A_3100 = arith.constant 0 : i32
    %dma_wait3A_3101 = tpu.memref_slice %arg3[%dma_wait3A_3100, %multiple_of3A_123] : memref<128x32768xf32, #tpu.memory_space<any>> -> memref<8x128xf32, #tpu.memory_space<any>>
    %dma_wait3A_3102 = arith.constant 32 : i32
    %dma_wait3A_3103 = arith.constant 0 : i32
    %dma_wait3A_3104 = tpu.memref_slice %arg5[%dma_wait3A_3102, %dma_wait3A_3103] : memref<1024x128xf32, #tpu.memory_space<vmem>> -> memref<8x128xf32, #tpu.memory_space<vmem>>
    tpu.wait_dma2 semaphore(%arg6 : memref<!tpu.dma_semaphore, #tpu.memory_space<semaphore_mem>>) src(%dma_wait3A_3104 : memref<8x128xf32, #tpu.memory_space<vmem>>) dst(%dma_wait3A_3101 : memref<8x128xf32, #tpu.memory_space<any>>)
    %dma_wait3A_3105 = arith.constant 0 : i32
    %dma_wait3A_3106 = tpu.memref_slice %arg3[%dma_wait3A_3105, %multiple_of3A_147] : memref<128x32768xf32, #tpu.memory_space<any>> -> memref<8x128xf32, #tpu.memory_space<any>>
    %dma_wait3A_3107 = arith.constant 40 : i32
    %dma_wait3A_3108 = arith.constant 0 : i32
    %dma_wait3A_3109 = tpu.memref_slice %arg5[%dma_wait3A_3107, %dma_wait3A_3108] : memref<1024x128xf32, #tpu.memory_space<vmem>> -> memref<8x128xf32, #tpu.memory_space<vmem>>
    tpu.wait_dma2 semaphore(%arg6 : memref<!tpu.dma_semaphore, #tpu.memory_space<semaphore_mem>>) src(%dma_wait3A_3109 : memref<8x128xf32, #tpu.memory_space<vmem>>) dst(%dma_wait3A_3106 : memref<8x128xf32, #tpu.memory_space<any>>)
    %dma_wait3A_3110 = arith.constant 0 : i32
    %dma_wait3A_3111 = tpu.memref_slice %arg3[%dma_wait3A_3110, %multiple_of3A_171] : memref<128x32768xf32, #tpu.memory_space<any>> -> memref<8x128xf32, #tpu.memory_space<any>>
    %dma_wait3A_3112 = arith.constant 48 : i32
    %dma_wait3A_3113 = arith.constant 0 : i32
    %dma_wait3A_3114 = tpu.memref_slice %arg5[%dma_wait3A_3112, %dma_wait3A_3113] : memref<1024x128xf32, #tpu.memory_space<vmem>> -> memref<8x128xf32, #tpu.memory_space<vmem>>
    tpu.wait_dma2 semaphore(%arg6 : memref<!tpu.dma_semaphore, #tpu.memory_space<semaphore_mem>>) src(%dma_wait3A_3114 : memref<8x128xf32, #tpu.memory_space<vmem>>) dst(%dma_wait3A_3111 : memref<8x128xf32, #tpu.memory_space<any>>)
    %dma_wait3A_3115 = arith.constant 0 : i32
    %dma_wait3A_3116 = tpu.memref_slice %arg3[%dma_wait3A_3115, %multiple_of3A_195] : memref<128x32768xf32, #tpu.memory_space<any>> -> memref<8x128xf32, #tpu.memory_space<any>>
    %dma_wait3A_3117 = arith.constant 56 : i32
    %dma_wait3A_3118 = arith.constant 0 : i32
    %dma_wait3A_3119 = tpu.memref_slice %arg5[%dma_wait3A_3117, %dma_wait3A_3118] : memref<1024x128xf32, #tpu.memory_space<vmem>> -> memref<8x128xf32, #tpu.memory_space<vmem>>
    tpu.wait_dma2 semaphore(%arg6 : memref<!tpu.dma_semaphore, #tpu.memory_space<semaphore_mem>>) src(%dma_wait3A_3119 : memref<8x128xf32, #tpu.memory_space<vmem>>) dst(%dma_wait3A_3116 : memref<8x128xf32, #tpu.memory_space<any>>)
    %dma_wait3A_3120 = arith.constant 8 : i32
    %dma_wait3A_3121 = tpu.memref_slice %arg3[%dma_wait3A_3120, %multiple_of3A_219] : memref<128x32768xf32, #tpu.memory_space<any>> -> memref<8x128xf32, #tpu.memory_space<any>>
    %dma_wait3A_3122 = arith.constant 64 : i32
    %dma_wait3A_3123 = arith.constant 0 : i32
    %dma_wait3A_3124 = tpu.memref_slice %arg5[%dma_wait3A_3122, %dma_wait3A_3123] : memref<1024x128xf32, #tpu.memory_space<vmem>> -> memref<8x128xf32, #tpu.memory_space<vmem>>
    tpu.wait_dma2 semaphore(%arg6 : memref<!tpu.dma_semaphore, #tpu.memory_space<semaphore_mem>>) src(%dma_wait3A_3124 : memref<8x128xf32, #tpu.memory_space<vmem>>) dst(%dma_wait3A_3121 : memref<8x128xf32, #tpu.memory_space<any>>)
    %dma_wait3A_3125 = arith.constant 8 : i32
    %dma_wait3A_3126 = tpu.memref_slice %arg3[%dma_wait3A_3125, %multiple_of3A_243] : memref<128x32768xf32, #tpu.memory_space<any>> -> memref<8x128xf32, #tpu.memory_space<any>>
    %dma_wait3A_3127 = arith.constant 72 : i32
    %dma_wait3A_3128 = arith.constant 0 : i32
    %dma_wait3A_3129 = tpu.memref_slice %arg5[%dma_wait3A_3127, %dma_wait3A_3128] : memref<1024x128xf32, #tpu.memory_space<vmem>> -> memref<8x128xf32, #tpu.memory_space<vmem>>
    tpu.wait_dma2 semaphore(%arg6 : memref<!tpu.dma_semaphore, #tpu.memory_space<semaphore_mem>>) src(%dma_wait3A_3129 : memref<8x128xf32, #tpu.memory_space<vmem>>) dst(%dma_wait3A_3126 : memref<8x128xf32, #tpu.memory_space<any>>)
    %dma_wait3A_3130 = arith.constant 8 : i32
    %dma_wait3A_3131 = tpu.memref_slice %arg3[%dma_wait3A_3130, %multiple_of3A_267] : memref<128x32768xf32, #tpu.memory_space<any>> -> memref<8x128xf32, #tpu.memory_space<any>>
    %dma_wait3A_3132 = arith.constant 80 : i32
    %dma_wait3A_3133 = arith.constant 0 : i32
    %dma_wait3A_3134 = tpu.memref_slice %arg5[%dma_wait3A_3132, %dma_wait3A_3133] : memref<1024x128xf32, #tpu.memory_space<vmem>> -> memref<8x128xf32, #tpu.memory_space<vmem>>
    tpu.wait_dma2 semaphore(%arg6 : memref<!tpu.dma_semaphore, #tpu.memory_space<semaphore_mem>>) src(%dma_wait3A_3134 : memref<8x128xf32, #tpu.memory_space<vmem>>) dst(%dma_wait3A_3131 : memref<8x128xf32, #tpu.memory_space<any>>)
    %dma_wait3A_3135 = arith.constant 8 : i32
    %dma_wait3A_3136 = tpu.memref_slice %arg3[%dma_wait3A_3135, %multiple_of3A_291] : memref<128x32768xf32, #tpu.memory_space<any>> -> memref<8x128xf32, #tpu.memory_space<any>>
    %dma_wait3A_3137 = arith.constant 88 : i32
    %dma_wait3A_3138 = arith.constant 0 : i32
    %dma_wait3A_3139 = tpu.memref_slice %arg5[%dma_wait3A_3137, %dma_wait3A_3138] : memref<1024x128xf32, #tpu.memory_space<vmem>> -> memref<8x128xf32, #tpu.memory_space<vmem>>
    tpu.wait_dma2 semaphore(%arg6 : memref<!tpu.dma_semaphore, #tpu.memory_space<semaphore_mem>>) src(%dma_wait3A_3139 : memref<8x128xf32, #tpu.memory_space<vmem>>) dst(%dma_wait3A_3136 : memref<8x128xf32, #tpu.memory_space<any>>)
    %dma_wait3A_3140 = arith.constant 8 : i32
    %dma_wait3A_3141 = tpu.memref_slice %arg3[%dma_wait3A_3140, %multiple_of3A_315] : memref<128x32768xf32, #tpu.memory_space<any>> -> memref<8x128xf32, #tpu.memory_space<any>>
    %dma_wait3A_3142 = arith.constant 96 : i32
    %dma_wait3A_3143 = arith.constant 0 : i32
    %dma_wait3A_3144 = tpu.memref_slice %arg5[%dma_wait3A_3142, %dma_wait3A_3143] : memref<1024x128xf32, #tpu.memory_space<vmem>> -> memref<8x128xf32, #tpu.memory_space<vmem>>
    tpu.wait_dma2 semaphore(%arg6 : memref<!tpu.dma_semaphore, #tpu.memory_space<semaphore_mem>>) src(%dma_wait3A_3144 : memref<8x128xf32, #tpu.memory_space<vmem>>) dst(%dma_wait3A_3141 : memref<8x128xf32, #tpu.memory_space<any>>)
    %dma_wait3A_3145 = arith.constant 8 : i32
    %dma_wait3A_3146 = tpu.memref_slice %arg3[%dma_wait3A_3145, %multiple_of3A_339] : memref<128x32768xf32, #tpu.memory_space<any>> -> memref<8x128xf32, #tpu.memory_space<any>>
    %dma_wait3A_3147 = arith.constant 104 : i32
    %dma_wait3A_3148 = arith.constant 0 : i32
    %dma_wait3A_3149 = tpu.memref_slice %arg5[%dma_wait3A_3147, %dma_wait3A_3148] : memref<1024x128xf32, #tpu.memory_space<vmem>> -> memref<8x128xf32, #tpu.memory_space<vmem>>
    tpu.wait_dma2 semaphore(%arg6 : memref<!tpu.dma_semaphore, #tpu.memory_space<semaphore_mem>>) src(%dma_wait3A_3149 : memref<8x128xf32, #tpu.memory_space<vmem>>) dst(%dma_wait3A_3146 : memref<8x128xf32, #tpu.memory_space<any>>)
    %dma_wait3A_3150 = arith.constant 8 : i32
    %dma_wait3A_3151 = tpu.memref_slice %arg3[%dma_wait3A_3150, %multiple_of3A_363] : memref<128x32768xf32, #tpu.memory_space<any>> -> memref<8x128xf32, #tpu.memory_space<any>>
    %dma_wait3A_3152 = arith.constant 112 : i32
    %dma_wait3A_3153 = arith.constant 0 : i32
    %dma_wait3A_3154 = tpu.memref_slice %arg5[%dma_wait3A_3152, %dma_wait3A_3153] : memref<1024x128xf32, #tpu.memory_space<vmem>> -> memref<8x128xf32, #tpu.memory_space<vmem>>
    tpu.wait_dma2 semaphore(%arg6 : memref<!tpu.dma_semaphore, #tpu.memory_space<semaphore_mem>>) src(%dma_wait3A_3154 : memref<8x128xf32, #tpu.memory_space<vmem>>) dst(%dma_wait3A_3151 : memref<8x128xf32, #tpu.memory_space<any>>)
    %dma_wait3A_3155 = arith.constant 8 : i32
    %dma_wait3A_3156 = tpu.memref_slice %arg3[%dma_wait3A_3155, %multiple_of3A_387] : memref<128x32768xf32, #tpu.memory_space<any>> -> memref<8x128xf32, #tpu.memory_space<any>>
    %dma_wait3A_3157 = arith.constant 120 : i32
    %dma_wait3A_3158 = arith.constant 0 : i32
    %dma_wait3A_3159 = tpu.memref_slice %arg5[%dma_wait3A_3157, %dma_wait3A_3158] : memref<1024x128xf32, #tpu.memory_space<vmem>> -> memref<8x128xf32, #tpu.memory_space<vmem>>
    tpu.wait_dma2 semaphore(%arg6 : memref<!tpu.dma_semaphore, #tpu.memory_space<semaphore_mem>>) src(%dma_wait3A_3159 : memref<8x128xf32, #tpu.memory_space<vmem>>) dst(%dma_wait3A_3156 : memref<8x128xf32, #tpu.memory_space<any>>)
    %dma_wait3A_3160 = arith.constant 16 : i32
    %dma_wait3A_3161 = tpu.memref_slice %arg3[%dma_wait3A_3160, %multiple_of3A_411] : memref<128x32768xf32, #tpu.memory_space<any>> -> memref<8x128xf32, #tpu.memory_space<any>>
    %dma_wait3A_3162 = arith.constant 128 : i32
    %dma_wait3A_3163 = arith.constant 0 : i32
    %dma_wait3A_3164 = tpu.memref_slice %arg5[%dma_wait3A_3162, %dma_wait3A_3163] : memref<1024x128xf32, #tpu.memory_space<vmem>> -> memref<8x128xf32, #tpu.memory_space<vmem>>
    tpu.wait_dma2 semaphore(%arg6 : memref<!tpu.dma_semaphore, #tpu.memory_space<semaphore_mem>>) src(%dma_wait3A_3164 : memref<8x128xf32, #tpu.memory_space<vmem>>) dst(%dma_wait3A_3161 : memref<8x128xf32, #tpu.memory_space<any>>)
    %dma_wait3A_3165 = arith.constant 16 : i32
    %dma_wait3A_3166 = tpu.memref_slice %arg3[%dma_wait3A_3165, %multiple_of3A_435] : memref<128x32768xf32, #tpu.memory_space<any>> -> memref<8x128xf32, #tpu.memory_space<any>>
    %dma_wait3A_3167 = arith.constant 136 : i32
    %dma_wait3A_3168 = arith.constant 0 : i32
    %dma_wait3A_3169 = tpu.memref_slice %arg5[%dma_wait3A_3167, %dma_wait3A_3168] : memref<1024x128xf32, #tpu.memory_space<vmem>> -> memref<8x128xf32, #tpu.memory_space<vmem>>
    tpu.wait_dma2 semaphore(%arg6 : memref<!tpu.dma_semaphore, #tpu.memory_space<semaphore_mem>>) src(%dma_wait3A_3169 : memref<8x128xf32, #tpu.memory_space<vmem>>) dst(%dma_wait3A_3166 : memref<8x128xf32, #tpu.memory_space<any>>)
    %dma_wait3A_3170 = arith.constant 16 : i32
    %dma_wait3A_3171 = tpu.memref_slice %arg3[%dma_wait3A_3170, %multiple_of3A_459] : memref<128x32768xf32, #tpu.memory_space<any>> -> memref<8x128xf32, #tpu.memory_space<any>>
    %dma_wait3A_3172 = arith.constant 144 : i32
    %dma_wait3A_3173 = arith.constant 0 : i32
    %dma_wait3A_3174 = tpu.memref_slice %arg5[%dma_wait3A_3172, %dma_wait3A_3173] : memref<1024x128xf32, #tpu.memory_space<vmem>> -> memref<8x128xf32, #tpu.memory_space<vmem>>
    tpu.wait_dma2 semaphore(%arg6 : memref<!tpu.dma_semaphore, #tpu.memory_space<semaphore_mem>>) src(%dma_wait3A_3174 : memref<8x128xf32, #tpu.memory_space<vmem>>) dst(%dma_wait3A_3171 : memref<8x128xf32, #tpu.memory_space<any>>)
    %dma_wait3A_3175 = arith.constant 16 : i32
    %dma_wait3A_3176 = tpu.memref_slice %arg3[%dma_wait3A_3175, %multiple_of3A_483] : memref<128x32768xf32, #tpu.memory_space<any>> -> memref<8x128xf32, #tpu.memory_space<any>>
    %dma_wait3A_3177 = arith.constant 152 : i32
    %dma_wait3A_3178 = arith.constant 0 : i32
    %dma_wait3A_3179 = tpu.memref_slice %arg5[%dma_wait3A_3177, %dma_wait3A_3178] : memref<1024x128xf32, #tpu.memory_space<vmem>> -> memref<8x128xf32, #tpu.memory_space<vmem>>
    tpu.wait_dma2 semaphore(%arg6 : memref<!tpu.dma_semaphore, #tpu.memory_space<semaphore_mem>>) src(%dma_wait3A_3179 : memref<8x128xf32, #tpu.memory_space<vmem>>) dst(%dma_wait3A_3176 : memref<8x128xf32, #tpu.memory_space<any>>)
    %dma_wait3A_3180 = arith.constant 16 : i32
    %dma_wait3A_3181 = tpu.memref_slice %arg3[%dma_wait3A_3180, %multiple_of3A_507] : memref<128x32768xf32, #tpu.memory_space<any>> -> memref<8x128xf32, #tpu.memory_space<any>>
    %dma_wait3A_3182 = arith.constant 160 : i32
    %dma_wait3A_3183 = arith.constant 0 : i32
    %dma_wait3A_3184 = tpu.memref_slice %arg5[%dma_wait3A_3182, %dma_wait3A_3183] : memref<1024x128xf32, #tpu.memory_space<vmem>> -> memref<8x128xf32, #tpu.memory_space<vmem>>
    tpu.wait_dma2 semaphore(%arg6 : memref<!tpu.dma_semaphore, #tpu.memory_space<semaphore_mem>>) src(%dma_wait3A_3184 : memref<8x128xf32, #tpu.memory_space<vmem>>) dst(%dma_wait3A_3181 : memref<8x128xf32, #tpu.memory_space<any>>)
    %dma_wait3A_3185 = arith.constant 16 : i32
    %dma_wait3A_3186 = tpu.memref_slice %arg3[%dma_wait3A_3185, %multiple_of3A_531] : memref<128x32768xf32, #tpu.memory_space<any>> -> memref<8x128xf32, #tpu.memory_space<any>>
    %dma_wait3A_3187 = arith.constant 168 : i32
    %dma_wait3A_3188 = arith.constant 0 : i32
    %dma_wait3A_3189 = tpu.memref_slice %arg5[%dma_wait3A_3187, %dma_wait3A_3188] : memref<1024x128xf32, #tpu.memory_space<vmem>> -> memref<8x128xf32, #tpu.memory_space<vmem>>
    tpu.wait_dma2 semaphore(%arg6 : memref<!tpu.dma_semaphore, #tpu.memory_space<semaphore_mem>>) src(%dma_wait3A_3189 : memref<8x128xf32, #tpu.memory_space<vmem>>) dst(%dma_wait3A_3186 : memref<8x128xf32, #tpu.memory_space<any>>)
    %dma_wait3A_3190 = arith.constant 16 : i32
    %dma_wait3A_3191 = tpu.memref_slice %arg3[%dma_wait3A_3190, %multiple_of3A_555] : memref<128x32768xf32, #tpu.memory_space<any>> -> memref<8x128xf32, #tpu.memory_space<any>>
    %dma_wait3A_3192 = arith.constant 176 : i32
    %dma_wait3A_3193 = arith.constant 0 : i32
    %dma_wait3A_3194 = tpu.memref_slice %arg5[%dma_wait3A_3192, %dma_wait3A_3193] : memref<1024x128xf32, #tpu.memory_space<vmem>> -> memref<8x128xf32, #tpu.memory_space<vmem>>
    tpu.wait_dma2 semaphore(%arg6 : memref<!tpu.dma_semaphore, #tpu.memory_space<semaphore_mem>>) src(%dma_wait3A_3194 : memref<8x128xf32, #tpu.memory_space<vmem>>) dst(%dma_wait3A_3191 : memref<8x128xf32, #tpu.memory_space<any>>)
    %dma_wait3A_3195 = arith.constant 16 : i32
    %dma_wait3A_3196 = tpu.memref_slice %arg3[%dma_wait3A_3195, %multiple_of3A_579] : memref<128x32768xf32, #tpu.memory_space<any>> -> memref<8x128xf32, #tpu.memory_space<any>>
    %dma_wait3A_3197 = arith.constant 184 : i32
    %dma_wait3A_3198 = arith.constant 0 : i32
    %dma_wait3A_3199 = tpu.memref_slice %arg5[%dma_wait3A_3197, %dma_wait3A_3198] : memref<1024x128xf32, #tpu.memory_space<vmem>> -> memref<8x128xf32, #tpu.memory_space<vmem>>
    tpu.wait_dma2 semaphore(%arg6 : memref<!tpu.dma_semaphore, #tpu.memory_space<semaphore_mem>>) src(%dma_wait3A_3199 : memref<8x128xf32, #tpu.memory_space<vmem>>) dst(%dma_wait3A_3196 : memref<8x128xf32, #tpu.memory_space<any>>)
    %dma_wait3A_3200 = arith.constant 24 : i32
    %dma_wait3A_3201 = tpu.memref_slice %arg3[%dma_wait3A_3200, %multiple_of3A_603] : memref<128x32768xf32, #tpu.memory_space<any>> -> memref<8x128xf32, #tpu.memory_space<any>>
    %dma_wait3A_3202 = arith.constant 192 : i32
    %dma_wait3A_3203 = arith.constant 0 : i32
    %dma_wait3A_3204 = tpu.memref_slice %arg5[%dma_wait3A_3202, %dma_wait3A_3203] : memref<1024x128xf32, #tpu.memory_space<vmem>> -> memref<8x128xf32, #tpu.memory_space<vmem>>
    tpu.wait_dma2 semaphore(%arg6 : memref<!tpu.dma_semaphore, #tpu.memory_space<semaphore_mem>>) src(%dma_wait3A_3204 : memref<8x128xf32, #tpu.memory_space<vmem>>) dst(%dma_wait3A_3201 : memref<8x128xf32, #tpu.memory_space<any>>)
    %dma_wait3A_3205 = arith.constant 24 : i32
    %dma_wait3A_3206 = tpu.memref_slice %arg3[%dma_wait3A_3205, %multiple_of3A_627] : memref<128x32768xf32, #tpu.memory_space<any>> -> memref<8x128xf32, #tpu.memory_space<any>>
    %dma_wait3A_3207 = arith.constant 200 : i32
    %dma_wait3A_3208 = arith.constant 0 : i32
    %dma_wait3A_3209 = tpu.memref_slice %arg5[%dma_wait3A_3207, %dma_wait3A_3208] : memref<1024x128xf32, #tpu.memory_space<vmem>> -> memref<8x128xf32, #tpu.memory_space<vmem>>
    tpu.wait_dma2 semaphore(%arg6 : memref<!tpu.dma_semaphore, #tpu.memory_space<semaphore_mem>>) src(%dma_wait3A_3209 : memref<8x128xf32, #tpu.memory_space<vmem>>) dst(%dma_wait3A_3206 : memref<8x128xf32, #tpu.memory_space<any>>)
    %dma_wait3A_3210 = arith.constant 24 : i32
    %dma_wait3A_3211 = tpu.memref_slice %arg3[%dma_wait3A_3210, %multiple_of3A_651] : memref<128x32768xf32, #tpu.memory_space<any>> -> memref<8x128xf32, #tpu.memory_space<any>>
    %dma_wait3A_3212 = arith.constant 208 : i32
    %dma_wait3A_3213 = arith.constant 0 : i32
    %dma_wait3A_3214 = tpu.memref_slice %arg5[%dma_wait3A_3212, %dma_wait3A_3213] : memref<1024x128xf32, #tpu.memory_space<vmem>> -> memref<8x128xf32, #tpu.memory_space<vmem>>
    tpu.wait_dma2 semaphore(%arg6 : memref<!tpu.dma_semaphore, #tpu.memory_space<semaphore_mem>>) src(%dma_wait3A_3214 : memref<8x128xf32, #tpu.memory_space<vmem>>) dst(%dma_wait3A_3211 : memref<8x128xf32, #tpu.memory_space<any>>)
    %dma_wait3A_3215 = arith.constant 24 : i32
    %dma_wait3A_3216 = tpu.memref_slice %arg3[%dma_wait3A_3215, %multiple_of3A_675] : memref<128x32768xf32, #tpu.memory_space<any>> -> memref<8x128xf32, #tpu.memory_space<any>>
    %dma_wait3A_3217 = arith.constant 216 : i32
    %dma_wait3A_3218 = arith.constant 0 : i32
    %dma_wait3A_3219 = tpu.memref_slice %arg5[%dma_wait3A_3217, %dma_wait3A_3218] : memref<1024x128xf32, #tpu.memory_space<vmem>> -> memref<8x128xf32, #tpu.memory_space<vmem>>
    tpu.wait_dma2 semaphore(%arg6 : memref<!tpu.dma_semaphore, #tpu.memory_space<semaphore_mem>>) src(%dma_wait3A_3219 : memref<8x128xf32, #tpu.memory_space<vmem>>) dst(%dma_wait3A_3216 : memref<8x128xf32, #tpu.memory_space<any>>)
    %dma_wait3A_3220 = arith.constant 24 : i32
    %dma_wait3A_3221 = tpu.memref_slice %arg3[%dma_wait3A_3220, %multiple_of3A_699] : memref<128x32768xf32, #tpu.memory_space<any>> -> memref<8x128xf32, #tpu.memory_space<any>>
    %dma_wait3A_3222 = arith.constant 224 : i32
    %dma_wait3A_3223 = arith.constant 0 : i32
    %dma_wait3A_3224 = tpu.memref_slice %arg5[%dma_wait3A_3222, %dma_wait3A_3223] : memref<1024x128xf32, #tpu.memory_space<vmem>> -> memref<8x128xf32, #tpu.memory_space<vmem>>
    tpu.wait_dma2 semaphore(%arg6 : memref<!tpu.dma_semaphore, #tpu.memory_space<semaphore_mem>>) src(%dma_wait3A_3224 : memref<8x128xf32, #tpu.memory_space<vmem>>) dst(%dma_wait3A_3221 : memref<8x128xf32, #tpu.memory_space<any>>)
    %dma_wait3A_3225 = arith.constant 24 : i32
    %dma_wait3A_3226 = tpu.memref_slice %arg3[%dma_wait3A_3225, %multiple_of3A_723] : memref<128x32768xf32, #tpu.memory_space<any>> -> memref<8x128xf32, #tpu.memory_space<any>>
    %dma_wait3A_3227 = arith.constant 232 : i32
    %dma_wait3A_3228 = arith.constant 0 : i32
    %dma_wait3A_3229 = tpu.memref_slice %arg5[%dma_wait3A_3227, %dma_wait3A_3228] : memref<1024x128xf32, #tpu.memory_space<vmem>> -> memref<8x128xf32, #tpu.memory_space<vmem>>
    tpu.wait_dma2 semaphore(%arg6 : memref<!tpu.dma_semaphore, #tpu.memory_space<semaphore_mem>>) src(%dma_wait3A_3229 : memref<8x128xf32, #tpu.memory_space<vmem>>) dst(%dma_wait3A_3226 : memref<8x128xf32, #tpu.memory_space<any>>)
    %dma_wait3A_3230 = arith.constant 24 : i32
    %dma_wait3A_3231 = tpu.memref_slice %arg3[%dma_wait3A_3230, %multiple_of3A_747] : memref<128x32768xf32, #tpu.memory_space<any>> -> memref<8x128xf32, #tpu.memory_space<any>>
    %dma_wait3A_3232 = arith.constant 240 : i32
    %dma_wait3A_3233 = arith.constant 0 : i32
    %dma_wait3A_3234 = tpu.memref_slice %arg5[%dma_wait3A_3232, %dma_wait3A_3233] : memref<1024x128xf32, #tpu.memory_space<vmem>> -> memref<8x128xf32, #tpu.memory_space<vmem>>
    tpu.wait_dma2 semaphore(%arg6 : memref<!tpu.dma_semaphore, #tpu.memory_space<semaphore_mem>>) src(%dma_wait3A_3234 : memref<8x128xf32, #tpu.memory_space<vmem>>) dst(%dma_wait3A_3231 : memref<8x128xf32, #tpu.memory_space<any>>)
    %dma_wait3A_3235 = arith.constant 24 : i32
    %dma_wait3A_3236 = tpu.memref_slice %arg3[%dma_wait3A_3235, %multiple_of3A_771] : memref<128x32768xf32, #tpu.memory_space<any>> -> memref<8x128xf32, #tpu.memory_space<any>>
    %dma_wait3A_3237 = arith.constant 248 : i32
    %dma_wait3A_3238 = arith.constant 0 : i32
    %dma_wait3A_3239 = tpu.memref_slice %arg5[%dma_wait3A_3237, %dma_wait3A_3238] : memref<1024x128xf32, #tpu.memory_space<vmem>> -> memref<8x128xf32, #tpu.memory_space<vmem>>
    tpu.wait_dma2 semaphore(%arg6 : memref<!tpu.dma_semaphore, #tpu.memory_space<semaphore_mem>>) src(%dma_wait3A_3239 : memref<8x128xf32, #tpu.memory_space<vmem>>) dst(%dma_wait3A_3236 : memref<8x128xf32, #tpu.memory_space<any>>)
    %dma_wait3A_3240 = arith.constant 32 : i32
    %dma_wait3A_3241 = tpu.memref_slice %arg3[%dma_wait3A_3240, %multiple_of3A_795] : memref<128x32768xf32, #tpu.memory_space<any>> -> memref<8x128xf32, #tpu.memory_space<any>>
    %dma_wait3A_3242 = arith.constant 256 : i32
    %dma_wait3A_3243 = arith.constant 0 : i32
    %dma_wait3A_3244 = tpu.memref_slice %arg5[%dma_wait3A_3242, %dma_wait3A_3243] : memref<1024x128xf32, #tpu.memory_space<vmem>> -> memref<8x128xf32, #tpu.memory_space<vmem>>
    tpu.wait_dma2 semaphore(%arg6 : memref<!tpu.dma_semaphore, #tpu.memory_space<semaphore_mem>>) src(%dma_wait3A_3244 : memref<8x128xf32, #tpu.memory_space<vmem>>) dst(%dma_wait3A_3241 : memref<8x128xf32, #tpu.memory_space<any>>)
    %dma_wait3A_3245 = arith.constant 32 : i32
    %dma_wait3A_3246 = tpu.memref_slice %arg3[%dma_wait3A_3245, %multiple_of3A_819] : memref<128x32768xf32, #tpu.memory_space<any>> -> memref<8x128xf32, #tpu.memory_space<any>>
    %dma_wait3A_3247 = arith.constant 264 : i32
    %dma_wait3A_3248 = arith.constant 0 : i32
    %dma_wait3A_3249 = tpu.memref_slice %arg5[%dma_wait3A_3247, %dma_wait3A_3248] : memref<1024x128xf32, #tpu.memory_space<vmem>> -> memref<8x128xf32, #tpu.memory_space<vmem>>
    tpu.wait_dma2 semaphore(%arg6 : memref<!tpu.dma_semaphore, #tpu.memory_space<semaphore_mem>>) src(%dma_wait3A_3249 : memref<8x128xf32, #tpu.memory_space<vmem>>) dst(%dma_wait3A_3246 : memref<8x128xf32, #tpu.memory_space<any>>)
    %dma_wait3A_3250 = arith.constant 32 : i32
    %dma_wait3A_3251 = tpu.memref_slice %arg3[%dma_wait3A_3250, %multiple_of3A_843] : memref<128x32768xf32, #tpu.memory_space<any>> -> memref<8x128xf32, #tpu.memory_space<any>>
    %dma_wait3A_3252 = arith.constant 272 : i32
    %dma_wait3A_3253 = arith.constant 0 : i32
    %dma_wait3A_3254 = tpu.memref_slice %arg5[%dma_wait3A_3252, %dma_wait3A_3253] : memref<1024x128xf32, #tpu.memory_space<vmem>> -> memref<8x128xf32, #tpu.memory_space<vmem>>
    tpu.wait_dma2 semaphore(%arg6 : memref<!tpu.dma_semaphore, #tpu.memory_space<semaphore_mem>>) src(%dma_wait3A_3254 : memref<8x128xf32, #tpu.memory_space<vmem>>) dst(%dma_wait3A_3251 : memref<8x128xf32, #tpu.memory_space<any>>)
    %dma_wait3A_3255 = arith.constant 32 : i32
    %dma_wait3A_3256 = tpu.memref_slice %arg3[%dma_wait3A_3255, %multiple_of3A_867] : memref<128x32768xf32, #tpu.memory_space<any>> -> memref<8x128xf32, #tpu.memory_space<any>>
    %dma_wait3A_3257 = arith.constant 280 : i32
    %dma_wait3A_3258 = arith.constant 0 : i32
    %dma_wait3A_3259 = tpu.memref_slice %arg5[%dma_wait3A_3257, %dma_wait3A_3258] : memref<1024x128xf32, #tpu.memory_space<vmem>> -> memref<8x128xf32, #tpu.memory_space<vmem>>
    tpu.wait_dma2 semaphore(%arg6 : memref<!tpu.dma_semaphore, #tpu.memory_space<semaphore_mem>>) src(%dma_wait3A_3259 : memref<8x128xf32, #tpu.memory_space<vmem>>) dst(%dma_wait3A_3256 : memref<8x128xf32, #tpu.memory_space<any>>)
    %dma_wait3A_3260 = arith.constant 32 : i32
    %dma_wait3A_3261 = tpu.memref_slice %arg3[%dma_wait3A_3260, %multiple_of3A_891] : memref<128x32768xf32, #tpu.memory_space<any>> -> memref<8x128xf32, #tpu.memory_space<any>>
    %dma_wait3A_3262 = arith.constant 288 : i32
    %dma_wait3A_3263 = arith.constant 0 : i32
    %dma_wait3A_3264 = tpu.memref_slice %arg5[%dma_wait3A_3262, %dma_wait3A_3263] : memref<1024x128xf32, #tpu.memory_space<vmem>> -> memref<8x128xf32, #tpu.memory_space<vmem>>
    tpu.wait_dma2 semaphore(%arg6 : memref<!tpu.dma_semaphore, #tpu.memory_space<semaphore_mem>>) src(%dma_wait3A_3264 : memref<8x128xf32, #tpu.memory_space<vmem>>) dst(%dma_wait3A_3261 : memref<8x128xf32, #tpu.memory_space<any>>)
    %dma_wait3A_3265 = arith.constant 32 : i32
    %dma_wait3A_3266 = tpu.memref_slice %arg3[%dma_wait3A_3265, %multiple_of3A_915] : memref<128x32768xf32, #tpu.memory_space<any>> -> memref<8x128xf32, #tpu.memory_space<any>>
    %dma_wait3A_3267 = arith.constant 296 : i32
    %dma_wait3A_3268 = arith.constant 0 : i32
    %dma_wait3A_3269 = tpu.memref_slice %arg5[%dma_wait3A_3267, %dma_wait3A_3268] : memref<1024x128xf32, #tpu.memory_space<vmem>> -> memref<8x128xf32, #tpu.memory_space<vmem>>
    tpu.wait_dma2 semaphore(%arg6 : memref<!tpu.dma_semaphore, #tpu.memory_space<semaphore_mem>>) src(%dma_wait3A_3269 : memref<8x128xf32, #tpu.memory_space<vmem>>) dst(%dma_wait3A_3266 : memref<8x128xf32, #tpu.memory_space<any>>)
    %dma_wait3A_3270 = arith.constant 32 : i32
    %dma_wait3A_3271 = tpu.memref_slice %arg3[%dma_wait3A_3270, %multiple_of3A_939] : memref<128x32768xf32, #tpu.memory_space<any>> -> memref<8x128xf32, #tpu.memory_space<any>>
    %dma_wait3A_3272 = arith.constant 304 : i32
    %dma_wait3A_3273 = arith.constant 0 : i32
    %dma_wait3A_3274 = tpu.memref_slice %arg5[%dma_wait3A_3272, %dma_wait3A_3273] : memref<1024x128xf32, #tpu.memory_space<vmem>> -> memref<8x128xf32, #tpu.memory_space<vmem>>
    tpu.wait_dma2 semaphore(%arg6 : memref<!tpu.dma_semaphore, #tpu.memory_space<semaphore_mem>>) src(%dma_wait3A_3274 : memref<8x128xf32, #tpu.memory_space<vmem>>) dst(%dma_wait3A_3271 : memref<8x128xf32, #tpu.memory_space<any>>)
    %dma_wait3A_3275 = arith.constant 32 : i32
    %dma_wait3A_3276 = tpu.memref_slice %arg3[%dma_wait3A_3275, %multiple_of3A_963] : memref<128x32768xf32, #tpu.memory_space<any>> -> memref<8x128xf32, #tpu.memory_space<any>>
    %dma_wait3A_3277 = arith.constant 312 : i32
    %dma_wait3A_3278 = arith.constant 0 : i32
    %dma_wait3A_3279 = tpu.memref_slice %arg5[%dma_wait3A_3277, %dma_wait3A_3278] : memref<1024x128xf32, #tpu.memory_space<vmem>> -> memref<8x128xf32, #tpu.memory_space<vmem>>
    tpu.wait_dma2 semaphore(%arg6 : memref<!tpu.dma_semaphore, #tpu.memory_space<semaphore_mem>>) src(%dma_wait3A_3279 : memref<8x128xf32, #tpu.memory_space<vmem>>) dst(%dma_wait3A_3276 : memref<8x128xf32, #tpu.memory_space<any>>)
    %dma_wait3A_3280 = arith.constant 40 : i32
    %dma_wait3A_3281 = tpu.memref_slice %arg3[%dma_wait3A_3280, %multiple_of3A_987] : memref<128x32768xf32, #tpu.memory_space<any>> -> memref<8x128xf32, #tpu.memory_space<any>>
    %dma_wait3A_3282 = arith.constant 320 : i32
    %dma_wait3A_3283 = arith.constant 0 : i32
    %dma_wait3A_3284 = tpu.memref_slice %arg5[%dma_wait3A_3282, %dma_wait3A_3283] : memref<1024x128xf32, #tpu.memory_space<vmem>> -> memref<8x128xf32, #tpu.memory_space<vmem>>
    tpu.wait_dma2 semaphore(%arg6 : memref<!tpu.dma_semaphore, #tpu.memory_space<semaphore_mem>>) src(%dma_wait3A_3284 : memref<8x128xf32, #tpu.memory_space<vmem>>) dst(%dma_wait3A_3281 : memref<8x128xf32, #tpu.memory_space<any>>)
    %dma_wait3A_3285 = arith.constant 40 : i32
    %dma_wait3A_3286 = tpu.memref_slice %arg3[%dma_wait3A_3285, %multiple_of3A_1011] : memref<128x32768xf32, #tpu.memory_space<any>> -> memref<8x128xf32, #tpu.memory_space<any>>
    %dma_wait3A_3287 = arith.constant 328 : i32
    %dma_wait3A_3288 = arith.constant 0 : i32
    %dma_wait3A_3289 = tpu.memref_slice %arg5[%dma_wait3A_3287, %dma_wait3A_3288] : memref<1024x128xf32, #tpu.memory_space<vmem>> -> memref<8x128xf32, #tpu.memory_space<vmem>>
    tpu.wait_dma2 semaphore(%arg6 : memref<!tpu.dma_semaphore, #tpu.memory_space<semaphore_mem>>) src(%dma_wait3A_3289 : memref<8x128xf32, #tpu.memory_space<vmem>>) dst(%dma_wait3A_3286 : memref<8x128xf32, #tpu.memory_space<any>>)
    %dma_wait3A_3290 = arith.constant 40 : i32
    %dma_wait3A_3291 = tpu.memref_slice %arg3[%dma_wait3A_3290, %multiple_of3A_1035] : memref<128x32768xf32, #tpu.memory_space<any>> -> memref<8x128xf32, #tpu.memory_space<any>>
    %dma_wait3A_3292 = arith.constant 336 : i32
    %dma_wait3A_3293 = arith.constant 0 : i32
    %dma_wait3A_3294 = tpu.memref_slice %arg5[%dma_wait3A_3292, %dma_wait3A_3293] : memref<1024x128xf32, #tpu.memory_space<vmem>> -> memref<8x128xf32, #tpu.memory_space<vmem>>
    tpu.wait_dma2 semaphore(%arg6 : memref<!tpu.dma_semaphore, #tpu.memory_space<semaphore_mem>>) src(%dma_wait3A_3294 : memref<8x128xf32, #tpu.memory_space<vmem>>) dst(%dma_wait3A_3291 : memref<8x128xf32, #tpu.memory_space<any>>)
    %dma_wait3A_3295 = arith.constant 40 : i32
    %dma_wait3A_3296 = tpu.memref_slice %arg3[%dma_wait3A_3295, %multiple_of3A_1059] : memref<128x32768xf32, #tpu.memory_space<any>> -> memref<8x128xf32, #tpu.memory_space<any>>
    %dma_wait3A_3297 = arith.constant 344 : i32
    %dma_wait3A_3298 = arith.constant 0 : i32
    %dma_wait3A_3299 = tpu.memref_slice %arg5[%dma_wait3A_3297, %dma_wait3A_3298] : memref<1024x128xf32, #tpu.memory_space<vmem>> -> memref<8x128xf32, #tpu.memory_space<vmem>>
    tpu.wait_dma2 semaphore(%arg6 : memref<!tpu.dma_semaphore, #tpu.memory_space<semaphore_mem>>) src(%dma_wait3A_3299 : memref<8x128xf32, #tpu.memory_space<vmem>>) dst(%dma_wait3A_3296 : memref<8x128xf32, #tpu.memory_space<any>>)
    %dma_wait3A_3300 = arith.constant 40 : i32
    %dma_wait3A_3301 = tpu.memref_slice %arg3[%dma_wait3A_3300, %multiple_of3A_1083] : memref<128x32768xf32, #tpu.memory_space<any>> -> memref<8x128xf32, #tpu.memory_space<any>>
    %dma_wait3A_3302 = arith.constant 352 : i32
    %dma_wait3A_3303 = arith.constant 0 : i32
    %dma_wait3A_3304 = tpu.memref_slice %arg5[%dma_wait3A_3302, %dma_wait3A_3303] : memref<1024x128xf32, #tpu.memory_space<vmem>> -> memref<8x128xf32, #tpu.memory_space<vmem>>
    tpu.wait_dma2 semaphore(%arg6 : memref<!tpu.dma_semaphore, #tpu.memory_space<semaphore_mem>>) src(%dma_wait3A_3304 : memref<8x128xf32, #tpu.memory_space<vmem>>) dst(%dma_wait3A_3301 : memref<8x128xf32, #tpu.memory_space<any>>)
    %dma_wait3A_3305 = arith.constant 40 : i32
    %dma_wait3A_3306 = tpu.memref_slice %arg3[%dma_wait3A_3305, %multiple_of3A_1107] : memref<128x32768xf32, #tpu.memory_space<any>> -> memref<8x128xf32, #tpu.memory_space<any>>
    %dma_wait3A_3307 = arith.constant 360 : i32
    %dma_wait3A_3308 = arith.constant 0 : i32
    %dma_wait3A_3309 = tpu.memref_slice %arg5[%dma_wait3A_3307, %dma_wait3A_3308] : memref<1024x128xf32, #tpu.memory_space<vmem>> -> memref<8x128xf32, #tpu.memory_space<vmem>>
    tpu.wait_dma2 semaphore(%arg6 : memref<!tpu.dma_semaphore, #tpu.memory_space<semaphore_mem>>) src(%dma_wait3A_3309 : memref<8x128xf32, #tpu.memory_space<vmem>>) dst(%dma_wait3A_3306 : memref<8x128xf32, #tpu.memory_space<any>>)
    %dma_wait3A_3310 = arith.constant 40 : i32
    %dma_wait3A_3311 = tpu.memref_slice %arg3[%dma_wait3A_3310, %multiple_of3A_1131] : memref<128x32768xf32, #tpu.memory_space<any>> -> memref<8x128xf32, #tpu.memory_space<any>>
    %dma_wait3A_3312 = arith.constant 368 : i32
    %dma_wait3A_3313 = arith.constant 0 : i32
    %dma_wait3A_3314 = tpu.memref_slice %arg5[%dma_wait3A_3312, %dma_wait3A_3313] : memref<1024x128xf32, #tpu.memory_space<vmem>> -> memref<8x128xf32, #tpu.memory_space<vmem>>
    tpu.wait_dma2 semaphore(%arg6 : memref<!tpu.dma_semaphore, #tpu.memory_space<semaphore_mem>>) src(%dma_wait3A_3314 : memref<8x128xf32, #tpu.memory_space<vmem>>) dst(%dma_wait3A_3311 : memref<8x128xf32, #tpu.memory_space<any>>)
    %dma_wait3A_3315 = arith.constant 40 : i32
    %dma_wait3A_3316 = tpu.memref_slice %arg3[%dma_wait3A_3315, %multiple_of3A_1155] : memref<128x32768xf32, #tpu.memory_space<any>> -> memref<8x128xf32, #tpu.memory_space<any>>
    %dma_wait3A_3317 = arith.constant 376 : i32
    %dma_wait3A_3318 = arith.constant 0 : i32
    %dma_wait3A_3319 = tpu.memref_slice %arg5[%dma_wait3A_3317, %dma_wait3A_3318] : memref<1024x128xf32, #tpu.memory_space<vmem>> -> memref<8x128xf32, #tpu.memory_space<vmem>>
    tpu.wait_dma2 semaphore(%arg6 : memref<!tpu.dma_semaphore, #tpu.memory_space<semaphore_mem>>) src(%dma_wait3A_3319 : memref<8x128xf32, #tpu.memory_space<vmem>>) dst(%dma_wait3A_3316 : memref<8x128xf32, #tpu.memory_space<any>>)
    %dma_wait3A_3320 = arith.constant 48 : i32
    %dma_wait3A_3321 = tpu.memref_slice %arg3[%dma_wait3A_3320, %multiple_of3A_1179] : memref<128x32768xf32, #tpu.memory_space<any>> -> memref<8x128xf32, #tpu.memory_space<any>>
    %dma_wait3A_3322 = arith.constant 384 : i32
    %dma_wait3A_3323 = arith.constant 0 : i32
    %dma_wait3A_3324 = tpu.memref_slice %arg5[%dma_wait3A_3322, %dma_wait3A_3323] : memref<1024x128xf32, #tpu.memory_space<vmem>> -> memref<8x128xf32, #tpu.memory_space<vmem>>
    tpu.wait_dma2 semaphore(%arg6 : memref<!tpu.dma_semaphore, #tpu.memory_space<semaphore_mem>>) src(%dma_wait3A_3324 : memref<8x128xf32, #tpu.memory_space<vmem>>) dst(%dma_wait3A_3321 : memref<8x128xf32, #tpu.memory_space<any>>)
    %dma_wait3A_3325 = arith.constant 48 : i32
    %dma_wait3A_3326 = tpu.memref_slice %arg3[%dma_wait3A_3325, %multiple_of3A_1203] : memref<128x32768xf32, #tpu.memory_space<any>> -> memref<8x128xf32, #tpu.memory_space<any>>
    %dma_wait3A_3327 = arith.constant 392 : i32
    %dma_wait3A_3328 = arith.constant 0 : i32
    %dma_wait3A_3329 = tpu.memref_slice %arg5[%dma_wait3A_3327, %dma_wait3A_3328] : memref<1024x128xf32, #tpu.memory_space<vmem>> -> memref<8x128xf32, #tpu.memory_space<vmem>>
    tpu.wait_dma2 semaphore(%arg6 : memref<!tpu.dma_semaphore, #tpu.memory_space<semaphore_mem>>) src(%dma_wait3A_3329 : memref<8x128xf32, #tpu.memory_space<vmem>>) dst(%dma_wait3A_3326 : memref<8x128xf32, #tpu.memory_space<any>>)
    %dma_wait3A_3330 = arith.constant 48 : i32
    %dma_wait3A_3331 = tpu.memref_slice %arg3[%dma_wait3A_3330, %multiple_of3A_1227] : memref<128x32768xf32, #tpu.memory_space<any>> -> memref<8x128xf32, #tpu.memory_space<any>>
    %dma_wait3A_3332 = arith.constant 400 : i32
    %dma_wait3A_3333 = arith.constant 0 : i32
    %dma_wait3A_3334 = tpu.memref_slice %arg5[%dma_wait3A_3332, %dma_wait3A_3333] : memref<1024x128xf32, #tpu.memory_space<vmem>> -> memref<8x128xf32, #tpu.memory_space<vmem>>
    tpu.wait_dma2 semaphore(%arg6 : memref<!tpu.dma_semaphore, #tpu.memory_space<semaphore_mem>>) src(%dma_wait3A_3334 : memref<8x128xf32, #tpu.memory_space<vmem>>) dst(%dma_wait3A_3331 : memref<8x128xf32, #tpu.memory_space<any>>)
    %dma_wait3A_3335 = arith.constant 48 : i32
    %dma_wait3A_3336 = tpu.memref_slice %arg3[%dma_wait3A_3335, %multiple_of3A_1251] : memref<128x32768xf32, #tpu.memory_space<any>> -> memref<8x128xf32, #tpu.memory_space<any>>
    %dma_wait3A_3337 = arith.constant 408 : i32
    %dma_wait3A_3338 = arith.constant 0 : i32
    %dma_wait3A_3339 = tpu.memref_slice %arg5[%dma_wait3A_3337, %dma_wait3A_3338] : memref<1024x128xf32, #tpu.memory_space<vmem>> -> memref<8x128xf32, #tpu.memory_space<vmem>>
    tpu.wait_dma2 semaphore(%arg6 : memref<!tpu.dma_semaphore, #tpu.memory_space<semaphore_mem>>) src(%dma_wait3A_3339 : memref<8x128xf32, #tpu.memory_space<vmem>>) dst(%dma_wait3A_3336 : memref<8x128xf32, #tpu.memory_space<any>>)
    %dma_wait3A_3340 = arith.constant 48 : i32
    %dma_wait3A_3341 = tpu.memref_slice %arg3[%dma_wait3A_3340, %multiple_of3A_1275] : memref<128x32768xf32, #tpu.memory_space<any>> -> memref<8x128xf32, #tpu.memory_space<any>>
    %dma_wait3A_3342 = arith.constant 416 : i32
    %dma_wait3A_3343 = arith.constant 0 : i32
    %dma_wait3A_3344 = tpu.memref_slice %arg5[%dma_wait3A_3342, %dma_wait3A_3343] : memref<1024x128xf32, #tpu.memory_space<vmem>> -> memref<8x128xf32, #tpu.memory_space<vmem>>
    tpu.wait_dma2 semaphore(%arg6 : memref<!tpu.dma_semaphore, #tpu.memory_space<semaphore_mem>>) src(%dma_wait3A_3344 : memref<8x128xf32, #tpu.memory_space<vmem>>) dst(%dma_wait3A_3341 : memref<8x128xf32, #tpu.memory_space<any>>)
    %dma_wait3A_3345 = arith.constant 48 : i32
    %dma_wait3A_3346 = tpu.memref_slice %arg3[%dma_wait3A_3345, %multiple_of3A_1299] : memref<128x32768xf32, #tpu.memory_space<any>> -> memref<8x128xf32, #tpu.memory_space<any>>
    %dma_wait3A_3347 = arith.constant 424 : i32
    %dma_wait3A_3348 = arith.constant 0 : i32
    %dma_wait3A_3349 = tpu.memref_slice %arg5[%dma_wait3A_3347, %dma_wait3A_3348] : memref<1024x128xf32, #tpu.memory_space<vmem>> -> memref<8x128xf32, #tpu.memory_space<vmem>>
    tpu.wait_dma2 semaphore(%arg6 : memref<!tpu.dma_semaphore, #tpu.memory_space<semaphore_mem>>) src(%dma_wait3A_3349 : memref<8x128xf32, #tpu.memory_space<vmem>>) dst(%dma_wait3A_3346 : memref<8x128xf32, #tpu.memory_space<any>>)
    %dma_wait3A_3350 = arith.constant 48 : i32
    %dma_wait3A_3351 = tpu.memref_slice %arg3[%dma_wait3A_3350, %multiple_of3A_1323] : memref<128x32768xf32, #tpu.memory_space<any>> -> memref<8x128xf32, #tpu.memory_space<any>>
    %dma_wait3A_3352 = arith.constant 432 : i32
    %dma_wait3A_3353 = arith.constant 0 : i32
    %dma_wait3A_3354 = tpu.memref_slice %arg5[%dma_wait3A_3352, %dma_wait3A_3353] : memref<1024x128xf32, #tpu.memory_space<vmem>> -> memref<8x128xf32, #tpu.memory_space<vmem>>
    tpu.wait_dma2 semaphore(%arg6 : memref<!tpu.dma_semaphore, #tpu.memory_space<semaphore_mem>>) src(%dma_wait3A_3354 : memref<8x128xf32, #tpu.memory_space<vmem>>) dst(%dma_wait3A_3351 : memref<8x128xf32, #tpu.memory_space<any>>)
    %dma_wait3A_3355 = arith.constant 48 : i32
    %dma_wait3A_3356 = tpu.memref_slice %arg3[%dma_wait3A_3355, %multiple_of3A_1347] : memref<128x32768xf32, #tpu.memory_space<any>> -> memref<8x128xf32, #tpu.memory_space<any>>
    %dma_wait3A_3357 = arith.constant 440 : i32
    %dma_wait3A_3358 = arith.constant 0 : i32
    %dma_wait3A_3359 = tpu.memref_slice %arg5[%dma_wait3A_3357, %dma_wait3A_3358] : memref<1024x128xf32, #tpu.memory_space<vmem>> -> memref<8x128xf32, #tpu.memory_space<vmem>>
    tpu.wait_dma2 semaphore(%arg6 : memref<!tpu.dma_semaphore, #tpu.memory_space<semaphore_mem>>) src(%dma_wait3A_3359 : memref<8x128xf32, #tpu.memory_space<vmem>>) dst(%dma_wait3A_3356 : memref<8x128xf32, #tpu.memory_space<any>>)
    %dma_wait3A_3360 = arith.constant 56 : i32
    %dma_wait3A_3361 = tpu.memref_slice %arg3[%dma_wait3A_3360, %multiple_of3A_1371] : memref<128x32768xf32, #tpu.memory_space<any>> -> memref<8x128xf32, #tpu.memory_space<any>>
    %dma_wait3A_3362 = arith.constant 448 : i32
    %dma_wait3A_3363 = arith.constant 0 : i32
    %dma_wait3A_3364 = tpu.memref_slice %arg5[%dma_wait3A_3362, %dma_wait3A_3363] : memref<1024x128xf32, #tpu.memory_space<vmem>> -> memref<8x128xf32, #tpu.memory_space<vmem>>
    tpu.wait_dma2 semaphore(%arg6 : memref<!tpu.dma_semaphore, #tpu.memory_space<semaphore_mem>>) src(%dma_wait3A_3364 : memref<8x128xf32, #tpu.memory_space<vmem>>) dst(%dma_wait3A_3361 : memref<8x128xf32, #tpu.memory_space<any>>)
    %dma_wait3A_3365 = arith.constant 56 : i32
    %dma_wait3A_3366 = tpu.memref_slice %arg3[%dma_wait3A_3365, %multiple_of3A_1395] : memref<128x32768xf32, #tpu.memory_space<any>> -> memref<8x128xf32, #tpu.memory_space<any>>
    %dma_wait3A_3367 = arith.constant 456 : i32
    %dma_wait3A_3368 = arith.constant 0 : i32
    %dma_wait3A_3369 = tpu.memref_slice %arg5[%dma_wait3A_3367, %dma_wait3A_3368] : memref<1024x128xf32, #tpu.memory_space<vmem>> -> memref<8x128xf32, #tpu.memory_space<vmem>>
    tpu.wait_dma2 semaphore(%arg6 : memref<!tpu.dma_semaphore, #tpu.memory_space<semaphore_mem>>) src(%dma_wait3A_3369 : memref<8x128xf32, #tpu.memory_space<vmem>>) dst(%dma_wait3A_3366 : memref<8x128xf32, #tpu.memory_space<any>>)
    %dma_wait3A_3370 = arith.constant 56 : i32
    %dma_wait3A_3371 = tpu.memref_slice %arg3[%dma_wait3A_3370, %multiple_of3A_1419] : memref<128x32768xf32, #tpu.memory_space<any>> -> memref<8x128xf32, #tpu.memory_space<any>>
    %dma_wait3A_3372 = arith.constant 464 : i32
    %dma_wait3A_3373 = arith.constant 0 : i32
    %dma_wait3A_3374 = tpu.memref_slice %arg5[%dma_wait3A_3372, %dma_wait3A_3373] : memref<1024x128xf32, #tpu.memory_space<vmem>> -> memref<8x128xf32, #tpu.memory_space<vmem>>
    tpu.wait_dma2 semaphore(%arg6 : memref<!tpu.dma_semaphore, #tpu.memory_space<semaphore_mem>>) src(%dma_wait3A_3374 : memref<8x128xf32, #tpu.memory_space<vmem>>) dst(%dma_wait3A_3371 : memref<8x128xf32, #tpu.memory_space<any>>)
    %dma_wait3A_3375 = arith.constant 56 : i32
    %dma_wait3A_3376 = tpu.memref_slice %arg3[%dma_wait3A_3375, %multiple_of3A_1443] : memref<128x32768xf32, #tpu.memory_space<any>> -> memref<8x128xf32, #tpu.memory_space<any>>
    %dma_wait3A_3377 = arith.constant 472 : i32
    %dma_wait3A_3378 = arith.constant 0 : i32
    %dma_wait3A_3379 = tpu.memref_slice %arg5[%dma_wait3A_3377, %dma_wait3A_3378] : memref<1024x128xf32, #tpu.memory_space<vmem>> -> memref<8x128xf32, #tpu.memory_space<vmem>>
    tpu.wait_dma2 semaphore(%arg6 : memref<!tpu.dma_semaphore, #tpu.memory_space<semaphore_mem>>) src(%dma_wait3A_3379 : memref<8x128xf32, #tpu.memory_space<vmem>>) dst(%dma_wait3A_3376 : memref<8x128xf32, #tpu.memory_space<any>>)
    %dma_wait3A_3380 = arith.constant 56 : i32
    %dma_wait3A_3381 = tpu.memref_slice %arg3[%dma_wait3A_3380, %multiple_of3A_1467] : memref<128x32768xf32, #tpu.memory_space<any>> -> memref<8x128xf32, #tpu.memory_space<any>>
    %dma_wait3A_3382 = arith.constant 480 : i32
    %dma_wait3A_3383 = arith.constant 0 : i32
    %dma_wait3A_3384 = tpu.memref_slice %arg5[%dma_wait3A_3382, %dma_wait3A_3383] : memref<1024x128xf32, #tpu.memory_space<vmem>> -> memref<8x128xf32, #tpu.memory_space<vmem>>
    tpu.wait_dma2 semaphore(%arg6 : memref<!tpu.dma_semaphore, #tpu.memory_space<semaphore_mem>>) src(%dma_wait3A_3384 : memref<8x128xf32, #tpu.memory_space<vmem>>) dst(%dma_wait3A_3381 : memref<8x128xf32, #tpu.memory_space<any>>)
    %dma_wait3A_3385 = arith.constant 56 : i32
    %dma_wait3A_3386 = tpu.memref_slice %arg3[%dma_wait3A_3385, %multiple_of3A_1491] : memref<128x32768xf32, #tpu.memory_space<any>> -> memref<8x128xf32, #tpu.memory_space<any>>
    %dma_wait3A_3387 = arith.constant 488 : i32
    %dma_wait3A_3388 = arith.constant 0 : i32
    %dma_wait3A_3389 = tpu.memref_slice %arg5[%dma_wait3A_3387, %dma_wait3A_3388] : memref<1024x128xf32, #tpu.memory_space<vmem>> -> memref<8x128xf32, #tpu.memory_space<vmem>>
    tpu.wait_dma2 semaphore(%arg6 : memref<!tpu.dma_semaphore, #tpu.memory_space<semaphore_mem>>) src(%dma_wait3A_3389 : memref<8x128xf32, #tpu.memory_space<vmem>>) dst(%dma_wait3A_3386 : memref<8x128xf32, #tpu.memory_space<any>>)
    %dma_wait3A_3390 = arith.constant 56 : i32
    %dma_wait3A_3391 = tpu.memref_slice %arg3[%dma_wait3A_3390, %multiple_of3A_1515] : memref<128x32768xf32, #tpu.memory_space<any>> -> memref<8x128xf32, #tpu.memory_space<any>>
    %dma_wait3A_3392 = arith.constant 496 : i32
    %dma_wait3A_3393 = arith.constant 0 : i32
    %dma_wait3A_3394 = tpu.memref_slice %arg5[%dma_wait3A_3392, %dma_wait3A_3393] : memref<1024x128xf32, #tpu.memory_space<vmem>> -> memref<8x128xf32, #tpu.memory_space<vmem>>
    tpu.wait_dma2 semaphore(%arg6 : memref<!tpu.dma_semaphore, #tpu.memory_space<semaphore_mem>>) src(%dma_wait3A_3394 : memref<8x128xf32, #tpu.memory_space<vmem>>) dst(%dma_wait3A_3391 : memref<8x128xf32, #tpu.memory_space<any>>)
    %dma_wait3A_3395 = arith.constant 56 : i32
    %dma_wait3A_3396 = tpu.memref_slice %arg3[%dma_wait3A_3395, %multiple_of3A_1539] : memref<128x32768xf32, #tpu.memory_space<any>> -> memref<8x128xf32, #tpu.memory_space<any>>
    %dma_wait3A_3397 = arith.constant 504 : i32
    %dma_wait3A_3398 = arith.constant 0 : i32
    %dma_wait3A_3399 = tpu.memref_slice %arg5[%dma_wait3A_3397, %dma_wait3A_3398] : memref<1024x128xf32, #tpu.memory_space<vmem>> -> memref<8x128xf32, #tpu.memory_space<vmem>>
    tpu.wait_dma2 semaphore(%arg6 : memref<!tpu.dma_semaphore, #tpu.memory_space<semaphore_mem>>) src(%dma_wait3A_3399 : memref<8x128xf32, #tpu.memory_space<vmem>>) dst(%dma_wait3A_3396 : memref<8x128xf32, #tpu.memory_space<any>>)
    %dma_wait3A_3400 = arith.constant 64 : i32
    %dma_wait3A_3401 = tpu.memref_slice %arg3[%dma_wait3A_3400, %multiple_of3A_1563] : memref<128x32768xf32, #tpu.memory_space<any>> -> memref<8x128xf32, #tpu.memory_space<any>>
    %dma_wait3A_3402 = arith.constant 512 : i32
    %dma_wait3A_3403 = arith.constant 0 : i32
    %dma_wait3A_3404 = tpu.memref_slice %arg5[%dma_wait3A_3402, %dma_wait3A_3403] : memref<1024x128xf32, #tpu.memory_space<vmem>> -> memref<8x128xf32, #tpu.memory_space<vmem>>
    tpu.wait_dma2 semaphore(%arg6 : memref<!tpu.dma_semaphore, #tpu.memory_space<semaphore_mem>>) src(%dma_wait3A_3404 : memref<8x128xf32, #tpu.memory_space<vmem>>) dst(%dma_wait3A_3401 : memref<8x128xf32, #tpu.memory_space<any>>)
    %dma_wait3A_3405 = arith.constant 64 : i32
    %dma_wait3A_3406 = tpu.memref_slice %arg3[%dma_wait3A_3405, %multiple_of3A_1587] : memref<128x32768xf32, #tpu.memory_space<any>> -> memref<8x128xf32, #tpu.memory_space<any>>
    %dma_wait3A_3407 = arith.constant 520 : i32
    %dma_wait3A_3408 = arith.constant 0 : i32
    %dma_wait3A_3409 = tpu.memref_slice %arg5[%dma_wait3A_3407, %dma_wait3A_3408] : memref<1024x128xf32, #tpu.memory_space<vmem>> -> memref<8x128xf32, #tpu.memory_space<vmem>>
    tpu.wait_dma2 semaphore(%arg6 : memref<!tpu.dma_semaphore, #tpu.memory_space<semaphore_mem>>) src(%dma_wait3A_3409 : memref<8x128xf32, #tpu.memory_space<vmem>>) dst(%dma_wait3A_3406 : memref<8x128xf32, #tpu.memory_space<any>>)
    %dma_wait3A_3410 = arith.constant 64 : i32
    %dma_wait3A_3411 = tpu.memref_slice %arg3[%dma_wait3A_3410, %multiple_of3A_1611] : memref<128x32768xf32, #tpu.memory_space<any>> -> memref<8x128xf32, #tpu.memory_space<any>>
    %dma_wait3A_3412 = arith.constant 528 : i32
    %dma_wait3A_3413 = arith.constant 0 : i32
    %dma_wait3A_3414 = tpu.memref_slice %arg5[%dma_wait3A_3412, %dma_wait3A_3413] : memref<1024x128xf32, #tpu.memory_space<vmem>> -> memref<8x128xf32, #tpu.memory_space<vmem>>
    tpu.wait_dma2 semaphore(%arg6 : memref<!tpu.dma_semaphore, #tpu.memory_space<semaphore_mem>>) src(%dma_wait3A_3414 : memref<8x128xf32, #tpu.memory_space<vmem>>) dst(%dma_wait3A_3411 : memref<8x128xf32, #tpu.memory_space<any>>)
    %dma_wait3A_3415 = arith.constant 64 : i32
    %dma_wait3A_3416 = tpu.memref_slice %arg3[%dma_wait3A_3415, %multiple_of3A_1635] : memref<128x32768xf32, #tpu.memory_space<any>> -> memref<8x128xf32, #tpu.memory_space<any>>
    %dma_wait3A_3417 = arith.constant 536 : i32
    %dma_wait3A_3418 = arith.constant 0 : i32
    %dma_wait3A_3419 = tpu.memref_slice %arg5[%dma_wait3A_3417, %dma_wait3A_3418] : memref<1024x128xf32, #tpu.memory_space<vmem>> -> memref<8x128xf32, #tpu.memory_space<vmem>>
    tpu.wait_dma2 semaphore(%arg6 : memref<!tpu.dma_semaphore, #tpu.memory_space<semaphore_mem>>) src(%dma_wait3A_3419 : memref<8x128xf32, #tpu.memory_space<vmem>>) dst(%dma_wait3A_3416 : memref<8x128xf32, #tpu.memory_space<any>>)
    %dma_wait3A_3420 = arith.constant 64 : i32
    %dma_wait3A_3421 = tpu.memref_slice %arg3[%dma_wait3A_3420, %multiple_of3A_1659] : memref<128x32768xf32, #tpu.memory_space<any>> -> memref<8x128xf32, #tpu.memory_space<any>>
    %dma_wait3A_3422 = arith.constant 544 : i32
    %dma_wait3A_3423 = arith.constant 0 : i32
    %dma_wait3A_3424 = tpu.memref_slice %arg5[%dma_wait3A_3422, %dma_wait3A_3423] : memref<1024x128xf32, #tpu.memory_space<vmem>> -> memref<8x128xf32, #tpu.memory_space<vmem>>
    tpu.wait_dma2 semaphore(%arg6 : memref<!tpu.dma_semaphore, #tpu.memory_space<semaphore_mem>>) src(%dma_wait3A_3424 : memref<8x128xf32, #tpu.memory_space<vmem>>) dst(%dma_wait3A_3421 : memref<8x128xf32, #tpu.memory_space<any>>)
    %dma_wait3A_3425 = arith.constant 64 : i32
    %dma_wait3A_3426 = tpu.memref_slice %arg3[%dma_wait3A_3425, %multiple_of3A_1683] : memref<128x32768xf32, #tpu.memory_space<any>> -> memref<8x128xf32, #tpu.memory_space<any>>
    %dma_wait3A_3427 = arith.constant 552 : i32
    %dma_wait3A_3428 = arith.constant 0 : i32
    %dma_wait3A_3429 = tpu.memref_slice %arg5[%dma_wait3A_3427, %dma_wait3A_3428] : memref<1024x128xf32, #tpu.memory_space<vmem>> -> memref<8x128xf32, #tpu.memory_space<vmem>>
    tpu.wait_dma2 semaphore(%arg6 : memref<!tpu.dma_semaphore, #tpu.memory_space<semaphore_mem>>) src(%dma_wait3A_3429 : memref<8x128xf32, #tpu.memory_space<vmem>>) dst(%dma_wait3A_3426 : memref<8x128xf32, #tpu.memory_space<any>>)
    %dma_wait3A_3430 = arith.constant 64 : i32
    %dma_wait3A_3431 = tpu.memref_slice %arg3[%dma_wait3A_3430, %multiple_of3A_1707] : memref<128x32768xf32, #tpu.memory_space<any>> -> memref<8x128xf32, #tpu.memory_space<any>>
    %dma_wait3A_3432 = arith.constant 560 : i32
    %dma_wait3A_3433 = arith.constant 0 : i32
    %dma_wait3A_3434 = tpu.memref_slice %arg5[%dma_wait3A_3432, %dma_wait3A_3433] : memref<1024x128xf32, #tpu.memory_space<vmem>> -> memref<8x128xf32, #tpu.memory_space<vmem>>
    tpu.wait_dma2 semaphore(%arg6 : memref<!tpu.dma_semaphore, #tpu.memory_space<semaphore_mem>>) src(%dma_wait3A_3434 : memref<8x128xf32, #tpu.memory_space<vmem>>) dst(%dma_wait3A_3431 : memref<8x128xf32, #tpu.memory_space<any>>)
    %dma_wait3A_3435 = arith.constant 64 : i32
    %dma_wait3A_3436 = tpu.memref_slice %arg3[%dma_wait3A_3435, %multiple_of3A_1731] : memref<128x32768xf32, #tpu.memory_space<any>> -> memref<8x128xf32, #tpu.memory_space<any>>
    %dma_wait3A_3437 = arith.constant 568 : i32
    %dma_wait3A_3438 = arith.constant 0 : i32
    %dma_wait3A_3439 = tpu.memref_slice %arg5[%dma_wait3A_3437, %dma_wait3A_3438] : memref<1024x128xf32, #tpu.memory_space<vmem>> -> memref<8x128xf32, #tpu.memory_space<vmem>>
    tpu.wait_dma2 semaphore(%arg6 : memref<!tpu.dma_semaphore, #tpu.memory_space<semaphore_mem>>) src(%dma_wait3A_3439 : memref<8x128xf32, #tpu.memory_space<vmem>>) dst(%dma_wait3A_3436 : memref<8x128xf32, #tpu.memory_space<any>>)
    %dma_wait3A_3440 = arith.constant 72 : i32
    %dma_wait3A_3441 = tpu.memref_slice %arg3[%dma_wait3A_3440, %multiple_of3A_1755] : memref<128x32768xf32, #tpu.memory_space<any>> -> memref<8x128xf32, #tpu.memory_space<any>>
    %dma_wait3A_3442 = arith.constant 576 : i32
    %dma_wait3A_3443 = arith.constant 0 : i32
    %dma_wait3A_3444 = tpu.memref_slice %arg5[%dma_wait3A_3442, %dma_wait3A_3443] : memref<1024x128xf32, #tpu.memory_space<vmem>> -> memref<8x128xf32, #tpu.memory_space<vmem>>
    tpu.wait_dma2 semaphore(%arg6 : memref<!tpu.dma_semaphore, #tpu.memory_space<semaphore_mem>>) src(%dma_wait3A_3444 : memref<8x128xf32, #tpu.memory_space<vmem>>) dst(%dma_wait3A_3441 : memref<8x128xf32, #tpu.memory_space<any>>)
    %dma_wait3A_3445 = arith.constant 72 : i32
    %dma_wait3A_3446 = tpu.memref_slice %arg3[%dma_wait3A_3445, %multiple_of3A_1779] : memref<128x32768xf32, #tpu.memory_space<any>> -> memref<8x128xf32, #tpu.memory_space<any>>
    %dma_wait3A_3447 = arith.constant 584 : i32
    %dma_wait3A_3448 = arith.constant 0 : i32
    %dma_wait3A_3449 = tpu.memref_slice %arg5[%dma_wait3A_3447, %dma_wait3A_3448] : memref<1024x128xf32, #tpu.memory_space<vmem>> -> memref<8x128xf32, #tpu.memory_space<vmem>>
    tpu.wait_dma2 semaphore(%arg6 : memref<!tpu.dma_semaphore, #tpu.memory_space<semaphore_mem>>) src(%dma_wait3A_3449 : memref<8x128xf32, #tpu.memory_space<vmem>>) dst(%dma_wait3A_3446 : memref<8x128xf32, #tpu.memory_space<any>>)
    %dma_wait3A_3450 = arith.constant 72 : i32
    %dma_wait3A_3451 = tpu.memref_slice %arg3[%dma_wait3A_3450, %multiple_of3A_1803] : memref<128x32768xf32, #tpu.memory_space<any>> -> memref<8x128xf32, #tpu.memory_space<any>>
    %dma_wait3A_3452 = arith.constant 592 : i32
    %dma_wait3A_3453 = arith.constant 0 : i32
    %dma_wait3A_3454 = tpu.memref_slice %arg5[%dma_wait3A_3452, %dma_wait3A_3453] : memref<1024x128xf32, #tpu.memory_space<vmem>> -> memref<8x128xf32, #tpu.memory_space<vmem>>
    tpu.wait_dma2 semaphore(%arg6 : memref<!tpu.dma_semaphore, #tpu.memory_space<semaphore_mem>>) src(%dma_wait3A_3454 : memref<8x128xf32, #tpu.memory_space<vmem>>) dst(%dma_wait3A_3451 : memref<8x128xf32, #tpu.memory_space<any>>)
    %dma_wait3A_3455 = arith.constant 72 : i32
    %dma_wait3A_3456 = tpu.memref_slice %arg3[%dma_wait3A_3455, %multiple_of3A_1827] : memref<128x32768xf32, #tpu.memory_space<any>> -> memref<8x128xf32, #tpu.memory_space<any>>
    %dma_wait3A_3457 = arith.constant 600 : i32
    %dma_wait3A_3458 = arith.constant 0 : i32
    %dma_wait3A_3459 = tpu.memref_slice %arg5[%dma_wait3A_3457, %dma_wait3A_3458] : memref<1024x128xf32, #tpu.memory_space<vmem>> -> memref<8x128xf32, #tpu.memory_space<vmem>>
    tpu.wait_dma2 semaphore(%arg6 : memref<!tpu.dma_semaphore, #tpu.memory_space<semaphore_mem>>) src(%dma_wait3A_3459 : memref<8x128xf32, #tpu.memory_space<vmem>>) dst(%dma_wait3A_3456 : memref<8x128xf32, #tpu.memory_space<any>>)
    %dma_wait3A_3460 = arith.constant 72 : i32
    %dma_wait3A_3461 = tpu.memref_slice %arg3[%dma_wait3A_3460, %multiple_of3A_1851] : memref<128x32768xf32, #tpu.memory_space<any>> -> memref<8x128xf32, #tpu.memory_space<any>>
    %dma_wait3A_3462 = arith.constant 608 : i32
    %dma_wait3A_3463 = arith.constant 0 : i32
    %dma_wait3A_3464 = tpu.memref_slice %arg5[%dma_wait3A_3462, %dma_wait3A_3463] : memref<1024x128xf32, #tpu.memory_space<vmem>> -> memref<8x128xf32, #tpu.memory_space<vmem>>
    tpu.wait_dma2 semaphore(%arg6 : memref<!tpu.dma_semaphore, #tpu.memory_space<semaphore_mem>>) src(%dma_wait3A_3464 : memref<8x128xf32, #tpu.memory_space<vmem>>) dst(%dma_wait3A_3461 : memref<8x128xf32, #tpu.memory_space<any>>)
    %dma_wait3A_3465 = arith.constant 72 : i32
    %dma_wait3A_3466 = tpu.memref_slice %arg3[%dma_wait3A_3465, %multiple_of3A_1875] : memref<128x32768xf32, #tpu.memory_space<any>> -> memref<8x128xf32, #tpu.memory_space<any>>
    %dma_wait3A_3467 = arith.constant 616 : i32
    %dma_wait3A_3468 = arith.constant 0 : i32
    %dma_wait3A_3469 = tpu.memref_slice %arg5[%dma_wait3A_3467, %dma_wait3A_3468] : memref<1024x128xf32, #tpu.memory_space<vmem>> -> memref<8x128xf32, #tpu.memory_space<vmem>>
    tpu.wait_dma2 semaphore(%arg6 : memref<!tpu.dma_semaphore, #tpu.memory_space<semaphore_mem>>) src(%dma_wait3A_3469 : memref<8x128xf32, #tpu.memory_space<vmem>>) dst(%dma_wait3A_3466 : memref<8x128xf32, #tpu.memory_space<any>>)
    %dma_wait3A_3470 = arith.constant 72 : i32
    %dma_wait3A_3471 = tpu.memref_slice %arg3[%dma_wait3A_3470, %multiple_of3A_1899] : memref<128x32768xf32, #tpu.memory_space<any>> -> memref<8x128xf32, #tpu.memory_space<any>>
    %dma_wait3A_3472 = arith.constant 624 : i32
    %dma_wait3A_3473 = arith.constant 0 : i32
    %dma_wait3A_3474 = tpu.memref_slice %arg5[%dma_wait3A_3472, %dma_wait3A_3473] : memref<1024x128xf32, #tpu.memory_space<vmem>> -> memref<8x128xf32, #tpu.memory_space<vmem>>
    tpu.wait_dma2 semaphore(%arg6 : memref<!tpu.dma_semaphore, #tpu.memory_space<semaphore_mem>>) src(%dma_wait3A_3474 : memref<8x128xf32, #tpu.memory_space<vmem>>) dst(%dma_wait3A_3471 : memref<8x128xf32, #tpu.memory_space<any>>)
    %dma_wait3A_3475 = arith.constant 72 : i32
    %dma_wait3A_3476 = tpu.memref_slice %arg3[%dma_wait3A_3475, %multiple_of3A_1923] : memref<128x32768xf32, #tpu.memory_space<any>> -> memref<8x128xf32, #tpu.memory_space<any>>
    %dma_wait3A_3477 = arith.constant 632 : i32
    %dma_wait3A_3478 = arith.constant 0 : i32
    %dma_wait3A_3479 = tpu.memref_slice %arg5[%dma_wait3A_3477, %dma_wait3A_3478] : memref<1024x128xf32, #tpu.memory_space<vmem>> -> memref<8x128xf32, #tpu.memory_space<vmem>>
    tpu.wait_dma2 semaphore(%arg6 : memref<!tpu.dma_semaphore, #tpu.memory_space<semaphore_mem>>) src(%dma_wait3A_3479 : memref<8x128xf32, #tpu.memory_space<vmem>>) dst(%dma_wait3A_3476 : memref<8x128xf32, #tpu.memory_space<any>>)
    %dma_wait3A_3480 = arith.constant 80 : i32
    %dma_wait3A_3481 = tpu.memref_slice %arg3[%dma_wait3A_3480, %multiple_of3A_1947] : memref<128x32768xf32, #tpu.memory_space<any>> -> memref<8x128xf32, #tpu.memory_space<any>>
    %dma_wait3A_3482 = arith.constant 640 : i32
    %dma_wait3A_3483 = arith.constant 0 : i32
    %dma_wait3A_3484 = tpu.memref_slice %arg5[%dma_wait3A_3482, %dma_wait3A_3483] : memref<1024x128xf32, #tpu.memory_space<vmem>> -> memref<8x128xf32, #tpu.memory_space<vmem>>
    tpu.wait_dma2 semaphore(%arg6 : memref<!tpu.dma_semaphore, #tpu.memory_space<semaphore_mem>>) src(%dma_wait3A_3484 : memref<8x128xf32, #tpu.memory_space<vmem>>) dst(%dma_wait3A_3481 : memref<8x128xf32, #tpu.memory_space<any>>)
    %dma_wait3A_3485 = arith.constant 80 : i32
    %dma_wait3A_3486 = tpu.memref_slice %arg3[%dma_wait3A_3485, %multiple_of3A_1971] : memref<128x32768xf32, #tpu.memory_space<any>> -> memref<8x128xf32, #tpu.memory_space<any>>
    %dma_wait3A_3487 = arith.constant 648 : i32
    %dma_wait3A_3488 = arith.constant 0 : i32
    %dma_wait3A_3489 = tpu.memref_slice %arg5[%dma_wait3A_3487, %dma_wait3A_3488] : memref<1024x128xf32, #tpu.memory_space<vmem>> -> memref<8x128xf32, #tpu.memory_space<vmem>>
    tpu.wait_dma2 semaphore(%arg6 : memref<!tpu.dma_semaphore, #tpu.memory_space<semaphore_mem>>) src(%dma_wait3A_3489 : memref<8x128xf32, #tpu.memory_space<vmem>>) dst(%dma_wait3A_3486 : memref<8x128xf32, #tpu.memory_space<any>>)
    %dma_wait3A_3490 = arith.constant 80 : i32
    %dma_wait3A_3491 = tpu.memref_slice %arg3[%dma_wait3A_3490, %multiple_of3A_1995] : memref<128x32768xf32, #tpu.memory_space<any>> -> memref<8x128xf32, #tpu.memory_space<any>>
    %dma_wait3A_3492 = arith.constant 656 : i32
    %dma_wait3A_3493 = arith.constant 0 : i32
    %dma_wait3A_3494 = tpu.memref_slice %arg5[%dma_wait3A_3492, %dma_wait3A_3493] : memref<1024x128xf32, #tpu.memory_space<vmem>> -> memref<8x128xf32, #tpu.memory_space<vmem>>
    tpu.wait_dma2 semaphore(%arg6 : memref<!tpu.dma_semaphore, #tpu.memory_space<semaphore_mem>>) src(%dma_wait3A_3494 : memref<8x128xf32, #tpu.memory_space<vmem>>) dst(%dma_wait3A_3491 : memref<8x128xf32, #tpu.memory_space<any>>)
    %dma_wait3A_3495 = arith.constant 80 : i32
    %dma_wait3A_3496 = tpu.memref_slice %arg3[%dma_wait3A_3495, %multiple_of3A_2019] : memref<128x32768xf32, #tpu.memory_space<any>> -> memref<8x128xf32, #tpu.memory_space<any>>
    %dma_wait3A_3497 = arith.constant 664 : i32
    %dma_wait3A_3498 = arith.constant 0 : i32
    %dma_wait3A_3499 = tpu.memref_slice %arg5[%dma_wait3A_3497, %dma_wait3A_3498] : memref<1024x128xf32, #tpu.memory_space<vmem>> -> memref<8x128xf32, #tpu.memory_space<vmem>>
    tpu.wait_dma2 semaphore(%arg6 : memref<!tpu.dma_semaphore, #tpu.memory_space<semaphore_mem>>) src(%dma_wait3A_3499 : memref<8x128xf32, #tpu.memory_space<vmem>>) dst(%dma_wait3A_3496 : memref<8x128xf32, #tpu.memory_space<any>>)
    %dma_wait3A_3500 = arith.constant 80 : i32
    %dma_wait3A_3501 = tpu.memref_slice %arg3[%dma_wait3A_3500, %multiple_of3A_2043] : memref<128x32768xf32, #tpu.memory_space<any>> -> memref<8x128xf32, #tpu.memory_space<any>>
    %dma_wait3A_3502 = arith.constant 672 : i32
    %dma_wait3A_3503 = arith.constant 0 : i32
    %dma_wait3A_3504 = tpu.memref_slice %arg5[%dma_wait3A_3502, %dma_wait3A_3503] : memref<1024x128xf32, #tpu.memory_space<vmem>> -> memref<8x128xf32, #tpu.memory_space<vmem>>
    tpu.wait_dma2 semaphore(%arg6 : memref<!tpu.dma_semaphore, #tpu.memory_space<semaphore_mem>>) src(%dma_wait3A_3504 : memref<8x128xf32, #tpu.memory_space<vmem>>) dst(%dma_wait3A_3501 : memref<8x128xf32, #tpu.memory_space<any>>)
    %dma_wait3A_3505 = arith.constant 80 : i32
    %dma_wait3A_3506 = tpu.memref_slice %arg3[%dma_wait3A_3505, %multiple_of3A_2067] : memref<128x32768xf32, #tpu.memory_space<any>> -> memref<8x128xf32, #tpu.memory_space<any>>
    %dma_wait3A_3507 = arith.constant 680 : i32
    %dma_wait3A_3508 = arith.constant 0 : i32
    %dma_wait3A_3509 = tpu.memref_slice %arg5[%dma_wait3A_3507, %dma_wait3A_3508] : memref<1024x128xf32, #tpu.memory_space<vmem>> -> memref<8x128xf32, #tpu.memory_space<vmem>>
    tpu.wait_dma2 semaphore(%arg6 : memref<!tpu.dma_semaphore, #tpu.memory_space<semaphore_mem>>) src(%dma_wait3A_3509 : memref<8x128xf32, #tpu.memory_space<vmem>>) dst(%dma_wait3A_3506 : memref<8x128xf32, #tpu.memory_space<any>>)
    %dma_wait3A_3510 = arith.constant 80 : i32
    %dma_wait3A_3511 = tpu.memref_slice %arg3[%dma_wait3A_3510, %multiple_of3A_2091] : memref<128x32768xf32, #tpu.memory_space<any>> -> memref<8x128xf32, #tpu.memory_space<any>>
    %dma_wait3A_3512 = arith.constant 688 : i32
    %dma_wait3A_3513 = arith.constant 0 : i32
    %dma_wait3A_3514 = tpu.memref_slice %arg5[%dma_wait3A_3512, %dma_wait3A_3513] : memref<1024x128xf32, #tpu.memory_space<vmem>> -> memref<8x128xf32, #tpu.memory_space<vmem>>
    tpu.wait_dma2 semaphore(%arg6 : memref<!tpu.dma_semaphore, #tpu.memory_space<semaphore_mem>>) src(%dma_wait3A_3514 : memref<8x128xf32, #tpu.memory_space<vmem>>) dst(%dma_wait3A_3511 : memref<8x128xf32, #tpu.memory_space<any>>)
    %dma_wait3A_3515 = arith.constant 80 : i32
    %dma_wait3A_3516 = tpu.memref_slice %arg3[%dma_wait3A_3515, %multiple_of3A_2115] : memref<128x32768xf32, #tpu.memory_space<any>> -> memref<8x128xf32, #tpu.memory_space<any>>
    %dma_wait3A_3517 = arith.constant 696 : i32
    %dma_wait3A_3518 = arith.constant 0 : i32
    %dma_wait3A_3519 = tpu.memref_slice %arg5[%dma_wait3A_3517, %dma_wait3A_3518] : memref<1024x128xf32, #tpu.memory_space<vmem>> -> memref<8x128xf32, #tpu.memory_space<vmem>>
    tpu.wait_dma2 semaphore(%arg6 : memref<!tpu.dma_semaphore, #tpu.memory_space<semaphore_mem>>) src(%dma_wait3A_3519 : memref<8x128xf32, #tpu.memory_space<vmem>>) dst(%dma_wait3A_3516 : memref<8x128xf32, #tpu.memory_space<any>>)
    %dma_wait3A_3520 = arith.constant 88 : i32
    %dma_wait3A_3521 = tpu.memref_slice %arg3[%dma_wait3A_3520, %multiple_of3A_2139] : memref<128x32768xf32, #tpu.memory_space<any>> -> memref<8x128xf32, #tpu.memory_space<any>>
    %dma_wait3A_3522 = arith.constant 704 : i32
    %dma_wait3A_3523 = arith.constant 0 : i32
    %dma_wait3A_3524 = tpu.memref_slice %arg5[%dma_wait3A_3522, %dma_wait3A_3523] : memref<1024x128xf32, #tpu.memory_space<vmem>> -> memref<8x128xf32, #tpu.memory_space<vmem>>
    tpu.wait_dma2 semaphore(%arg6 : memref<!tpu.dma_semaphore, #tpu.memory_space<semaphore_mem>>) src(%dma_wait3A_3524 : memref<8x128xf32, #tpu.memory_space<vmem>>) dst(%dma_wait3A_3521 : memref<8x128xf32, #tpu.memory_space<any>>)
    %dma_wait3A_3525 = arith.constant 88 : i32
    %dma_wait3A_3526 = tpu.memref_slice %arg3[%dma_wait3A_3525, %multiple_of3A_2163] : memref<128x32768xf32, #tpu.memory_space<any>> -> memref<8x128xf32, #tpu.memory_space<any>>
    %dma_wait3A_3527 = arith.constant 712 : i32
    %dma_wait3A_3528 = arith.constant 0 : i32
    %dma_wait3A_3529 = tpu.memref_slice %arg5[%dma_wait3A_3527, %dma_wait3A_3528] : memref<1024x128xf32, #tpu.memory_space<vmem>> -> memref<8x128xf32, #tpu.memory_space<vmem>>
    tpu.wait_dma2 semaphore(%arg6 : memref<!tpu.dma_semaphore, #tpu.memory_space<semaphore_mem>>) src(%dma_wait3A_3529 : memref<8x128xf32, #tpu.memory_space<vmem>>) dst(%dma_wait3A_3526 : memref<8x128xf32, #tpu.memory_space<any>>)
    %dma_wait3A_3530 = arith.constant 88 : i32
    %dma_wait3A_3531 = tpu.memref_slice %arg3[%dma_wait3A_3530, %multiple_of3A_2187] : memref<128x32768xf32, #tpu.memory_space<any>> -> memref<8x128xf32, #tpu.memory_space<any>>
    %dma_wait3A_3532 = arith.constant 720 : i32
    %dma_wait3A_3533 = arith.constant 0 : i32
    %dma_wait3A_3534 = tpu.memref_slice %arg5[%dma_wait3A_3532, %dma_wait3A_3533] : memref<1024x128xf32, #tpu.memory_space<vmem>> -> memref<8x128xf32, #tpu.memory_space<vmem>>
    tpu.wait_dma2 semaphore(%arg6 : memref<!tpu.dma_semaphore, #tpu.memory_space<semaphore_mem>>) src(%dma_wait3A_3534 : memref<8x128xf32, #tpu.memory_space<vmem>>) dst(%dma_wait3A_3531 : memref<8x128xf32, #tpu.memory_space<any>>)
    %dma_wait3A_3535 = arith.constant 88 : i32
    %dma_wait3A_3536 = tpu.memref_slice %arg3[%dma_wait3A_3535, %multiple_of3A_2211] : memref<128x32768xf32, #tpu.memory_space<any>> -> memref<8x128xf32, #tpu.memory_space<any>>
    %dma_wait3A_3537 = arith.constant 728 : i32
    %dma_wait3A_3538 = arith.constant 0 : i32
    %dma_wait3A_3539 = tpu.memref_slice %arg5[%dma_wait3A_3537, %dma_wait3A_3538] : memref<1024x128xf32, #tpu.memory_space<vmem>> -> memref<8x128xf32, #tpu.memory_space<vmem>>
    tpu.wait_dma2 semaphore(%arg6 : memref<!tpu.dma_semaphore, #tpu.memory_space<semaphore_mem>>) src(%dma_wait3A_3539 : memref<8x128xf32, #tpu.memory_space<vmem>>) dst(%dma_wait3A_3536 : memref<8x128xf32, #tpu.memory_space<any>>)
    %dma_wait3A_3540 = arith.constant 88 : i32
    %dma_wait3A_3541 = tpu.memref_slice %arg3[%dma_wait3A_3540, %multiple_of3A_2235] : memref<128x32768xf32, #tpu.memory_space<any>> -> memref<8x128xf32, #tpu.memory_space<any>>
    %dma_wait3A_3542 = arith.constant 736 : i32
    %dma_wait3A_3543 = arith.constant 0 : i32
    %dma_wait3A_3544 = tpu.memref_slice %arg5[%dma_wait3A_3542, %dma_wait3A_3543] : memref<1024x128xf32, #tpu.memory_space<vmem>> -> memref<8x128xf32, #tpu.memory_space<vmem>>
    tpu.wait_dma2 semaphore(%arg6 : memref<!tpu.dma_semaphore, #tpu.memory_space<semaphore_mem>>) src(%dma_wait3A_3544 : memref<8x128xf32, #tpu.memory_space<vmem>>) dst(%dma_wait3A_3541 : memref<8x128xf32, #tpu.memory_space<any>>)
    %dma_wait3A_3545 = arith.constant 88 : i32
    %dma_wait3A_3546 = tpu.memref_slice %arg3[%dma_wait3A_3545, %multiple_of3A_2259] : memref<128x32768xf32, #tpu.memory_space<any>> -> memref<8x128xf32, #tpu.memory_space<any>>
    %dma_wait3A_3547 = arith.constant 744 : i32
    %dma_wait3A_3548 = arith.constant 0 : i32
    %dma_wait3A_3549 = tpu.memref_slice %arg5[%dma_wait3A_3547, %dma_wait3A_3548] : memref<1024x128xf32, #tpu.memory_space<vmem>> -> memref<8x128xf32, #tpu.memory_space<vmem>>
    tpu.wait_dma2 semaphore(%arg6 : memref<!tpu.dma_semaphore, #tpu.memory_space<semaphore_mem>>) src(%dma_wait3A_3549 : memref<8x128xf32, #tpu.memory_space<vmem>>) dst(%dma_wait3A_3546 : memref<8x128xf32, #tpu.memory_space<any>>)
    %dma_wait3A_3550 = arith.constant 88 : i32
    %dma_wait3A_3551 = tpu.memref_slice %arg3[%dma_wait3A_3550, %multiple_of3A_2283] : memref<128x32768xf32, #tpu.memory_space<any>> -> memref<8x128xf32, #tpu.memory_space<any>>
    %dma_wait3A_3552 = arith.constant 752 : i32
    %dma_wait3A_3553 = arith.constant 0 : i32
    %dma_wait3A_3554 = tpu.memref_slice %arg5[%dma_wait3A_3552, %dma_wait3A_3553] : memref<1024x128xf32, #tpu.memory_space<vmem>> -> memref<8x128xf32, #tpu.memory_space<vmem>>
    tpu.wait_dma2 semaphore(%arg6 : memref<!tpu.dma_semaphore, #tpu.memory_space<semaphore_mem>>) src(%dma_wait3A_3554 : memref<8x128xf32, #tpu.memory_space<vmem>>) dst(%dma_wait3A_3551 : memref<8x128xf32, #tpu.memory_space<any>>)
    %dma_wait3A_3555 = arith.constant 88 : i32
    %dma_wait3A_3556 = tpu.memref_slice %arg3[%dma_wait3A_3555, %multiple_of3A_2307] : memref<128x32768xf32, #tpu.memory_space<any>> -> memref<8x128xf32, #tpu.memory_space<any>>
    %dma_wait3A_3557 = arith.constant 760 : i32
    %dma_wait3A_3558 = arith.constant 0 : i32
    %dma_wait3A_3559 = tpu.memref_slice %arg5[%dma_wait3A_3557, %dma_wait3A_3558] : memref<1024x128xf32, #tpu.memory_space<vmem>> -> memref<8x128xf32, #tpu.memory_space<vmem>>
    tpu.wait_dma2 semaphore(%arg6 : memref<!tpu.dma_semaphore, #tpu.memory_space<semaphore_mem>>) src(%dma_wait3A_3559 : memref<8x128xf32, #tpu.memory_space<vmem>>) dst(%dma_wait3A_3556 : memref<8x128xf32, #tpu.memory_space<any>>)
    %dma_wait3A_3560 = arith.constant 96 : i32
    %dma_wait3A_3561 = tpu.memref_slice %arg3[%dma_wait3A_3560, %multiple_of3A_2331] : memref<128x32768xf32, #tpu.memory_space<any>> -> memref<8x128xf32, #tpu.memory_space<any>>
    %dma_wait3A_3562 = arith.constant 768 : i32
    %dma_wait3A_3563 = arith.constant 0 : i32
    %dma_wait3A_3564 = tpu.memref_slice %arg5[%dma_wait3A_3562, %dma_wait3A_3563] : memref<1024x128xf32, #tpu.memory_space<vmem>> -> memref<8x128xf32, #tpu.memory_space<vmem>>
    tpu.wait_dma2 semaphore(%arg6 : memref<!tpu.dma_semaphore, #tpu.memory_space<semaphore_mem>>) src(%dma_wait3A_3564 : memref<8x128xf32, #tpu.memory_space<vmem>>) dst(%dma_wait3A_3561 : memref<8x128xf32, #tpu.memory_space<any>>)
    %dma_wait3A_3565 = arith.constant 96 : i32
    %dma_wait3A_3566 = tpu.memref_slice %arg3[%dma_wait3A_3565, %multiple_of3A_2355] : memref<128x32768xf32, #tpu.memory_space<any>> -> memref<8x128xf32, #tpu.memory_space<any>>
    %dma_wait3A_3567 = arith.constant 776 : i32
    %dma_wait3A_3568 = arith.constant 0 : i32
    %dma_wait3A_3569 = tpu.memref_slice %arg5[%dma_wait3A_3567, %dma_wait3A_3568] : memref<1024x128xf32, #tpu.memory_space<vmem>> -> memref<8x128xf32, #tpu.memory_space<vmem>>
    tpu.wait_dma2 semaphore(%arg6 : memref<!tpu.dma_semaphore, #tpu.memory_space<semaphore_mem>>) src(%dma_wait3A_3569 : memref<8x128xf32, #tpu.memory_space<vmem>>) dst(%dma_wait3A_3566 : memref<8x128xf32, #tpu.memory_space<any>>)
    %dma_wait3A_3570 = arith.constant 96 : i32
    %dma_wait3A_3571 = tpu.memref_slice %arg3[%dma_wait3A_3570, %multiple_of3A_2379] : memref<128x32768xf32, #tpu.memory_space<any>> -> memref<8x128xf32, #tpu.memory_space<any>>
    %dma_wait3A_3572 = arith.constant 784 : i32
    %dma_wait3A_3573 = arith.constant 0 : i32
    %dma_wait3A_3574 = tpu.memref_slice %arg5[%dma_wait3A_3572, %dma_wait3A_3573] : memref<1024x128xf32, #tpu.memory_space<vmem>> -> memref<8x128xf32, #tpu.memory_space<vmem>>
    tpu.wait_dma2 semaphore(%arg6 : memref<!tpu.dma_semaphore, #tpu.memory_space<semaphore_mem>>) src(%dma_wait3A_3574 : memref<8x128xf32, #tpu.memory_space<vmem>>) dst(%dma_wait3A_3571 : memref<8x128xf32, #tpu.memory_space<any>>)
    %dma_wait3A_3575 = arith.constant 96 : i32
    %dma_wait3A_3576 = tpu.memref_slice %arg3[%dma_wait3A_3575, %multiple_of3A_2403] : memref<128x32768xf32, #tpu.memory_space<any>> -> memref<8x128xf32, #tpu.memory_space<any>>
    %dma_wait3A_3577 = arith.constant 792 : i32
    %dma_wait3A_3578 = arith.constant 0 : i32
    %dma_wait3A_3579 = tpu.memref_slice %arg5[%dma_wait3A_3577, %dma_wait3A_3578] : memref<1024x128xf32, #tpu.memory_space<vmem>> -> memref<8x128xf32, #tpu.memory_space<vmem>>
    tpu.wait_dma2 semaphore(%arg6 : memref<!tpu.dma_semaphore, #tpu.memory_space<semaphore_mem>>) src(%dma_wait3A_3579 : memref<8x128xf32, #tpu.memory_space<vmem>>) dst(%dma_wait3A_3576 : memref<8x128xf32, #tpu.memory_space<any>>)
    %dma_wait3A_3580 = arith.constant 96 : i32
    %dma_wait3A_3581 = tpu.memref_slice %arg3[%dma_wait3A_3580, %multiple_of3A_2427] : memref<128x32768xf32, #tpu.memory_space<any>> -> memref<8x128xf32, #tpu.memory_space<any>>
    %dma_wait3A_3582 = arith.constant 800 : i32
    %dma_wait3A_3583 = arith.constant 0 : i32
    %dma_wait3A_3584 = tpu.memref_slice %arg5[%dma_wait3A_3582, %dma_wait3A_3583] : memref<1024x128xf32, #tpu.memory_space<vmem>> -> memref<8x128xf32, #tpu.memory_space<vmem>>
    tpu.wait_dma2 semaphore(%arg6 : memref<!tpu.dma_semaphore, #tpu.memory_space<semaphore_mem>>) src(%dma_wait3A_3584 : memref<8x128xf32, #tpu.memory_space<vmem>>) dst(%dma_wait3A_3581 : memref<8x128xf32, #tpu.memory_space<any>>)
    %dma_wait3A_3585 = arith.constant 96 : i32
    %dma_wait3A_3586 = tpu.memref_slice %arg3[%dma_wait3A_3585, %multiple_of3A_2451] : memref<128x32768xf32, #tpu.memory_space<any>> -> memref<8x128xf32, #tpu.memory_space<any>>
    %dma_wait3A_3587 = arith.constant 808 : i32
    %dma_wait3A_3588 = arith.constant 0 : i32
    %dma_wait3A_3589 = tpu.memref_slice %arg5[%dma_wait3A_3587, %dma_wait3A_3588] : memref<1024x128xf32, #tpu.memory_space<vmem>> -> memref<8x128xf32, #tpu.memory_space<vmem>>
    tpu.wait_dma2 semaphore(%arg6 : memref<!tpu.dma_semaphore, #tpu.memory_space<semaphore_mem>>) src(%dma_wait3A_3589 : memref<8x128xf32, #tpu.memory_space<vmem>>) dst(%dma_wait3A_3586 : memref<8x128xf32, #tpu.memory_space<any>>)
    %dma_wait3A_3590 = arith.constant 96 : i32
    %dma_wait3A_3591 = tpu.memref_slice %arg3[%dma_wait3A_3590, %multiple_of3A_2475] : memref<128x32768xf32, #tpu.memory_space<any>> -> memref<8x128xf32, #tpu.memory_space<any>>
    %dma_wait3A_3592 = arith.constant 816 : i32
    %dma_wait3A_3593 = arith.constant 0 : i32
    %dma_wait3A_3594 = tpu.memref_slice %arg5[%dma_wait3A_3592, %dma_wait3A_3593] : memref<1024x128xf32, #tpu.memory_space<vmem>> -> memref<8x128xf32, #tpu.memory_space<vmem>>
    tpu.wait_dma2 semaphore(%arg6 : memref<!tpu.dma_semaphore, #tpu.memory_space<semaphore_mem>>) src(%dma_wait3A_3594 : memref<8x128xf32, #tpu.memory_space<vmem>>) dst(%dma_wait3A_3591 : memref<8x128xf32, #tpu.memory_space<any>>)
    %dma_wait3A_3595 = arith.constant 96 : i32
    %dma_wait3A_3596 = tpu.memref_slice %arg3[%dma_wait3A_3595, %multiple_of3A_2499] : memref<128x32768xf32, #tpu.memory_space<any>> -> memref<8x128xf32, #tpu.memory_space<any>>
    %dma_wait3A_3597 = arith.constant 824 : i32
    %dma_wait3A_3598 = arith.constant 0 : i32
    %dma_wait3A_3599 = tpu.memref_slice %arg5[%dma_wait3A_3597, %dma_wait3A_3598] : memref<1024x128xf32, #tpu.memory_space<vmem>> -> memref<8x128xf32, #tpu.memory_space<vmem>>
    tpu.wait_dma2 semaphore(%arg6 : memref<!tpu.dma_semaphore, #tpu.memory_space<semaphore_mem>>) src(%dma_wait3A_3599 : memref<8x128xf32, #tpu.memory_space<vmem>>) dst(%dma_wait3A_3596 : memref<8x128xf32, #tpu.memory_space<any>>)
    %dma_wait3A_3600 = arith.constant 104 : i32
    %dma_wait3A_3601 = tpu.memref_slice %arg3[%dma_wait3A_3600, %multiple_of3A_2523] : memref<128x32768xf32, #tpu.memory_space<any>> -> memref<8x128xf32, #tpu.memory_space<any>>
    %dma_wait3A_3602 = arith.constant 832 : i32
    %dma_wait3A_3603 = arith.constant 0 : i32
    %dma_wait3A_3604 = tpu.memref_slice %arg5[%dma_wait3A_3602, %dma_wait3A_3603] : memref<1024x128xf32, #tpu.memory_space<vmem>> -> memref<8x128xf32, #tpu.memory_space<vmem>>
    tpu.wait_dma2 semaphore(%arg6 : memref<!tpu.dma_semaphore, #tpu.memory_space<semaphore_mem>>) src(%dma_wait3A_3604 : memref<8x128xf32, #tpu.memory_space<vmem>>) dst(%dma_wait3A_3601 : memref<8x128xf32, #tpu.memory_space<any>>)
    %dma_wait3A_3605 = arith.constant 104 : i32
    %dma_wait3A_3606 = tpu.memref_slice %arg3[%dma_wait3A_3605, %multiple_of3A_2547] : memref<128x32768xf32, #tpu.memory_space<any>> -> memref<8x128xf32, #tpu.memory_space<any>>
    %dma_wait3A_3607 = arith.constant 840 : i32
    %dma_wait3A_3608 = arith.constant 0 : i32
    %dma_wait3A_3609 = tpu.memref_slice %arg5[%dma_wait3A_3607, %dma_wait3A_3608] : memref<1024x128xf32, #tpu.memory_space<vmem>> -> memref<8x128xf32, #tpu.memory_space<vmem>>
    tpu.wait_dma2 semaphore(%arg6 : memref<!tpu.dma_semaphore, #tpu.memory_space<semaphore_mem>>) src(%dma_wait3A_3609 : memref<8x128xf32, #tpu.memory_space<vmem>>) dst(%dma_wait3A_3606 : memref<8x128xf32, #tpu.memory_space<any>>)
    %dma_wait3A_3610 = arith.constant 104 : i32
    %dma_wait3A_3611 = tpu.memref_slice %arg3[%dma_wait3A_3610, %multiple_of3A_2571] : memref<128x32768xf32, #tpu.memory_space<any>> -> memref<8x128xf32, #tpu.memory_space<any>>
    %dma_wait3A_3612 = arith.constant 848 : i32
    %dma_wait3A_3613 = arith.constant 0 : i32
    %dma_wait3A_3614 = tpu.memref_slice %arg5[%dma_wait3A_3612, %dma_wait3A_3613] : memref<1024x128xf32, #tpu.memory_space<vmem>> -> memref<8x128xf32, #tpu.memory_space<vmem>>
    tpu.wait_dma2 semaphore(%arg6 : memref<!tpu.dma_semaphore, #tpu.memory_space<semaphore_mem>>) src(%dma_wait3A_3614 : memref<8x128xf32, #tpu.memory_space<vmem>>) dst(%dma_wait3A_3611 : memref<8x128xf32, #tpu.memory_space<any>>)
    %dma_wait3A_3615 = arith.constant 104 : i32
    %dma_wait3A_3616 = tpu.memref_slice %arg3[%dma_wait3A_3615, %multiple_of3A_2595] : memref<128x32768xf32, #tpu.memory_space<any>> -> memref<8x128xf32, #tpu.memory_space<any>>
    %dma_wait3A_3617 = arith.constant 856 : i32
    %dma_wait3A_3618 = arith.constant 0 : i32
    %dma_wait3A_3619 = tpu.memref_slice %arg5[%dma_wait3A_3617, %dma_wait3A_3618] : memref<1024x128xf32, #tpu.memory_space<vmem>> -> memref<8x128xf32, #tpu.memory_space<vmem>>
    tpu.wait_dma2 semaphore(%arg6 : memref<!tpu.dma_semaphore, #tpu.memory_space<semaphore_mem>>) src(%dma_wait3A_3619 : memref<8x128xf32, #tpu.memory_space<vmem>>) dst(%dma_wait3A_3616 : memref<8x128xf32, #tpu.memory_space<any>>)
    %dma_wait3A_3620 = arith.constant 104 : i32
    %dma_wait3A_3621 = tpu.memref_slice %arg3[%dma_wait3A_3620, %multiple_of3A_2619] : memref<128x32768xf32, #tpu.memory_space<any>> -> memref<8x128xf32, #tpu.memory_space<any>>
    %dma_wait3A_3622 = arith.constant 864 : i32
    %dma_wait3A_3623 = arith.constant 0 : i32
    %dma_wait3A_3624 = tpu.memref_slice %arg5[%dma_wait3A_3622, %dma_wait3A_3623] : memref<1024x128xf32, #tpu.memory_space<vmem>> -> memref<8x128xf32, #tpu.memory_space<vmem>>
    tpu.wait_dma2 semaphore(%arg6 : memref<!tpu.dma_semaphore, #tpu.memory_space<semaphore_mem>>) src(%dma_wait3A_3624 : memref<8x128xf32, #tpu.memory_space<vmem>>) dst(%dma_wait3A_3621 : memref<8x128xf32, #tpu.memory_space<any>>)
    %dma_wait3A_3625 = arith.constant 104 : i32
    %dma_wait3A_3626 = tpu.memref_slice %arg3[%dma_wait3A_3625, %multiple_of3A_2643] : memref<128x32768xf32, #tpu.memory_space<any>> -> memref<8x128xf32, #tpu.memory_space<any>>
    %dma_wait3A_3627 = arith.constant 872 : i32
    %dma_wait3A_3628 = arith.constant 0 : i32
    %dma_wait3A_3629 = tpu.memref_slice %arg5[%dma_wait3A_3627, %dma_wait3A_3628] : memref<1024x128xf32, #tpu.memory_space<vmem>> -> memref<8x128xf32, #tpu.memory_space<vmem>>
    tpu.wait_dma2 semaphore(%arg6 : memref<!tpu.dma_semaphore, #tpu.memory_space<semaphore_mem>>) src(%dma_wait3A_3629 : memref<8x128xf32, #tpu.memory_space<vmem>>) dst(%dma_wait3A_3626 : memref<8x128xf32, #tpu.memory_space<any>>)
    %dma_wait3A_3630 = arith.constant 104 : i32
    %dma_wait3A_3631 = tpu.memref_slice %arg3[%dma_wait3A_3630, %multiple_of3A_2667] : memref<128x32768xf32, #tpu.memory_space<any>> -> memref<8x128xf32, #tpu.memory_space<any>>
    %dma_wait3A_3632 = arith.constant 880 : i32
    %dma_wait3A_3633 = arith.constant 0 : i32
    %dma_wait3A_3634 = tpu.memref_slice %arg5[%dma_wait3A_3632, %dma_wait3A_3633] : memref<1024x128xf32, #tpu.memory_space<vmem>> -> memref<8x128xf32, #tpu.memory_space<vmem>>
    tpu.wait_dma2 semaphore(%arg6 : memref<!tpu.dma_semaphore, #tpu.memory_space<semaphore_mem>>) src(%dma_wait3A_3634 : memref<8x128xf32, #tpu.memory_space<vmem>>) dst(%dma_wait3A_3631 : memref<8x128xf32, #tpu.memory_space<any>>)
    %dma_wait3A_3635 = arith.constant 104 : i32
    %dma_wait3A_3636 = tpu.memref_slice %arg3[%dma_wait3A_3635, %multiple_of3A_2691] : memref<128x32768xf32, #tpu.memory_space<any>> -> memref<8x128xf32, #tpu.memory_space<any>>
    %dma_wait3A_3637 = arith.constant 888 : i32
    %dma_wait3A_3638 = arith.constant 0 : i32
    %dma_wait3A_3639 = tpu.memref_slice %arg5[%dma_wait3A_3637, %dma_wait3A_3638] : memref<1024x128xf32, #tpu.memory_space<vmem>> -> memref<8x128xf32, #tpu.memory_space<vmem>>
    tpu.wait_dma2 semaphore(%arg6 : memref<!tpu.dma_semaphore, #tpu.memory_space<semaphore_mem>>) src(%dma_wait3A_3639 : memref<8x128xf32, #tpu.memory_space<vmem>>) dst(%dma_wait3A_3636 : memref<8x128xf32, #tpu.memory_space<any>>)
    %dma_wait3A_3640 = arith.constant 112 : i32
    %dma_wait3A_3641 = tpu.memref_slice %arg3[%dma_wait3A_3640, %multiple_of3A_2715] : memref<128x32768xf32, #tpu.memory_space<any>> -> memref<8x128xf32, #tpu.memory_space<any>>
    %dma_wait3A_3642 = arith.constant 896 : i32
    %dma_wait3A_3643 = arith.constant 0 : i32
    %dma_wait3A_3644 = tpu.memref_slice %arg5[%dma_wait3A_3642, %dma_wait3A_3643] : memref<1024x128xf32, #tpu.memory_space<vmem>> -> memref<8x128xf32, #tpu.memory_space<vmem>>
    tpu.wait_dma2 semaphore(%arg6 : memref<!tpu.dma_semaphore, #tpu.memory_space<semaphore_mem>>) src(%dma_wait3A_3644 : memref<8x128xf32, #tpu.memory_space<vmem>>) dst(%dma_wait3A_3641 : memref<8x128xf32, #tpu.memory_space<any>>)
    %dma_wait3A_3645 = arith.constant 112 : i32
    %dma_wait3A_3646 = tpu.memref_slice %arg3[%dma_wait3A_3645, %multiple_of3A_2739] : memref<128x32768xf32, #tpu.memory_space<any>> -> memref<8x128xf32, #tpu.memory_space<any>>
    %dma_wait3A_3647 = arith.constant 904 : i32
    %dma_wait3A_3648 = arith.constant 0 : i32
    %dma_wait3A_3649 = tpu.memref_slice %arg5[%dma_wait3A_3647, %dma_wait3A_3648] : memref<1024x128xf32, #tpu.memory_space<vmem>> -> memref<8x128xf32, #tpu.memory_space<vmem>>
    tpu.wait_dma2 semaphore(%arg6 : memref<!tpu.dma_semaphore, #tpu.memory_space<semaphore_mem>>) src(%dma_wait3A_3649 : memref<8x128xf32, #tpu.memory_space<vmem>>) dst(%dma_wait3A_3646 : memref<8x128xf32, #tpu.memory_space<any>>)
    %dma_wait3A_3650 = arith.constant 112 : i32
    %dma_wait3A_3651 = tpu.memref_slice %arg3[%dma_wait3A_3650, %multiple_of3A_2763] : memref<128x32768xf32, #tpu.memory_space<any>> -> memref<8x128xf32, #tpu.memory_space<any>>
    %dma_wait3A_3652 = arith.constant 912 : i32
    %dma_wait3A_3653 = arith.constant 0 : i32
    %dma_wait3A_3654 = tpu.memref_slice %arg5[%dma_wait3A_3652, %dma_wait3A_3653] : memref<1024x128xf32, #tpu.memory_space<vmem>> -> memref<8x128xf32, #tpu.memory_space<vmem>>
    tpu.wait_dma2 semaphore(%arg6 : memref<!tpu.dma_semaphore, #tpu.memory_space<semaphore_mem>>) src(%dma_wait3A_3654 : memref<8x128xf32, #tpu.memory_space<vmem>>) dst(%dma_wait3A_3651 : memref<8x128xf32, #tpu.memory_space<any>>)
    %dma_wait3A_3655 = arith.constant 112 : i32
    %dma_wait3A_3656 = tpu.memref_slice %arg3[%dma_wait3A_3655, %multiple_of3A_2787] : memref<128x32768xf32, #tpu.memory_space<any>> -> memref<8x128xf32, #tpu.memory_space<any>>
    %dma_wait3A_3657 = arith.constant 920 : i32
    %dma_wait3A_3658 = arith.constant 0 : i32
    %dma_wait3A_3659 = tpu.memref_slice %arg5[%dma_wait3A_3657, %dma_wait3A_3658] : memref<1024x128xf32, #tpu.memory_space<vmem>> -> memref<8x128xf32, #tpu.memory_space<vmem>>
    tpu.wait_dma2 semaphore(%arg6 : memref<!tpu.dma_semaphore, #tpu.memory_space<semaphore_mem>>) src(%dma_wait3A_3659 : memref<8x128xf32, #tpu.memory_space<vmem>>) dst(%dma_wait3A_3656 : memref<8x128xf32, #tpu.memory_space<any>>)
    %dma_wait3A_3660 = arith.constant 112 : i32
    %dma_wait3A_3661 = tpu.memref_slice %arg3[%dma_wait3A_3660, %multiple_of3A_2811] : memref<128x32768xf32, #tpu.memory_space<any>> -> memref<8x128xf32, #tpu.memory_space<any>>
    %dma_wait3A_3662 = arith.constant 928 : i32
    %dma_wait3A_3663 = arith.constant 0 : i32
    %dma_wait3A_3664 = tpu.memref_slice %arg5[%dma_wait3A_3662, %dma_wait3A_3663] : memref<1024x128xf32, #tpu.memory_space<vmem>> -> memref<8x128xf32, #tpu.memory_space<vmem>>
    tpu.wait_dma2 semaphore(%arg6 : memref<!tpu.dma_semaphore, #tpu.memory_space<semaphore_mem>>) src(%dma_wait3A_3664 : memref<8x128xf32, #tpu.memory_space<vmem>>) dst(%dma_wait3A_3661 : memref<8x128xf32, #tpu.memory_space<any>>)
    %dma_wait3A_3665 = arith.constant 112 : i32
    %dma_wait3A_3666 = tpu.memref_slice %arg3[%dma_wait3A_3665, %multiple_of3A_2835] : memref<128x32768xf32, #tpu.memory_space<any>> -> memref<8x128xf32, #tpu.memory_space<any>>
    %dma_wait3A_3667 = arith.constant 936 : i32
    %dma_wait3A_3668 = arith.constant 0 : i32
    %dma_wait3A_3669 = tpu.memref_slice %arg5[%dma_wait3A_3667, %dma_wait3A_3668] : memref<1024x128xf32, #tpu.memory_space<vmem>> -> memref<8x128xf32, #tpu.memory_space<vmem>>
    tpu.wait_dma2 semaphore(%arg6 : memref<!tpu.dma_semaphore, #tpu.memory_space<semaphore_mem>>) src(%dma_wait3A_3669 : memref<8x128xf32, #tpu.memory_space<vmem>>) dst(%dma_wait3A_3666 : memref<8x128xf32, #tpu.memory_space<any>>)
    %dma_wait3A_3670 = arith.constant 112 : i32
    %dma_wait3A_3671 = tpu.memref_slice %arg3[%dma_wait3A_3670, %multiple_of3A_2859] : memref<128x32768xf32, #tpu.memory_space<any>> -> memref<8x128xf32, #tpu.memory_space<any>>
    %dma_wait3A_3672 = arith.constant 944 : i32
    %dma_wait3A_3673 = arith.constant 0 : i32
    %dma_wait3A_3674 = tpu.memref_slice %arg5[%dma_wait3A_3672, %dma_wait3A_3673] : memref<1024x128xf32, #tpu.memory_space<vmem>> -> memref<8x128xf32, #tpu.memory_space<vmem>>
    tpu.wait_dma2 semaphore(%arg6 : memref<!tpu.dma_semaphore, #tpu.memory_space<semaphore_mem>>) src(%dma_wait3A_3674 : memref<8x128xf32, #tpu.memory_space<vmem>>) dst(%dma_wait3A_3671 : memref<8x128xf32, #tpu.memory_space<any>>)
    %dma_wait3A_3675 = arith.constant 112 : i32
    %dma_wait3A_3676 = tpu.memref_slice %arg3[%dma_wait3A_3675, %multiple_of3A_2883] : memref<128x32768xf32, #tpu.memory_space<any>> -> memref<8x128xf32, #tpu.memory_space<any>>
    %dma_wait3A_3677 = arith.constant 952 : i32
    %dma_wait3A_3678 = arith.constant 0 : i32
    %dma_wait3A_3679 = tpu.memref_slice %arg5[%dma_wait3A_3677, %dma_wait3A_3678] : memref<1024x128xf32, #tpu.memory_space<vmem>> -> memref<8x128xf32, #tpu.memory_space<vmem>>
    tpu.wait_dma2 semaphore(%arg6 : memref<!tpu.dma_semaphore, #tpu.memory_space<semaphore_mem>>) src(%dma_wait3A_3679 : memref<8x128xf32, #tpu.memory_space<vmem>>) dst(%dma_wait3A_3676 : memref<8x128xf32, #tpu.memory_space<any>>)
    %dma_wait3A_3680 = arith.constant 120 : i32
    %dma_wait3A_3681 = tpu.memref_slice %arg3[%dma_wait3A_3680, %multiple_of3A_2907] : memref<128x32768xf32, #tpu.memory_space<any>> -> memref<8x128xf32, #tpu.memory_space<any>>
    %dma_wait3A_3682 = arith.constant 960 : i32
    %dma_wait3A_3683 = arith.constant 0 : i32
    %dma_wait3A_3684 = tpu.memref_slice %arg5[%dma_wait3A_3682, %dma_wait3A_3683] : memref<1024x128xf32, #tpu.memory_space<vmem>> -> memref<8x128xf32, #tpu.memory_space<vmem>>
    tpu.wait_dma2 semaphore(%arg6 : memref<!tpu.dma_semaphore, #tpu.memory_space<semaphore_mem>>) src(%dma_wait3A_3684 : memref<8x128xf32, #tpu.memory_space<vmem>>) dst(%dma_wait3A_3681 : memref<8x128xf32, #tpu.memory_space<any>>)
    %dma_wait3A_3685 = arith.constant 120 : i32
    %dma_wait3A_3686 = tpu.memref_slice %arg3[%dma_wait3A_3685, %multiple_of3A_2931] : memref<128x32768xf32, #tpu.memory_space<any>> -> memref<8x128xf32, #tpu.memory_space<any>>
    %dma_wait3A_3687 = arith.constant 968 : i32
    %dma_wait3A_3688 = arith.constant 0 : i32
    %dma_wait3A_3689 = tpu.memref_slice %arg5[%dma_wait3A_3687, %dma_wait3A_3688] : memref<1024x128xf32, #tpu.memory_space<vmem>> -> memref<8x128xf32, #tpu.memory_space<vmem>>
    tpu.wait_dma2 semaphore(%arg6 : memref<!tpu.dma_semaphore, #tpu.memory_space<semaphore_mem>>) src(%dma_wait3A_3689 : memref<8x128xf32, #tpu.memory_space<vmem>>) dst(%dma_wait3A_3686 : memref<8x128xf32, #tpu.memory_space<any>>)
    %dma_wait3A_3690 = arith.constant 120 : i32
    %dma_wait3A_3691 = tpu.memref_slice %arg3[%dma_wait3A_3690, %multiple_of3A_2955] : memref<128x32768xf32, #tpu.memory_space<any>> -> memref<8x128xf32, #tpu.memory_space<any>>
    %dma_wait3A_3692 = arith.constant 976 : i32
    %dma_wait3A_3693 = arith.constant 0 : i32
    %dma_wait3A_3694 = tpu.memref_slice %arg5[%dma_wait3A_3692, %dma_wait3A_3693] : memref<1024x128xf32, #tpu.memory_space<vmem>> -> memref<8x128xf32, #tpu.memory_space<vmem>>
    tpu.wait_dma2 semaphore(%arg6 : memref<!tpu.dma_semaphore, #tpu.memory_space<semaphore_mem>>) src(%dma_wait3A_3694 : memref<8x128xf32, #tpu.memory_space<vmem>>) dst(%dma_wait3A_3691 : memref<8x128xf32, #tpu.memory_space<any>>)
    %dma_wait3A_3695 = arith.constant 120 : i32
    %dma_wait3A_3696 = tpu.memref_slice %arg3[%dma_wait3A_3695, %multiple_of3A_2979] : memref<128x32768xf32, #tpu.memory_space<any>> -> memref<8x128xf32, #tpu.memory_space<any>>
    %dma_wait3A_3697 = arith.constant 984 : i32
    %dma_wait3A_3698 = arith.constant 0 : i32
    %dma_wait3A_3699 = tpu.memref_slice %arg5[%dma_wait3A_3697, %dma_wait3A_3698] : memref<1024x128xf32, #tpu.memory_space<vmem>> -> memref<8x128xf32, #tpu.memory_space<vmem>>
    tpu.wait_dma2 semaphore(%arg6 : memref<!tpu.dma_semaphore, #tpu.memory_space<semaphore_mem>>) src(%dma_wait3A_3699 : memref<8x128xf32, #tpu.memory_space<vmem>>) dst(%dma_wait3A_3696 : memref<8x128xf32, #tpu.memory_space<any>>)
    %dma_wait3A_3700 = arith.constant 120 : i32
    %dma_wait3A_3701 = tpu.memref_slice %arg3[%dma_wait3A_3700, %multiple_of3A_3003] : memref<128x32768xf32, #tpu.memory_space<any>> -> memref<8x128xf32, #tpu.memory_space<any>>
    %dma_wait3A_3702 = arith.constant 992 : i32
    %dma_wait3A_3703 = arith.constant 0 : i32
    %dma_wait3A_3704 = tpu.memref_slice %arg5[%dma_wait3A_3702, %dma_wait3A_3703] : memref<1024x128xf32, #tpu.memory_space<vmem>> -> memref<8x128xf32, #tpu.memory_space<vmem>>
    tpu.wait_dma2 semaphore(%arg6 : memref<!tpu.dma_semaphore, #tpu.memory_space<semaphore_mem>>) src(%dma_wait3A_3704 : memref<8x128xf32, #tpu.memory_space<vmem>>) dst(%dma_wait3A_3701 : memref<8x128xf32, #tpu.memory_space<any>>)
    %dma_wait3A_3705 = arith.constant 120 : i32
    %dma_wait3A_3706 = tpu.memref_slice %arg3[%dma_wait3A_3705, %multiple_of3A_3027] : memref<128x32768xf32, #tpu.memory_space<any>> -> memref<8x128xf32, #tpu.memory_space<any>>
    %dma_wait3A_3707 = arith.constant 1000 : i32
    %dma_wait3A_3708 = arith.constant 0 : i32
    %dma_wait3A_3709 = tpu.memref_slice %arg5[%dma_wait3A_3707, %dma_wait3A_3708] : memref<1024x128xf32, #tpu.memory_space<vmem>> -> memref<8x128xf32, #tpu.memory_space<vmem>>
    tpu.wait_dma2 semaphore(%arg6 : memref<!tpu.dma_semaphore, #tpu.memory_space<semaphore_mem>>) src(%dma_wait3A_3709 : memref<8x128xf32, #tpu.memory_space<vmem>>) dst(%dma_wait3A_3706 : memref<8x128xf32, #tpu.memory_space<any>>)
    %dma_wait3A_3710 = arith.constant 120 : i32
    %dma_wait3A_3711 = tpu.memref_slice %arg3[%dma_wait3A_3710, %multiple_of3A_3051] : memref<128x32768xf32, #tpu.memory_space<any>> -> memref<8x128xf32, #tpu.memory_space<any>>
    %dma_wait3A_3712 = arith.constant 1008 : i32
    %dma_wait3A_3713 = arith.constant 0 : i32
    %dma_wait3A_3714 = tpu.memref_slice %arg5[%dma_wait3A_3712, %dma_wait3A_3713] : memref<1024x128xf32, #tpu.memory_space<vmem>> -> memref<8x128xf32, #tpu.memory_space<vmem>>
    tpu.wait_dma2 semaphore(%arg6 : memref<!tpu.dma_semaphore, #tpu.memory_space<semaphore_mem>>) src(%dma_wait3A_3714 : memref<8x128xf32, #tpu.memory_space<vmem>>) dst(%dma_wait3A_3711 : memref<8x128xf32, #tpu.memory_space<any>>)
    %dma_wait3A_3715 = arith.constant 120 : i32
    %dma_wait3A_3716 = tpu.memref_slice %arg3[%dma_wait3A_3715, %multiple_of3A_3075] : memref<128x32768xf32, #tpu.memory_space<any>> -> memref<8x128xf32, #tpu.memory_space<any>>
    %dma_wait3A_3717 = arith.constant 1016 : i32
    %dma_wait3A_3718 = arith.constant 0 : i32
    %dma_wait3A_3719 = tpu.memref_slice %arg5[%dma_wait3A_3717, %dma_wait3A_3718] : memref<1024x128xf32, #tpu.memory_space<vmem>> -> memref<8x128xf32, #tpu.memory_space<vmem>>
    tpu.wait_dma2 semaphore(%arg6 : memref<!tpu.dma_semaphore, #tpu.memory_space<semaphore_mem>>) src(%dma_wait3A_3719 : memref<8x128xf32, #tpu.memory_space<vmem>>) dst(%dma_wait3A_3716 : memref<8x128xf32, #tpu.memory_space<any>>)
    return
  }
}

</mosaic_0001>

<sc_bundles>
// kernel: kernel.5.cloned.1.call-start
scs
__scs_entry_jumppad:
0x0: {  	(pc) =	sbr.rel $0x88, $3  }
0x1: {  	(tag) =	ssettag $0x0;
	lr =	simm.s32 $0x1  }
0x2: {  	[smem:$0x3FA0] =	sst lr;
	_ =	strace $0xD0000000  }
0x3: {  	_ = 	snop  }
0x4: {  	_ = 	snop  }
0x5: {  	_ = 	snop  }
0x6: {  	_ = 	snop  }
0x7: {  	_ = 	snop  }
__scs_overlays_trampoline_lowered:
0x8: {  	[smem:$0x3FAF] =	sst s0  }
0x9: {  	[smem:$0x3FB0] =	sst s1  }
0xa: {  	[smem:$0x3FB1] =	sst s2  }
0xb: {  	[smem:$0x3FB2] =	sst s3  }
0xc: {  	[smem:$0x3FB3] =	sst s4  }
0xd: {  	[smem:$0x3FB4] =	sst s5  }
0xe: {  	[smem:$0x3FB5] =	sst s6  }
0xf: {  	[smem:$0x3FB6] =	sst s7  }
0x10: {  	[smem:$0x3FB7] =	sst s8  }
0x11: {  	[smem:$0x3FB8] =	sst s9;
	s0 =	simm.s32 @!p0 $0x0  }
0x12: {  	s1 =	sld [smem:$0x3F9E];
	s0 =	simm.s32 @p0 $0x1  }
0x13: {  	[smem:$0x3FB9] =	sst s0;
	s0 =	simm.s32 @!p1 $0x0  }
0x14: {  	s2 =	sld [smem:$0x3F9D];
	s0 =	simm.s32 @p1 $0x1  }
0x15: {  	[smem:$0x3FBA] =	sst s0;
	s0 =	simm.s32 @!p2 $0x0  }
0x16: {  	s3 =	sld [smem:$0x3FDB];
	s0 =	simm.s32 @p2 $0x1  }
0x17: {  	s4 =	simm.s32 $0x1BF5;
	[smem:$0x3FBC] =	sst s0  }
0x18: {  	s0 =	sld [smem:$0x3F9F];
	_ =	swait.ge [sflag:s4], $0x0  }
0x19: {  	s7 =	sld [smem:$0x3FA0]  }
0x1a: {  	s8 =	sadd.s32 $0xFFFFE003, lr  }
0x1b: {  	s9 =	sadd.s32 $0xFFFFFEF7, lr;
	s5 =	simm.s32 $0xFFFFFFFF;
	p2 =	slt.u32 s8, $0xFFFFF086  }
0x1c: {  	p1 =	slt.u32 s9, $0xF7A;
	s5 =	simm.s32 @!p2 $0x0  }
0x1d: {  	s5 =	simm.s32 @p1 $0x1;
	p0 =	seq.s32 s7, s2  }
0x1e: {  	s7 =	smul.u32 @!p0 $0xF7A, s2;
	p2 =	seq.s32 @!p0 s5, $0x0  }
0x1f: {  	s9 =	smul.u32 $0xF7A, s1;
	s8 =	simm.s32 @!p0 $0x1BF5;
	p2 =	por !p2, p0  }
0x20: {  	[sflag:s8] =	ssyncset.s32 @!p0 $0xFFFFF086;
	s6 =	sadd.s32 @!p0 s3, s7;
	s7 =	simm.s32 @!p0 $0x108  }
0x21: {  	s3 =	sadd.s32 s3, s9;
	s6 =	sadd.s32 @!p0 $0x88, s6;
	s7 =	simm.s32 @p2 $0x1082  }
0x22: {  	[simem:s7], [sflag:s8] =	dma.local @!p0 [hbm:s6], $0xF7A  }
0x23: {  	s9 =	sor.u32 $0xD0000000, s2;
	s6 =	simm.s32 $0x108;
	_ =	swait.ge @!p0 [sflag:s8], $0x0  }
0x24: {  	s3 =	sadd.s32 $0x88, s3;
	s6 =	simm.s32 @!p1 $0x1082;
	[sflag:s4] =	ssyncset.s32 $0xFFFFF086  }
0x25: {  	[simem:s6], [sflag:s4] =	dma.local [hbm:s3], $0xF7A  }
0x26: {  	[smem:$0x3FA0] =	sst s1;
	(tag) =	ssettag s2;
	_ =	strace s9  }
0x27: {  	s1 =	sld [smem:$0x3FB0]  }
0x28: {  	s2 =	sld [smem:$0x3FB1]  }
0x29: {  	s4 =	sld [smem:$0x3FB3]  }
0x2a: {  	p0 =	seq.s32 s5, $0x0;
	s5 =	sld [smem:$0x3FB4]  }
0x2b: {  	s6 =	sld [smem:$0x3FB5]  }
0x2c: {  	s7 =	sld [smem:$0x3FB6]  }
0x2d: {  	s3 =	simm.s32 $0x108;
	s8 =	sld [smem:$0x3FB7]  }
0x2e: {  	s3 =	simm.s32 @!p0 $0x1082;
	s9 =	sld [smem:$0x3FB8]  }
0x2f: {  	lr =	sadd.s32 s0, s3;
	s0 =	sld [smem:$0x3FAF]  }
0x30: {  	s3 =	sld [smem:$0x3FB2]  }
0x31: {  	[smem:$0x3FBB] =	sst s10  }
0x32: {  	s10 =	sld [smem:$0x3FB9];
	_ =	sdelay $0x3  }
0x33: {  	p0 =	seq.s32 s10, $0x1;
	s10 =	sld [smem:$0x3FBB];
	_ =	sdelay $0x3  }
0x34: {  	[smem:$0x3FBB] =	sst s10  }
0x35: {  	s10 =	sld [smem:$0x3FBA];
	_ =	sdelay $0x3  }
0x36: {  	p1 =	seq.s32 s10, $0x1;
	s10 =	sld [smem:$0x3FBB];
	_ =	sdelay $0x3  }
0x37: {  	[smem:$0x3FBB] =	sst s10  }
0x38: {  	s10 =	sld [smem:$0x3FBC]  }
0x39: {  	_ = 	snop;
	(pc) =	sbr.ind lr, $3  }
0x3a: {  	_ = 	snop  }
0x3b: {  	_ = 	snop  }
0x3c: {  	p2 =	seq.s32 s10, $0x1;
	s10 =	sld [smem:$0x3FBB]  }
0x3d: {  	_ =	shalt  }
0x3e: {  	_ =	shalt  }
0x3f: {  	_ =	shalt  }
0x40: {  	_ =	shalt  }
0x41: {  	_ =	shalt  }
0x42: {  	_ =	shalt  }
0x43: {  	_ =	shalt  }
0x44: {  	_ =	shalt  }
0x45: {  	_ =	shalt  }
0x46: {  	_ =	shalt  }
0x47: {  	_ =	shalt  }
0x48: {  	_ =	shalt  }
0x49: {  	_ =	shalt  }
0x4a: {  	_ =	shalt  }
0x4b: {  	_ =	shalt  }
0x4c: {  	_ =	shalt  }
0x4d: {  	_ =	shalt  }
0x4e: {  	_ =	shalt  }
0x4f: {  	_ =	shalt  }
0x50: {  	_ =	shalt  }
0x51: {  	_ =	shalt  }
0x52: {  	_ =	shalt  }
0x53: {  	_ =	shalt  }
0x54: {  	_ =	shalt  }
0x55: {  	_ =	shalt  }
0x56: {  	_ =	shalt  }
0x57: {  	_ =	shalt  }
0x58: {  	_ =	shalt  }
0x59: {  	_ =	shalt  }
0x5a: {  	_ =	shalt  }
0x5b: {  	_ =	shalt  }
0x5c: {  	_ =	shalt  }
0x5d: {  	_ =	shalt  }
0x5e: {  	_ =	shalt  }
0x5f: {  	_ =	shalt  }
0x60: {  	_ =	shalt  }
0x61: {  	_ =	shalt  }
0x62: {  	_ =	shalt  }
0x63: {  	_ =	shalt  }
0x64: {  	_ =	shalt  }
0x65: {  	_ =	shalt  }
0x66: {  	_ =	shalt  }
0x67: {  	_ =	shalt  }
0x68: {  	_ =	shalt  }
0x69: {  	_ =	shalt  }
0x6a: {  	_ =	shalt  }
0x6b: {  	_ =	shalt  }
0x6c: {  	_ =	shalt  }
0x6d: {  	_ =	shalt  }
0x6e: {  	_ =	shalt  }
0x6f: {  	_ =	shalt  }
0x70: {  	_ =	shalt  }
0x71: {  	_ =	shalt  }
0x72: {  	_ =	shalt  }
0x73: {  	_ =	shalt  }
0x74: {  	_ =	shalt  }
0x75: {  	_ =	shalt  }
0x76: {  	_ =	shalt  }
0x77: {  	_ =	shalt  }
0x78: {  	_ =	shalt  }
0x79: {  	_ =	shalt  }
0x7a: {  	_ =	shalt  }
0x7b: {  	_ =	shalt  }
0x7c: {  	_ =	shalt  }
0x7d: {  	_ =	shalt  }
0x7e: {  	_ =	shalt  }
0x7f: {  	_ =	shalt  }
0x80: {  	_ =	shalt  }
0x81: {  	_ =	shalt  }
0x82: {  	_ =	shalt  }
0x83: {  	_ =	shalt  }
0x84: {  	_ =	shalt  }
0x85: {  	_ =	shalt  }
0x86: {  	_ =	shalt  }
0x87: {  	_ =	shalt  }
.Lfunc_end0:
.L_simem_size_0:
called_computation_lowered:
.L_overlay_start_0:
0x88: {  	s2 =	sld [smem:$0x3FD9]  }
0x89: {  	s3 =	sld [smem:$0x3FFE];
	_ =	sdelay $0x1  }
0x8a: {  	s1 =	srdreg.scid  }
0x8b: {  	s0 =	sand.u32 $0x1, s1  }
0x8c: {  	s18 =	sshll.u32 s0, $0xA;
	s2 =	sadd.s32 s3, s2  }
0x8d: {  	s2 =	sadd.s32 s2, s18  }
0x8e: {  	[smem:$0x3FC7] =	sst s2  }
0x8f: {  	_ = 	snop  }
0x90: {  	s2 =	sld [smem:$0x3FD0];
	(tm) =	ssettm $0x1  }
0x91: {  	s19 =	sld [smem:$0x3FFB];
	_ =	sdelay $0x3  }
0x92: {  	_ =	strace s19  }
0x93: {  	s3 =	sld [smem:$0x3FFC];
	_ =	sdelay $0x3  }
0x94: {  	_ =	strace s3  }
0x95: {  	s3 =	sld [smem:$0x3FFD];
	_ =	sdelay $0x3  }
0x96: {  	_ =	strace s3  }
0x97: {  	_ =	strace $0x8FFFFFFF  }
0x98: {  	s20 =	sld [smem:$0x3FDB];
	_ =	sdelay $0x1  }
0x99: {  	s4 =	simm.s32 $_scs_section_size  }
0x9a: {  	s5 =	simm.s32 $_size__tile_overlayer_lowered;
	s6 =	simm.s32 $_tile_overlayer_lowered  }
0x9b: {  	s23 =	simm.s32 $0x1BFF;
	s22 =	sshll.u32 s6, $0x1;
	s3 =	sadd.s32 s4, s20  }
0x9c: {  	s7 =	simm.s32 $0x0;
	s21 =	sshll.u32 s5, $0x1;
	s5 =	sadd.s32 s22, s3  }
0x9d: {  	[timem:s7], [sflag:s23] =	dma.local [hbm:s5], s21  }
0x9e: {  	_ =	swait.ge [sflag:s23], s21  }
0x9f: {  	s4 =	ssub.s32 $0x0, s21;
	[sflag:s23] =	ssyncset.done $0x0  }
0xa0: {  	[sflag:s23] =	ssyncadd.s32 s4;
	_ =	sdelay $0x1  }
0xa1: {  	s24 =	simm.s32 $0x1B8B  }
0xa2: {  	_ =	swait.ge [sflag:s24], $0x1  }
0xa3: {  	[sflag:s24] =	ssyncset.done $0x0  }
0xa4: {  	s25 =	simm.s32 $0x1B8E;
	[sflag:s24] =	ssyncadd.s32 $0xFFFFFFFF  }
0xa5: {  	s26 =	simm.s32 $execute0_lowered;
	[smem:$0x3FD2] =	sst s25  }
0xa6: {  	s4 =	sshll.u32 s26, $0x1;
	_ =	strace $0x80000046;
	[dreg:$0x1] =	wrdreg $0xFFFFFFFF  }
0xa7: {  	s28 =	simm.s32 $_size_execute0_lowered;
	s3 =	sadd.s32 s3, s4;
	[dreg:$0x0] =	wrdreg $0x0  }
0xa8: {  	s4 =	sshll.u32 s28, $0x1;
	[dreg:$0x2] =	wrdreg s3  }
0xa9: {  	[dreg:$0x3] =	wrdreg s4  }
0xaa: {  	[dreg:$0x4] =	wrdreg $0xC0  }
0xab: {  	_ =	task [dreg:s7], $0x5FFFF  }
0xac: {  	[dreg:$0x1] =	wrdreg $0xFFFFFFFF  }
0xad: {  	[dreg:$0x0] =	wrdreg $0x60  }
0xae: {  	[dreg:$0x2] =	wrdreg s2  }
0xaf: {  	[dreg:$0x3] =	wrdreg $0x9  }
0xb0: {  	_ =	task.clear_ibuf [dreg:s7], $0x4FFFF;
	_ =	strace $0x90000046  }
0xb1: {  	s29 =	simm.s32 $0x9;
	_ =	strace $0x80000048  }
0xb2: {  	_ =	swait.ge [sflag:s29], $0x1  }
0xb3: {  	[sflag:s29] =	ssyncadd.s32 $0xFFFFFFFF  }
0xb4: {  	_ =	strace $0x90000048  }
0xb5: {  	_ =	sfence  }
0xb6: {  	s30 =	sld [smem:$0x0];
	_ =	sdelay $0x2  }
0xb7: {  	s31 =	sshll.u32 s1, $0xD;
	s1 =	sshrl.u32 s1, $0x2  }
0xb8: {  	s3 =	sand.u32 $0x4000, s31;
	s1 =	sadd.s32 s1, s30  }
0xb9: {  	s0 =	sor.u32 s3, s0;
	s1 =	sshll.u32 s1, $0x11  }
0xba: {  	s0 =	sor.u32 s1, s0  }
0xbb: {  	s0 =	sadd.s32 $0x8F2B, s0  }
0xbc: {  	[sflag:s0] =	ssyncadd.remote.s32 $0x1  }
0xbd: {  	_ =	sfence.sel $0xFFFF  }
0xbe: {  	[dreg:$0x0] =	wrdreg $0xFFFFFFFF;
	(pc) =	sbr.abs _section_cstart, $3  }
0xbf: {  	[dreg:$0x1] =	wrdreg $0xFFFFFFFF  }
0xc0: {  	_ =	task.clear_ibuf [dreg:s7], $0x2FFFF;
	_ =	strace $0x9FFFFFFF  }
0xc1: {  	(tm) =	ssettm $0x7FFFFFFF  }
tec
execute0_lowered:
.L_overlay_start_1:
0x0: {  	(tag) =	ssettag $0x1  }
0x1: {  	s3 =	rddreg [dreg:$0x0];
	s2 =	srdreg.scid  }
0x2: {  	s0 =	rddreg [dreg:$0x1];
	s1 =	stileid.u32;
	s8 =	simm.s32 $0x80  }
0x3: {  	s9 =	simm.s32 $0x400;
	s10 =	simm.s32 $0x1;
	s4 =	sand.u32 $0x1, s2  }
0x4: {  	s11 =	simm.s32 $0x0;
	s5 =	sshll.u32 s1, $0xF;
	s6 =	sshll.u32 s4, $0x6  }
0x5: {  	s2 =	simm.s32 $0x0;
	s4 =	ssub.s32 $0x2, s4;
	s5 =	sor.u32 s6, s5  }
0x6: {  	[smem:$0x7FF] =	sst s2;
	s31 =	sshrl.u32 s4, $0x1;
	s3 =	sadd.s32 s3, s5  }
0x7: {  	_ =	strace $0x80000047;
	s7 =	ssub.s32 s4, s31;
	s4 =	sadd.s32 $0x10, s3  }
0x8: {  	v0 =	vimm.f32 $0.0e+00;
	s5 =	sadd.s32 $0x20, s3;
	s6 =	sadd.s32 $0x30, s3;
	s7 =	smax.u32 s7, $0x1  }
.LBB2_1:
0x9: {  	s12 =	simm.s32 $0x40;
	s13 =	simm.s32 $0x0  }
.LBB2_2:
0xa: {  	p0 =	sne.s32 s12, $0x1FFC0;
	[tilespmem:s13+$0x0] =	vst v0;
	s13 =	smov.u32 s12;
	s12 =	sadd.s32 $0x40, s12  }
.Ltmp0:
0xb: {  	(pc) =	sbr.rel @p0 .LBB2_2-.Ltmp0, $2  }
0xc: {  	_ =	sdelay $0x2  }
0xd: {  	s13 =	sshra.s32 s13, $0x2  }
0xe: {  	[tilespmem:s13+$0x0] =	vst v0  }
0xf: {  	[hbm4b:s3+s8] =	stream.strided.scatter [tilespmem:s2], [sflag:$0x1], $0x8000, s9, s8, $0x38;
	[tilespmem:$0x8000] =	vst v63  }
0x10: {  	_ =	swait.ge [sflag:s10], $0x8000  }
0x11: {  	[sflag:s10] =	ssyncset.done $0x0  }
0x12: {  	[sflag:s10] =	ssyncadd.s32 $0xFFFF8000  }
0x13: {  	[hbm4b:s4+s8] =	stream.strided.scatter [tilespmem:s2], [sflag:$0x1], $0x8000, s9, s8, $0x38;
	[tilespmem:$0x8000] =	vst v63  }
0x14: {  	_ =	swait.ge [sflag:s10], $0x8000  }
0x15: {  	[sflag:s10] =	ssyncset.done $0x0  }
0x16: {  	[sflag:s10] =	ssyncadd.s32 $0xFFFF8000  }
0x17: {  	[hbm4b:s5+s8] =	stream.strided.scatter [tilespmem:s2], [sflag:$0x1], $0x8000, s9, s8, $0x38;
	[tilespmem:$0x8000] =	vst v63  }
0x18: {  	s11 =	sadd.s32 $0x1, s11;
	_ =	swait.ge [sflag:s10], $0x8000  }
0x19: {  	p0 =	sne.s32 s11, s7;
	[sflag:s10] =	ssyncset.done $0x0  }
.Ltmp1:
0x1a: {  	[sflag:s10] =	ssyncadd.s32 $0xFFFF8000;
	(pc) =	sbr.rel @p0 .LBB2_1-.Ltmp1, $4  }
0x1b: {  	[hbm4b:s6+s8] =	stream.strided.scatter [tilespmem:s2], [sflag:$0x1], $0x8000, s9, s8, $0x38;
	[tilespmem:$0x8000] =	vst v63  }
0x1c: {  	_ =	swait.ge [sflag:s10], $0x8000  }
0x1d: {  	[sflag:s10] =	ssyncset.done $0x0  }
0x1e: {  	[sflag:s10] =	ssyncadd.s32 $0xFFFF8000  }
0x1f: {  	_ =	sfence.sel $0x180000  }
0x20: {  	[bflag:$0x0] =	sbarrier.arrive $0xFFFF  }
0x21: {  	p0 =	sne.s32 s1, $0x0;
	_ =	strace $0x90000047  }
0x22: {  	s0 =	sadd.s32 @!p0 $0x100000, s0;
	[bflag:$0x2] =	sbarrier.arrive $0xFFFF  }
0x23: {  	[sflag:s0] =	ssyncadd.tile.s32 @!p0 $0x1;
	_ =	shalt  }
.Lfunc_end2:
_tile_overlayer_lowered:
.L_overlay_start_2:
0x24: {  	(tag) =	ssettag $0x2  }
0x25: {  	s0 =	rddreg [dreg:$0x0];
	s2 =	stileid.u32  }
0x26: {  	s1 =	rddreg [dreg:$0x1];
	p0 =	sne.s32 s2, $0x0  }
0x27: {  	s3 =	rddreg [dreg:$0x2];
	[bflag:$0x3] =	sbarrier.arrive $0xFFFF;
	s2 =	simm.s32 @!p0 $0x1C01  }
0x28: {  	[timem:s3], [sflag:s2] =	dma.local @!p0 [hbm:s0], s1  }
0x29: {  	s0 =	simm.s32 @!p0 $0x1  }
0x2a: {  	_ =	swait.ge @!p0 [sflag:s0], s1  }
0x2b: {  	s1 =	ssub.s32 @!p0 $0x0, s1;
	[sflag:s0] =	ssyncset.done @!p0 $0x0  }
0x2c: {  	[sflag:s0] =	ssyncadd.s32 @!p0 s1  }
0x2d: {  	[bflag:$0x3] =	sbarrier.arrive $0xFFFF  }
0x2e: {  	_ =	shalt  }

</sc_bundles>
